<compile_context>
chip_gen: v7x
topology: tpu7x:2x2x1
jax: 0.10.2.dev20260603
libtpu: 0.0.44.dev20260713+nightly
codegen_flags: <defaults>
</compile_context>

<pallas_src>
import functools

import jax
import jax.numpy as jnp
from jax import lax
from jax.experimental import pallas as pl
from jax.experimental.pallas import tpu as pltpu
from jax.experimental.pallas import tpu_sc as plsc

N_HEROES = 100000
EMB_DIM = 128
CONTEXT = 9
HIDDEN = 64

NW = 32
CPT = 1408
R_SC = NW * CPT
KSTAGE = 16
NSTAGE = HIDDEN // KSTAGE
BLKS = CPT // 16

NS = 4
CHUNK = 2048
PADN = 102400
TC_COLS = PADN - R_SC
K_TC = TC_COLS // (NS * CHUNK)
TC_BLK0 = R_SC // CHUNK
LAST_BLK = (N_HEROES - 1) // CHUNK


def _gather_fc1(ctx_ref, w1_ref, b1_ref, table_ref, emb_v, sem):
    for j in range(CONTEXT):
        pltpu.make_async_copy(
            table_ref.at[pl.ds(ctx_ref[j], 1), :],
            emb_v.at[pl.ds(j, 1), :], sem).start()
    for j in range(CONTEXT):
        pltpu.make_async_copy(
            table_ref.at[pl.ds(ctx_ref[j], 1), :],
            emb_v.at[pl.ds(j, 1), :], sem).wait()
    acc = jnp.zeros((1, HIDDEN), jnp.float32)
    for j in range(CONTEXT):
        acc += jnp.dot(
            emb_v[j : j + 1, :],
            w1_ref[EMB_DIM * j : EMB_DIM * (j + 1), :],
            preferred_element_type=jnp.float32,
        )
    return jnp.maximum(acc + jnp.reshape(b1_ref[...], (1, HIDDEN)), 0.0)


def _fc1_body(ctx_ref, w1_ref, b1_ref, table_ref, hs_ref, emb_v, sem):
    h = _gather_fc1(ctx_ref, w1_ref, b1_ref, table_ref, emb_v, sem)
    rows = lax.broadcasted_iota(jnp.int32, (HIDDEN, 16 * HIDDEN), 0)
    cols = lax.broadcasted_iota(jnp.int32, (HIDDEN, 16 * HIDDEN), 1)
    onehot = jnp.where(rows == cols // 16, 1.0, 0.0).astype(jnp.float32)
    hs = jnp.dot(h, onehot, preferred_element_type=jnp.float32)
    hs_ref[...] = jnp.reshape(hs, (16 * HIDDEN,))


def _fc1(context, emb_table, W1, b1):
    return pl.pallas_call(
        _fc1_body,
        in_specs=[
            pl.BlockSpec(memory_space=pltpu.MemorySpace.SMEM),
            pl.BlockSpec((CONTEXT * EMB_DIM, HIDDEN), lambda: (0, 0)),
            pl.BlockSpec((HIDDEN,), lambda: (0,)),
            pl.BlockSpec(memory_space=pltpu.MemorySpace.HBM),
        ],
        out_specs=pl.BlockSpec((16 * HIDDEN,), lambda: (0,)),
        out_shape=jax.ShapeDtypeStruct((16 * HIDDEN,), jnp.float32),
        scratch_shapes=[
            pltpu.VMEM((16, EMB_DIM), jnp.float32),
            pltpu.SemaphoreType.DMA,
        ],
    )(context, W1, b1, emb_table)


def _sc_vocab(hs, W2, b2):
    mesh = plsc.VectorSubcoreMesh(core_axis_name="c", subcore_axis_name="s")

    @functools.partial(
        pl.kernel,
        mesh=mesh,
        out_type=(
            jax.ShapeDtypeStruct((NW, CPT), jnp.float32),
            jax.ShapeDtypeStruct((NW, 16), jnp.float32),
            jax.ShapeDtypeStruct((NW, 16), jnp.float32),
        ),
        scratch_types=[
            pltpu.VMEM((16 * HIDDEN,), jnp.float32),
            pltpu.VMEM((HIDDEN * CPT,), jnp.float32),
            pltpu.VMEM((CPT,), jnp.float32),
            pltpu.VMEM((16,), jnp.float32),
            pltpu.VMEM((16,), jnp.float32),
            pltpu.SemaphoreType.DMA,
            pltpu.SemaphoreType.DMA,
            pltpu.SemaphoreType.DMA,
            pltpu.SemaphoreType.DMA,
            pltpu.SemaphoreType.DMA,
        ],
    )
    def sc_k(hs_hbm, w2_hbm, b2_hbm, lo_hbm, m_hbm, s_hbm,
             h_v, w_v, acc_v, m_v, s_v, sem0, sem1, sem2, sem3, semx):
        cid = lax.axis_index("c")
        sid = lax.axis_index("s")
        wid = sid * 2 + cid
        base = wid * CPT
        sems = (sem0, sem1, sem2, sem3)

        def stage_copies(st):
            for k in range(KSTAGE):
                row = st * KSTAGE + k
                yield pltpu.make_async_copy(
                    w2_hbm.at[row, pl.ds(base, CPT)],
                    w_v.at[pl.ds(row * CPT, CPT)], sems[st])

        pltpu.sync_copy(hs_hbm, h_v)
        pltpu.async_copy(b2_hbm.at[pl.ds(base, CPT)], acc_v, semx).start()
        for cp in stage_copies(0):
            cp.start()
        pltpu.make_async_copy(b2_hbm.at[pl.ds(base, CPT)], acc_v, semx).wait()
        for st in range(NSTAGE):
            if st + 1 < NSTAGE:
                for cp in stage_copies(st + 1):
                    cp.start()
            for cp in stage_copies(st):
                cp.wait()

            h0 = st * KSTAGE * 16
            w0 = st * KSTAGE * CPT

            def blkbody(blk, _):
                c0 = blk * 16
                v0 = h_v[pl.ds(h0, 16)] * w_v[pl.ds(w0 + c0, 16)]
                v1 = (h_v[pl.ds(h0 + 16, 16)]
                      * w_v[pl.ds(w0 + CPT + c0, 16)])
                v2 = (h_v[pl.ds(h0 + 32, 16)]
                      * w_v[pl.ds(w0 + 2 * CPT + c0, 16)])
                v3 = (h_v[pl.ds(h0 + 48, 16)]
                      * w_v[pl.ds(w0 + 3 * CPT + c0, 16)])
                for k in range(4, KSTAGE, 4):
                    v0 = v0 + (h_v[pl.ds(h0 + k * 16, 16)]
                               * w_v[pl.ds(w0 + k * CPT + c0, 16)])
                    v1 = v1 + (h_v[pl.ds(h0 + (k + 1) * 16, 16)]
                               * w_v[pl.ds(w0 + (k + 1) * CPT + c0, 16)])
                    v2 = v2 + (h_v[pl.ds(h0 + (k + 2) * 16, 16)]
                               * w_v[pl.ds(w0 + (k + 2) * CPT + c0, 16)])
                    v3 = v3 + (h_v[pl.ds(h0 + (k + 3) * 16, 16)]
                               * w_v[pl.ds(w0 + (k + 3) * CPT + c0, 16)])
                plsc.addupdate(acc_v.at[pl.ds(c0, 16)],
                               (v0 + v1) + (v2 + v3))
                return 0

            lax.fori_loop(0, BLKS, blkbody, 0)

        mv = acc_v[pl.ds(0, 16)]
        for blk in range(1, BLKS):
            mv = jnp.maximum(mv, acc_v[pl.ds(blk * 16, 16)])
        sv = jnp.zeros((16,), jnp.float32)
        for blk in range(BLKS):
            sv = sv + jnp.exp(acc_v[pl.ds(blk * 16, 16)] - mv)
        m_v[...] = mv
        s_v[...] = sv
        pltpu.sync_copy(acc_v, lo_hbm.at[wid])
        pltpu.sync_copy(m_v, m_hbm.at[wid])
        pltpu.sync_copy(s_v, s_hbm.at[wid])

    return sc_k(hs, W2, b2)


def _tc_body(ctx_ref, w1_ref, b1_ref, table_ref, *refs):
    w2_refs = refs[:NS]
    b2_refs = refs[NS : 2 * NS]
    out_ref, mt_ref, st_ref = refs[2 * NS : 2 * NS + 3]
    h_v, emb_v, sem, m_s, s_s = refs[2 * NS + 3 :]
    i = pl.program_id(0)

    @pl.when(i == 0)
    def _():
        h_v[...] = _gather_fc1(ctx_ref, w1_ref, b1_ref, table_ref,
                               emb_v, sem)
        m_s[0, 0] = -1e30
        s_s[0, 0] = 0.0

    h = h_v[...]
    iota = lax.broadcasted_iota(jnp.int32, (1, CHUNK), 1)
    m_c = jnp.float32(-1e30)
    ls = []
    for s in range(NS):
        l = (jnp.dot(h, w2_refs[s][...], preferred_element_type=jnp.float32)
             + jnp.reshape(b2_refs[s][...], (1, CHUNK)))
        out_ref[0:1, s * CHUNK : (s + 1) * CHUNK] = l
        col0 = R_SC + (NS * i + s) * CHUNK
        l_m = jnp.where(col0 + iota < N_HEROES, l, -1e30)
        ls.append(l_m)
        m_c = jnp.maximum(m_c, jnp.max(l_m))
    s_c = jnp.float32(0.0)
    for l_m in ls:
        s_c = s_c + jnp.sum(jnp.exp(l_m - m_c))
    m_old = m_s[0, 0]
    s_old = s_s[0, 0]
    m_new = jnp.maximum(m_old, m_c)
    s_new = s_old * jnp.exp(m_old - m_new) + s_c * jnp.exp(m_c - m_new)
    m_s[0, 0] = m_new
    s_s[0, 0] = s_new

    @pl.when(i == K_TC - 1)
    def _():
        mt_ref[...] = jnp.full((1, 128), m_new, jnp.float32)
        st_ref[...] = jnp.full((1, 128), s_new, jnp.float32)


def _mk_blk(s, one_d):
    if one_d:
        return lambda i: (jnp.minimum(TC_BLK0 + NS * i + s, LAST_BLK),)
    return lambda i: (0, jnp.minimum(TC_BLK0 + NS * i + s, LAST_BLK))


def _tc_vocab(context, emb_table, W1, b1, W2, b2):
    return pl.pallas_call(
        _tc_body,
        grid=(K_TC,),
        in_specs=[
            pl.BlockSpec(memory_space=pltpu.MemorySpace.SMEM),
            pl.BlockSpec((CONTEXT * EMB_DIM, HIDDEN), lambda i: (0, 0)),
            pl.BlockSpec((HIDDEN,), lambda i: (0,)),
            pl.BlockSpec(memory_space=pltpu.MemorySpace.HBM),
        ]
        + [pl.BlockSpec((HIDDEN, CHUNK), _mk_blk(s, False))
           for s in range(NS)]
        + [pl.BlockSpec((CHUNK,), _mk_blk(s, True)) for s in range(NS)],
        out_specs=(
            pl.BlockSpec((1, NS * CHUNK), lambda i: (0, i)),
            pl.BlockSpec((1, 128), lambda i: (0, 0)),
            pl.BlockSpec((1, 128), lambda i: (0, 0)),
        ),
        out_shape=(
            jax.ShapeDtypeStruct((1, TC_COLS), jnp.float32),
            jax.ShapeDtypeStruct((1, 128), jnp.float32),
            jax.ShapeDtypeStruct((1, 128), jnp.float32),
        ),
        scratch_shapes=[
            pltpu.VMEM((1, HIDDEN), jnp.float32),
            pltpu.VMEM((16, EMB_DIM), jnp.float32),
            pltpu.SemaphoreType.DMA,
            pltpu.SMEM((1, 1), jnp.float32),
            pltpu.SMEM((1, 1), jnp.float32),
        ],
    )(context, W1, b1, emb_table, *([W2] * NS), *([b2] * NS))


def _norm_body(tc_ref, sc_ref, mt_ref, st_ref, mp_ref, sp_ref, out_ref):
    m_tc = mt_ref[0, 0]
    s_tc = st_ref[0, 0]
    mp = mp_ref[...]
    sp = sp_ref[...]
    m_star = jnp.maximum(m_tc, jnp.max(mp))
    s_star = s_tc * jnp.exp(m_tc - m_star) + jnp.sum(sp * jnp.exp(mp - m_star))
    log_z = m_star + jnp.log(s_star)
    for wid in range(NW):
        out_ref[0:1, wid * CPT : (wid + 1) * CPT] = (
            sc_ref[wid : wid + 1, :] - log_z)
    out_ref[0:1, R_SC:N_HEROES] = tc_ref[0:1, 0 : N_HEROES - R_SC] - log_z


def _normalize(lo_tc, lo_sc, mt, st, mp, sp):
    return pl.pallas_call(
        _norm_body,
        in_specs=[
            pl.BlockSpec((1, TC_COLS), lambda: (0, 0)),
            pl.BlockSpec((NW, CPT), lambda: (0, 0)),
            pl.BlockSpec((1, 128), lambda: (0, 0)),
            pl.BlockSpec((1, 128), lambda: (0, 0)),
            pl.BlockSpec((NW, 16), lambda: (0, 0)),
            pl.BlockSpec((NW, 16), lambda: (0, 0)),
        ],
        out_specs=pl.BlockSpec((1, N_HEROES), lambda: (0, 0)),
        out_shape=jax.ShapeDtypeStruct((1, N_HEROES), jnp.float32),
    )(lo_tc, lo_sc, mt, st, mp, sp)


def kernel(context, emb_table, W1, b1, W2, b2):
    hs = _fc1(context, emb_table, W1, b1)
    lo_sc, mp, sp = _sc_vocab(hs, W2, b2)
    lo_tc, mt, st = _tc_vocab(context, emb_table, W1, b1, W2, b2)
    return _normalize(lo_tc, lo_sc, mt, st, mp, sp)

# --- scband reference (transcript-rebuilt; emitter-appended) ---
"""Pipeline reference for scband-dota-embedding-34256659153516 (READ-ONLY COPY).

The authoritative reference and input builder live on the scoring server;
editing this copy changes nothing except your own understanding.
"""

import jax, jax.numpy as jnp
import numpy as np

N_HEROES = 100000
EMB_DIM = 128
CONTEXT = 9
HIDDEN = 64

def setup_inputs(seed: int = 0) -> dict:
    key = jax.random.key(seed)
    k1, k2, k3, k4, k5, k6 = jax.random.split(key, 6)
    context = jax.random.randint(k1, (CONTEXT,), 0, N_HEROES, dtype=jnp.int64 if jax.config.jax_enable_x64 else jnp.int32)
    emb_table = jax.random.normal(k2, (N_HEROES, EMB_DIM), dtype=jnp.float32)
    W1 = jax.random.normal(k3, (CONTEXT * EMB_DIM, HIDDEN), dtype=jnp.float32) * (1.0 / np.sqrt(CONTEXT * EMB_DIM))
    b1 = jax.random.normal(k4, (HIDDEN,), dtype=jnp.float32) * 0.01
    W2 = jax.random.normal(k5, (HIDDEN, N_HEROES), dtype=jnp.float32) * (1.0 / np.sqrt(HIDDEN))
    b2 = jax.random.normal(k6, (N_HEROES,), dtype=jnp.float32) * 0.01
    return {"context": context, "emb_table": emb_table, "W1": W1, "b1": b1, "W2": W2, "b2": b2}

def reference(context, emb_table, W1, b1, W2, b2):
    # embedding gather (SparseCore-mappable) then flatten to (1, context*dim)
    embeds = jnp.take(emb_table, context, axis=0).reshape((1, -1))
    out = jax.nn.relu(embeds @ W1 + b1)
    out = out @ W2 + b2
    log_probs = jax.nn.log_softmax(out, axis=1)
    return log_probs

if __name__ == "__main__":
    import jax
    _d = setup_inputs()
    print(jax.jit(kernel)(*tuple(_d.values())))

</pallas_src>

<mosaic_0001>
#map = affine_map<(d0, d1) -> (0)>
#map1 = affine_map<(d0, d1) -> (0, 0)>
module attributes {stable_mosaic.version = 14 : i64} {
  func.func @sc_k(%arg0: i32, %arg1: i32, %arg2: memref<1024xf32, #tpu.memory_space<hbm>>, %arg3: memref<64x100000xf32, #tpu.memory_space<hbm>>, %arg4: memref<100000xf32, #tpu.memory_space<hbm>>, %arg5: memref<32x1408xf32, #tpu.memory_space<hbm>>, %arg6: memref<32x16xf32, #tpu.memory_space<hbm>>, %arg7: memref<32x16xf32, #tpu.memory_space<hbm>>, %arg8: memref<1024xf32, #tpu.memory_space<vmem>>, %arg9: memref<90112xf32, #tpu.memory_space<vmem>>, %arg10: memref<1408xf32, #tpu.memory_space<vmem>>, %arg11: memref<16xf32, #tpu.memory_space<vmem>>, %arg12: memref<16xf32, #tpu.memory_space<vmem>>, %arg13: memref<!tpu.dma_semaphore, #tpu.memory_space<semaphore_mem>>, %arg14: memref<!tpu.dma_semaphore, #tpu.memory_space<semaphore_mem>>, %arg15: memref<!tpu.dma_semaphore, #tpu.memory_space<semaphore_mem>>, %arg16: memref<!tpu.dma_semaphore, #tpu.memory_space<semaphore_mem>>, %arg17: memref<!tpu.dma_semaphore, #tpu.memory_space<semaphore_mem>>) attributes {dimension_semantics = [#tpu.dimension_semantics<core_parallel>, #tpu.dimension_semantics<subcore_parallel>], iteration_bounds = array<i64: 2, 16>, scalar_prefetch = 0 : i64, scratch_operands = 10 : i64, tpu.core_type = #tpu.core_type<sc_vector_subcore>, window_params = [{transform_indices = #map}, {transform_indices = #map1}, {transform_indices = #map}, {transform_indices = #map1}, {transform_indices = #map1}, {transform_indices = #map1}]} {
    %mul3A = arith.constant 2 : i32
    %mul3A_0 = arith.muli %arg1, %mul3A : i32
    %add3A = arith.addi %mul3A_0, %arg0 : i32
    %mul3A_1 = arith.constant 1408 : i32
    %mul3A_2 = arith.muli %add3A, %mul3A_1 : i32
    "tpu.region"() ({
      %run_scoped3A = tpu.sem_alloc : memref<!tpu.dma_semaphore, #tpu.memory_space<semaphore_mem>>
      tpu.enqueue_dma source(%arg2 : memref<1024xf32, #tpu.memory_space<hbm>>) target(%arg8 : memref<1024xf32, #tpu.memory_space<vmem>>) target_semaphore(%run_scoped3A : memref<!tpu.dma_semaphore, #tpu.memory_space<semaphore_mem>>)
      tpu.wait_dma2 semaphore(%run_scoped3A : memref<!tpu.dma_semaphore, #tpu.memory_space<semaphore_mem>>) src(%arg2 : memref<1024xf32, #tpu.memory_space<hbm>>) dst(%arg8 : memref<1024xf32, #tpu.memory_space<vmem>>)
      tpu.yield
    }) : () -> ()
    %dma_start3A = tpu.memref_slice %arg4[%mul3A_2] : memref<100000xf32, #tpu.memory_space<hbm>> -> memref<1408xf32, #tpu.memory_space<hbm>>
    %dma_start3A_3 = tpu.memref_slice %arg4[%mul3A_2] : memref<100000xf32, #tpu.memory_space<hbm>> -> memref<1408xf32, #tpu.memory_space<hbm>>
    tpu.enqueue_dma source(%dma_start3A_3 : memref<1408xf32, #tpu.memory_space<hbm>>) target(%arg10 : memref<1408xf32, #tpu.memory_space<vmem>>) target_semaphore(%arg17 : memref<!tpu.dma_semaphore, #tpu.memory_space<semaphore_mem>>)
    %dma_start3A_4 = tpu.memref_slice %arg4[%mul3A_2] : memref<100000xf32, #tpu.memory_space<hbm>> -> memref<1408xf32, #tpu.memory_space<hbm>>
    %dma_start3A_5 = tpu.memref_slice %arg4[%mul3A_2] : memref<100000xf32, #tpu.memory_space<hbm>> -> memref<1408xf32, #tpu.memory_space<hbm>>
    tpu.enqueue_dma source(%dma_start3A_5 : memref<1408xf32, #tpu.memory_space<hbm>>) target(%arg10 : memref<1408xf32, #tpu.memory_space<vmem>>) target_semaphore(%arg17 : memref<!tpu.dma_semaphore, #tpu.memory_space<semaphore_mem>>)
    %dma_start3A_6 = arith.constant 0 : i32
    %dma_start3A_7 = arith.constant 0 : i32
    %dma_start3A_8 = tpu.memref_slice %arg9[%dma_start3A_7] : memref<90112xf32, #tpu.memory_space<vmem>> -> memref<1408xf32, #tpu.memory_space<vmem>>
    %dma_start3A_9 = tpu.memref_slice %arg3[%dma_start3A_6, %mul3A_2] : memref<64x100000xf32, #tpu.memory_space<hbm>> -> memref<1x1408xf32, #tpu.memory_space<hbm>>
    %dma_start3A_10 = tpu.memref_squeeze %dma_start3A_9 : memref<1x1408xf32, #tpu.memory_space<hbm>> -> memref<1408xf32, #tpu.memory_space<hbm>>
    %dma_start3A_11 = arith.constant 0 : i32
    %dma_start3A_12 = tpu.memref_slice %arg9[%dma_start3A_11] : memref<90112xf32, #tpu.memory_space<vmem>> -> memref<1408xf32, #tpu.memory_space<vmem>>
    %dma_start3A_13 = tpu.memref_slice %arg3[%dma_start3A_6, %mul3A_2] : memref<64x100000xf32, #tpu.memory_space<hbm>> -> memref<1x1408xf32, #tpu.memory_space<hbm>>
    %dma_start3A_14 = tpu.memref_squeeze %dma_start3A_13 : memref<1x1408xf32, #tpu.memory_space<hbm>> -> memref<1408xf32, #tpu.memory_space<hbm>>
    tpu.enqueue_dma source(%dma_start3A_14 : memref<1408xf32, #tpu.memory_space<hbm>>) target(%dma_start3A_12 : memref<1408xf32, #tpu.memory_space<vmem>>) target_semaphore(%arg13 : memref<!tpu.dma_semaphore, #tpu.memory_space<semaphore_mem>>)
    %dma_start3A_15 = arith.constant 1 : i32
    %dma_start3A_16 = arith.constant 1408 : i32
    %dma_start3A_17 = tpu.memref_slice %arg9[%dma_start3A_16] : memref<90112xf32, #tpu.memory_space<vmem>> -> memref<1408xf32, #tpu.memory_space<vmem>>
    %dma_start3A_18 = tpu.memref_slice %arg3[%dma_start3A_15, %mul3A_2] : memref<64x100000xf32, #tpu.memory_space<hbm>> -> memref<1x1408xf32, #tpu.memory_space<hbm>>
    %dma_start3A_19 = tpu.memref_squeeze %dma_start3A_18 : memref<1x1408xf32, #tpu.memory_space<hbm>> -> memref<1408xf32, #tpu.memory_space<hbm>>
    %dma_start3A_20 = arith.constant 1408 : i32
    %dma_start3A_21 = tpu.memref_slice %arg9[%dma_start3A_20] : memref<90112xf32, #tpu.memory_space<vmem>> -> memref<1408xf32, #tpu.memory_space<vmem>>
    %dma_start3A_22 = tpu.memref_slice %arg3[%dma_start3A_15, %mul3A_2] : memref<64x100000xf32, #tpu.memory_space<hbm>> -> memref<1x1408xf32, #tpu.memory_space<hbm>>
    %dma_start3A_23 = tpu.memref_squeeze %dma_start3A_22 : memref<1x1408xf32, #tpu.memory_space<hbm>> -> memref<1408xf32, #tpu.memory_space<hbm>>
    tpu.enqueue_dma source(%dma_start3A_23 : memref<1408xf32, #tpu.memory_space<hbm>>) target(%dma_start3A_21 : memref<1408xf32, #tpu.memory_space<vmem>>) target_semaphore(%arg13 : memref<!tpu.dma_semaphore, #tpu.memory_space<semaphore_mem>>)
    %dma_start3A_24 = arith.constant 2 : i32
    %dma_start3A_25 = arith.constant 2816 : i32
    %dma_start3A_26 = tpu.memref_slice %arg9[%dma_start3A_25] : memref<90112xf32, #tpu.memory_space<vmem>> -> memref<1408xf32, #tpu.memory_space<vmem>>
    %dma_start3A_27 = tpu.memref_slice %arg3[%dma_start3A_24, %mul3A_2] : memref<64x100000xf32, #tpu.memory_space<hbm>> -> memref<1x1408xf32, #tpu.memory_space<hbm>>
    %dma_start3A_28 = tpu.memref_squeeze %dma_start3A_27 : memref<1x1408xf32, #tpu.memory_space<hbm>> -> memref<1408xf32, #tpu.memory_space<hbm>>
    %dma_start3A_29 = arith.constant 2816 : i32
    %dma_start3A_30 = tpu.memref_slice %arg9[%dma_start3A_29] : memref<90112xf32, #tpu.memory_space<vmem>> -> memref<1408xf32, #tpu.memory_space<vmem>>
    %dma_start3A_31 = tpu.memref_slice %arg3[%dma_start3A_24, %mul3A_2] : memref<64x100000xf32, #tpu.memory_space<hbm>> -> memref<1x1408xf32, #tpu.memory_space<hbm>>
    %dma_start3A_32 = tpu.memref_squeeze %dma_start3A_31 : memref<1x1408xf32, #tpu.memory_space<hbm>> -> memref<1408xf32, #tpu.memory_space<hbm>>
    tpu.enqueue_dma source(%dma_start3A_32 : memref<1408xf32, #tpu.memory_space<hbm>>) target(%dma_start3A_30 : memref<1408xf32, #tpu.memory_space<vmem>>) target_semaphore(%arg13 : memref<!tpu.dma_semaphore, #tpu.memory_space<semaphore_mem>>)
    %dma_start3A_33 = arith.constant 3 : i32
    %dma_start3A_34 = arith.constant 4224 : i32
    %dma_start3A_35 = tpu.memref_slice %arg9[%dma_start3A_34] : memref<90112xf32, #tpu.memory_space<vmem>> -> memref<1408xf32, #tpu.memory_space<vmem>>
    %dma_start3A_36 = tpu.memref_slice %arg3[%dma_start3A_33, %mul3A_2] : memref<64x100000xf32, #tpu.memory_space<hbm>> -> memref<1x1408xf32, #tpu.memory_space<hbm>>
    %dma_start3A_37 = tpu.memref_squeeze %dma_start3A_36 : memref<1x1408xf32, #tpu.memory_space<hbm>> -> memref<1408xf32, #tpu.memory_space<hbm>>
    %dma_start3A_38 = arith.constant 4224 : i32
    %dma_start3A_39 = tpu.memref_slice %arg9[%dma_start3A_38] : memref<90112xf32, #tpu.memory_space<vmem>> -> memref<1408xf32, #tpu.memory_space<vmem>>
    %dma_start3A_40 = tpu.memref_slice %arg3[%dma_start3A_33, %mul3A_2] : memref<64x100000xf32, #tpu.memory_space<hbm>> -> memref<1x1408xf32, #tpu.memory_space<hbm>>
    %dma_start3A_41 = tpu.memref_squeeze %dma_start3A_40 : memref<1x1408xf32, #tpu.memory_space<hbm>> -> memref<1408xf32, #tpu.memory_space<hbm>>
    tpu.enqueue_dma source(%dma_start3A_41 : memref<1408xf32, #tpu.memory_space<hbm>>) target(%dma_start3A_39 : memref<1408xf32, #tpu.memory_space<vmem>>) target_semaphore(%arg13 : memref<!tpu.dma_semaphore, #tpu.memory_space<semaphore_mem>>)
    %dma_start3A_42 = arith.constant 4 : i32
    %dma_start3A_43 = arith.constant 5632 : i32
    %dma_start3A_44 = tpu.memref_slice %arg9[%dma_start3A_43] : memref<90112xf32, #tpu.memory_space<vmem>> -> memref<1408xf32, #tpu.memory_space<vmem>>
    %dma_start3A_45 = tpu.memref_slice %arg3[%dma_start3A_42, %mul3A_2] : memref<64x100000xf32, #tpu.memory_space<hbm>> -> memref<1x1408xf32, #tpu.memory_space<hbm>>
    %dma_start3A_46 = tpu.memref_squeeze %dma_start3A_45 : memref<1x1408xf32, #tpu.memory_space<hbm>> -> memref<1408xf32, #tpu.memory_space<hbm>>
    %dma_start3A_47 = arith.constant 5632 : i32
    %dma_start3A_48 = tpu.memref_slice %arg9[%dma_start3A_47] : memref<90112xf32, #tpu.memory_space<vmem>> -> memref<1408xf32, #tpu.memory_space<vmem>>
    %dma_start3A_49 = tpu.memref_slice %arg3[%dma_start3A_42, %mul3A_2] : memref<64x100000xf32, #tpu.memory_space<hbm>> -> memref<1x1408xf32, #tpu.memory_space<hbm>>
    %dma_start3A_50 = tpu.memref_squeeze %dma_start3A_49 : memref<1x1408xf32, #tpu.memory_space<hbm>> -> memref<1408xf32, #tpu.memory_space<hbm>>
    tpu.enqueue_dma source(%dma_start3A_50 : memref<1408xf32, #tpu.memory_space<hbm>>) target(%dma_start3A_48 : memref<1408xf32, #tpu.memory_space<vmem>>) target_semaphore(%arg13 : memref<!tpu.dma_semaphore, #tpu.memory_space<semaphore_mem>>)
    %dma_start3A_51 = arith.constant 5 : i32
    %dma_start3A_52 = arith.constant 7040 : i32
    %dma_start3A_53 = tpu.memref_slice %arg9[%dma_start3A_52] : memref<90112xf32, #tpu.memory_space<vmem>> -> memref<1408xf32, #tpu.memory_space<vmem>>
    %dma_start3A_54 = tpu.memref_slice %arg3[%dma_start3A_51, %mul3A_2] : memref<64x100000xf32, #tpu.memory_space<hbm>> -> memref<1x1408xf32, #tpu.memory_space<hbm>>
    %dma_start3A_55 = tpu.memref_squeeze %dma_start3A_54 : memref<1x1408xf32, #tpu.memory_space<hbm>> -> memref<1408xf32, #tpu.memory_space<hbm>>
    %dma_start3A_56 = arith.constant 7040 : i32
    %dma_start3A_57 = tpu.memref_slice %arg9[%dma_start3A_56] : memref<90112xf32, #tpu.memory_space<vmem>> -> memref<1408xf32, #tpu.memory_space<vmem>>
    %dma_start3A_58 = tpu.memref_slice %arg3[%dma_start3A_51, %mul3A_2] : memref<64x100000xf32, #tpu.memory_space<hbm>> -> memref<1x1408xf32, #tpu.memory_space<hbm>>
    %dma_start3A_59 = tpu.memref_squeeze %dma_start3A_58 : memref<1x1408xf32, #tpu.memory_space<hbm>> -> memref<1408xf32, #tpu.memory_space<hbm>>
    tpu.enqueue_dma source(%dma_start3A_59 : memref<1408xf32, #tpu.memory_space<hbm>>) target(%dma_start3A_57 : memref<1408xf32, #tpu.memory_space<vmem>>) target_semaphore(%arg13 : memref<!tpu.dma_semaphore, #tpu.memory_space<semaphore_mem>>)
    %dma_start3A_60 = arith.constant 6 : i32
    %dma_start3A_61 = arith.constant 8448 : i32
    %dma_start3A_62 = tpu.memref_slice %arg9[%dma_start3A_61] : memref<90112xf32, #tpu.memory_space<vmem>> -> memref<1408xf32, #tpu.memory_space<vmem>>
    %dma_start3A_63 = tpu.memref_slice %arg3[%dma_start3A_60, %mul3A_2] : memref<64x100000xf32, #tpu.memory_space<hbm>> -> memref<1x1408xf32, #tpu.memory_space<hbm>>
    %dma_start3A_64 = tpu.memref_squeeze %dma_start3A_63 : memref<1x1408xf32, #tpu.memory_space<hbm>> -> memref<1408xf32, #tpu.memory_space<hbm>>
    %dma_start3A_65 = arith.constant 8448 : i32
    %dma_start3A_66 = tpu.memref_slice %arg9[%dma_start3A_65] : memref<90112xf32, #tpu.memory_space<vmem>> -> memref<1408xf32, #tpu.memory_space<vmem>>
    %dma_start3A_67 = tpu.memref_slice %arg3[%dma_start3A_60, %mul3A_2] : memref<64x100000xf32, #tpu.memory_space<hbm>> -> memref<1x1408xf32, #tpu.memory_space<hbm>>
    %dma_start3A_68 = tpu.memref_squeeze %dma_start3A_67 : memref<1x1408xf32, #tpu.memory_space<hbm>> -> memref<1408xf32, #tpu.memory_space<hbm>>
    tpu.enqueue_dma source(%dma_start3A_68 : memref<1408xf32, #tpu.memory_space<hbm>>) target(%dma_start3A_66 : memref<1408xf32, #tpu.memory_space<vmem>>) target_semaphore(%arg13 : memref<!tpu.dma_semaphore, #tpu.memory_space<semaphore_mem>>)
    %dma_start3A_69 = arith.constant 7 : i32
    %dma_start3A_70 = arith.constant 9856 : i32
    %dma_start3A_71 = tpu.memref_slice %arg9[%dma_start3A_70] : memref<90112xf32, #tpu.memory_space<vmem>> -> memref<1408xf32, #tpu.memory_space<vmem>>
    %dma_start3A_72 = tpu.memref_slice %arg3[%dma_start3A_69, %mul3A_2] : memref<64x100000xf32, #tpu.memory_space<hbm>> -> memref<1x1408xf32, #tpu.memory_space<hbm>>
    %dma_start3A_73 = tpu.memref_squeeze %dma_start3A_72 : memref<1x1408xf32, #tpu.memory_space<hbm>> -> memref<1408xf32, #tpu.memory_space<hbm>>
    %dma_start3A_74 = arith.constant 9856 : i32
    %dma_start3A_75 = tpu.memref_slice %arg9[%dma_start3A_74] : memref<90112xf32, #tpu.memory_space<vmem>> -> memref<1408xf32, #tpu.memory_space<vmem>>
    %dma_start3A_76 = tpu.memref_slice %arg3[%dma_start3A_69, %mul3A_2] : memref<64x100000xf32, #tpu.memory_space<hbm>> -> memref<1x1408xf32, #tpu.memory_space<hbm>>
    %dma_start3A_77 = tpu.memref_squeeze %dma_start3A_76 : memref<1x1408xf32, #tpu.memory_space<hbm>> -> memref<1408xf32, #tpu.memory_space<hbm>>
    tpu.enqueue_dma source(%dma_start3A_77 : memref<1408xf32, #tpu.memory_space<hbm>>) target(%dma_start3A_75 : memref<1408xf32, #tpu.memory_space<vmem>>) target_semaphore(%arg13 : memref<!tpu.dma_semaphore, #tpu.memory_space<semaphore_mem>>)
    %dma_start3A_78 = arith.constant 8 : i32
    %dma_start3A_79 = arith.constant 11264 : i32
    %dma_start3A_80 = tpu.memref_slice %arg9[%dma_start3A_79] : memref<90112xf32, #tpu.memory_space<vmem>> -> memref<1408xf32, #tpu.memory_space<vmem>>
    %dma_start3A_81 = tpu.memref_slice %arg3[%dma_start3A_78, %mul3A_2] : memref<64x100000xf32, #tpu.memory_space<hbm>> -> memref<1x1408xf32, #tpu.memory_space<hbm>>
    %dma_start3A_82 = tpu.memref_squeeze %dma_start3A_81 : memref<1x1408xf32, #tpu.memory_space<hbm>> -> memref<1408xf32, #tpu.memory_space<hbm>>
    %dma_start3A_83 = arith.constant 11264 : i32
    %dma_start3A_84 = tpu.memref_slice %arg9[%dma_start3A_83] : memref<90112xf32, #tpu.memory_space<vmem>> -> memref<1408xf32, #tpu.memory_space<vmem>>
    %dma_start3A_85 = tpu.memref_slice %arg3[%dma_start3A_78, %mul3A_2] : memref<64x100000xf32, #tpu.memory_space<hbm>> -> memref<1x1408xf32, #tpu.memory_space<hbm>>
    %dma_start3A_86 = tpu.memref_squeeze %dma_start3A_85 : memref<1x1408xf32, #tpu.memory_space<hbm>> -> memref<1408xf32, #tpu.memory_space<hbm>>
    tpu.enqueue_dma source(%dma_start3A_86 : memref<1408xf32, #tpu.memory_space<hbm>>) target(%dma_start3A_84 : memref<1408xf32, #tpu.memory_space<vmem>>) target_semaphore(%arg13 : memref<!tpu.dma_semaphore, #tpu.memory_space<semaphore_mem>>)
    %dma_start3A_87 = arith.constant 9 : i32
    %dma_start3A_88 = arith.constant 12672 : i32
    %dma_start3A_89 = tpu.memref_slice %arg9[%dma_start3A_88] : memref<90112xf32, #tpu.memory_space<vmem>> -> memref<1408xf32, #tpu.memory_space<vmem>>
    %dma_start3A_90 = tpu.memref_slice %arg3[%dma_start3A_87, %mul3A_2] : memref<64x100000xf32, #tpu.memory_space<hbm>> -> memref<1x1408xf32, #tpu.memory_space<hbm>>
    %dma_start3A_91 = tpu.memref_squeeze %dma_start3A_90 : memref<1x1408xf32, #tpu.memory_space<hbm>> -> memref<1408xf32, #tpu.memory_space<hbm>>
    %dma_start3A_92 = arith.constant 12672 : i32
    %dma_start3A_93 = tpu.memref_slice %arg9[%dma_start3A_92] : memref<90112xf32, #tpu.memory_space<vmem>> -> memref<1408xf32, #tpu.memory_space<vmem>>
    %dma_start3A_94 = tpu.memref_slice %arg3[%dma_start3A_87, %mul3A_2] : memref<64x100000xf32, #tpu.memory_space<hbm>> -> memref<1x1408xf32, #tpu.memory_space<hbm>>
    %dma_start3A_95 = tpu.memref_squeeze %dma_start3A_94 : memref<1x1408xf32, #tpu.memory_space<hbm>> -> memref<1408xf32, #tpu.memory_space<hbm>>
    tpu.enqueue_dma source(%dma_start3A_95 : memref<1408xf32, #tpu.memory_space<hbm>>) target(%dma_start3A_93 : memref<1408xf32, #tpu.memory_space<vmem>>) target_semaphore(%arg13 : memref<!tpu.dma_semaphore, #tpu.memory_space<semaphore_mem>>)
    %dma_start3A_96 = arith.constant 10 : i32
    %dma_start3A_97 = arith.constant 14080 : i32
    %dma_start3A_98 = tpu.memref_slice %arg9[%dma_start3A_97] : memref<90112xf32, #tpu.memory_space<vmem>> -> memref<1408xf32, #tpu.memory_space<vmem>>
    %dma_start3A_99 = tpu.memref_slice %arg3[%dma_start3A_96, %mul3A_2] : memref<64x100000xf32, #tpu.memory_space<hbm>> -> memref<1x1408xf32, #tpu.memory_space<hbm>>
    %dma_start3A_100 = tpu.memref_squeeze %dma_start3A_99 : memref<1x1408xf32, #tpu.memory_space<hbm>> -> memref<1408xf32, #tpu.memory_space<hbm>>
    %dma_start3A_101 = arith.constant 14080 : i32
    %dma_start3A_102 = tpu.memref_slice %arg9[%dma_start3A_101] : memref<90112xf32, #tpu.memory_space<vmem>> -> memref<1408xf32, #tpu.memory_space<vmem>>
    %dma_start3A_103 = tpu.memref_slice %arg3[%dma_start3A_96, %mul3A_2] : memref<64x100000xf32, #tpu.memory_space<hbm>> -> memref<1x1408xf32, #tpu.memory_space<hbm>>
    %dma_start3A_104 = tpu.memref_squeeze %dma_start3A_103 : memref<1x1408xf32, #tpu.memory_space<hbm>> -> memref<1408xf32, #tpu.memory_space<hbm>>
    tpu.enqueue_dma source(%dma_start3A_104 : memref<1408xf32, #tpu.memory_space<hbm>>) target(%dma_start3A_102 : memref<1408xf32, #tpu.memory_space<vmem>>) target_semaphore(%arg13 : memref<!tpu.dma_semaphore, #tpu.memory_space<semaphore_mem>>)
    %dma_start3A_105 = arith.constant 11 : i32
    %dma_start3A_106 = arith.constant 15488 : i32
    %dma_start3A_107 = tpu.memref_slice %arg9[%dma_start3A_106] : memref<90112xf32, #tpu.memory_space<vmem>> -> memref<1408xf32, #tpu.memory_space<vmem>>
    %dma_start3A_108 = tpu.memref_slice %arg3[%dma_start3A_105, %mul3A_2] : memref<64x100000xf32, #tpu.memory_space<hbm>> -> memref<1x1408xf32, #tpu.memory_space<hbm>>
    %dma_start3A_109 = tpu.memref_squeeze %dma_start3A_108 : memref<1x1408xf32, #tpu.memory_space<hbm>> -> memref<1408xf32, #tpu.memory_space<hbm>>
    %dma_start3A_110 = arith.constant 15488 : i32
    %dma_start3A_111 = tpu.memref_slice %arg9[%dma_start3A_110] : memref<90112xf32, #tpu.memory_space<vmem>> -> memref<1408xf32, #tpu.memory_space<vmem>>
    %dma_start3A_112 = tpu.memref_slice %arg3[%dma_start3A_105, %mul3A_2] : memref<64x100000xf32, #tpu.memory_space<hbm>> -> memref<1x1408xf32, #tpu.memory_space<hbm>>
    %dma_start3A_113 = tpu.memref_squeeze %dma_start3A_112 : memref<1x1408xf32, #tpu.memory_space<hbm>> -> memref<1408xf32, #tpu.memory_space<hbm>>
    tpu.enqueue_dma source(%dma_start3A_113 : memref<1408xf32, #tpu.memory_space<hbm>>) target(%dma_start3A_111 : memref<1408xf32, #tpu.memory_space<vmem>>) target_semaphore(%arg13 : memref<!tpu.dma_semaphore, #tpu.memory_space<semaphore_mem>>)
    %dma_start3A_114 = arith.constant 12 : i32
    %dma_start3A_115 = arith.constant 16896 : i32
    %dma_start3A_116 = tpu.memref_slice %arg9[%dma_start3A_115] : memref<90112xf32, #tpu.memory_space<vmem>> -> memref<1408xf32, #tpu.memory_space<vmem>>
    %dma_start3A_117 = tpu.memref_slice %arg3[%dma_start3A_114, %mul3A_2] : memref<64x100000xf32, #tpu.memory_space<hbm>> -> memref<1x1408xf32, #tpu.memory_space<hbm>>
    %dma_start3A_118 = tpu.memref_squeeze %dma_start3A_117 : memref<1x1408xf32, #tpu.memory_space<hbm>> -> memref<1408xf32, #tpu.memory_space<hbm>>
    %dma_start3A_119 = arith.constant 16896 : i32
    %dma_start3A_120 = tpu.memref_slice %arg9[%dma_start3A_119] : memref<90112xf32, #tpu.memory_space<vmem>> -> memref<1408xf32, #tpu.memory_space<vmem>>
    %dma_start3A_121 = tpu.memref_slice %arg3[%dma_start3A_114, %mul3A_2] : memref<64x100000xf32, #tpu.memory_space<hbm>> -> memref<1x1408xf32, #tpu.memory_space<hbm>>
    %dma_start3A_122 = tpu.memref_squeeze %dma_start3A_121 : memref<1x1408xf32, #tpu.memory_space<hbm>> -> memref<1408xf32, #tpu.memory_space<hbm>>
    tpu.enqueue_dma source(%dma_start3A_122 : memref<1408xf32, #tpu.memory_space<hbm>>) target(%dma_start3A_120 : memref<1408xf32, #tpu.memory_space<vmem>>) target_semaphore(%arg13 : memref<!tpu.dma_semaphore, #tpu.memory_space<semaphore_mem>>)
    %dma_start3A_123 = arith.constant 13 : i32
    %dma_start3A_124 = arith.constant 18304 : i32
    %dma_start3A_125 = tpu.memref_slice %arg9[%dma_start3A_124] : memref<90112xf32, #tpu.memory_space<vmem>> -> memref<1408xf32, #tpu.memory_space<vmem>>
    %dma_start3A_126 = tpu.memref_slice %arg3[%dma_start3A_123, %mul3A_2] : memref<64x100000xf32, #tpu.memory_space<hbm>> -> memref<1x1408xf32, #tpu.memory_space<hbm>>
    %dma_start3A_127 = tpu.memref_squeeze %dma_start3A_126 : memref<1x1408xf32, #tpu.memory_space<hbm>> -> memref<1408xf32, #tpu.memory_space<hbm>>
    %dma_start3A_128 = arith.constant 18304 : i32
    %dma_start3A_129 = tpu.memref_slice %arg9[%dma_start3A_128] : memref<90112xf32, #tpu.memory_space<vmem>> -> memref<1408xf32, #tpu.memory_space<vmem>>
    %dma_start3A_130 = tpu.memref_slice %arg3[%dma_start3A_123, %mul3A_2] : memref<64x100000xf32, #tpu.memory_space<hbm>> -> memref<1x1408xf32, #tpu.memory_space<hbm>>
    %dma_start3A_131 = tpu.memref_squeeze %dma_start3A_130 : memref<1x1408xf32, #tpu.memory_space<hbm>> -> memref<1408xf32, #tpu.memory_space<hbm>>
    tpu.enqueue_dma source(%dma_start3A_131 : memref<1408xf32, #tpu.memory_space<hbm>>) target(%dma_start3A_129 : memref<1408xf32, #tpu.memory_space<vmem>>) target_semaphore(%arg13 : memref<!tpu.dma_semaphore, #tpu.memory_space<semaphore_mem>>)
    %dma_start3A_132 = arith.constant 14 : i32
    %dma_start3A_133 = arith.constant 19712 : i32
    %dma_start3A_134 = tpu.memref_slice %arg9[%dma_start3A_133] : memref<90112xf32, #tpu.memory_space<vmem>> -> memref<1408xf32, #tpu.memory_space<vmem>>
    %dma_start3A_135 = tpu.memref_slice %arg3[%dma_start3A_132, %mul3A_2] : memref<64x100000xf32, #tpu.memory_space<hbm>> -> memref<1x1408xf32, #tpu.memory_space<hbm>>
    %dma_start3A_136 = tpu.memref_squeeze %dma_start3A_135 : memref<1x1408xf32, #tpu.memory_space<hbm>> -> memref<1408xf32, #tpu.memory_space<hbm>>
    %dma_start3A_137 = arith.constant 19712 : i32
    %dma_start3A_138 = tpu.memref_slice %arg9[%dma_start3A_137] : memref<90112xf32, #tpu.memory_space<vmem>> -> memref<1408xf32, #tpu.memory_space<vmem>>
    %dma_start3A_139 = tpu.memref_slice %arg3[%dma_start3A_132, %mul3A_2] : memref<64x100000xf32, #tpu.memory_space<hbm>> -> memref<1x1408xf32, #tpu.memory_space<hbm>>
    %dma_start3A_140 = tpu.memref_squeeze %dma_start3A_139 : memref<1x1408xf32, #tpu.memory_space<hbm>> -> memref<1408xf32, #tpu.memory_space<hbm>>
    tpu.enqueue_dma source(%dma_start3A_140 : memref<1408xf32, #tpu.memory_space<hbm>>) target(%dma_start3A_138 : memref<1408xf32, #tpu.memory_space<vmem>>) target_semaphore(%arg13 : memref<!tpu.dma_semaphore, #tpu.memory_space<semaphore_mem>>)
    %dma_start3A_141 = arith.constant 15 : i32
    %dma_start3A_142 = arith.constant 21120 : i32
    %dma_start3A_143 = tpu.memref_slice %arg9[%dma_start3A_142] : memref<90112xf32, #tpu.memory_space<vmem>> -> memref<1408xf32, #tpu.memory_space<vmem>>
    %dma_start3A_144 = tpu.memref_slice %arg3[%dma_start3A_141, %mul3A_2] : memref<64x100000xf32, #tpu.memory_space<hbm>> -> memref<1x1408xf32, #tpu.memory_space<hbm>>
    %dma_start3A_145 = tpu.memref_squeeze %dma_start3A_144 : memref<1x1408xf32, #tpu.memory_space<hbm>> -> memref<1408xf32, #tpu.memory_space<hbm>>
    %dma_start3A_146 = arith.constant 21120 : i32
    %dma_start3A_147 = tpu.memref_slice %arg9[%dma_start3A_146] : memref<90112xf32, #tpu.memory_space<vmem>> -> memref<1408xf32, #tpu.memory_space<vmem>>
    %dma_start3A_148 = tpu.memref_slice %arg3[%dma_start3A_141, %mul3A_2] : memref<64x100000xf32, #tpu.memory_space<hbm>> -> memref<1x1408xf32, #tpu.memory_space<hbm>>
    %dma_start3A_149 = tpu.memref_squeeze %dma_start3A_148 : memref<1x1408xf32, #tpu.memory_space<hbm>> -> memref<1408xf32, #tpu.memory_space<hbm>>
    tpu.enqueue_dma source(%dma_start3A_149 : memref<1408xf32, #tpu.memory_space<hbm>>) target(%dma_start3A_147 : memref<1408xf32, #tpu.memory_space<vmem>>) target_semaphore(%arg13 : memref<!tpu.dma_semaphore, #tpu.memory_space<semaphore_mem>>)
    %dma_wait3A = tpu.memref_slice %arg4[%mul3A_2] : memref<100000xf32, #tpu.memory_space<hbm>> -> memref<1408xf32, #tpu.memory_space<hbm>>
    %dma_wait3A_150 = tpu.memref_slice %arg4[%mul3A_2] : memref<100000xf32, #tpu.memory_space<hbm>> -> memref<1408xf32, #tpu.memory_space<hbm>>
    tpu.wait_dma2 semaphore(%arg17 : memref<!tpu.dma_semaphore, #tpu.memory_space<semaphore_mem>>) src(%dma_wait3A_150 : memref<1408xf32, #tpu.memory_space<hbm>>) dst(%arg10 : memref<1408xf32, #tpu.memory_space<vmem>>)
    %dma_start3A_151 = arith.constant 16 : i32
    %dma_start3A_152 = arith.constant 22528 : i32
    %dma_start3A_153 = tpu.memref_slice %arg9[%dma_start3A_152] : memref<90112xf32, #tpu.memory_space<vmem>> -> memref<1408xf32, #tpu.memory_space<vmem>>
    %dma_start3A_154 = tpu.memref_slice %arg3[%dma_start3A_151, %mul3A_2] : memref<64x100000xf32, #tpu.memory_space<hbm>> -> memref<1x1408xf32, #tpu.memory_space<hbm>>
    %dma_start3A_155 = tpu.memref_squeeze %dma_start3A_154 : memref<1x1408xf32, #tpu.memory_space<hbm>> -> memref<1408xf32, #tpu.memory_space<hbm>>
    %dma_start3A_156 = arith.constant 22528 : i32
    %dma_start3A_157 = tpu.memref_slice %arg9[%dma_start3A_156] : memref<90112xf32, #tpu.memory_space<vmem>> -> memref<1408xf32, #tpu.memory_space<vmem>>
    %dma_start3A_158 = tpu.memref_slice %arg3[%dma_start3A_151, %mul3A_2] : memref<64x100000xf32, #tpu.memory_space<hbm>> -> memref<1x1408xf32, #tpu.memory_space<hbm>>
    %dma_start3A_159 = tpu.memref_squeeze %dma_start3A_158 : memref<1x1408xf32, #tpu.memory_space<hbm>> -> memref<1408xf32, #tpu.memory_space<hbm>>
    tpu.enqueue_dma source(%dma_start3A_159 : memref<1408xf32, #tpu.memory_space<hbm>>) target(%dma_start3A_157 : memref<1408xf32, #tpu.memory_space<vmem>>) target_semaphore(%arg14 : memref<!tpu.dma_semaphore, #tpu.memory_space<semaphore_mem>>)
    %dma_start3A_160 = arith.constant 17 : i32
    %dma_start3A_161 = arith.constant 23936 : i32
    %dma_start3A_162 = tpu.memref_slice %arg9[%dma_start3A_161] : memref<90112xf32, #tpu.memory_space<vmem>> -> memref<1408xf32, #tpu.memory_space<vmem>>
    %dma_start3A_163 = tpu.memref_slice %arg3[%dma_start3A_160, %mul3A_2] : memref<64x100000xf32, #tpu.memory_space<hbm>> -> memref<1x1408xf32, #tpu.memory_space<hbm>>
    %dma_start3A_164 = tpu.memref_squeeze %dma_start3A_163 : memref<1x1408xf32, #tpu.memory_space<hbm>> -> memref<1408xf32, #tpu.memory_space<hbm>>
    %dma_start3A_165 = arith.constant 23936 : i32
    %dma_start3A_166 = tpu.memref_slice %arg9[%dma_start3A_165] : memref<90112xf32, #tpu.memory_space<vmem>> -> memref<1408xf32, #tpu.memory_space<vmem>>
    %dma_start3A_167 = tpu.memref_slice %arg3[%dma_start3A_160, %mul3A_2] : memref<64x100000xf32, #tpu.memory_space<hbm>> -> memref<1x1408xf32, #tpu.memory_space<hbm>>
    %dma_start3A_168 = tpu.memref_squeeze %dma_start3A_167 : memref<1x1408xf32, #tpu.memory_space<hbm>> -> memref<1408xf32, #tpu.memory_space<hbm>>
    tpu.enqueue_dma source(%dma_start3A_168 : memref<1408xf32, #tpu.memory_space<hbm>>) target(%dma_start3A_166 : memref<1408xf32, #tpu.memory_space<vmem>>) target_semaphore(%arg14 : memref<!tpu.dma_semaphore, #tpu.memory_space<semaphore_mem>>)
    %dma_start3A_169 = arith.constant 18 : i32
    %dma_start3A_170 = arith.constant 25344 : i32
    %dma_start3A_171 = tpu.memref_slice %arg9[%dma_start3A_170] : memref<90112xf32, #tpu.memory_space<vmem>> -> memref<1408xf32, #tpu.memory_space<vmem>>
    %dma_start3A_172 = tpu.memref_slice %arg3[%dma_start3A_169, %mul3A_2] : memref<64x100000xf32, #tpu.memory_space<hbm>> -> memref<1x1408xf32, #tpu.memory_space<hbm>>
    %dma_start3A_173 = tpu.memref_squeeze %dma_start3A_172 : memref<1x1408xf32, #tpu.memory_space<hbm>> -> memref<1408xf32, #tpu.memory_space<hbm>>
    %dma_start3A_174 = arith.constant 25344 : i32
    %dma_start3A_175 = tpu.memref_slice %arg9[%dma_start3A_174] : memref<90112xf32, #tpu.memory_space<vmem>> -> memref<1408xf32, #tpu.memory_space<vmem>>
    %dma_start3A_176 = tpu.memref_slice %arg3[%dma_start3A_169, %mul3A_2] : memref<64x100000xf32, #tpu.memory_space<hbm>> -> memref<1x1408xf32, #tpu.memory_space<hbm>>
    %dma_start3A_177 = tpu.memref_squeeze %dma_start3A_176 : memref<1x1408xf32, #tpu.memory_space<hbm>> -> memref<1408xf32, #tpu.memory_space<hbm>>
    tpu.enqueue_dma source(%dma_start3A_177 : memref<1408xf32, #tpu.memory_space<hbm>>) target(%dma_start3A_175 : memref<1408xf32, #tpu.memory_space<vmem>>) target_semaphore(%arg14 : memref<!tpu.dma_semaphore, #tpu.memory_space<semaphore_mem>>)
    %dma_start3A_178 = arith.constant 19 : i32
    %dma_start3A_179 = arith.constant 26752 : i32
    %dma_start3A_180 = tpu.memref_slice %arg9[%dma_start3A_179] : memref<90112xf32, #tpu.memory_space<vmem>> -> memref<1408xf32, #tpu.memory_space<vmem>>
    %dma_start3A_181 = tpu.memref_slice %arg3[%dma_start3A_178, %mul3A_2] : memref<64x100000xf32, #tpu.memory_space<hbm>> -> memref<1x1408xf32, #tpu.memory_space<hbm>>
    %dma_start3A_182 = tpu.memref_squeeze %dma_start3A_181 : memref<1x1408xf32, #tpu.memory_space<hbm>> -> memref<1408xf32, #tpu.memory_space<hbm>>
    %dma_start3A_183 = arith.constant 26752 : i32
    %dma_start3A_184 = tpu.memref_slice %arg9[%dma_start3A_183] : memref<90112xf32, #tpu.memory_space<vmem>> -> memref<1408xf32, #tpu.memory_space<vmem>>
    %dma_start3A_185 = tpu.memref_slice %arg3[%dma_start3A_178, %mul3A_2] : memref<64x100000xf32, #tpu.memory_space<hbm>> -> memref<1x1408xf32, #tpu.memory_space<hbm>>
    %dma_start3A_186 = tpu.memref_squeeze %dma_start3A_185 : memref<1x1408xf32, #tpu.memory_space<hbm>> -> memref<1408xf32, #tpu.memory_space<hbm>>
    tpu.enqueue_dma source(%dma_start3A_186 : memref<1408xf32, #tpu.memory_space<hbm>>) target(%dma_start3A_184 : memref<1408xf32, #tpu.memory_space<vmem>>) target_semaphore(%arg14 : memref<!tpu.dma_semaphore, #tpu.memory_space<semaphore_mem>>)
    %dma_start3A_187 = arith.constant 20 : i32
    %dma_start3A_188 = arith.constant 28160 : i32
    %dma_start3A_189 = tpu.memref_slice %arg9[%dma_start3A_188] : memref<90112xf32, #tpu.memory_space<vmem>> -> memref<1408xf32, #tpu.memory_space<vmem>>
    %dma_start3A_190 = tpu.memref_slice %arg3[%dma_start3A_187, %mul3A_2] : memref<64x100000xf32, #tpu.memory_space<hbm>> -> memref<1x1408xf32, #tpu.memory_space<hbm>>
    %dma_start3A_191 = tpu.memref_squeeze %dma_start3A_190 : memref<1x1408xf32, #tpu.memory_space<hbm>> -> memref<1408xf32, #tpu.memory_space<hbm>>
    %dma_start3A_192 = arith.constant 28160 : i32
    %dma_start3A_193 = tpu.memref_slice %arg9[%dma_start3A_192] : memref<90112xf32, #tpu.memory_space<vmem>> -> memref<1408xf32, #tpu.memory_space<vmem>>
    %dma_start3A_194 = tpu.memref_slice %arg3[%dma_start3A_187, %mul3A_2] : memref<64x100000xf32, #tpu.memory_space<hbm>> -> memref<1x1408xf32, #tpu.memory_space<hbm>>
    %dma_start3A_195 = tpu.memref_squeeze %dma_start3A_194 : memref<1x1408xf32, #tpu.memory_space<hbm>> -> memref<1408xf32, #tpu.memory_space<hbm>>
    tpu.enqueue_dma source(%dma_start3A_195 : memref<1408xf32, #tpu.memory_space<hbm>>) target(%dma_start3A_193 : memref<1408xf32, #tpu.memory_space<vmem>>) target_semaphore(%arg14 : memref<!tpu.dma_semaphore, #tpu.memory_space<semaphore_mem>>)
    %dma_start3A_196 = arith.constant 21 : i32
    %dma_start3A_197 = arith.constant 29568 : i32
    %dma_start3A_198 = tpu.memref_slice %arg9[%dma_start3A_197] : memref<90112xf32, #tpu.memory_space<vmem>> -> memref<1408xf32, #tpu.memory_space<vmem>>
    %dma_start3A_199 = tpu.memref_slice %arg3[%dma_start3A_196, %mul3A_2] : memref<64x100000xf32, #tpu.memory_space<hbm>> -> memref<1x1408xf32, #tpu.memory_space<hbm>>
    %dma_start3A_200 = tpu.memref_squeeze %dma_start3A_199 : memref<1x1408xf32, #tpu.memory_space<hbm>> -> memref<1408xf32, #tpu.memory_space<hbm>>
    %dma_start3A_201 = arith.constant 29568 : i32
    %dma_start3A_202 = tpu.memref_slice %arg9[%dma_start3A_201] : memref<90112xf32, #tpu.memory_space<vmem>> -> memref<1408xf32, #tpu.memory_space<vmem>>
    %dma_start3A_203 = tpu.memref_slice %arg3[%dma_start3A_196, %mul3A_2] : memref<64x100000xf32, #tpu.memory_space<hbm>> -> memref<1x1408xf32, #tpu.memory_space<hbm>>
    %dma_start3A_204 = tpu.memref_squeeze %dma_start3A_203 : memref<1x1408xf32, #tpu.memory_space<hbm>> -> memref<1408xf32, #tpu.memory_space<hbm>>
    tpu.enqueue_dma source(%dma_start3A_204 : memref<1408xf32, #tpu.memory_space<hbm>>) target(%dma_start3A_202 : memref<1408xf32, #tpu.memory_space<vmem>>) target_semaphore(%arg14 : memref<!tpu.dma_semaphore, #tpu.memory_space<semaphore_mem>>)
    %dma_start3A_205 = arith.constant 22 : i32
    %dma_start3A_206 = arith.constant 30976 : i32
    %dma_start3A_207 = tpu.memref_slice %arg9[%dma_start3A_206] : memref<90112xf32, #tpu.memory_space<vmem>> -> memref<1408xf32, #tpu.memory_space<vmem>>
    %dma_start3A_208 = tpu.memref_slice %arg3[%dma_start3A_205, %mul3A_2] : memref<64x100000xf32, #tpu.memory_space<hbm>> -> memref<1x1408xf32, #tpu.memory_space<hbm>>
    %dma_start3A_209 = tpu.memref_squeeze %dma_start3A_208 : memref<1x1408xf32, #tpu.memory_space<hbm>> -> memref<1408xf32, #tpu.memory_space<hbm>>
    %dma_start3A_210 = arith.constant 30976 : i32
    %dma_start3A_211 = tpu.memref_slice %arg9[%dma_start3A_210] : memref<90112xf32, #tpu.memory_space<vmem>> -> memref<1408xf32, #tpu.memory_space<vmem>>
    %dma_start3A_212 = tpu.memref_slice %arg3[%dma_start3A_205, %mul3A_2] : memref<64x100000xf32, #tpu.memory_space<hbm>> -> memref<1x1408xf32, #tpu.memory_space<hbm>>
    %dma_start3A_213 = tpu.memref_squeeze %dma_start3A_212 : memref<1x1408xf32, #tpu.memory_space<hbm>> -> memref<1408xf32, #tpu.memory_space<hbm>>
    tpu.enqueue_dma source(%dma_start3A_213 : memref<1408xf32, #tpu.memory_space<hbm>>) target(%dma_start3A_211 : memref<1408xf32, #tpu.memory_space<vmem>>) target_semaphore(%arg14 : memref<!tpu.dma_semaphore, #tpu.memory_space<semaphore_mem>>)
    %dma_start3A_214 = arith.constant 23 : i32
    %dma_start3A_215 = arith.constant 32384 : i32
    %dma_start3A_216 = tpu.memref_slice %arg9[%dma_start3A_215] : memref<90112xf32, #tpu.memory_space<vmem>> -> memref<1408xf32, #tpu.memory_space<vmem>>
    %dma_start3A_217 = tpu.memref_slice %arg3[%dma_start3A_214, %mul3A_2] : memref<64x100000xf32, #tpu.memory_space<hbm>> -> memref<1x1408xf32, #tpu.memory_space<hbm>>
    %dma_start3A_218 = tpu.memref_squeeze %dma_start3A_217 : memref<1x1408xf32, #tpu.memory_space<hbm>> -> memref<1408xf32, #tpu.memory_space<hbm>>
    %dma_start3A_219 = arith.constant 32384 : i32
    %dma_start3A_220 = tpu.memref_slice %arg9[%dma_start3A_219] : memref<90112xf32, #tpu.memory_space<vmem>> -> memref<1408xf32, #tpu.memory_space<vmem>>
    %dma_start3A_221 = tpu.memref_slice %arg3[%dma_start3A_214, %mul3A_2] : memref<64x100000xf32, #tpu.memory_space<hbm>> -> memref<1x1408xf32, #tpu.memory_space<hbm>>
    %dma_start3A_222 = tpu.memref_squeeze %dma_start3A_221 : memref<1x1408xf32, #tpu.memory_space<hbm>> -> memref<1408xf32, #tpu.memory_space<hbm>>
    tpu.enqueue_dma source(%dma_start3A_222 : memref<1408xf32, #tpu.memory_space<hbm>>) target(%dma_start3A_220 : memref<1408xf32, #tpu.memory_space<vmem>>) target_semaphore(%arg14 : memref<!tpu.dma_semaphore, #tpu.memory_space<semaphore_mem>>)
    %dma_start3A_223 = arith.constant 24 : i32
    %dma_start3A_224 = arith.constant 33792 : i32
    %dma_start3A_225 = tpu.memref_slice %arg9[%dma_start3A_224] : memref<90112xf32, #tpu.memory_space<vmem>> -> memref<1408xf32, #tpu.memory_space<vmem>>
    %dma_start3A_226 = tpu.memref_slice %arg3[%dma_start3A_223, %mul3A_2] : memref<64x100000xf32, #tpu.memory_space<hbm>> -> memref<1x1408xf32, #tpu.memory_space<hbm>>
    %dma_start3A_227 = tpu.memref_squeeze %dma_start3A_226 : memref<1x1408xf32, #tpu.memory_space<hbm>> -> memref<1408xf32, #tpu.memory_space<hbm>>
    %dma_start3A_228 = arith.constant 33792 : i32
    %dma_start3A_229 = tpu.memref_slice %arg9[%dma_start3A_228] : memref<90112xf32, #tpu.memory_space<vmem>> -> memref<1408xf32, #tpu.memory_space<vmem>>
    %dma_start3A_230 = tpu.memref_slice %arg3[%dma_start3A_223, %mul3A_2] : memref<64x100000xf32, #tpu.memory_space<hbm>> -> memref<1x1408xf32, #tpu.memory_space<hbm>>
    %dma_start3A_231 = tpu.memref_squeeze %dma_start3A_230 : memref<1x1408xf32, #tpu.memory_space<hbm>> -> memref<1408xf32, #tpu.memory_space<hbm>>
    tpu.enqueue_dma source(%dma_start3A_231 : memref<1408xf32, #tpu.memory_space<hbm>>) target(%dma_start3A_229 : memref<1408xf32, #tpu.memory_space<vmem>>) target_semaphore(%arg14 : memref<!tpu.dma_semaphore, #tpu.memory_space<semaphore_mem>>)
    %dma_start3A_232 = arith.constant 25 : i32
    %dma_start3A_233 = arith.constant 35200 : i32
    %dma_start3A_234 = tpu.memref_slice %arg9[%dma_start3A_233] : memref<90112xf32, #tpu.memory_space<vmem>> -> memref<1408xf32, #tpu.memory_space<vmem>>
    %dma_start3A_235 = tpu.memref_slice %arg3[%dma_start3A_232, %mul3A_2] : memref<64x100000xf32, #tpu.memory_space<hbm>> -> memref<1x1408xf32, #tpu.memory_space<hbm>>
    %dma_start3A_236 = tpu.memref_squeeze %dma_start3A_235 : memref<1x1408xf32, #tpu.memory_space<hbm>> -> memref<1408xf32, #tpu.memory_space<hbm>>
    %dma_start3A_237 = arith.constant 35200 : i32
    %dma_start3A_238 = tpu.memref_slice %arg9[%dma_start3A_237] : memref<90112xf32, #tpu.memory_space<vmem>> -> memref<1408xf32, #tpu.memory_space<vmem>>
    %dma_start3A_239 = tpu.memref_slice %arg3[%dma_start3A_232, %mul3A_2] : memref<64x100000xf32, #tpu.memory_space<hbm>> -> memref<1x1408xf32, #tpu.memory_space<hbm>>
    %dma_start3A_240 = tpu.memref_squeeze %dma_start3A_239 : memref<1x1408xf32, #tpu.memory_space<hbm>> -> memref<1408xf32, #tpu.memory_space<hbm>>
    tpu.enqueue_dma source(%dma_start3A_240 : memref<1408xf32, #tpu.memory_space<hbm>>) target(%dma_start3A_238 : memref<1408xf32, #tpu.memory_space<vmem>>) target_semaphore(%arg14 : memref<!tpu.dma_semaphore, #tpu.memory_space<semaphore_mem>>)
    %dma_start3A_241 = arith.constant 26 : i32
    %dma_start3A_242 = arith.constant 36608 : i32
    %dma_start3A_243 = tpu.memref_slice %arg9[%dma_start3A_242] : memref<90112xf32, #tpu.memory_space<vmem>> -> memref<1408xf32, #tpu.memory_space<vmem>>
    %dma_start3A_244 = tpu.memref_slice %arg3[%dma_start3A_241, %mul3A_2] : memref<64x100000xf32, #tpu.memory_space<hbm>> -> memref<1x1408xf32, #tpu.memory_space<hbm>>
    %dma_start3A_245 = tpu.memref_squeeze %dma_start3A_244 : memref<1x1408xf32, #tpu.memory_space<hbm>> -> memref<1408xf32, #tpu.memory_space<hbm>>
    %dma_start3A_246 = arith.constant 36608 : i32
    %dma_start3A_247 = tpu.memref_slice %arg9[%dma_start3A_246] : memref<90112xf32, #tpu.memory_space<vmem>> -> memref<1408xf32, #tpu.memory_space<vmem>>
    %dma_start3A_248 = tpu.memref_slice %arg3[%dma_start3A_241, %mul3A_2] : memref<64x100000xf32, #tpu.memory_space<hbm>> -> memref<1x1408xf32, #tpu.memory_space<hbm>>
    %dma_start3A_249 = tpu.memref_squeeze %dma_start3A_248 : memref<1x1408xf32, #tpu.memory_space<hbm>> -> memref<1408xf32, #tpu.memory_space<hbm>>
    tpu.enqueue_dma source(%dma_start3A_249 : memref<1408xf32, #tpu.memory_space<hbm>>) target(%dma_start3A_247 : memref<1408xf32, #tpu.memory_space<vmem>>) target_semaphore(%arg14 : memref<!tpu.dma_semaphore, #tpu.memory_space<semaphore_mem>>)
    %dma_start3A_250 = arith.constant 27 : i32
    %dma_start3A_251 = arith.constant 38016 : i32
    %dma_start3A_252 = tpu.memref_slice %arg9[%dma_start3A_251] : memref<90112xf32, #tpu.memory_space<vmem>> -> memref<1408xf32, #tpu.memory_space<vmem>>
    %dma_start3A_253 = tpu.memref_slice %arg3[%dma_start3A_250, %mul3A_2] : memref<64x100000xf32, #tpu.memory_space<hbm>> -> memref<1x1408xf32, #tpu.memory_space<hbm>>
    %dma_start3A_254 = tpu.memref_squeeze %dma_start3A_253 : memref<1x1408xf32, #tpu.memory_space<hbm>> -> memref<1408xf32, #tpu.memory_space<hbm>>
    %dma_start3A_255 = arith.constant 38016 : i32
    %dma_start3A_256 = tpu.memref_slice %arg9[%dma_start3A_255] : memref<90112xf32, #tpu.memory_space<vmem>> -> memref<1408xf32, #tpu.memory_space<vmem>>
    %dma_start3A_257 = tpu.memref_slice %arg3[%dma_start3A_250, %mul3A_2] : memref<64x100000xf32, #tpu.memory_space<hbm>> -> memref<1x1408xf32, #tpu.memory_space<hbm>>
    %dma_start3A_258 = tpu.memref_squeeze %dma_start3A_257 : memref<1x1408xf32, #tpu.memory_space<hbm>> -> memref<1408xf32, #tpu.memory_space<hbm>>
    tpu.enqueue_dma source(%dma_start3A_258 : memref<1408xf32, #tpu.memory_space<hbm>>) target(%dma_start3A_256 : memref<1408xf32, #tpu.memory_space<vmem>>) target_semaphore(%arg14 : memref<!tpu.dma_semaphore, #tpu.memory_space<semaphore_mem>>)
    %dma_start3A_259 = arith.constant 28 : i32
    %dma_start3A_260 = arith.constant 39424 : i32
    %dma_start3A_261 = tpu.memref_slice %arg9[%dma_start3A_260] : memref<90112xf32, #tpu.memory_space<vmem>> -> memref<1408xf32, #tpu.memory_space<vmem>>
    %dma_start3A_262 = tpu.memref_slice %arg3[%dma_start3A_259, %mul3A_2] : memref<64x100000xf32, #tpu.memory_space<hbm>> -> memref<1x1408xf32, #tpu.memory_space<hbm>>
    %dma_start3A_263 = tpu.memref_squeeze %dma_start3A_262 : memref<1x1408xf32, #tpu.memory_space<hbm>> -> memref<1408xf32, #tpu.memory_space<hbm>>
    %dma_start3A_264 = arith.constant 39424 : i32
    %dma_start3A_265 = tpu.memref_slice %arg9[%dma_start3A_264] : memref<90112xf32, #tpu.memory_space<vmem>> -> memref<1408xf32, #tpu.memory_space<vmem>>
    %dma_start3A_266 = tpu.memref_slice %arg3[%dma_start3A_259, %mul3A_2] : memref<64x100000xf32, #tpu.memory_space<hbm>> -> memref<1x1408xf32, #tpu.memory_space<hbm>>
    %dma_start3A_267 = tpu.memref_squeeze %dma_start3A_266 : memref<1x1408xf32, #tpu.memory_space<hbm>> -> memref<1408xf32, #tpu.memory_space<hbm>>
    tpu.enqueue_dma source(%dma_start3A_267 : memref<1408xf32, #tpu.memory_space<hbm>>) target(%dma_start3A_265 : memref<1408xf32, #tpu.memory_space<vmem>>) target_semaphore(%arg14 : memref<!tpu.dma_semaphore, #tpu.memory_space<semaphore_mem>>)
    %dma_start3A_268 = arith.constant 29 : i32
    %dma_start3A_269 = arith.constant 40832 : i32
    %dma_start3A_270 = tpu.memref_slice %arg9[%dma_start3A_269] : memref<90112xf32, #tpu.memory_space<vmem>> -> memref<1408xf32, #tpu.memory_space<vmem>>
    %dma_start3A_271 = tpu.memref_slice %arg3[%dma_start3A_268, %mul3A_2] : memref<64x100000xf32, #tpu.memory_space<hbm>> -> memref<1x1408xf32, #tpu.memory_space<hbm>>
    %dma_start3A_272 = tpu.memref_squeeze %dma_start3A_271 : memref<1x1408xf32, #tpu.memory_space<hbm>> -> memref<1408xf32, #tpu.memory_space<hbm>>
    %dma_start3A_273 = arith.constant 40832 : i32
    %dma_start3A_274 = tpu.memref_slice %arg9[%dma_start3A_273] : memref<90112xf32, #tpu.memory_space<vmem>> -> memref<1408xf32, #tpu.memory_space<vmem>>
    %dma_start3A_275 = tpu.memref_slice %arg3[%dma_start3A_268, %mul3A_2] : memref<64x100000xf32, #tpu.memory_space<hbm>> -> memref<1x1408xf32, #tpu.memory_space<hbm>>
    %dma_start3A_276 = tpu.memref_squeeze %dma_start3A_275 : memref<1x1408xf32, #tpu.memory_space<hbm>> -> memref<1408xf32, #tpu.memory_space<hbm>>
    tpu.enqueue_dma source(%dma_start3A_276 : memref<1408xf32, #tpu.memory_space<hbm>>) target(%dma_start3A_274 : memref<1408xf32, #tpu.memory_space<vmem>>) target_semaphore(%arg14 : memref<!tpu.dma_semaphore, #tpu.memory_space<semaphore_mem>>)
    %dma_start3A_277 = arith.constant 30 : i32
    %dma_start3A_278 = arith.constant 42240 : i32
    %dma_start3A_279 = tpu.memref_slice %arg9[%dma_start3A_278] : memref<90112xf32, #tpu.memory_space<vmem>> -> memref<1408xf32, #tpu.memory_space<vmem>>
    %dma_start3A_280 = tpu.memref_slice %arg3[%dma_start3A_277, %mul3A_2] : memref<64x100000xf32, #tpu.memory_space<hbm>> -> memref<1x1408xf32, #tpu.memory_space<hbm>>
    %dma_start3A_281 = tpu.memref_squeeze %dma_start3A_280 : memref<1x1408xf32, #tpu.memory_space<hbm>> -> memref<1408xf32, #tpu.memory_space<hbm>>
    %dma_start3A_282 = arith.constant 42240 : i32
    %dma_start3A_283 = tpu.memref_slice %arg9[%dma_start3A_282] : memref<90112xf32, #tpu.memory_space<vmem>> -> memref<1408xf32, #tpu.memory_space<vmem>>
    %dma_start3A_284 = tpu.memref_slice %arg3[%dma_start3A_277, %mul3A_2] : memref<64x100000xf32, #tpu.memory_space<hbm>> -> memref<1x1408xf32, #tpu.memory_space<hbm>>
    %dma_start3A_285 = tpu.memref_squeeze %dma_start3A_284 : memref<1x1408xf32, #tpu.memory_space<hbm>> -> memref<1408xf32, #tpu.memory_space<hbm>>
    tpu.enqueue_dma source(%dma_start3A_285 : memref<1408xf32, #tpu.memory_space<hbm>>) target(%dma_start3A_283 : memref<1408xf32, #tpu.memory_space<vmem>>) target_semaphore(%arg14 : memref<!tpu.dma_semaphore, #tpu.memory_space<semaphore_mem>>)
    %dma_start3A_286 = arith.constant 31 : i32
    %dma_start3A_287 = arith.constant 43648 : i32
    %dma_start3A_288 = tpu.memref_slice %arg9[%dma_start3A_287] : memref<90112xf32, #tpu.memory_space<vmem>> -> memref<1408xf32, #tpu.memory_space<vmem>>
    %dma_start3A_289 = tpu.memref_slice %arg3[%dma_start3A_286, %mul3A_2] : memref<64x100000xf32, #tpu.memory_space<hbm>> -> memref<1x1408xf32, #tpu.memory_space<hbm>>
    %dma_start3A_290 = tpu.memref_squeeze %dma_start3A_289 : memref<1x1408xf32, #tpu.memory_space<hbm>> -> memref<1408xf32, #tpu.memory_space<hbm>>
    %dma_start3A_291 = arith.constant 43648 : i32
    %dma_start3A_292 = tpu.memref_slice %arg9[%dma_start3A_291] : memref<90112xf32, #tpu.memory_space<vmem>> -> memref<1408xf32, #tpu.memory_space<vmem>>
    %dma_start3A_293 = tpu.memref_slice %arg3[%dma_start3A_286, %mul3A_2] : memref<64x100000xf32, #tpu.memory_space<hbm>> -> memref<1x1408xf32, #tpu.memory_space<hbm>>
    %dma_start3A_294 = tpu.memref_squeeze %dma_start3A_293 : memref<1x1408xf32, #tpu.memory_space<hbm>> -> memref<1408xf32, #tpu.memory_space<hbm>>
    tpu.enqueue_dma source(%dma_start3A_294 : memref<1408xf32, #tpu.memory_space<hbm>>) target(%dma_start3A_292 : memref<1408xf32, #tpu.memory_space<vmem>>) target_semaphore(%arg14 : memref<!tpu.dma_semaphore, #tpu.memory_space<semaphore_mem>>)
    %dma_wait3A_295 = arith.constant 0 : i32
    %dma_wait3A_296 = arith.constant 0 : i32
    %dma_wait3A_297 = tpu.memref_slice %arg9[%dma_wait3A_296] : memref<90112xf32, #tpu.memory_space<vmem>> -> memref<1408xf32, #tpu.memory_space<vmem>>
    %dma_wait3A_298 = tpu.memref_slice %arg3[%dma_wait3A_295, %mul3A_2] : memref<64x100000xf32, #tpu.memory_space<hbm>> -> memref<1x1408xf32, #tpu.memory_space<hbm>>
    %dma_wait3A_299 = tpu.memref_squeeze %dma_wait3A_298 : memref<1x1408xf32, #tpu.memory_space<hbm>> -> memref<1408xf32, #tpu.memory_space<hbm>>
    %dma_wait3A_300 = arith.constant 0 : i32
    %dma_wait3A_301 = tpu.memref_slice %arg9[%dma_wait3A_300] : memref<90112xf32, #tpu.memory_space<vmem>> -> memref<1408xf32, #tpu.memory_space<vmem>>
    %dma_wait3A_302 = tpu.memref_slice %arg3[%dma_wait3A_295, %mul3A_2] : memref<64x100000xf32, #tpu.memory_space<hbm>> -> memref<1x1408xf32, #tpu.memory_space<hbm>>
    %dma_wait3A_303 = tpu.memref_squeeze %dma_wait3A_302 : memref<1x1408xf32, #tpu.memory_space<hbm>> -> memref<1408xf32, #tpu.memory_space<hbm>>
    tpu.wait_dma2 semaphore(%arg13 : memref<!tpu.dma_semaphore, #tpu.memory_space<semaphore_mem>>) src(%dma_wait3A_303 : memref<1408xf32, #tpu.memory_space<hbm>>) dst(%dma_wait3A_301 : memref<1408xf32, #tpu.memory_space<vmem>>)
    %dma_wait3A_304 = arith.constant 1 : i32
    %dma_wait3A_305 = arith.constant 1408 : i32
    %dma_wait3A_306 = tpu.memref_slice %arg9[%dma_wait3A_305] : memref<90112xf32, #tpu.memory_space<vmem>> -> memref<1408xf32, #tpu.memory_space<vmem>>
    %dma_wait3A_307 = tpu.memref_slice %arg3[%dma_wait3A_304, %mul3A_2] : memref<64x100000xf32, #tpu.memory_space<hbm>> -> memref<1x1408xf32, #tpu.memory_space<hbm>>
    %dma_wait3A_308 = tpu.memref_squeeze %dma_wait3A_307 : memref<1x1408xf32, #tpu.memory_space<hbm>> -> memref<1408xf32, #tpu.memory_space<hbm>>
    %dma_wait3A_309 = arith.constant 1408 : i32
    %dma_wait3A_310 = tpu.memref_slice %arg9[%dma_wait3A_309] : memref<90112xf32, #tpu.memory_space<vmem>> -> memref<1408xf32, #tpu.memory_space<vmem>>
    %dma_wait3A_311 = tpu.memref_slice %arg3[%dma_wait3A_304, %mul3A_2] : memref<64x100000xf32, #tpu.memory_space<hbm>> -> memref<1x1408xf32, #tpu.memory_space<hbm>>
    %dma_wait3A_312 = tpu.memref_squeeze %dma_wait3A_311 : memref<1x1408xf32, #tpu.memory_space<hbm>> -> memref<1408xf32, #tpu.memory_space<hbm>>
    tpu.wait_dma2 semaphore(%arg13 : memref<!tpu.dma_semaphore, #tpu.memory_space<semaphore_mem>>) src(%dma_wait3A_312 : memref<1408xf32, #tpu.memory_space<hbm>>) dst(%dma_wait3A_310 : memref<1408xf32, #tpu.memory_space<vmem>>)
    %dma_wait3A_313 = arith.constant 2 : i32
    %dma_wait3A_314 = arith.constant 2816 : i32
    %dma_wait3A_315 = tpu.memref_slice %arg9[%dma_wait3A_314] : memref<90112xf32, #tpu.memory_space<vmem>> -> memref<1408xf32, #tpu.memory_space<vmem>>
    %dma_wait3A_316 = tpu.memref_slice %arg3[%dma_wait3A_313, %mul3A_2] : memref<64x100000xf32, #tpu.memory_space<hbm>> -> memref<1x1408xf32, #tpu.memory_space<hbm>>
    %dma_wait3A_317 = tpu.memref_squeeze %dma_wait3A_316 : memref<1x1408xf32, #tpu.memory_space<hbm>> -> memref<1408xf32, #tpu.memory_space<hbm>>
    %dma_wait3A_318 = arith.constant 2816 : i32
    %dma_wait3A_319 = tpu.memref_slice %arg9[%dma_wait3A_318] : memref<90112xf32, #tpu.memory_space<vmem>> -> memref<1408xf32, #tpu.memory_space<vmem>>
    %dma_wait3A_320 = tpu.memref_slice %arg3[%dma_wait3A_313, %mul3A_2] : memref<64x100000xf32, #tpu.memory_space<hbm>> -> memref<1x1408xf32, #tpu.memory_space<hbm>>
    %dma_wait3A_321 = tpu.memref_squeeze %dma_wait3A_320 : memref<1x1408xf32, #tpu.memory_space<hbm>> -> memref<1408xf32, #tpu.memory_space<hbm>>
    tpu.wait_dma2 semaphore(%arg13 : memref<!tpu.dma_semaphore, #tpu.memory_space<semaphore_mem>>) src(%dma_wait3A_321 : memref<1408xf32, #tpu.memory_space<hbm>>) dst(%dma_wait3A_319 : memref<1408xf32, #tpu.memory_space<vmem>>)
    %dma_wait3A_322 = arith.constant 3 : i32
    %dma_wait3A_323 = arith.constant 4224 : i32
    %dma_wait3A_324 = tpu.memref_slice %arg9[%dma_wait3A_323] : memref<90112xf32, #tpu.memory_space<vmem>> -> memref<1408xf32, #tpu.memory_space<vmem>>
    %dma_wait3A_325 = tpu.memref_slice %arg3[%dma_wait3A_322, %mul3A_2] : memref<64x100000xf32, #tpu.memory_space<hbm>> -> memref<1x1408xf32, #tpu.memory_space<hbm>>
    %dma_wait3A_326 = tpu.memref_squeeze %dma_wait3A_325 : memref<1x1408xf32, #tpu.memory_space<hbm>> -> memref<1408xf32, #tpu.memory_space<hbm>>
    %dma_wait3A_327 = arith.constant 4224 : i32
    %dma_wait3A_328 = tpu.memref_slice %arg9[%dma_wait3A_327] : memref<90112xf32, #tpu.memory_space<vmem>> -> memref<1408xf32, #tpu.memory_space<vmem>>
    %dma_wait3A_329 = tpu.memref_slice %arg3[%dma_wait3A_322, %mul3A_2] : memref<64x100000xf32, #tpu.memory_space<hbm>> -> memref<1x1408xf32, #tpu.memory_space<hbm>>
    %dma_wait3A_330 = tpu.memref_squeeze %dma_wait3A_329 : memref<1x1408xf32, #tpu.memory_space<hbm>> -> memref<1408xf32, #tpu.memory_space<hbm>>
    tpu.wait_dma2 semaphore(%arg13 : memref<!tpu.dma_semaphore, #tpu.memory_space<semaphore_mem>>) src(%dma_wait3A_330 : memref<1408xf32, #tpu.memory_space<hbm>>) dst(%dma_wait3A_328 : memref<1408xf32, #tpu.memory_space<vmem>>)
    %dma_wait3A_331 = arith.constant 4 : i32
    %dma_wait3A_332 = arith.constant 5632 : i32
    %dma_wait3A_333 = tpu.memref_slice %arg9[%dma_wait3A_332] : memref<90112xf32, #tpu.memory_space<vmem>> -> memref<1408xf32, #tpu.memory_space<vmem>>
    %dma_wait3A_334 = tpu.memref_slice %arg3[%dma_wait3A_331, %mul3A_2] : memref<64x100000xf32, #tpu.memory_space<hbm>> -> memref<1x1408xf32, #tpu.memory_space<hbm>>
    %dma_wait3A_335 = tpu.memref_squeeze %dma_wait3A_334 : memref<1x1408xf32, #tpu.memory_space<hbm>> -> memref<1408xf32, #tpu.memory_space<hbm>>
    %dma_wait3A_336 = arith.constant 5632 : i32
    %dma_wait3A_337 = tpu.memref_slice %arg9[%dma_wait3A_336] : memref<90112xf32, #tpu.memory_space<vmem>> -> memref<1408xf32, #tpu.memory_space<vmem>>
    %dma_wait3A_338 = tpu.memref_slice %arg3[%dma_wait3A_331, %mul3A_2] : memref<64x100000xf32, #tpu.memory_space<hbm>> -> memref<1x1408xf32, #tpu.memory_space<hbm>>
    %dma_wait3A_339 = tpu.memref_squeeze %dma_wait3A_338 : memref<1x1408xf32, #tpu.memory_space<hbm>> -> memref<1408xf32, #tpu.memory_space<hbm>>
    tpu.wait_dma2 semaphore(%arg13 : memref<!tpu.dma_semaphore, #tpu.memory_space<semaphore_mem>>) src(%dma_wait3A_339 : memref<1408xf32, #tpu.memory_space<hbm>>) dst(%dma_wait3A_337 : memref<1408xf32, #tpu.memory_space<vmem>>)
    %dma_wait3A_340 = arith.constant 5 : i32
    %dma_wait3A_341 = arith.constant 7040 : i32
    %dma_wait3A_342 = tpu.memref_slice %arg9[%dma_wait3A_341] : memref<90112xf32, #tpu.memory_space<vmem>> -> memref<1408xf32, #tpu.memory_space<vmem>>
    %dma_wait3A_343 = tpu.memref_slice %arg3[%dma_wait3A_340, %mul3A_2] : memref<64x100000xf32, #tpu.memory_space<hbm>> -> memref<1x1408xf32, #tpu.memory_space<hbm>>
    %dma_wait3A_344 = tpu.memref_squeeze %dma_wait3A_343 : memref<1x1408xf32, #tpu.memory_space<hbm>> -> memref<1408xf32, #tpu.memory_space<hbm>>
    %dma_wait3A_345 = arith.constant 7040 : i32
    %dma_wait3A_346 = tpu.memref_slice %arg9[%dma_wait3A_345] : memref<90112xf32, #tpu.memory_space<vmem>> -> memref<1408xf32, #tpu.memory_space<vmem>>
    %dma_wait3A_347 = tpu.memref_slice %arg3[%dma_wait3A_340, %mul3A_2] : memref<64x100000xf32, #tpu.memory_space<hbm>> -> memref<1x1408xf32, #tpu.memory_space<hbm>>
    %dma_wait3A_348 = tpu.memref_squeeze %dma_wait3A_347 : memref<1x1408xf32, #tpu.memory_space<hbm>> -> memref<1408xf32, #tpu.memory_space<hbm>>
    tpu.wait_dma2 semaphore(%arg13 : memref<!tpu.dma_semaphore, #tpu.memory_space<semaphore_mem>>) src(%dma_wait3A_348 : memref<1408xf32, #tpu.memory_space<hbm>>) dst(%dma_wait3A_346 : memref<1408xf32, #tpu.memory_space<vmem>>)
    %dma_wait3A_349 = arith.constant 6 : i32
    %dma_wait3A_350 = arith.constant 8448 : i32
    %dma_wait3A_351 = tpu.memref_slice %arg9[%dma_wait3A_350] : memref<90112xf32, #tpu.memory_space<vmem>> -> memref<1408xf32, #tpu.memory_space<vmem>>
    %dma_wait3A_352 = tpu.memref_slice %arg3[%dma_wait3A_349, %mul3A_2] : memref<64x100000xf32, #tpu.memory_space<hbm>> -> memref<1x1408xf32, #tpu.memory_space<hbm>>
    %dma_wait3A_353 = tpu.memref_squeeze %dma_wait3A_352 : memref<1x1408xf32, #tpu.memory_space<hbm>> -> memref<1408xf32, #tpu.memory_space<hbm>>
    %dma_wait3A_354 = arith.constant 8448 : i32
    %dma_wait3A_355 = tpu.memref_slice %arg9[%dma_wait3A_354] : memref<90112xf32, #tpu.memory_space<vmem>> -> memref<1408xf32, #tpu.memory_space<vmem>>
    %dma_wait3A_356 = tpu.memref_slice %arg3[%dma_wait3A_349, %mul3A_2] : memref<64x100000xf32, #tpu.memory_space<hbm>> -> memref<1x1408xf32, #tpu.memory_space<hbm>>
    %dma_wait3A_357 = tpu.memref_squeeze %dma_wait3A_356 : memref<1x1408xf32, #tpu.memory_space<hbm>> -> memref<1408xf32, #tpu.memory_space<hbm>>
    tpu.wait_dma2 semaphore(%arg13 : memref<!tpu.dma_semaphore, #tpu.memory_space<semaphore_mem>>) src(%dma_wait3A_357 : memref<1408xf32, #tpu.memory_space<hbm>>) dst(%dma_wait3A_355 : memref<1408xf32, #tpu.memory_space<vmem>>)
    %dma_wait3A_358 = arith.constant 7 : i32
    %dma_wait3A_359 = arith.constant 9856 : i32
    %dma_wait3A_360 = tpu.memref_slice %arg9[%dma_wait3A_359] : memref<90112xf32, #tpu.memory_space<vmem>> -> memref<1408xf32, #tpu.memory_space<vmem>>
    %dma_wait3A_361 = tpu.memref_slice %arg3[%dma_wait3A_358, %mul3A_2] : memref<64x100000xf32, #tpu.memory_space<hbm>> -> memref<1x1408xf32, #tpu.memory_space<hbm>>
    %dma_wait3A_362 = tpu.memref_squeeze %dma_wait3A_361 : memref<1x1408xf32, #tpu.memory_space<hbm>> -> memref<1408xf32, #tpu.memory_space<hbm>>
    %dma_wait3A_363 = arith.constant 9856 : i32
    %dma_wait3A_364 = tpu.memref_slice %arg9[%dma_wait3A_363] : memref<90112xf32, #tpu.memory_space<vmem>> -> memref<1408xf32, #tpu.memory_space<vmem>>
    %dma_wait3A_365 = tpu.memref_slice %arg3[%dma_wait3A_358, %mul3A_2] : memref<64x100000xf32, #tpu.memory_space<hbm>> -> memref<1x1408xf32, #tpu.memory_space<hbm>>
    %dma_wait3A_366 = tpu.memref_squeeze %dma_wait3A_365 : memref<1x1408xf32, #tpu.memory_space<hbm>> -> memref<1408xf32, #tpu.memory_space<hbm>>
    tpu.wait_dma2 semaphore(%arg13 : memref<!tpu.dma_semaphore, #tpu.memory_space<semaphore_mem>>) src(%dma_wait3A_366 : memref<1408xf32, #tpu.memory_space<hbm>>) dst(%dma_wait3A_364 : memref<1408xf32, #tpu.memory_space<vmem>>)
    %dma_wait3A_367 = arith.constant 8 : i32
    %dma_wait3A_368 = arith.constant 11264 : i32
    %dma_wait3A_369 = tpu.memref_slice %arg9[%dma_wait3A_368] : memref<90112xf32, #tpu.memory_space<vmem>> -> memref<1408xf32, #tpu.memory_space<vmem>>
    %dma_wait3A_370 = tpu.memref_slice %arg3[%dma_wait3A_367, %mul3A_2] : memref<64x100000xf32, #tpu.memory_space<hbm>> -> memref<1x1408xf32, #tpu.memory_space<hbm>>
    %dma_wait3A_371 = tpu.memref_squeeze %dma_wait3A_370 : memref<1x1408xf32, #tpu.memory_space<hbm>> -> memref<1408xf32, #tpu.memory_space<hbm>>
    %dma_wait3A_372 = arith.constant 11264 : i32
    %dma_wait3A_373 = tpu.memref_slice %arg9[%dma_wait3A_372] : memref<90112xf32, #tpu.memory_space<vmem>> -> memref<1408xf32, #tpu.memory_space<vmem>>
    %dma_wait3A_374 = tpu.memref_slice %arg3[%dma_wait3A_367, %mul3A_2] : memref<64x100000xf32, #tpu.memory_space<hbm>> -> memref<1x1408xf32, #tpu.memory_space<hbm>>
    %dma_wait3A_375 = tpu.memref_squeeze %dma_wait3A_374 : memref<1x1408xf32, #tpu.memory_space<hbm>> -> memref<1408xf32, #tpu.memory_space<hbm>>
    tpu.wait_dma2 semaphore(%arg13 : memref<!tpu.dma_semaphore, #tpu.memory_space<semaphore_mem>>) src(%dma_wait3A_375 : memref<1408xf32, #tpu.memory_space<hbm>>) dst(%dma_wait3A_373 : memref<1408xf32, #tpu.memory_space<vmem>>)
    %dma_wait3A_376 = arith.constant 9 : i32
    %dma_wait3A_377 = arith.constant 12672 : i32
    %dma_wait3A_378 = tpu.memref_slice %arg9[%dma_wait3A_377] : memref<90112xf32, #tpu.memory_space<vmem>> -> memref<1408xf32, #tpu.memory_space<vmem>>
    %dma_wait3A_379 = tpu.memref_slice %arg3[%dma_wait3A_376, %mul3A_2] : memref<64x100000xf32, #tpu.memory_space<hbm>> -> memref<1x1408xf32, #tpu.memory_space<hbm>>
    %dma_wait3A_380 = tpu.memref_squeeze %dma_wait3A_379 : memref<1x1408xf32, #tpu.memory_space<hbm>> -> memref<1408xf32, #tpu.memory_space<hbm>>
    %dma_wait3A_381 = arith.constant 12672 : i32
    %dma_wait3A_382 = tpu.memref_slice %arg9[%dma_wait3A_381] : memref<90112xf32, #tpu.memory_space<vmem>> -> memref<1408xf32, #tpu.memory_space<vmem>>
    %dma_wait3A_383 = tpu.memref_slice %arg3[%dma_wait3A_376, %mul3A_2] : memref<64x100000xf32, #tpu.memory_space<hbm>> -> memref<1x1408xf32, #tpu.memory_space<hbm>>
    %dma_wait3A_384 = tpu.memref_squeeze %dma_wait3A_383 : memref<1x1408xf32, #tpu.memory_space<hbm>> -> memref<1408xf32, #tpu.memory_space<hbm>>
    tpu.wait_dma2 semaphore(%arg13 : memref<!tpu.dma_semaphore, #tpu.memory_space<semaphore_mem>>) src(%dma_wait3A_384 : memref<1408xf32, #tpu.memory_space<hbm>>) dst(%dma_wait3A_382 : memref<1408xf32, #tpu.memory_space<vmem>>)
    %dma_wait3A_385 = arith.constant 10 : i32
    %dma_wait3A_386 = arith.constant 14080 : i32
    %dma_wait3A_387 = tpu.memref_slice %arg9[%dma_wait3A_386] : memref<90112xf32, #tpu.memory_space<vmem>> -> memref<1408xf32, #tpu.memory_space<vmem>>
    %dma_wait3A_388 = tpu.memref_slice %arg3[%dma_wait3A_385, %mul3A_2] : memref<64x100000xf32, #tpu.memory_space<hbm>> -> memref<1x1408xf32, #tpu.memory_space<hbm>>
    %dma_wait3A_389 = tpu.memref_squeeze %dma_wait3A_388 : memref<1x1408xf32, #tpu.memory_space<hbm>> -> memref<1408xf32, #tpu.memory_space<hbm>>
    %dma_wait3A_390 = arith.constant 14080 : i32
    %dma_wait3A_391 = tpu.memref_slice %arg9[%dma_wait3A_390] : memref<90112xf32, #tpu.memory_space<vmem>> -> memref<1408xf32, #tpu.memory_space<vmem>>
    %dma_wait3A_392 = tpu.memref_slice %arg3[%dma_wait3A_385, %mul3A_2] : memref<64x100000xf32, #tpu.memory_space<hbm>> -> memref<1x1408xf32, #tpu.memory_space<hbm>>
    %dma_wait3A_393 = tpu.memref_squeeze %dma_wait3A_392 : memref<1x1408xf32, #tpu.memory_space<hbm>> -> memref<1408xf32, #tpu.memory_space<hbm>>
    tpu.wait_dma2 semaphore(%arg13 : memref<!tpu.dma_semaphore, #tpu.memory_space<semaphore_mem>>) src(%dma_wait3A_393 : memref<1408xf32, #tpu.memory_space<hbm>>) dst(%dma_wait3A_391 : memref<1408xf32, #tpu.memory_space<vmem>>)
    %dma_wait3A_394 = arith.constant 11 : i32
    %dma_wait3A_395 = arith.constant 15488 : i32
    %dma_wait3A_396 = tpu.memref_slice %arg9[%dma_wait3A_395] : memref<90112xf32, #tpu.memory_space<vmem>> -> memref<1408xf32, #tpu.memory_space<vmem>>
    %dma_wait3A_397 = tpu.memref_slice %arg3[%dma_wait3A_394, %mul3A_2] : memref<64x100000xf32, #tpu.memory_space<hbm>> -> memref<1x1408xf32, #tpu.memory_space<hbm>>
    %dma_wait3A_398 = tpu.memref_squeeze %dma_wait3A_397 : memref<1x1408xf32, #tpu.memory_space<hbm>> -> memref<1408xf32, #tpu.memory_space<hbm>>
    %dma_wait3A_399 = arith.constant 15488 : i32
    %dma_wait3A_400 = tpu.memref_slice %arg9[%dma_wait3A_399] : memref<90112xf32, #tpu.memory_space<vmem>> -> memref<1408xf32, #tpu.memory_space<vmem>>
    %dma_wait3A_401 = tpu.memref_slice %arg3[%dma_wait3A_394, %mul3A_2] : memref<64x100000xf32, #tpu.memory_space<hbm>> -> memref<1x1408xf32, #tpu.memory_space<hbm>>
    %dma_wait3A_402 = tpu.memref_squeeze %dma_wait3A_401 : memref<1x1408xf32, #tpu.memory_space<hbm>> -> memref<1408xf32, #tpu.memory_space<hbm>>
    tpu.wait_dma2 semaphore(%arg13 : memref<!tpu.dma_semaphore, #tpu.memory_space<semaphore_mem>>) src(%dma_wait3A_402 : memref<1408xf32, #tpu.memory_space<hbm>>) dst(%dma_wait3A_400 : memref<1408xf32, #tpu.memory_space<vmem>>)
    %dma_wait3A_403 = arith.constant 12 : i32
    %dma_wait3A_404 = arith.constant 16896 : i32
    %dma_wait3A_405 = tpu.memref_slice %arg9[%dma_wait3A_404] : memref<90112xf32, #tpu.memory_space<vmem>> -> memref<1408xf32, #tpu.memory_space<vmem>>
    %dma_wait3A_406 = tpu.memref_slice %arg3[%dma_wait3A_403, %mul3A_2] : memref<64x100000xf32, #tpu.memory_space<hbm>> -> memref<1x1408xf32, #tpu.memory_space<hbm>>
    %dma_wait3A_407 = tpu.memref_squeeze %dma_wait3A_406 : memref<1x1408xf32, #tpu.memory_space<hbm>> -> memref<1408xf32, #tpu.memory_space<hbm>>
    %dma_wait3A_408 = arith.constant 16896 : i32
    %dma_wait3A_409 = tpu.memref_slice %arg9[%dma_wait3A_408] : memref<90112xf32, #tpu.memory_space<vmem>> -> memref<1408xf32, #tpu.memory_space<vmem>>
    %dma_wait3A_410 = tpu.memref_slice %arg3[%dma_wait3A_403, %mul3A_2] : memref<64x100000xf32, #tpu.memory_space<hbm>> -> memref<1x1408xf32, #tpu.memory_space<hbm>>
    %dma_wait3A_411 = tpu.memref_squeeze %dma_wait3A_410 : memref<1x1408xf32, #tpu.memory_space<hbm>> -> memref<1408xf32, #tpu.memory_space<hbm>>
    tpu.wait_dma2 semaphore(%arg13 : memref<!tpu.dma_semaphore, #tpu.memory_space<semaphore_mem>>) src(%dma_wait3A_411 : memref<1408xf32, #tpu.memory_space<hbm>>) dst(%dma_wait3A_409 : memref<1408xf32, #tpu.memory_space<vmem>>)
    %dma_wait3A_412 = arith.constant 13 : i32
    %dma_wait3A_413 = arith.constant 18304 : i32
    %dma_wait3A_414 = tpu.memref_slice %arg9[%dma_wait3A_413] : memref<90112xf32, #tpu.memory_space<vmem>> -> memref<1408xf32, #tpu.memory_space<vmem>>
    %dma_wait3A_415 = tpu.memref_slice %arg3[%dma_wait3A_412, %mul3A_2] : memref<64x100000xf32, #tpu.memory_space<hbm>> -> memref<1x1408xf32, #tpu.memory_space<hbm>>
    %dma_wait3A_416 = tpu.memref_squeeze %dma_wait3A_415 : memref<1x1408xf32, #tpu.memory_space<hbm>> -> memref<1408xf32, #tpu.memory_space<hbm>>
    %dma_wait3A_417 = arith.constant 18304 : i32
    %dma_wait3A_418 = tpu.memref_slice %arg9[%dma_wait3A_417] : memref<90112xf32, #tpu.memory_space<vmem>> -> memref<1408xf32, #tpu.memory_space<vmem>>
    %dma_wait3A_419 = tpu.memref_slice %arg3[%dma_wait3A_412, %mul3A_2] : memref<64x100000xf32, #tpu.memory_space<hbm>> -> memref<1x1408xf32, #tpu.memory_space<hbm>>
    %dma_wait3A_420 = tpu.memref_squeeze %dma_wait3A_419 : memref<1x1408xf32, #tpu.memory_space<hbm>> -> memref<1408xf32, #tpu.memory_space<hbm>>
    tpu.wait_dma2 semaphore(%arg13 : memref<!tpu.dma_semaphore, #tpu.memory_space<semaphore_mem>>) src(%dma_wait3A_420 : memref<1408xf32, #tpu.memory_space<hbm>>) dst(%dma_wait3A_418 : memref<1408xf32, #tpu.memory_space<vmem>>)
    %dma_wait3A_421 = arith.constant 14 : i32
    %dma_wait3A_422 = arith.constant 19712 : i32
    %dma_wait3A_423 = tpu.memref_slice %arg9[%dma_wait3A_422] : memref<90112xf32, #tpu.memory_space<vmem>> -> memref<1408xf32, #tpu.memory_space<vmem>>
    %dma_wait3A_424 = tpu.memref_slice %arg3[%dma_wait3A_421, %mul3A_2] : memref<64x100000xf32, #tpu.memory_space<hbm>> -> memref<1x1408xf32, #tpu.memory_space<hbm>>
    %dma_wait3A_425 = tpu.memref_squeeze %dma_wait3A_424 : memref<1x1408xf32, #tpu.memory_space<hbm>> -> memref<1408xf32, #tpu.memory_space<hbm>>
    %dma_wait3A_426 = arith.constant 19712 : i32
    %dma_wait3A_427 = tpu.memref_slice %arg9[%dma_wait3A_426] : memref<90112xf32, #tpu.memory_space<vmem>> -> memref<1408xf32, #tpu.memory_space<vmem>>
    %dma_wait3A_428 = tpu.memref_slice %arg3[%dma_wait3A_421, %mul3A_2] : memref<64x100000xf32, #tpu.memory_space<hbm>> -> memref<1x1408xf32, #tpu.memory_space<hbm>>
    %dma_wait3A_429 = tpu.memref_squeeze %dma_wait3A_428 : memref<1x1408xf32, #tpu.memory_space<hbm>> -> memref<1408xf32, #tpu.memory_space<hbm>>
    tpu.wait_dma2 semaphore(%arg13 : memref<!tpu.dma_semaphore, #tpu.memory_space<semaphore_mem>>) src(%dma_wait3A_429 : memref<1408xf32, #tpu.memory_space<hbm>>) dst(%dma_wait3A_427 : memref<1408xf32, #tpu.memory_space<vmem>>)
    %dma_wait3A_430 = arith.constant 15 : i32
    %dma_wait3A_431 = arith.constant 21120 : i32
    %dma_wait3A_432 = tpu.memref_slice %arg9[%dma_wait3A_431] : memref<90112xf32, #tpu.memory_space<vmem>> -> memref<1408xf32, #tpu.memory_space<vmem>>
    %dma_wait3A_433 = tpu.memref_slice %arg3[%dma_wait3A_430, %mul3A_2] : memref<64x100000xf32, #tpu.memory_space<hbm>> -> memref<1x1408xf32, #tpu.memory_space<hbm>>
    %dma_wait3A_434 = tpu.memref_squeeze %dma_wait3A_433 : memref<1x1408xf32, #tpu.memory_space<hbm>> -> memref<1408xf32, #tpu.memory_space<hbm>>
    %dma_wait3A_435 = arith.constant 21120 : i32
    %dma_wait3A_436 = tpu.memref_slice %arg9[%dma_wait3A_435] : memref<90112xf32, #tpu.memory_space<vmem>> -> memref<1408xf32, #tpu.memory_space<vmem>>
    %dma_wait3A_437 = tpu.memref_slice %arg3[%dma_wait3A_430, %mul3A_2] : memref<64x100000xf32, #tpu.memory_space<hbm>> -> memref<1x1408xf32, #tpu.memory_space<hbm>>
    %dma_wait3A_438 = tpu.memref_squeeze %dma_wait3A_437 : memref<1x1408xf32, #tpu.memory_space<hbm>> -> memref<1408xf32, #tpu.memory_space<hbm>>
    tpu.wait_dma2 semaphore(%arg13 : memref<!tpu.dma_semaphore, #tpu.memory_space<semaphore_mem>>) src(%dma_wait3A_438 : memref<1408xf32, #tpu.memory_space<hbm>>) dst(%dma_wait3A_436 : memref<1408xf32, #tpu.memory_space<vmem>>)
    %scan3A = arith.constant 0 : i32
    %scan3A_439 = arith.constant 0 : i32
    %scan3A_440 = arith.constant 88 : i32
    %scan3A_441 = arith.addi %scan3A_439, %scan3A_440 : i32
    %scan3A_442 = arith.constant 1 : i32
    %scan3A_443 = scf.for %scan3A_2069 = %scan3A_439 to %scan3A_441 step %scan3A_442 iter_args(%scan3A_2070 = %scan3A) -> (i32)  : i32 {
      %mul3A_2071 = arith.constant 16 : i32
      %mul3A_2072 = arith.muli %scan3A_2069, %mul3A_2071 : i32
      %get3A_2073 = arith.constant 0 : index
      %get3A_2074 = tpu.vector_load %arg8[%get3A_2073] {strides = array<i32>} : memref<1024xf32, #tpu.memory_space<vmem>>, vector<16xf32>,
      %get3A_2075 = vector.shape_cast %get3A_2074 : vector<16xf32> to vector<16xf32>
      %add3A_2076 = arith.constant 0 : i32
      %add3A_2077 = arith.addi %add3A_2076, %mul3A_2072 : i32
      %get3A_2078 = arith.index_cast %add3A_2077 : i32 to index
      %get3A_2079 = tpu.vector_load %arg9[%get3A_2078] {strides = array<i32>} : memref<90112xf32, #tpu.memory_space<vmem>>, vector<16xf32>,
      %get3A_2080 = vector.shape_cast %get3A_2079 : vector<16xf32> to vector<16xf32>
      %mul3A_2081 = arith.mulf %get3A_2075, %get3A_2080 : vector<16xf32>
      %get3A_2082 = arith.constant 16 : index
      %get3A_2083 = tpu.vector_load %arg8[%get3A_2082] {strides = array<i32>} : memref<1024xf32, #tpu.memory_space<vmem>>, vector<16xf32>,
      %get3A_2084 = vector.shape_cast %get3A_2083 : vector<16xf32> to vector<16xf32>
      %add3A_2085 = arith.constant 1408 : i32
      %add3A_2086 = arith.addi %add3A_2085, %mul3A_2072 : i32
      %get3A_2087 = arith.index_cast %add3A_2086 : i32 to index
      %get3A_2088 = tpu.vector_load %arg9[%get3A_2087] {strides = array<i32>} : memref<90112xf32, #tpu.memory_space<vmem>>, vector<16xf32>,
      %get3A_2089 = vector.shape_cast %get3A_2088 : vector<16xf32> to vector<16xf32>
      %mul3A_2090 = arith.mulf %get3A_2084, %get3A_2089 : vector<16xf32>
      %get3A_2091 = arith.constant 32 : index
      %get3A_2092 = tpu.vector_load %arg8[%get3A_2091] {strides = array<i32>} : memref<1024xf32, #tpu.memory_space<vmem>>, vector<16xf32>,
      %get3A_2093 = vector.shape_cast %get3A_2092 : vector<16xf32> to vector<16xf32>
      %add3A_2094 = arith.constant 2816 : i32
      %add3A_2095 = arith.addi %add3A_2094, %mul3A_2072 : i32
      %get3A_2096 = arith.index_cast %add3A_2095 : i32 to index
      %get3A_2097 = tpu.vector_load %arg9[%get3A_2096] {strides = array<i32>} : memref<90112xf32, #tpu.memory_space<vmem>>, vector<16xf32>,
      %get3A_2098 = vector.shape_cast %get3A_2097 : vector<16xf32> to vector<16xf32>
      %mul3A_2099 = arith.mulf %get3A_2093, %get3A_2098 : vector<16xf32>
      %get3A_2100 = arith.constant 48 : index
      %get3A_2101 = tpu.vector_load %arg8[%get3A_2100] {strides = array<i32>} : memref<1024xf32, #tpu.memory_space<vmem>>, vector<16xf32>,
      %get3A_2102 = vector.shape_cast %get3A_2101 : vector<16xf32> to vector<16xf32>
      %add3A_2103 = arith.constant 4224 : i32
      %add3A_2104 = arith.addi %add3A_2103, %mul3A_2072 : i32
      %get3A_2105 = arith.index_cast %add3A_2104 : i32 to index
      %get3A_2106 = tpu.vector_load %arg9[%get3A_2105] {strides = array<i32>} : memref<90112xf32, #tpu.memory_space<vmem>>, vector<16xf32>,
      %get3A_2107 = vector.shape_cast %get3A_2106 : vector<16xf32> to vector<16xf32>
      %mul3A_2108 = arith.mulf %get3A_2102, %get3A_2107 : vector<16xf32>
      %get3A_2109 = arith.constant 64 : index
      %get3A_2110 = tpu.vector_load %arg8[%get3A_2109] {strides = array<i32>} : memref<1024xf32, #tpu.memory_space<vmem>>, vector<16xf32>,
      %get3A_2111 = vector.shape_cast %get3A_2110 : vector<16xf32> to vector<16xf32>
      %add3A_2112 = arith.constant 5632 : i32
      %add3A_2113 = arith.addi %add3A_2112, %mul3A_2072 : i32
      %get3A_2114 = arith.index_cast %add3A_2113 : i32 to index
      %get3A_2115 = tpu.vector_load %arg9[%get3A_2114] {strides = array<i32>} : memref<90112xf32, #tpu.memory_space<vmem>>, vector<16xf32>,
      %get3A_2116 = vector.shape_cast %get3A_2115 : vector<16xf32> to vector<16xf32>
      %mul3A_2117 = arith.mulf %get3A_2111, %get3A_2116 : vector<16xf32>
      %add3A_2118 = arith.addf %mul3A_2081, %mul3A_2117 : vector<16xf32>
      %get3A_2119 = arith.constant 80 : index
      %get3A_2120 = tpu.vector_load %arg8[%get3A_2119] {strides = array<i32>} : memref<1024xf32, #tpu.memory_space<vmem>>, vector<16xf32>,
      %get3A_2121 = vector.shape_cast %get3A_2120 : vector<16xf32> to vector<16xf32>
      %add3A_2122 = arith.constant 7040 : i32
      %add3A_2123 = arith.addi %add3A_2122, %mul3A_2072 : i32
      %get3A_2124 = arith.index_cast %add3A_2123 : i32 to index
      %get3A_2125 = tpu.vector_load %arg9[%get3A_2124] {strides = array<i32>} : memref<90112xf32, #tpu.memory_space<vmem>>, vector<16xf32>,
      %get3A_2126 = vector.shape_cast %get3A_2125 : vector<16xf32> to vector<16xf32>
      %mul3A_2127 = arith.mulf %get3A_2121, %get3A_2126 : vector<16xf32>
      %add3A_2128 = arith.addf %mul3A_2090, %mul3A_2127 : vector<16xf32>
      %get3A_2129 = arith.constant 96 : index
      %get3A_2130 = tpu.vector_load %arg8[%get3A_2129] {strides = array<i32>} : memref<1024xf32, #tpu.memory_space<vmem>>, vector<16xf32>,
      %get3A_2131 = vector.shape_cast %get3A_2130 : vector<16xf32> to vector<16xf32>
      %add3A_2132 = arith.constant 8448 : i32
      %add3A_2133 = arith.addi %add3A_2132, %mul3A_2072 : i32
      %get3A_2134 = arith.index_cast %add3A_2133 : i32 to index
      %get3A_2135 = tpu.vector_load %arg9[%get3A_2134] {strides = array<i32>} : memref<90112xf32, #tpu.memory_space<vmem>>, vector<16xf32>,
      %get3A_2136 = vector.shape_cast %get3A_2135 : vector<16xf32> to vector<16xf32>
      %mul3A_2137 = arith.mulf %get3A_2131, %get3A_2136 : vector<16xf32>
      %add3A_2138 = arith.addf %mul3A_2099, %mul3A_2137 : vector<16xf32>
      %get3A_2139 = arith.constant 112 : index
      %get3A_2140 = tpu.vector_load %arg8[%get3A_2139] {strides = array<i32>} : memref<1024xf32, #tpu.memory_space<vmem>>, vector<16xf32>,
      %get3A_2141 = vector.shape_cast %get3A_2140 : vector<16xf32> to vector<16xf32>
      %add3A_2142 = arith.constant 9856 : i32
      %add3A_2143 = arith.addi %add3A_2142, %mul3A_2072 : i32
      %get3A_2144 = arith.index_cast %add3A_2143 : i32 to index
      %get3A_2145 = tpu.vector_load %arg9[%get3A_2144] {strides = array<i32>} : memref<90112xf32, #tpu.memory_space<vmem>>, vector<16xf32>,
      %get3A_2146 = vector.shape_cast %get3A_2145 : vector<16xf32> to vector<16xf32>
      %mul3A_2147 = arith.mulf %get3A_2141, %get3A_2146 : vector<16xf32>
      %add3A_2148 = arith.addf %mul3A_2108, %mul3A_2147 : vector<16xf32>
      %get3A_2149 = arith.constant 128 : index
      %get3A_2150 = tpu.vector_load %arg8[%get3A_2149] {strides = array<i32>} : memref<1024xf32, #tpu.memory_space<vmem>>, vector<16xf32>,
      %get3A_2151 = vector.shape_cast %get3A_2150 : vector<16xf32> to vector<16xf32>
      %add3A_2152 = arith.constant 11264 : i32
      %add3A_2153 = arith.addi %add3A_2152, %mul3A_2072 : i32
      %get3A_2154 = arith.index_cast %add3A_2153 : i32 to index
      %get3A_2155 = tpu.vector_load %arg9[%get3A_2154] {strides = array<i32>} : memref<90112xf32, #tpu.memory_space<vmem>>, vector<16xf32>,
      %get3A_2156 = vector.shape_cast %get3A_2155 : vector<16xf32> to vector<16xf32>
      %mul3A_2157 = arith.mulf %get3A_2151, %get3A_2156 : vector<16xf32>
      %add3A_2158 = arith.addf %add3A_2118, %mul3A_2157 : vector<16xf32>
      %get3A_2159 = arith.constant 144 : index
      %get3A_2160 = tpu.vector_load %arg8[%get3A_2159] {strides = array<i32>} : memref<1024xf32, #tpu.memory_space<vmem>>, vector<16xf32>,
      %get3A_2161 = vector.shape_cast %get3A_2160 : vector<16xf32> to vector<16xf32>
      %add3A_2162 = arith.constant 12672 : i32
      %add3A_2163 = arith.addi %add3A_2162, %mul3A_2072 : i32
      %get3A_2164 = arith.index_cast %add3A_2163 : i32 to index
      %get3A_2165 = tpu.vector_load %arg9[%get3A_2164] {strides = array<i32>} : memref<90112xf32, #tpu.memory_space<vmem>>, vector<16xf32>,
      %get3A_2166 = vector.shape_cast %get3A_2165 : vector<16xf32> to vector<16xf32>
      %mul3A_2167 = arith.mulf %get3A_2161, %get3A_2166 : vector<16xf32>
      %add3A_2168 = arith.addf %add3A_2128, %mul3A_2167 : vector<16xf32>
      %get3A_2169 = arith.constant 160 : index
      %get3A_2170 = tpu.vector_load %arg8[%get3A_2169] {strides = array<i32>} : memref<1024xf32, #tpu.memory_space<vmem>>, vector<16xf32>,
      %get3A_2171 = vector.shape_cast %get3A_2170 : vector<16xf32> to vector<16xf32>
      %add3A_2172 = arith.constant 14080 : i32
      %add3A_2173 = arith.addi %add3A_2172, %mul3A_2072 : i32
      %get3A_2174 = arith.index_cast %add3A_2173 : i32 to index
      %get3A_2175 = tpu.vector_load %arg9[%get3A_2174] {strides = array<i32>} : memref<90112xf32, #tpu.memory_space<vmem>>, vector<16xf32>,
      %get3A_2176 = vector.shape_cast %get3A_2175 : vector<16xf32> to vector<16xf32>
      %mul3A_2177 = arith.mulf %get3A_2171, %get3A_2176 : vector<16xf32>
      %add3A_2178 = arith.addf %add3A_2138, %mul3A_2177 : vector<16xf32>
      %get3A_2179 = arith.constant 176 : index
      %get3A_2180 = tpu.vector_load %arg8[%get3A_2179] {strides = array<i32>} : memref<1024xf32, #tpu.memory_space<vmem>>, vector<16xf32>,
      %get3A_2181 = vector.shape_cast %get3A_2180 : vector<16xf32> to vector<16xf32>
      %add3A_2182 = arith.constant 15488 : i32
      %add3A_2183 = arith.addi %add3A_2182, %mul3A_2072 : i32
      %get3A_2184 = arith.index_cast %add3A_2183 : i32 to index
      %get3A_2185 = tpu.vector_load %arg9[%get3A_2184] {strides = array<i32>} : memref<90112xf32, #tpu.memory_space<vmem>>, vector<16xf32>,
      %get3A_2186 = vector.shape_cast %get3A_2185 : vector<16xf32> to vector<16xf32>
      %mul3A_2187 = arith.mulf %get3A_2181, %get3A_2186 : vector<16xf32>
      %add3A_2188 = arith.addf %add3A_2148, %mul3A_2187 : vector<16xf32>
      %get3A_2189 = arith.constant 192 : index
      %get3A_2190 = tpu.vector_load %arg8[%get3A_2189] {strides = array<i32>} : memref<1024xf32, #tpu.memory_space<vmem>>, vector<16xf32>,
      %get3A_2191 = vector.shape_cast %get3A_2190 : vector<16xf32> to vector<16xf32>
      %add3A_2192 = arith.constant 16896 : i32
      %add3A_2193 = arith.addi %add3A_2192, %mul3A_2072 : i32
      %get3A_2194 = arith.index_cast %add3A_2193 : i32 to index
      %get3A_2195 = tpu.vector_load %arg9[%get3A_2194] {strides = array<i32>} : memref<90112xf32, #tpu.memory_space<vmem>>, vector<16xf32>,
      %get3A_2196 = vector.shape_cast %get3A_2195 : vector<16xf32> to vector<16xf32>
      %mul3A_2197 = arith.mulf %get3A_2191, %get3A_2196 : vector<16xf32>
      %add3A_2198 = arith.addf %add3A_2158, %mul3A_2197 : vector<16xf32>
      %get3A_2199 = arith.constant 208 : index
      %get3A_2200 = tpu.vector_load %arg8[%get3A_2199] {strides = array<i32>} : memref<1024xf32, #tpu.memory_space<vmem>>, vector<16xf32>,
      %get3A_2201 = vector.shape_cast %get3A_2200 : vector<16xf32> to vector<16xf32>
      %add3A_2202 = arith.constant 18304 : i32
      %add3A_2203 = arith.addi %add3A_2202, %mul3A_2072 : i32
      %get3A_2204 = arith.index_cast %add3A_2203 : i32 to index
      %get3A_2205 = tpu.vector_load %arg9[%get3A_2204] {strides = array<i32>} : memref<90112xf32, #tpu.memory_space<vmem>>, vector<16xf32>,
      %get3A_2206 = vector.shape_cast %get3A_2205 : vector<16xf32> to vector<16xf32>
      %mul3A_2207 = arith.mulf %get3A_2201, %get3A_2206 : vector<16xf32>
      %add3A_2208 = arith.addf %add3A_2168, %mul3A_2207 : vector<16xf32>
      %get3A_2209 = arith.constant 224 : index
      %get3A_2210 = tpu.vector_load %arg8[%get3A_2209] {strides = array<i32>} : memref<1024xf32, #tpu.memory_space<vmem>>, vector<16xf32>,
      %get3A_2211 = vector.shape_cast %get3A_2210 : vector<16xf32> to vector<16xf32>
      %add3A_2212 = arith.constant 19712 : i32
      %add3A_2213 = arith.addi %add3A_2212, %mul3A_2072 : i32
      %get3A_2214 = arith.index_cast %add3A_2213 : i32 to index
      %get3A_2215 = tpu.vector_load %arg9[%get3A_2214] {strides = array<i32>} : memref<90112xf32, #tpu.memory_space<vmem>>, vector<16xf32>,
      %get3A_2216 = vector.shape_cast %get3A_2215 : vector<16xf32> to vector<16xf32>
      %mul3A_2217 = arith.mulf %get3A_2211, %get3A_2216 : vector<16xf32>
      %add3A_2218 = arith.addf %add3A_2178, %mul3A_2217 : vector<16xf32>
      %get3A_2219 = arith.constant 240 : index
      %get3A_2220 = tpu.vector_load %arg8[%get3A_2219] {strides = array<i32>} : memref<1024xf32, #tpu.memory_space<vmem>>, vector<16xf32>,
      %get3A_2221 = vector.shape_cast %get3A_2220 : vector<16xf32> to vector<16xf32>
      %add3A_2222 = arith.constant 21120 : i32
      %add3A_2223 = arith.addi %add3A_2222, %mul3A_2072 : i32
      %get3A_2224 = arith.index_cast %add3A_2223 : i32 to index
      %get3A_2225 = tpu.vector_load %arg9[%get3A_2224] {strides = array<i32>} : memref<90112xf32, #tpu.memory_space<vmem>>, vector<16xf32>,
      %get3A_2226 = vector.shape_cast %get3A_2225 : vector<16xf32> to vector<16xf32>
      %mul3A_2227 = arith.mulf %get3A_2221, %get3A_2226 : vector<16xf32>
      %add3A_2228 = arith.addf %add3A_2188, %mul3A_2227 : vector<16xf32>
      %add3A_2229 = arith.addf %add3A_2198, %add3A_2208 : vector<16xf32>
      %add3A_2230 = arith.addf %add3A_2218, %add3A_2228 : vector<16xf32>
      %add3A_2231 = arith.addf %add3A_2229, %add3A_2230 : vector<16xf32>
      %swap3A_2232 = arith.index_cast %mul3A_2072 : i32 to index
      %swap3A_2233 = tpu.vector_load %arg10[%swap3A_2232] {strides = array<i32>} : memref<1408xf32, #tpu.memory_space<vmem>>, vector<16xf32>,
      %swap3A_2234 = vector.shape_cast %swap3A_2233 : vector<16xf32> to vector<16xf32>
      %swap3A_2235 = vector.shape_cast %add3A_2231 : vector<16xf32> to vector<16xf32>
      tpu.vector_store %arg10[%swap3A_2232], %swap3A_2235 {add = true, strides = array<i32>} : memref<1408xf32, #tpu.memory_space<vmem>>, vector<16xf32>,
      %scan3A_2236 = arith.constant 0 : i32
      scf.yield %scan3A_2236 : i32
    }
    %scan3A_444 = arith.constant 88 : i32
    %dma_start3A_445 = arith.constant 32 : i32
    %dma_start3A_446 = arith.constant 45056 : i32
    %dma_start3A_447 = tpu.memref_slice %arg9[%dma_start3A_446] : memref<90112xf32, #tpu.memory_space<vmem>> -> memref<1408xf32, #tpu.memory_space<vmem>>
    %dma_start3A_448 = tpu.memref_slice %arg3[%dma_start3A_445, %mul3A_2] : memref<64x100000xf32, #tpu.memory_space<hbm>> -> memref<1x1408xf32, #tpu.memory_space<hbm>>
    %dma_start3A_449 = tpu.memref_squeeze %dma_start3A_448 : memref<1x1408xf32, #tpu.memory_space<hbm>> -> memref<1408xf32, #tpu.memory_space<hbm>>
    %dma_start3A_450 = arith.constant 45056 : i32
    %dma_start3A_451 = tpu.memref_slice %arg9[%dma_start3A_450] : memref<90112xf32, #tpu.memory_space<vmem>> -> memref<1408xf32, #tpu.memory_space<vmem>>
    %dma_start3A_452 = tpu.memref_slice %arg3[%dma_start3A_445, %mul3A_2] : memref<64x100000xf32, #tpu.memory_space<hbm>> -> memref<1x1408xf32, #tpu.memory_space<hbm>>
    %dma_start3A_453 = tpu.memref_squeeze %dma_start3A_452 : memref<1x1408xf32, #tpu.memory_space<hbm>> -> memref<1408xf32, #tpu.memory_space<hbm>>
    tpu.enqueue_dma source(%dma_start3A_453 : memref<1408xf32, #tpu.memory_space<hbm>>) target(%dma_start3A_451 : memref<1408xf32, #tpu.memory_space<vmem>>) target_semaphore(%arg15 : memref<!tpu.dma_semaphore, #tpu.memory_space<semaphore_mem>>)
    %dma_start3A_454 = arith.constant 33 : i32
    %dma_start3A_455 = arith.constant 46464 : i32
    %dma_start3A_456 = tpu.memref_slice %arg9[%dma_start3A_455] : memref<90112xf32, #tpu.memory_space<vmem>> -> memref<1408xf32, #tpu.memory_space<vmem>>
    %dma_start3A_457 = tpu.memref_slice %arg3[%dma_start3A_454, %mul3A_2] : memref<64x100000xf32, #tpu.memory_space<hbm>> -> memref<1x1408xf32, #tpu.memory_space<hbm>>
    %dma_start3A_458 = tpu.memref_squeeze %dma_start3A_457 : memref<1x1408xf32, #tpu.memory_space<hbm>> -> memref<1408xf32, #tpu.memory_space<hbm>>
    %dma_start3A_459 = arith.constant 46464 : i32
    %dma_start3A_460 = tpu.memref_slice %arg9[%dma_start3A_459] : memref<90112xf32, #tpu.memory_space<vmem>> -> memref<1408xf32, #tpu.memory_space<vmem>>
    %dma_start3A_461 = tpu.memref_slice %arg3[%dma_start3A_454, %mul3A_2] : memref<64x100000xf32, #tpu.memory_space<hbm>> -> memref<1x1408xf32, #tpu.memory_space<hbm>>
    %dma_start3A_462 = tpu.memref_squeeze %dma_start3A_461 : memref<1x1408xf32, #tpu.memory_space<hbm>> -> memref<1408xf32, #tpu.memory_space<hbm>>
    tpu.enqueue_dma source(%dma_start3A_462 : memref<1408xf32, #tpu.memory_space<hbm>>) target(%dma_start3A_460 : memref<1408xf32, #tpu.memory_space<vmem>>) target_semaphore(%arg15 : memref<!tpu.dma_semaphore, #tpu.memory_space<semaphore_mem>>)
    %dma_start3A_463 = arith.constant 34 : i32
    %dma_start3A_464 = arith.constant 47872 : i32
    %dma_start3A_465 = tpu.memref_slice %arg9[%dma_start3A_464] : memref<90112xf32, #tpu.memory_space<vmem>> -> memref<1408xf32, #tpu.memory_space<vmem>>
    %dma_start3A_466 = tpu.memref_slice %arg3[%dma_start3A_463, %mul3A_2] : memref<64x100000xf32, #tpu.memory_space<hbm>> -> memref<1x1408xf32, #tpu.memory_space<hbm>>
    %dma_start3A_467 = tpu.memref_squeeze %dma_start3A_466 : memref<1x1408xf32, #tpu.memory_space<hbm>> -> memref<1408xf32, #tpu.memory_space<hbm>>
    %dma_start3A_468 = arith.constant 47872 : i32
    %dma_start3A_469 = tpu.memref_slice %arg9[%dma_start3A_468] : memref<90112xf32, #tpu.memory_space<vmem>> -> memref<1408xf32, #tpu.memory_space<vmem>>
    %dma_start3A_470 = tpu.memref_slice %arg3[%dma_start3A_463, %mul3A_2] : memref<64x100000xf32, #tpu.memory_space<hbm>> -> memref<1x1408xf32, #tpu.memory_space<hbm>>
    %dma_start3A_471 = tpu.memref_squeeze %dma_start3A_470 : memref<1x1408xf32, #tpu.memory_space<hbm>> -> memref<1408xf32, #tpu.memory_space<hbm>>
    tpu.enqueue_dma source(%dma_start3A_471 : memref<1408xf32, #tpu.memory_space<hbm>>) target(%dma_start3A_469 : memref<1408xf32, #tpu.memory_space<vmem>>) target_semaphore(%arg15 : memref<!tpu.dma_semaphore, #tpu.memory_space<semaphore_mem>>)
    %dma_start3A_472 = arith.constant 35 : i32
    %dma_start3A_473 = arith.constant 49280 : i32
    %dma_start3A_474 = tpu.memref_slice %arg9[%dma_start3A_473] : memref<90112xf32, #tpu.memory_space<vmem>> -> memref<1408xf32, #tpu.memory_space<vmem>>
    %dma_start3A_475 = tpu.memref_slice %arg3[%dma_start3A_472, %mul3A_2] : memref<64x100000xf32, #tpu.memory_space<hbm>> -> memref<1x1408xf32, #tpu.memory_space<hbm>>
    %dma_start3A_476 = tpu.memref_squeeze %dma_start3A_475 : memref<1x1408xf32, #tpu.memory_space<hbm>> -> memref<1408xf32, #tpu.memory_space<hbm>>
    %dma_start3A_477 = arith.constant 49280 : i32
    %dma_start3A_478 = tpu.memref_slice %arg9[%dma_start3A_477] : memref<90112xf32, #tpu.memory_space<vmem>> -> memref<1408xf32, #tpu.memory_space<vmem>>
    %dma_start3A_479 = tpu.memref_slice %arg3[%dma_start3A_472, %mul3A_2] : memref<64x100000xf32, #tpu.memory_space<hbm>> -> memref<1x1408xf32, #tpu.memory_space<hbm>>
    %dma_start3A_480 = tpu.memref_squeeze %dma_start3A_479 : memref<1x1408xf32, #tpu.memory_space<hbm>> -> memref<1408xf32, #tpu.memory_space<hbm>>
    tpu.enqueue_dma source(%dma_start3A_480 : memref<1408xf32, #tpu.memory_space<hbm>>) target(%dma_start3A_478 : memref<1408xf32, #tpu.memory_space<vmem>>) target_semaphore(%arg15 : memref<!tpu.dma_semaphore, #tpu.memory_space<semaphore_mem>>)
    %dma_start3A_481 = arith.constant 36 : i32
    %dma_start3A_482 = arith.constant 50688 : i32
    %dma_start3A_483 = tpu.memref_slice %arg9[%dma_start3A_482] : memref<90112xf32, #tpu.memory_space<vmem>> -> memref<1408xf32, #tpu.memory_space<vmem>>
    %dma_start3A_484 = tpu.memref_slice %arg3[%dma_start3A_481, %mul3A_2] : memref<64x100000xf32, #tpu.memory_space<hbm>> -> memref<1x1408xf32, #tpu.memory_space<hbm>>
    %dma_start3A_485 = tpu.memref_squeeze %dma_start3A_484 : memref<1x1408xf32, #tpu.memory_space<hbm>> -> memref<1408xf32, #tpu.memory_space<hbm>>
    %dma_start3A_486 = arith.constant 50688 : i32
    %dma_start3A_487 = tpu.memref_slice %arg9[%dma_start3A_486] : memref<90112xf32, #tpu.memory_space<vmem>> -> memref<1408xf32, #tpu.memory_space<vmem>>
    %dma_start3A_488 = tpu.memref_slice %arg3[%dma_start3A_481, %mul3A_2] : memref<64x100000xf32, #tpu.memory_space<hbm>> -> memref<1x1408xf32, #tpu.memory_space<hbm>>
    %dma_start3A_489 = tpu.memref_squeeze %dma_start3A_488 : memref<1x1408xf32, #tpu.memory_space<hbm>> -> memref<1408xf32, #tpu.memory_space<hbm>>
    tpu.enqueue_dma source(%dma_start3A_489 : memref<1408xf32, #tpu.memory_space<hbm>>) target(%dma_start3A_487 : memref<1408xf32, #tpu.memory_space<vmem>>) target_semaphore(%arg15 : memref<!tpu.dma_semaphore, #tpu.memory_space<semaphore_mem>>)
    %dma_start3A_490 = arith.constant 37 : i32
    %dma_start3A_491 = arith.constant 52096 : i32
    %dma_start3A_492 = tpu.memref_slice %arg9[%dma_start3A_491] : memref<90112xf32, #tpu.memory_space<vmem>> -> memref<1408xf32, #tpu.memory_space<vmem>>
    %dma_start3A_493 = tpu.memref_slice %arg3[%dma_start3A_490, %mul3A_2] : memref<64x100000xf32, #tpu.memory_space<hbm>> -> memref<1x1408xf32, #tpu.memory_space<hbm>>
    %dma_start3A_494 = tpu.memref_squeeze %dma_start3A_493 : memref<1x1408xf32, #tpu.memory_space<hbm>> -> memref<1408xf32, #tpu.memory_space<hbm>>
    %dma_start3A_495 = arith.constant 52096 : i32
    %dma_start3A_496 = tpu.memref_slice %arg9[%dma_start3A_495] : memref<90112xf32, #tpu.memory_space<vmem>> -> memref<1408xf32, #tpu.memory_space<vmem>>
    %dma_start3A_497 = tpu.memref_slice %arg3[%dma_start3A_490, %mul3A_2] : memref<64x100000xf32, #tpu.memory_space<hbm>> -> memref<1x1408xf32, #tpu.memory_space<hbm>>
    %dma_start3A_498 = tpu.memref_squeeze %dma_start3A_497 : memref<1x1408xf32, #tpu.memory_space<hbm>> -> memref<1408xf32, #tpu.memory_space<hbm>>
    tpu.enqueue_dma source(%dma_start3A_498 : memref<1408xf32, #tpu.memory_space<hbm>>) target(%dma_start3A_496 : memref<1408xf32, #tpu.memory_space<vmem>>) target_semaphore(%arg15 : memref<!tpu.dma_semaphore, #tpu.memory_space<semaphore_mem>>)
    %dma_start3A_499 = arith.constant 38 : i32
    %dma_start3A_500 = arith.constant 53504 : i32
    %dma_start3A_501 = tpu.memref_slice %arg9[%dma_start3A_500] : memref<90112xf32, #tpu.memory_space<vmem>> -> memref<1408xf32, #tpu.memory_space<vmem>>
    %dma_start3A_502 = tpu.memref_slice %arg3[%dma_start3A_499, %mul3A_2] : memref<64x100000xf32, #tpu.memory_space<hbm>> -> memref<1x1408xf32, #tpu.memory_space<hbm>>
    %dma_start3A_503 = tpu.memref_squeeze %dma_start3A_502 : memref<1x1408xf32, #tpu.memory_space<hbm>> -> memref<1408xf32, #tpu.memory_space<hbm>>
    %dma_start3A_504 = arith.constant 53504 : i32
    %dma_start3A_505 = tpu.memref_slice %arg9[%dma_start3A_504] : memref<90112xf32, #tpu.memory_space<vmem>> -> memref<1408xf32, #tpu.memory_space<vmem>>
    %dma_start3A_506 = tpu.memref_slice %arg3[%dma_start3A_499, %mul3A_2] : memref<64x100000xf32, #tpu.memory_space<hbm>> -> memref<1x1408xf32, #tpu.memory_space<hbm>>
    %dma_start3A_507 = tpu.memref_squeeze %dma_start3A_506 : memref<1x1408xf32, #tpu.memory_space<hbm>> -> memref<1408xf32, #tpu.memory_space<hbm>>
    tpu.enqueue_dma source(%dma_start3A_507 : memref<1408xf32, #tpu.memory_space<hbm>>) target(%dma_start3A_505 : memref<1408xf32, #tpu.memory_space<vmem>>) target_semaphore(%arg15 : memref<!tpu.dma_semaphore, #tpu.memory_space<semaphore_mem>>)
    %dma_start3A_508 = arith.constant 39 : i32
    %dma_start3A_509 = arith.constant 54912 : i32
    %dma_start3A_510 = tpu.memref_slice %arg9[%dma_start3A_509] : memref<90112xf32, #tpu.memory_space<vmem>> -> memref<1408xf32, #tpu.memory_space<vmem>>
    %dma_start3A_511 = tpu.memref_slice %arg3[%dma_start3A_508, %mul3A_2] : memref<64x100000xf32, #tpu.memory_space<hbm>> -> memref<1x1408xf32, #tpu.memory_space<hbm>>
    %dma_start3A_512 = tpu.memref_squeeze %dma_start3A_511 : memref<1x1408xf32, #tpu.memory_space<hbm>> -> memref<1408xf32, #tpu.memory_space<hbm>>
    %dma_start3A_513 = arith.constant 54912 : i32
    %dma_start3A_514 = tpu.memref_slice %arg9[%dma_start3A_513] : memref<90112xf32, #tpu.memory_space<vmem>> -> memref<1408xf32, #tpu.memory_space<vmem>>
    %dma_start3A_515 = tpu.memref_slice %arg3[%dma_start3A_508, %mul3A_2] : memref<64x100000xf32, #tpu.memory_space<hbm>> -> memref<1x1408xf32, #tpu.memory_space<hbm>>
    %dma_start3A_516 = tpu.memref_squeeze %dma_start3A_515 : memref<1x1408xf32, #tpu.memory_space<hbm>> -> memref<1408xf32, #tpu.memory_space<hbm>>
    tpu.enqueue_dma source(%dma_start3A_516 : memref<1408xf32, #tpu.memory_space<hbm>>) target(%dma_start3A_514 : memref<1408xf32, #tpu.memory_space<vmem>>) target_semaphore(%arg15 : memref<!tpu.dma_semaphore, #tpu.memory_space<semaphore_mem>>)
    %dma_start3A_517 = arith.constant 40 : i32
    %dma_start3A_518 = arith.constant 56320 : i32
    %dma_start3A_519 = tpu.memref_slice %arg9[%dma_start3A_518] : memref<90112xf32, #tpu.memory_space<vmem>> -> memref<1408xf32, #tpu.memory_space<vmem>>
    %dma_start3A_520 = tpu.memref_slice %arg3[%dma_start3A_517, %mul3A_2] : memref<64x100000xf32, #tpu.memory_space<hbm>> -> memref<1x1408xf32, #tpu.memory_space<hbm>>
    %dma_start3A_521 = tpu.memref_squeeze %dma_start3A_520 : memref<1x1408xf32, #tpu.memory_space<hbm>> -> memref<1408xf32, #tpu.memory_space<hbm>>
    %dma_start3A_522 = arith.constant 56320 : i32
    %dma_start3A_523 = tpu.memref_slice %arg9[%dma_start3A_522] : memref<90112xf32, #tpu.memory_space<vmem>> -> memref<1408xf32, #tpu.memory_space<vmem>>
    %dma_start3A_524 = tpu.memref_slice %arg3[%dma_start3A_517, %mul3A_2] : memref<64x100000xf32, #tpu.memory_space<hbm>> -> memref<1x1408xf32, #tpu.memory_space<hbm>>
    %dma_start3A_525 = tpu.memref_squeeze %dma_start3A_524 : memref<1x1408xf32, #tpu.memory_space<hbm>> -> memref<1408xf32, #tpu.memory_space<hbm>>
    tpu.enqueue_dma source(%dma_start3A_525 : memref<1408xf32, #tpu.memory_space<hbm>>) target(%dma_start3A_523 : memref<1408xf32, #tpu.memory_space<vmem>>) target_semaphore(%arg15 : memref<!tpu.dma_semaphore, #tpu.memory_space<semaphore_mem>>)
    %dma_start3A_526 = arith.constant 41 : i32
    %dma_start3A_527 = arith.constant 57728 : i32
    %dma_start3A_528 = tpu.memref_slice %arg9[%dma_start3A_527] : memref<90112xf32, #tpu.memory_space<vmem>> -> memref<1408xf32, #tpu.memory_space<vmem>>
    %dma_start3A_529 = tpu.memref_slice %arg3[%dma_start3A_526, %mul3A_2] : memref<64x100000xf32, #tpu.memory_space<hbm>> -> memref<1x1408xf32, #tpu.memory_space<hbm>>
    %dma_start3A_530 = tpu.memref_squeeze %dma_start3A_529 : memref<1x1408xf32, #tpu.memory_space<hbm>> -> memref<1408xf32, #tpu.memory_space<hbm>>
    %dma_start3A_531 = arith.constant 57728 : i32
    %dma_start3A_532 = tpu.memref_slice %arg9[%dma_start3A_531] : memref<90112xf32, #tpu.memory_space<vmem>> -> memref<1408xf32, #tpu.memory_space<vmem>>
    %dma_start3A_533 = tpu.memref_slice %arg3[%dma_start3A_526, %mul3A_2] : memref<64x100000xf32, #tpu.memory_space<hbm>> -> memref<1x1408xf32, #tpu.memory_space<hbm>>
    %dma_start3A_534 = tpu.memref_squeeze %dma_start3A_533 : memref<1x1408xf32, #tpu.memory_space<hbm>> -> memref<1408xf32, #tpu.memory_space<hbm>>
    tpu.enqueue_dma source(%dma_start3A_534 : memref<1408xf32, #tpu.memory_space<hbm>>) target(%dma_start3A_532 : memref<1408xf32, #tpu.memory_space<vmem>>) target_semaphore(%arg15 : memref<!tpu.dma_semaphore, #tpu.memory_space<semaphore_mem>>)
    %dma_start3A_535 = arith.constant 42 : i32
    %dma_start3A_536 = arith.constant 59136 : i32
    %dma_start3A_537 = tpu.memref_slice %arg9[%dma_start3A_536] : memref<90112xf32, #tpu.memory_space<vmem>> -> memref<1408xf32, #tpu.memory_space<vmem>>
    %dma_start3A_538 = tpu.memref_slice %arg3[%dma_start3A_535, %mul3A_2] : memref<64x100000xf32, #tpu.memory_space<hbm>> -> memref<1x1408xf32, #tpu.memory_space<hbm>>
    %dma_start3A_539 = tpu.memref_squeeze %dma_start3A_538 : memref<1x1408xf32, #tpu.memory_space<hbm>> -> memref<1408xf32, #tpu.memory_space<hbm>>
    %dma_start3A_540 = arith.constant 59136 : i32
    %dma_start3A_541 = tpu.memref_slice %arg9[%dma_start3A_540] : memref<90112xf32, #tpu.memory_space<vmem>> -> memref<1408xf32, #tpu.memory_space<vmem>>
    %dma_start3A_542 = tpu.memref_slice %arg3[%dma_start3A_535, %mul3A_2] : memref<64x100000xf32, #tpu.memory_space<hbm>> -> memref<1x1408xf32, #tpu.memory_space<hbm>>
    %dma_start3A_543 = tpu.memref_squeeze %dma_start3A_542 : memref<1x1408xf32, #tpu.memory_space<hbm>> -> memref<1408xf32, #tpu.memory_space<hbm>>
    tpu.enqueue_dma source(%dma_start3A_543 : memref<1408xf32, #tpu.memory_space<hbm>>) target(%dma_start3A_541 : memref<1408xf32, #tpu.memory_space<vmem>>) target_semaphore(%arg15 : memref<!tpu.dma_semaphore, #tpu.memory_space<semaphore_mem>>)
    %dma_start3A_544 = arith.constant 43 : i32
    %dma_start3A_545 = arith.constant 60544 : i32
    %dma_start3A_546 = tpu.memref_slice %arg9[%dma_start3A_545] : memref<90112xf32, #tpu.memory_space<vmem>> -> memref<1408xf32, #tpu.memory_space<vmem>>
    %dma_start3A_547 = tpu.memref_slice %arg3[%dma_start3A_544, %mul3A_2] : memref<64x100000xf32, #tpu.memory_space<hbm>> -> memref<1x1408xf32, #tpu.memory_space<hbm>>
    %dma_start3A_548 = tpu.memref_squeeze %dma_start3A_547 : memref<1x1408xf32, #tpu.memory_space<hbm>> -> memref<1408xf32, #tpu.memory_space<hbm>>
    %dma_start3A_549 = arith.constant 60544 : i32
    %dma_start3A_550 = tpu.memref_slice %arg9[%dma_start3A_549] : memref<90112xf32, #tpu.memory_space<vmem>> -> memref<1408xf32, #tpu.memory_space<vmem>>
    %dma_start3A_551 = tpu.memref_slice %arg3[%dma_start3A_544, %mul3A_2] : memref<64x100000xf32, #tpu.memory_space<hbm>> -> memref<1x1408xf32, #tpu.memory_space<hbm>>
    %dma_start3A_552 = tpu.memref_squeeze %dma_start3A_551 : memref<1x1408xf32, #tpu.memory_space<hbm>> -> memref<1408xf32, #tpu.memory_space<hbm>>
    tpu.enqueue_dma source(%dma_start3A_552 : memref<1408xf32, #tpu.memory_space<hbm>>) target(%dma_start3A_550 : memref<1408xf32, #tpu.memory_space<vmem>>) target_semaphore(%arg15 : memref<!tpu.dma_semaphore, #tpu.memory_space<semaphore_mem>>)
    %dma_start3A_553 = arith.constant 44 : i32
    %dma_start3A_554 = arith.constant 61952 : i32
    %dma_start3A_555 = tpu.memref_slice %arg9[%dma_start3A_554] : memref<90112xf32, #tpu.memory_space<vmem>> -> memref<1408xf32, #tpu.memory_space<vmem>>
    %dma_start3A_556 = tpu.memref_slice %arg3[%dma_start3A_553, %mul3A_2] : memref<64x100000xf32, #tpu.memory_space<hbm>> -> memref<1x1408xf32, #tpu.memory_space<hbm>>
    %dma_start3A_557 = tpu.memref_squeeze %dma_start3A_556 : memref<1x1408xf32, #tpu.memory_space<hbm>> -> memref<1408xf32, #tpu.memory_space<hbm>>
    %dma_start3A_558 = arith.constant 61952 : i32
    %dma_start3A_559 = tpu.memref_slice %arg9[%dma_start3A_558] : memref<90112xf32, #tpu.memory_space<vmem>> -> memref<1408xf32, #tpu.memory_space<vmem>>
    %dma_start3A_560 = tpu.memref_slice %arg3[%dma_start3A_553, %mul3A_2] : memref<64x100000xf32, #tpu.memory_space<hbm>> -> memref<1x1408xf32, #tpu.memory_space<hbm>>
    %dma_start3A_561 = tpu.memref_squeeze %dma_start3A_560 : memref<1x1408xf32, #tpu.memory_space<hbm>> -> memref<1408xf32, #tpu.memory_space<hbm>>
    tpu.enqueue_dma source(%dma_start3A_561 : memref<1408xf32, #tpu.memory_space<hbm>>) target(%dma_start3A_559 : memref<1408xf32, #tpu.memory_space<vmem>>) target_semaphore(%arg15 : memref<!tpu.dma_semaphore, #tpu.memory_space<semaphore_mem>>)
    %dma_start3A_562 = arith.constant 45 : i32
    %dma_start3A_563 = arith.constant 63360 : i32
    %dma_start3A_564 = tpu.memref_slice %arg9[%dma_start3A_563] : memref<90112xf32, #tpu.memory_space<vmem>> -> memref<1408xf32, #tpu.memory_space<vmem>>
    %dma_start3A_565 = tpu.memref_slice %arg3[%dma_start3A_562, %mul3A_2] : memref<64x100000xf32, #tpu.memory_space<hbm>> -> memref<1x1408xf32, #tpu.memory_space<hbm>>
    %dma_start3A_566 = tpu.memref_squeeze %dma_start3A_565 : memref<1x1408xf32, #tpu.memory_space<hbm>> -> memref<1408xf32, #tpu.memory_space<hbm>>
    %dma_start3A_567 = arith.constant 63360 : i32
    %dma_start3A_568 = tpu.memref_slice %arg9[%dma_start3A_567] : memref<90112xf32, #tpu.memory_space<vmem>> -> memref<1408xf32, #tpu.memory_space<vmem>>
    %dma_start3A_569 = tpu.memref_slice %arg3[%dma_start3A_562, %mul3A_2] : memref<64x100000xf32, #tpu.memory_space<hbm>> -> memref<1x1408xf32, #tpu.memory_space<hbm>>
    %dma_start3A_570 = tpu.memref_squeeze %dma_start3A_569 : memref<1x1408xf32, #tpu.memory_space<hbm>> -> memref<1408xf32, #tpu.memory_space<hbm>>
    tpu.enqueue_dma source(%dma_start3A_570 : memref<1408xf32, #tpu.memory_space<hbm>>) target(%dma_start3A_568 : memref<1408xf32, #tpu.memory_space<vmem>>) target_semaphore(%arg15 : memref<!tpu.dma_semaphore, #tpu.memory_space<semaphore_mem>>)
    %dma_start3A_571 = arith.constant 46 : i32
    %dma_start3A_572 = arith.constant 64768 : i32
    %dma_start3A_573 = tpu.memref_slice %arg9[%dma_start3A_572] : memref<90112xf32, #tpu.memory_space<vmem>> -> memref<1408xf32, #tpu.memory_space<vmem>>
    %dma_start3A_574 = tpu.memref_slice %arg3[%dma_start3A_571, %mul3A_2] : memref<64x100000xf32, #tpu.memory_space<hbm>> -> memref<1x1408xf32, #tpu.memory_space<hbm>>
    %dma_start3A_575 = tpu.memref_squeeze %dma_start3A_574 : memref<1x1408xf32, #tpu.memory_space<hbm>> -> memref<1408xf32, #tpu.memory_space<hbm>>
    %dma_start3A_576 = arith.constant 64768 : i32
    %dma_start3A_577 = tpu.memref_slice %arg9[%dma_start3A_576] : memref<90112xf32, #tpu.memory_space<vmem>> -> memref<1408xf32, #tpu.memory_space<vmem>>
    %dma_start3A_578 = tpu.memref_slice %arg3[%dma_start3A_571, %mul3A_2] : memref<64x100000xf32, #tpu.memory_space<hbm>> -> memref<1x1408xf32, #tpu.memory_space<hbm>>
    %dma_start3A_579 = tpu.memref_squeeze %dma_start3A_578 : memref<1x1408xf32, #tpu.memory_space<hbm>> -> memref<1408xf32, #tpu.memory_space<hbm>>
    tpu.enqueue_dma source(%dma_start3A_579 : memref<1408xf32, #tpu.memory_space<hbm>>) target(%dma_start3A_577 : memref<1408xf32, #tpu.memory_space<vmem>>) target_semaphore(%arg15 : memref<!tpu.dma_semaphore, #tpu.memory_space<semaphore_mem>>)
    %dma_start3A_580 = arith.constant 47 : i32
    %dma_start3A_581 = arith.constant 66176 : i32
    %dma_start3A_582 = tpu.memref_slice %arg9[%dma_start3A_581] : memref<90112xf32, #tpu.memory_space<vmem>> -> memref<1408xf32, #tpu.memory_space<vmem>>
    %dma_start3A_583 = tpu.memref_slice %arg3[%dma_start3A_580, %mul3A_2] : memref<64x100000xf32, #tpu.memory_space<hbm>> -> memref<1x1408xf32, #tpu.memory_space<hbm>>
    %dma_start3A_584 = tpu.memref_squeeze %dma_start3A_583 : memref<1x1408xf32, #tpu.memory_space<hbm>> -> memref<1408xf32, #tpu.memory_space<hbm>>
    %dma_start3A_585 = arith.constant 66176 : i32
    %dma_start3A_586 = tpu.memref_slice %arg9[%dma_start3A_585] : memref<90112xf32, #tpu.memory_space<vmem>> -> memref<1408xf32, #tpu.memory_space<vmem>>
    %dma_start3A_587 = tpu.memref_slice %arg3[%dma_start3A_580, %mul3A_2] : memref<64x100000xf32, #tpu.memory_space<hbm>> -> memref<1x1408xf32, #tpu.memory_space<hbm>>
    %dma_start3A_588 = tpu.memref_squeeze %dma_start3A_587 : memref<1x1408xf32, #tpu.memory_space<hbm>> -> memref<1408xf32, #tpu.memory_space<hbm>>
    tpu.enqueue_dma source(%dma_start3A_588 : memref<1408xf32, #tpu.memory_space<hbm>>) target(%dma_start3A_586 : memref<1408xf32, #tpu.memory_space<vmem>>) target_semaphore(%arg15 : memref<!tpu.dma_semaphore, #tpu.memory_space<semaphore_mem>>)
    %dma_wait3A_589 = arith.constant 16 : i32
    %dma_wait3A_590 = arith.constant 22528 : i32
    %dma_wait3A_591 = tpu.memref_slice %arg9[%dma_wait3A_590] : memref<90112xf32, #tpu.memory_space<vmem>> -> memref<1408xf32, #tpu.memory_space<vmem>>
    %dma_wait3A_592 = tpu.memref_slice %arg3[%dma_wait3A_589, %mul3A_2] : memref<64x100000xf32, #tpu.memory_space<hbm>> -> memref<1x1408xf32, #tpu.memory_space<hbm>>
    %dma_wait3A_593 = tpu.memref_squeeze %dma_wait3A_592 : memref<1x1408xf32, #tpu.memory_space<hbm>> -> memref<1408xf32, #tpu.memory_space<hbm>>
    %dma_wait3A_594 = arith.constant 22528 : i32
    %dma_wait3A_595 = tpu.memref_slice %arg9[%dma_wait3A_594] : memref<90112xf32, #tpu.memory_space<vmem>> -> memref<1408xf32, #tpu.memory_space<vmem>>
    %dma_wait3A_596 = tpu.memref_slice %arg3[%dma_wait3A_589, %mul3A_2] : memref<64x100000xf32, #tpu.memory_space<hbm>> -> memref<1x1408xf32, #tpu.memory_space<hbm>>
    %dma_wait3A_597 = tpu.memref_squeeze %dma_wait3A_596 : memref<1x1408xf32, #tpu.memory_space<hbm>> -> memref<1408xf32, #tpu.memory_space<hbm>>
    tpu.wait_dma2 semaphore(%arg14 : memref<!tpu.dma_semaphore, #tpu.memory_space<semaphore_mem>>) src(%dma_wait3A_597 : memref<1408xf32, #tpu.memory_space<hbm>>) dst(%dma_wait3A_595 : memref<1408xf32, #tpu.memory_space<vmem>>)
    %dma_wait3A_598 = arith.constant 17 : i32
    %dma_wait3A_599 = arith.constant 23936 : i32
    %dma_wait3A_600 = tpu.memref_slice %arg9[%dma_wait3A_599] : memref<90112xf32, #tpu.memory_space<vmem>> -> memref<1408xf32, #tpu.memory_space<vmem>>
    %dma_wait3A_601 = tpu.memref_slice %arg3[%dma_wait3A_598, %mul3A_2] : memref<64x100000xf32, #tpu.memory_space<hbm>> -> memref<1x1408xf32, #tpu.memory_space<hbm>>
    %dma_wait3A_602 = tpu.memref_squeeze %dma_wait3A_601 : memref<1x1408xf32, #tpu.memory_space<hbm>> -> memref<1408xf32, #tpu.memory_space<hbm>>
    %dma_wait3A_603 = arith.constant 23936 : i32
    %dma_wait3A_604 = tpu.memref_slice %arg9[%dma_wait3A_603] : memref<90112xf32, #tpu.memory_space<vmem>> -> memref<1408xf32, #tpu.memory_space<vmem>>
    %dma_wait3A_605 = tpu.memref_slice %arg3[%dma_wait3A_598, %mul3A_2] : memref<64x100000xf32, #tpu.memory_space<hbm>> -> memref<1x1408xf32, #tpu.memory_space<hbm>>
    %dma_wait3A_606 = tpu.memref_squeeze %dma_wait3A_605 : memref<1x1408xf32, #tpu.memory_space<hbm>> -> memref<1408xf32, #tpu.memory_space<hbm>>
    tpu.wait_dma2 semaphore(%arg14 : memref<!tpu.dma_semaphore, #tpu.memory_space<semaphore_mem>>) src(%dma_wait3A_606 : memref<1408xf32, #tpu.memory_space<hbm>>) dst(%dma_wait3A_604 : memref<1408xf32, #tpu.memory_space<vmem>>)
    %dma_wait3A_607 = arith.constant 18 : i32
    %dma_wait3A_608 = arith.constant 25344 : i32
    %dma_wait3A_609 = tpu.memref_slice %arg9[%dma_wait3A_608] : memref<90112xf32, #tpu.memory_space<vmem>> -> memref<1408xf32, #tpu.memory_space<vmem>>
    %dma_wait3A_610 = tpu.memref_slice %arg3[%dma_wait3A_607, %mul3A_2] : memref<64x100000xf32, #tpu.memory_space<hbm>> -> memref<1x1408xf32, #tpu.memory_space<hbm>>
    %dma_wait3A_611 = tpu.memref_squeeze %dma_wait3A_610 : memref<1x1408xf32, #tpu.memory_space<hbm>> -> memref<1408xf32, #tpu.memory_space<hbm>>
    %dma_wait3A_612 = arith.constant 25344 : i32
    %dma_wait3A_613 = tpu.memref_slice %arg9[%dma_wait3A_612] : memref<90112xf32, #tpu.memory_space<vmem>> -> memref<1408xf32, #tpu.memory_space<vmem>>
    %dma_wait3A_614 = tpu.memref_slice %arg3[%dma_wait3A_607, %mul3A_2] : memref<64x100000xf32, #tpu.memory_space<hbm>> -> memref<1x1408xf32, #tpu.memory_space<hbm>>
    %dma_wait3A_615 = tpu.memref_squeeze %dma_wait3A_614 : memref<1x1408xf32, #tpu.memory_space<hbm>> -> memref<1408xf32, #tpu.memory_space<hbm>>
    tpu.wait_dma2 semaphore(%arg14 : memref<!tpu.dma_semaphore, #tpu.memory_space<semaphore_mem>>) src(%dma_wait3A_615 : memref<1408xf32, #tpu.memory_space<hbm>>) dst(%dma_wait3A_613 : memref<1408xf32, #tpu.memory_space<vmem>>)
    %dma_wait3A_616 = arith.constant 19 : i32
    %dma_wait3A_617 = arith.constant 26752 : i32
    %dma_wait3A_618 = tpu.memref_slice %arg9[%dma_wait3A_617] : memref<90112xf32, #tpu.memory_space<vmem>> -> memref<1408xf32, #tpu.memory_space<vmem>>
    %dma_wait3A_619 = tpu.memref_slice %arg3[%dma_wait3A_616, %mul3A_2] : memref<64x100000xf32, #tpu.memory_space<hbm>> -> memref<1x1408xf32, #tpu.memory_space<hbm>>
    %dma_wait3A_620 = tpu.memref_squeeze %dma_wait3A_619 : memref<1x1408xf32, #tpu.memory_space<hbm>> -> memref<1408xf32, #tpu.memory_space<hbm>>
    %dma_wait3A_621 = arith.constant 26752 : i32
    %dma_wait3A_622 = tpu.memref_slice %arg9[%dma_wait3A_621] : memref<90112xf32, #tpu.memory_space<vmem>> -> memref<1408xf32, #tpu.memory_space<vmem>>
    %dma_wait3A_623 = tpu.memref_slice %arg3[%dma_wait3A_616, %mul3A_2] : memref<64x100000xf32, #tpu.memory_space<hbm>> -> memref<1x1408xf32, #tpu.memory_space<hbm>>
    %dma_wait3A_624 = tpu.memref_squeeze %dma_wait3A_623 : memref<1x1408xf32, #tpu.memory_space<hbm>> -> memref<1408xf32, #tpu.memory_space<hbm>>
    tpu.wait_dma2 semaphore(%arg14 : memref<!tpu.dma_semaphore, #tpu.memory_space<semaphore_mem>>) src(%dma_wait3A_624 : memref<1408xf32, #tpu.memory_space<hbm>>) dst(%dma_wait3A_622 : memref<1408xf32, #tpu.memory_space<vmem>>)
    %dma_wait3A_625 = arith.constant 20 : i32
    %dma_wait3A_626 = arith.constant 28160 : i32
    %dma_wait3A_627 = tpu.memref_slice %arg9[%dma_wait3A_626] : memref<90112xf32, #tpu.memory_space<vmem>> -> memref<1408xf32, #tpu.memory_space<vmem>>
    %dma_wait3A_628 = tpu.memref_slice %arg3[%dma_wait3A_625, %mul3A_2] : memref<64x100000xf32, #tpu.memory_space<hbm>> -> memref<1x1408xf32, #tpu.memory_space<hbm>>
    %dma_wait3A_629 = tpu.memref_squeeze %dma_wait3A_628 : memref<1x1408xf32, #tpu.memory_space<hbm>> -> memref<1408xf32, #tpu.memory_space<hbm>>
    %dma_wait3A_630 = arith.constant 28160 : i32
    %dma_wait3A_631 = tpu.memref_slice %arg9[%dma_wait3A_630] : memref<90112xf32, #tpu.memory_space<vmem>> -> memref<1408xf32, #tpu.memory_space<vmem>>
    %dma_wait3A_632 = tpu.memref_slice %arg3[%dma_wait3A_625, %mul3A_2] : memref<64x100000xf32, #tpu.memory_space<hbm>> -> memref<1x1408xf32, #tpu.memory_space<hbm>>
    %dma_wait3A_633 = tpu.memref_squeeze %dma_wait3A_632 : memref<1x1408xf32, #tpu.memory_space<hbm>> -> memref<1408xf32, #tpu.memory_space<hbm>>
    tpu.wait_dma2 semaphore(%arg14 : memref<!tpu.dma_semaphore, #tpu.memory_space<semaphore_mem>>) src(%dma_wait3A_633 : memref<1408xf32, #tpu.memory_space<hbm>>) dst(%dma_wait3A_631 : memref<1408xf32, #tpu.memory_space<vmem>>)
    %dma_wait3A_634 = arith.constant 21 : i32
    %dma_wait3A_635 = arith.constant 29568 : i32
    %dma_wait3A_636 = tpu.memref_slice %arg9[%dma_wait3A_635] : memref<90112xf32, #tpu.memory_space<vmem>> -> memref<1408xf32, #tpu.memory_space<vmem>>
    %dma_wait3A_637 = tpu.memref_slice %arg3[%dma_wait3A_634, %mul3A_2] : memref<64x100000xf32, #tpu.memory_space<hbm>> -> memref<1x1408xf32, #tpu.memory_space<hbm>>
    %dma_wait3A_638 = tpu.memref_squeeze %dma_wait3A_637 : memref<1x1408xf32, #tpu.memory_space<hbm>> -> memref<1408xf32, #tpu.memory_space<hbm>>
    %dma_wait3A_639 = arith.constant 29568 : i32
    %dma_wait3A_640 = tpu.memref_slice %arg9[%dma_wait3A_639] : memref<90112xf32, #tpu.memory_space<vmem>> -> memref<1408xf32, #tpu.memory_space<vmem>>
    %dma_wait3A_641 = tpu.memref_slice %arg3[%dma_wait3A_634, %mul3A_2] : memref<64x100000xf32, #tpu.memory_space<hbm>> -> memref<1x1408xf32, #tpu.memory_space<hbm>>
    %dma_wait3A_642 = tpu.memref_squeeze %dma_wait3A_641 : memref<1x1408xf32, #tpu.memory_space<hbm>> -> memref<1408xf32, #tpu.memory_space<hbm>>
    tpu.wait_dma2 semaphore(%arg14 : memref<!tpu.dma_semaphore, #tpu.memory_space<semaphore_mem>>) src(%dma_wait3A_642 : memref<1408xf32, #tpu.memory_space<hbm>>) dst(%dma_wait3A_640 : memref<1408xf32, #tpu.memory_space<vmem>>)
    %dma_wait3A_643 = arith.constant 22 : i32
    %dma_wait3A_644 = arith.constant 30976 : i32
    %dma_wait3A_645 = tpu.memref_slice %arg9[%dma_wait3A_644] : memref<90112xf32, #tpu.memory_space<vmem>> -> memref<1408xf32, #tpu.memory_space<vmem>>
    %dma_wait3A_646 = tpu.memref_slice %arg3[%dma_wait3A_643, %mul3A_2] : memref<64x100000xf32, #tpu.memory_space<hbm>> -> memref<1x1408xf32, #tpu.memory_space<hbm>>
    %dma_wait3A_647 = tpu.memref_squeeze %dma_wait3A_646 : memref<1x1408xf32, #tpu.memory_space<hbm>> -> memref<1408xf32, #tpu.memory_space<hbm>>
    %dma_wait3A_648 = arith.constant 30976 : i32
    %dma_wait3A_649 = tpu.memref_slice %arg9[%dma_wait3A_648] : memref<90112xf32, #tpu.memory_space<vmem>> -> memref<1408xf32, #tpu.memory_space<vmem>>
    %dma_wait3A_650 = tpu.memref_slice %arg3[%dma_wait3A_643, %mul3A_2] : memref<64x100000xf32, #tpu.memory_space<hbm>> -> memref<1x1408xf32, #tpu.memory_space<hbm>>
    %dma_wait3A_651 = tpu.memref_squeeze %dma_wait3A_650 : memref<1x1408xf32, #tpu.memory_space<hbm>> -> memref<1408xf32, #tpu.memory_space<hbm>>
    tpu.wait_dma2 semaphore(%arg14 : memref<!tpu.dma_semaphore, #tpu.memory_space<semaphore_mem>>) src(%dma_wait3A_651 : memref<1408xf32, #tpu.memory_space<hbm>>) dst(%dma_wait3A_649 : memref<1408xf32, #tpu.memory_space<vmem>>)
    %dma_wait3A_652 = arith.constant 23 : i32
    %dma_wait3A_653 = arith.constant 32384 : i32
    %dma_wait3A_654 = tpu.memref_slice %arg9[%dma_wait3A_653] : memref<90112xf32, #tpu.memory_space<vmem>> -> memref<1408xf32, #tpu.memory_space<vmem>>
    %dma_wait3A_655 = tpu.memref_slice %arg3[%dma_wait3A_652, %mul3A_2] : memref<64x100000xf32, #tpu.memory_space<hbm>> -> memref<1x1408xf32, #tpu.memory_space<hbm>>
    %dma_wait3A_656 = tpu.memref_squeeze %dma_wait3A_655 : memref<1x1408xf32, #tpu.memory_space<hbm>> -> memref<1408xf32, #tpu.memory_space<hbm>>
    %dma_wait3A_657 = arith.constant 32384 : i32
    %dma_wait3A_658 = tpu.memref_slice %arg9[%dma_wait3A_657] : memref<90112xf32, #tpu.memory_space<vmem>> -> memref<1408xf32, #tpu.memory_space<vmem>>
    %dma_wait3A_659 = tpu.memref_slice %arg3[%dma_wait3A_652, %mul3A_2] : memref<64x100000xf32, #tpu.memory_space<hbm>> -> memref<1x1408xf32, #tpu.memory_space<hbm>>
    %dma_wait3A_660 = tpu.memref_squeeze %dma_wait3A_659 : memref<1x1408xf32, #tpu.memory_space<hbm>> -> memref<1408xf32, #tpu.memory_space<hbm>>
    tpu.wait_dma2 semaphore(%arg14 : memref<!tpu.dma_semaphore, #tpu.memory_space<semaphore_mem>>) src(%dma_wait3A_660 : memref<1408xf32, #tpu.memory_space<hbm>>) dst(%dma_wait3A_658 : memref<1408xf32, #tpu.memory_space<vmem>>)
    %dma_wait3A_661 = arith.constant 24 : i32
    %dma_wait3A_662 = arith.constant 33792 : i32
    %dma_wait3A_663 = tpu.memref_slice %arg9[%dma_wait3A_662] : memref<90112xf32, #tpu.memory_space<vmem>> -> memref<1408xf32, #tpu.memory_space<vmem>>
    %dma_wait3A_664 = tpu.memref_slice %arg3[%dma_wait3A_661, %mul3A_2] : memref<64x100000xf32, #tpu.memory_space<hbm>> -> memref<1x1408xf32, #tpu.memory_space<hbm>>
    %dma_wait3A_665 = tpu.memref_squeeze %dma_wait3A_664 : memref<1x1408xf32, #tpu.memory_space<hbm>> -> memref<1408xf32, #tpu.memory_space<hbm>>
    %dma_wait3A_666 = arith.constant 33792 : i32
    %dma_wait3A_667 = tpu.memref_slice %arg9[%dma_wait3A_666] : memref<90112xf32, #tpu.memory_space<vmem>> -> memref<1408xf32, #tpu.memory_space<vmem>>
    %dma_wait3A_668 = tpu.memref_slice %arg3[%dma_wait3A_661, %mul3A_2] : memref<64x100000xf32, #tpu.memory_space<hbm>> -> memref<1x1408xf32, #tpu.memory_space<hbm>>
    %dma_wait3A_669 = tpu.memref_squeeze %dma_wait3A_668 : memref<1x1408xf32, #tpu.memory_space<hbm>> -> memref<1408xf32, #tpu.memory_space<hbm>>
    tpu.wait_dma2 semaphore(%arg14 : memref<!tpu.dma_semaphore, #tpu.memory_space<semaphore_mem>>) src(%dma_wait3A_669 : memref<1408xf32, #tpu.memory_space<hbm>>) dst(%dma_wait3A_667 : memref<1408xf32, #tpu.memory_space<vmem>>)
    %dma_wait3A_670 = arith.constant 25 : i32
    %dma_wait3A_671 = arith.constant 35200 : i32
    %dma_wait3A_672 = tpu.memref_slice %arg9[%dma_wait3A_671] : memref<90112xf32, #tpu.memory_space<vmem>> -> memref<1408xf32, #tpu.memory_space<vmem>>
    %dma_wait3A_673 = tpu.memref_slice %arg3[%dma_wait3A_670, %mul3A_2] : memref<64x100000xf32, #tpu.memory_space<hbm>> -> memref<1x1408xf32, #tpu.memory_space<hbm>>
    %dma_wait3A_674 = tpu.memref_squeeze %dma_wait3A_673 : memref<1x1408xf32, #tpu.memory_space<hbm>> -> memref<1408xf32, #tpu.memory_space<hbm>>
    %dma_wait3A_675 = arith.constant 35200 : i32
    %dma_wait3A_676 = tpu.memref_slice %arg9[%dma_wait3A_675] : memref<90112xf32, #tpu.memory_space<vmem>> -> memref<1408xf32, #tpu.memory_space<vmem>>
    %dma_wait3A_677 = tpu.memref_slice %arg3[%dma_wait3A_670, %mul3A_2] : memref<64x100000xf32, #tpu.memory_space<hbm>> -> memref<1x1408xf32, #tpu.memory_space<hbm>>
    %dma_wait3A_678 = tpu.memref_squeeze %dma_wait3A_677 : memref<1x1408xf32, #tpu.memory_space<hbm>> -> memref<1408xf32, #tpu.memory_space<hbm>>
    tpu.wait_dma2 semaphore(%arg14 : memref<!tpu.dma_semaphore, #tpu.memory_space<semaphore_mem>>) src(%dma_wait3A_678 : memref<1408xf32, #tpu.memory_space<hbm>>) dst(%dma_wait3A_676 : memref<1408xf32, #tpu.memory_space<vmem>>)
    %dma_wait3A_679 = arith.constant 26 : i32
    %dma_wait3A_680 = arith.constant 36608 : i32
    %dma_wait3A_681 = tpu.memref_slice %arg9[%dma_wait3A_680] : memref<90112xf32, #tpu.memory_space<vmem>> -> memref<1408xf32, #tpu.memory_space<vmem>>
    %dma_wait3A_682 = tpu.memref_slice %arg3[%dma_wait3A_679, %mul3A_2] : memref<64x100000xf32, #tpu.memory_space<hbm>> -> memref<1x1408xf32, #tpu.memory_space<hbm>>
    %dma_wait3A_683 = tpu.memref_squeeze %dma_wait3A_682 : memref<1x1408xf32, #tpu.memory_space<hbm>> -> memref<1408xf32, #tpu.memory_space<hbm>>
    %dma_wait3A_684 = arith.constant 36608 : i32
    %dma_wait3A_685 = tpu.memref_slice %arg9[%dma_wait3A_684] : memref<90112xf32, #tpu.memory_space<vmem>> -> memref<1408xf32, #tpu.memory_space<vmem>>
    %dma_wait3A_686 = tpu.memref_slice %arg3[%dma_wait3A_679, %mul3A_2] : memref<64x100000xf32, #tpu.memory_space<hbm>> -> memref<1x1408xf32, #tpu.memory_space<hbm>>
    %dma_wait3A_687 = tpu.memref_squeeze %dma_wait3A_686 : memref<1x1408xf32, #tpu.memory_space<hbm>> -> memref<1408xf32, #tpu.memory_space<hbm>>
    tpu.wait_dma2 semaphore(%arg14 : memref<!tpu.dma_semaphore, #tpu.memory_space<semaphore_mem>>) src(%dma_wait3A_687 : memref<1408xf32, #tpu.memory_space<hbm>>) dst(%dma_wait3A_685 : memref<1408xf32, #tpu.memory_space<vmem>>)
    %dma_wait3A_688 = arith.constant 27 : i32
    %dma_wait3A_689 = arith.constant 38016 : i32
    %dma_wait3A_690 = tpu.memref_slice %arg9[%dma_wait3A_689] : memref<90112xf32, #tpu.memory_space<vmem>> -> memref<1408xf32, #tpu.memory_space<vmem>>
    %dma_wait3A_691 = tpu.memref_slice %arg3[%dma_wait3A_688, %mul3A_2] : memref<64x100000xf32, #tpu.memory_space<hbm>> -> memref<1x1408xf32, #tpu.memory_space<hbm>>
    %dma_wait3A_692 = tpu.memref_squeeze %dma_wait3A_691 : memref<1x1408xf32, #tpu.memory_space<hbm>> -> memref<1408xf32, #tpu.memory_space<hbm>>
    %dma_wait3A_693 = arith.constant 38016 : i32
    %dma_wait3A_694 = tpu.memref_slice %arg9[%dma_wait3A_693] : memref<90112xf32, #tpu.memory_space<vmem>> -> memref<1408xf32, #tpu.memory_space<vmem>>
    %dma_wait3A_695 = tpu.memref_slice %arg3[%dma_wait3A_688, %mul3A_2] : memref<64x100000xf32, #tpu.memory_space<hbm>> -> memref<1x1408xf32, #tpu.memory_space<hbm>>
    %dma_wait3A_696 = tpu.memref_squeeze %dma_wait3A_695 : memref<1x1408xf32, #tpu.memory_space<hbm>> -> memref<1408xf32, #tpu.memory_space<hbm>>
    tpu.wait_dma2 semaphore(%arg14 : memref<!tpu.dma_semaphore, #tpu.memory_space<semaphore_mem>>) src(%dma_wait3A_696 : memref<1408xf32, #tpu.memory_space<hbm>>) dst(%dma_wait3A_694 : memref<1408xf32, #tpu.memory_space<vmem>>)
    %dma_wait3A_697 = arith.constant 28 : i32
    %dma_wait3A_698 = arith.constant 39424 : i32
    %dma_wait3A_699 = tpu.memref_slice %arg9[%dma_wait3A_698] : memref<90112xf32, #tpu.memory_space<vmem>> -> memref<1408xf32, #tpu.memory_space<vmem>>
    %dma_wait3A_700 = tpu.memref_slice %arg3[%dma_wait3A_697, %mul3A_2] : memref<64x100000xf32, #tpu.memory_space<hbm>> -> memref<1x1408xf32, #tpu.memory_space<hbm>>
    %dma_wait3A_701 = tpu.memref_squeeze %dma_wait3A_700 : memref<1x1408xf32, #tpu.memory_space<hbm>> -> memref<1408xf32, #tpu.memory_space<hbm>>
    %dma_wait3A_702 = arith.constant 39424 : i32
    %dma_wait3A_703 = tpu.memref_slice %arg9[%dma_wait3A_702] : memref<90112xf32, #tpu.memory_space<vmem>> -> memref<1408xf32, #tpu.memory_space<vmem>>
    %dma_wait3A_704 = tpu.memref_slice %arg3[%dma_wait3A_697, %mul3A_2] : memref<64x100000xf32, #tpu.memory_space<hbm>> -> memref<1x1408xf32, #tpu.memory_space<hbm>>
    %dma_wait3A_705 = tpu.memref_squeeze %dma_wait3A_704 : memref<1x1408xf32, #tpu.memory_space<hbm>> -> memref<1408xf32, #tpu.memory_space<hbm>>
    tpu.wait_dma2 semaphore(%arg14 : memref<!tpu.dma_semaphore, #tpu.memory_space<semaphore_mem>>) src(%dma_wait3A_705 : memref<1408xf32, #tpu.memory_space<hbm>>) dst(%dma_wait3A_703 : memref<1408xf32, #tpu.memory_space<vmem>>)
    %dma_wait3A_706 = arith.constant 29 : i32
    %dma_wait3A_707 = arith.constant 40832 : i32
    %dma_wait3A_708 = tpu.memref_slice %arg9[%dma_wait3A_707] : memref<90112xf32, #tpu.memory_space<vmem>> -> memref<1408xf32, #tpu.memory_space<vmem>>
    %dma_wait3A_709 = tpu.memref_slice %arg3[%dma_wait3A_706, %mul3A_2] : memref<64x100000xf32, #tpu.memory_space<hbm>> -> memref<1x1408xf32, #tpu.memory_space<hbm>>
    %dma_wait3A_710 = tpu.memref_squeeze %dma_wait3A_709 : memref<1x1408xf32, #tpu.memory_space<hbm>> -> memref<1408xf32, #tpu.memory_space<hbm>>
    %dma_wait3A_711 = arith.constant 40832 : i32
    %dma_wait3A_712 = tpu.memref_slice %arg9[%dma_wait3A_711] : memref<90112xf32, #tpu.memory_space<vmem>> -> memref<1408xf32, #tpu.memory_space<vmem>>
    %dma_wait3A_713 = tpu.memref_slice %arg3[%dma_wait3A_706, %mul3A_2] : memref<64x100000xf32, #tpu.memory_space<hbm>> -> memref<1x1408xf32, #tpu.memory_space<hbm>>
    %dma_wait3A_714 = tpu.memref_squeeze %dma_wait3A_713 : memref<1x1408xf32, #tpu.memory_space<hbm>> -> memref<1408xf32, #tpu.memory_space<hbm>>
    tpu.wait_dma2 semaphore(%arg14 : memref<!tpu.dma_semaphore, #tpu.memory_space<semaphore_mem>>) src(%dma_wait3A_714 : memref<1408xf32, #tpu.memory_space<hbm>>) dst(%dma_wait3A_712 : memref<1408xf32, #tpu.memory_space<vmem>>)
    %dma_wait3A_715 = arith.constant 30 : i32
    %dma_wait3A_716 = arith.constant 42240 : i32
    %dma_wait3A_717 = tpu.memref_slice %arg9[%dma_wait3A_716] : memref<90112xf32, #tpu.memory_space<vmem>> -> memref<1408xf32, #tpu.memory_space<vmem>>
    %dma_wait3A_718 = tpu.memref_slice %arg3[%dma_wait3A_715, %mul3A_2] : memref<64x100000xf32, #tpu.memory_space<hbm>> -> memref<1x1408xf32, #tpu.memory_space<hbm>>
    %dma_wait3A_719 = tpu.memref_squeeze %dma_wait3A_718 : memref<1x1408xf32, #tpu.memory_space<hbm>> -> memref<1408xf32, #tpu.memory_space<hbm>>
    %dma_wait3A_720 = arith.constant 42240 : i32
    %dma_wait3A_721 = tpu.memref_slice %arg9[%dma_wait3A_720] : memref<90112xf32, #tpu.memory_space<vmem>> -> memref<1408xf32, #tpu.memory_space<vmem>>
    %dma_wait3A_722 = tpu.memref_slice %arg3[%dma_wait3A_715, %mul3A_2] : memref<64x100000xf32, #tpu.memory_space<hbm>> -> memref<1x1408xf32, #tpu.memory_space<hbm>>
    %dma_wait3A_723 = tpu.memref_squeeze %dma_wait3A_722 : memref<1x1408xf32, #tpu.memory_space<hbm>> -> memref<1408xf32, #tpu.memory_space<hbm>>
    tpu.wait_dma2 semaphore(%arg14 : memref<!tpu.dma_semaphore, #tpu.memory_space<semaphore_mem>>) src(%dma_wait3A_723 : memref<1408xf32, #tpu.memory_space<hbm>>) dst(%dma_wait3A_721 : memref<1408xf32, #tpu.memory_space<vmem>>)
    %dma_wait3A_724 = arith.constant 31 : i32
    %dma_wait3A_725 = arith.constant 43648 : i32
    %dma_wait3A_726 = tpu.memref_slice %arg9[%dma_wait3A_725] : memref<90112xf32, #tpu.memory_space<vmem>> -> memref<1408xf32, #tpu.memory_space<vmem>>
    %dma_wait3A_727 = tpu.memref_slice %arg3[%dma_wait3A_724, %mul3A_2] : memref<64x100000xf32, #tpu.memory_space<hbm>> -> memref<1x1408xf32, #tpu.memory_space<hbm>>
    %dma_wait3A_728 = tpu.memref_squeeze %dma_wait3A_727 : memref<1x1408xf32, #tpu.memory_space<hbm>> -> memref<1408xf32, #tpu.memory_space<hbm>>
    %dma_wait3A_729 = arith.constant 43648 : i32
    %dma_wait3A_730 = tpu.memref_slice %arg9[%dma_wait3A_729] : memref<90112xf32, #tpu.memory_space<vmem>> -> memref<1408xf32, #tpu.memory_space<vmem>>
    %dma_wait3A_731 = tpu.memref_slice %arg3[%dma_wait3A_724, %mul3A_2] : memref<64x100000xf32, #tpu.memory_space<hbm>> -> memref<1x1408xf32, #tpu.memory_space<hbm>>
    %dma_wait3A_732 = tpu.memref_squeeze %dma_wait3A_731 : memref<1x1408xf32, #tpu.memory_space<hbm>> -> memref<1408xf32, #tpu.memory_space<hbm>>
    tpu.wait_dma2 semaphore(%arg14 : memref<!tpu.dma_semaphore, #tpu.memory_space<semaphore_mem>>) src(%dma_wait3A_732 : memref<1408xf32, #tpu.memory_space<hbm>>) dst(%dma_wait3A_730 : memref<1408xf32, #tpu.memory_space<vmem>>)
    %scan3A_733 = arith.constant 0 : i32
    %scan3A_734 = arith.constant 0 : i32
    %scan3A_735 = arith.constant 88 : i32
    %scan3A_736 = arith.addi %scan3A_734, %scan3A_735 : i32
    %scan3A_737 = arith.constant 1 : i32
    %scan3A_738 = scf.for %scan3A_2069 = %scan3A_734 to %scan3A_736 step %scan3A_737 iter_args(%scan3A_2070 = %scan3A_733) -> (i32)  : i32 {
      %mul3A_2071 = arith.constant 16 : i32
      %mul3A_2072 = arith.muli %scan3A_2069, %mul3A_2071 : i32
      %get3A_2073 = arith.constant 256 : index
      %get3A_2074 = tpu.vector_load %arg8[%get3A_2073] {strides = array<i32>} : memref<1024xf32, #tpu.memory_space<vmem>>, vector<16xf32>,
      %get3A_2075 = vector.shape_cast %get3A_2074 : vector<16xf32> to vector<16xf32>
      %add3A_2076 = arith.constant 22528 : i32
      %add3A_2077 = arith.addi %add3A_2076, %mul3A_2072 : i32
      %get3A_2078 = arith.index_cast %add3A_2077 : i32 to index
      %get3A_2079 = tpu.vector_load %arg9[%get3A_2078] {strides = array<i32>} : memref<90112xf32, #tpu.memory_space<vmem>>, vector<16xf32>,
      %get3A_2080 = vector.shape_cast %get3A_2079 : vector<16xf32> to vector<16xf32>
      %mul3A_2081 = arith.mulf %get3A_2075, %get3A_2080 : vector<16xf32>
      %get3A_2082 = arith.constant 272 : index
      %get3A_2083 = tpu.vector_load %arg8[%get3A_2082] {strides = array<i32>} : memref<1024xf32, #tpu.memory_space<vmem>>, vector<16xf32>,
      %get3A_2084 = vector.shape_cast %get3A_2083 : vector<16xf32> to vector<16xf32>
      %add3A_2085 = arith.constant 23936 : i32
      %add3A_2086 = arith.addi %add3A_2085, %mul3A_2072 : i32
      %get3A_2087 = arith.index_cast %add3A_2086 : i32 to index
      %get3A_2088 = tpu.vector_load %arg9[%get3A_2087] {strides = array<i32>} : memref<90112xf32, #tpu.memory_space<vmem>>, vector<16xf32>,
      %get3A_2089 = vector.shape_cast %get3A_2088 : vector<16xf32> to vector<16xf32>
      %mul3A_2090 = arith.mulf %get3A_2084, %get3A_2089 : vector<16xf32>
      %get3A_2091 = arith.constant 288 : index
      %get3A_2092 = tpu.vector_load %arg8[%get3A_2091] {strides = array<i32>} : memref<1024xf32, #tpu.memory_space<vmem>>, vector<16xf32>,
      %get3A_2093 = vector.shape_cast %get3A_2092 : vector<16xf32> to vector<16xf32>
      %add3A_2094 = arith.constant 25344 : i32
      %add3A_2095 = arith.addi %add3A_2094, %mul3A_2072 : i32
      %get3A_2096 = arith.index_cast %add3A_2095 : i32 to index
      %get3A_2097 = tpu.vector_load %arg9[%get3A_2096] {strides = array<i32>} : memref<90112xf32, #tpu.memory_space<vmem>>, vector<16xf32>,
      %get3A_2098 = vector.shape_cast %get3A_2097 : vector<16xf32> to vector<16xf32>
      %mul3A_2099 = arith.mulf %get3A_2093, %get3A_2098 : vector<16xf32>
      %get3A_2100 = arith.constant 304 : index
      %get3A_2101 = tpu.vector_load %arg8[%get3A_2100] {strides = array<i32>} : memref<1024xf32, #tpu.memory_space<vmem>>, vector<16xf32>,
      %get3A_2102 = vector.shape_cast %get3A_2101 : vector<16xf32> to vector<16xf32>
      %add3A_2103 = arith.constant 26752 : i32
      %add3A_2104 = arith.addi %add3A_2103, %mul3A_2072 : i32
      %get3A_2105 = arith.index_cast %add3A_2104 : i32 to index
      %get3A_2106 = tpu.vector_load %arg9[%get3A_2105] {strides = array<i32>} : memref<90112xf32, #tpu.memory_space<vmem>>, vector<16xf32>,
      %get3A_2107 = vector.shape_cast %get3A_2106 : vector<16xf32> to vector<16xf32>
      %mul3A_2108 = arith.mulf %get3A_2102, %get3A_2107 : vector<16xf32>
      %get3A_2109 = arith.constant 320 : index
      %get3A_2110 = tpu.vector_load %arg8[%get3A_2109] {strides = array<i32>} : memref<1024xf32, #tpu.memory_space<vmem>>, vector<16xf32>,
      %get3A_2111 = vector.shape_cast %get3A_2110 : vector<16xf32> to vector<16xf32>
      %add3A_2112 = arith.constant 28160 : i32
      %add3A_2113 = arith.addi %add3A_2112, %mul3A_2072 : i32
      %get3A_2114 = arith.index_cast %add3A_2113 : i32 to index
      %get3A_2115 = tpu.vector_load %arg9[%get3A_2114] {strides = array<i32>} : memref<90112xf32, #tpu.memory_space<vmem>>, vector<16xf32>,
      %get3A_2116 = vector.shape_cast %get3A_2115 : vector<16xf32> to vector<16xf32>
      %mul3A_2117 = arith.mulf %get3A_2111, %get3A_2116 : vector<16xf32>
      %add3A_2118 = arith.addf %mul3A_2081, %mul3A_2117 : vector<16xf32>
      %get3A_2119 = arith.constant 336 : index
      %get3A_2120 = tpu.vector_load %arg8[%get3A_2119] {strides = array<i32>} : memref<1024xf32, #tpu.memory_space<vmem>>, vector<16xf32>,
      %get3A_2121 = vector.shape_cast %get3A_2120 : vector<16xf32> to vector<16xf32>
      %add3A_2122 = arith.constant 29568 : i32
      %add3A_2123 = arith.addi %add3A_2122, %mul3A_2072 : i32
      %get3A_2124 = arith.index_cast %add3A_2123 : i32 to index
      %get3A_2125 = tpu.vector_load %arg9[%get3A_2124] {strides = array<i32>} : memref<90112xf32, #tpu.memory_space<vmem>>, vector<16xf32>,
      %get3A_2126 = vector.shape_cast %get3A_2125 : vector<16xf32> to vector<16xf32>
      %mul3A_2127 = arith.mulf %get3A_2121, %get3A_2126 : vector<16xf32>
      %add3A_2128 = arith.addf %mul3A_2090, %mul3A_2127 : vector<16xf32>
      %get3A_2129 = arith.constant 352 : index
      %get3A_2130 = tpu.vector_load %arg8[%get3A_2129] {strides = array<i32>} : memref<1024xf32, #tpu.memory_space<vmem>>, vector<16xf32>,
      %get3A_2131 = vector.shape_cast %get3A_2130 : vector<16xf32> to vector<16xf32>
      %add3A_2132 = arith.constant 30976 : i32
      %add3A_2133 = arith.addi %add3A_2132, %mul3A_2072 : i32
      %get3A_2134 = arith.index_cast %add3A_2133 : i32 to index
      %get3A_2135 = tpu.vector_load %arg9[%get3A_2134] {strides = array<i32>} : memref<90112xf32, #tpu.memory_space<vmem>>, vector<16xf32>,
      %get3A_2136 = vector.shape_cast %get3A_2135 : vector<16xf32> to vector<16xf32>
      %mul3A_2137 = arith.mulf %get3A_2131, %get3A_2136 : vector<16xf32>
      %add3A_2138 = arith.addf %mul3A_2099, %mul3A_2137 : vector<16xf32>
      %get3A_2139 = arith.constant 368 : index
      %get3A_2140 = tpu.vector_load %arg8[%get3A_2139] {strides = array<i32>} : memref<1024xf32, #tpu.memory_space<vmem>>, vector<16xf32>,
      %get3A_2141 = vector.shape_cast %get3A_2140 : vector<16xf32> to vector<16xf32>
      %add3A_2142 = arith.constant 32384 : i32
      %add3A_2143 = arith.addi %add3A_2142, %mul3A_2072 : i32
      %get3A_2144 = arith.index_cast %add3A_2143 : i32 to index
      %get3A_2145 = tpu.vector_load %arg9[%get3A_2144] {strides = array<i32>} : memref<90112xf32, #tpu.memory_space<vmem>>, vector<16xf32>,
      %get3A_2146 = vector.shape_cast %get3A_2145 : vector<16xf32> to vector<16xf32>
      %mul3A_2147 = arith.mulf %get3A_2141, %get3A_2146 : vector<16xf32>
      %add3A_2148 = arith.addf %mul3A_2108, %mul3A_2147 : vector<16xf32>
      %get3A_2149 = arith.constant 384 : index
      %get3A_2150 = tpu.vector_load %arg8[%get3A_2149] {strides = array<i32>} : memref<1024xf32, #tpu.memory_space<vmem>>, vector<16xf32>,
      %get3A_2151 = vector.shape_cast %get3A_2150 : vector<16xf32> to vector<16xf32>
      %add3A_2152 = arith.constant 33792 : i32
      %add3A_2153 = arith.addi %add3A_2152, %mul3A_2072 : i32
      %get3A_2154 = arith.index_cast %add3A_2153 : i32 to index
      %get3A_2155 = tpu.vector_load %arg9[%get3A_2154] {strides = array<i32>} : memref<90112xf32, #tpu.memory_space<vmem>>, vector<16xf32>,
      %get3A_2156 = vector.shape_cast %get3A_2155 : vector<16xf32> to vector<16xf32>
      %mul3A_2157 = arith.mulf %get3A_2151, %get3A_2156 : vector<16xf32>
      %add3A_2158 = arith.addf %add3A_2118, %mul3A_2157 : vector<16xf32>
      %get3A_2159 = arith.constant 400 : index
      %get3A_2160 = tpu.vector_load %arg8[%get3A_2159] {strides = array<i32>} : memref<1024xf32, #tpu.memory_space<vmem>>, vector<16xf32>,
      %get3A_2161 = vector.shape_cast %get3A_2160 : vector<16xf32> to vector<16xf32>
      %add3A_2162 = arith.constant 35200 : i32
      %add3A_2163 = arith.addi %add3A_2162, %mul3A_2072 : i32
      %get3A_2164 = arith.index_cast %add3A_2163 : i32 to index
      %get3A_2165 = tpu.vector_load %arg9[%get3A_2164] {strides = array<i32>} : memref<90112xf32, #tpu.memory_space<vmem>>, vector<16xf32>,
      %get3A_2166 = vector.shape_cast %get3A_2165 : vector<16xf32> to vector<16xf32>
      %mul3A_2167 = arith.mulf %get3A_2161, %get3A_2166 : vector<16xf32>
      %add3A_2168 = arith.addf %add3A_2128, %mul3A_2167 : vector<16xf32>
      %get3A_2169 = arith.constant 416 : index
      %get3A_2170 = tpu.vector_load %arg8[%get3A_2169] {strides = array<i32>} : memref<1024xf32, #tpu.memory_space<vmem>>, vector<16xf32>,
      %get3A_2171 = vector.shape_cast %get3A_2170 : vector<16xf32> to vector<16xf32>
      %add3A_2172 = arith.constant 36608 : i32
      %add3A_2173 = arith.addi %add3A_2172, %mul3A_2072 : i32
      %get3A_2174 = arith.index_cast %add3A_2173 : i32 to index
      %get3A_2175 = tpu.vector_load %arg9[%get3A_2174] {strides = array<i32>} : memref<90112xf32, #tpu.memory_space<vmem>>, vector<16xf32>,
      %get3A_2176 = vector.shape_cast %get3A_2175 : vector<16xf32> to vector<16xf32>
      %mul3A_2177 = arith.mulf %get3A_2171, %get3A_2176 : vector<16xf32>
      %add3A_2178 = arith.addf %add3A_2138, %mul3A_2177 : vector<16xf32>
      %get3A_2179 = arith.constant 432 : index
      %get3A_2180 = tpu.vector_load %arg8[%get3A_2179] {strides = array<i32>} : memref<1024xf32, #tpu.memory_space<vmem>>, vector<16xf32>,
      %get3A_2181 = vector.shape_cast %get3A_2180 : vector<16xf32> to vector<16xf32>
      %add3A_2182 = arith.constant 38016 : i32
      %add3A_2183 = arith.addi %add3A_2182, %mul3A_2072 : i32
      %get3A_2184 = arith.index_cast %add3A_2183 : i32 to index
      %get3A_2185 = tpu.vector_load %arg9[%get3A_2184] {strides = array<i32>} : memref<90112xf32, #tpu.memory_space<vmem>>, vector<16xf32>,
      %get3A_2186 = vector.shape_cast %get3A_2185 : vector<16xf32> to vector<16xf32>
      %mul3A_2187 = arith.mulf %get3A_2181, %get3A_2186 : vector<16xf32>
      %add3A_2188 = arith.addf %add3A_2148, %mul3A_2187 : vector<16xf32>
      %get3A_2189 = arith.constant 448 : index
      %get3A_2190 = tpu.vector_load %arg8[%get3A_2189] {strides = array<i32>} : memref<1024xf32, #tpu.memory_space<vmem>>, vector<16xf32>,
      %get3A_2191 = vector.shape_cast %get3A_2190 : vector<16xf32> to vector<16xf32>
      %add3A_2192 = arith.constant 39424 : i32
      %add3A_2193 = arith.addi %add3A_2192, %mul3A_2072 : i32
      %get3A_2194 = arith.index_cast %add3A_2193 : i32 to index
      %get3A_2195 = tpu.vector_load %arg9[%get3A_2194] {strides = array<i32>} : memref<90112xf32, #tpu.memory_space<vmem>>, vector<16xf32>,
      %get3A_2196 = vector.shape_cast %get3A_2195 : vector<16xf32> to vector<16xf32>
      %mul3A_2197 = arith.mulf %get3A_2191, %get3A_2196 : vector<16xf32>
      %add3A_2198 = arith.addf %add3A_2158, %mul3A_2197 : vector<16xf32>
      %get3A_2199 = arith.constant 464 : index
      %get3A_2200 = tpu.vector_load %arg8[%get3A_2199] {strides = array<i32>} : memref<1024xf32, #tpu.memory_space<vmem>>, vector<16xf32>,
      %get3A_2201 = vector.shape_cast %get3A_2200 : vector<16xf32> to vector<16xf32>
      %add3A_2202 = arith.constant 40832 : i32
      %add3A_2203 = arith.addi %add3A_2202, %mul3A_2072 : i32
      %get3A_2204 = arith.index_cast %add3A_2203 : i32 to index
      %get3A_2205 = tpu.vector_load %arg9[%get3A_2204] {strides = array<i32>} : memref<90112xf32, #tpu.memory_space<vmem>>, vector<16xf32>,
      %get3A_2206 = vector.shape_cast %get3A_2205 : vector<16xf32> to vector<16xf32>
      %mul3A_2207 = arith.mulf %get3A_2201, %get3A_2206 : vector<16xf32>
      %add3A_2208 = arith.addf %add3A_2168, %mul3A_2207 : vector<16xf32>
      %get3A_2209 = arith.constant 480 : index
      %get3A_2210 = tpu.vector_load %arg8[%get3A_2209] {strides = array<i32>} : memref<1024xf32, #tpu.memory_space<vmem>>, vector<16xf32>,
      %get3A_2211 = vector.shape_cast %get3A_2210 : vector<16xf32> to vector<16xf32>
      %add3A_2212 = arith.constant 42240 : i32
      %add3A_2213 = arith.addi %add3A_2212, %mul3A_2072 : i32
      %get3A_2214 = arith.index_cast %add3A_2213 : i32 to index
      %get3A_2215 = tpu.vector_load %arg9[%get3A_2214] {strides = array<i32>} : memref<90112xf32, #tpu.memory_space<vmem>>, vector<16xf32>,
      %get3A_2216 = vector.shape_cast %get3A_2215 : vector<16xf32> to vector<16xf32>
      %mul3A_2217 = arith.mulf %get3A_2211, %get3A_2216 : vector<16xf32>
      %add3A_2218 = arith.addf %add3A_2178, %mul3A_2217 : vector<16xf32>
      %get3A_2219 = arith.constant 496 : index
      %get3A_2220 = tpu.vector_load %arg8[%get3A_2219] {strides = array<i32>} : memref<1024xf32, #tpu.memory_space<vmem>>, vector<16xf32>,
      %get3A_2221 = vector.shape_cast %get3A_2220 : vector<16xf32> to vector<16xf32>
      %add3A_2222 = arith.constant 43648 : i32
      %add3A_2223 = arith.addi %add3A_2222, %mul3A_2072 : i32
      %get3A_2224 = arith.index_cast %add3A_2223 : i32 to index
      %get3A_2225 = tpu.vector_load %arg9[%get3A_2224] {strides = array<i32>} : memref<90112xf32, #tpu.memory_space<vmem>>, vector<16xf32>,
      %get3A_2226 = vector.shape_cast %get3A_2225 : vector<16xf32> to vector<16xf32>
      %mul3A_2227 = arith.mulf %get3A_2221, %get3A_2226 : vector<16xf32>
      %add3A_2228 = arith.addf %add3A_2188, %mul3A_2227 : vector<16xf32>
      %add3A_2229 = arith.addf %add3A_2198, %add3A_2208 : vector<16xf32>
      %add3A_2230 = arith.addf %add3A_2218, %add3A_2228 : vector<16xf32>
      %add3A_2231 = arith.addf %add3A_2229, %add3A_2230 : vector<16xf32>
      %swap3A_2232 = arith.index_cast %mul3A_2072 : i32 to index
      %swap3A_2233 = tpu.vector_load %arg10[%swap3A_2232] {strides = array<i32>} : memref<1408xf32, #tpu.memory_space<vmem>>, vector<16xf32>,
      %swap3A_2234 = vector.shape_cast %swap3A_2233 : vector<16xf32> to vector<16xf32>
      %swap3A_2235 = vector.shape_cast %add3A_2231 : vector<16xf32> to vector<16xf32>
      tpu.vector_store %arg10[%swap3A_2232], %swap3A_2235 {add = true, strides = array<i32>} : memref<1408xf32, #tpu.memory_space<vmem>>, vector<16xf32>,
      %scan3A_2236 = arith.constant 0 : i32
      scf.yield %scan3A_2236 : i32
    }
    %scan3A_739 = arith.constant 88 : i32
    %dma_start3A_740 = arith.constant 48 : i32
    %dma_start3A_741 = arith.constant 67584 : i32
    %dma_start3A_742 = tpu.memref_slice %arg9[%dma_start3A_741] : memref<90112xf32, #tpu.memory_space<vmem>> -> memref<1408xf32, #tpu.memory_space<vmem>>
    %dma_start3A_743 = tpu.memref_slice %arg3[%dma_start3A_740, %mul3A_2] : memref<64x100000xf32, #tpu.memory_space<hbm>> -> memref<1x1408xf32, #tpu.memory_space<hbm>>
    %dma_start3A_744 = tpu.memref_squeeze %dma_start3A_743 : memref<1x1408xf32, #tpu.memory_space<hbm>> -> memref<1408xf32, #tpu.memory_space<hbm>>
    %dma_start3A_745 = arith.constant 67584 : i32
    %dma_start3A_746 = tpu.memref_slice %arg9[%dma_start3A_745] : memref<90112xf32, #tpu.memory_space<vmem>> -> memref<1408xf32, #tpu.memory_space<vmem>>
    %dma_start3A_747 = tpu.memref_slice %arg3[%dma_start3A_740, %mul3A_2] : memref<64x100000xf32, #tpu.memory_space<hbm>> -> memref<1x1408xf32, #tpu.memory_space<hbm>>
    %dma_start3A_748 = tpu.memref_squeeze %dma_start3A_747 : memref<1x1408xf32, #tpu.memory_space<hbm>> -> memref<1408xf32, #tpu.memory_space<hbm>>
    tpu.enqueue_dma source(%dma_start3A_748 : memref<1408xf32, #tpu.memory_space<hbm>>) target(%dma_start3A_746 : memref<1408xf32, #tpu.memory_space<vmem>>) target_semaphore(%arg16 : memref<!tpu.dma_semaphore, #tpu.memory_space<semaphore_mem>>)
    %dma_start3A_749 = arith.constant 49 : i32
    %dma_start3A_750 = arith.constant 68992 : i32
    %dma_start3A_751 = tpu.memref_slice %arg9[%dma_start3A_750] : memref<90112xf32, #tpu.memory_space<vmem>> -> memref<1408xf32, #tpu.memory_space<vmem>>
    %dma_start3A_752 = tpu.memref_slice %arg3[%dma_start3A_749, %mul3A_2] : memref<64x100000xf32, #tpu.memory_space<hbm>> -> memref<1x1408xf32, #tpu.memory_space<hbm>>
    %dma_start3A_753 = tpu.memref_squeeze %dma_start3A_752 : memref<1x1408xf32, #tpu.memory_space<hbm>> -> memref<1408xf32, #tpu.memory_space<hbm>>
    %dma_start3A_754 = arith.constant 68992 : i32
    %dma_start3A_755 = tpu.memref_slice %arg9[%dma_start3A_754] : memref<90112xf32, #tpu.memory_space<vmem>> -> memref<1408xf32, #tpu.memory_space<vmem>>
    %dma_start3A_756 = tpu.memref_slice %arg3[%dma_start3A_749, %mul3A_2] : memref<64x100000xf32, #tpu.memory_space<hbm>> -> memref<1x1408xf32, #tpu.memory_space<hbm>>
    %dma_start3A_757 = tpu.memref_squeeze %dma_start3A_756 : memref<1x1408xf32, #tpu.memory_space<hbm>> -> memref<1408xf32, #tpu.memory_space<hbm>>
    tpu.enqueue_dma source(%dma_start3A_757 : memref<1408xf32, #tpu.memory_space<hbm>>) target(%dma_start3A_755 : memref<1408xf32, #tpu.memory_space<vmem>>) target_semaphore(%arg16 : memref<!tpu.dma_semaphore, #tpu.memory_space<semaphore_mem>>)
    %dma_start3A_758 = arith.constant 50 : i32
    %dma_start3A_759 = arith.constant 70400 : i32
    %dma_start3A_760 = tpu.memref_slice %arg9[%dma_start3A_759] : memref<90112xf32, #tpu.memory_space<vmem>> -> memref<1408xf32, #tpu.memory_space<vmem>>
    %dma_start3A_761 = tpu.memref_slice %arg3[%dma_start3A_758, %mul3A_2] : memref<64x100000xf32, #tpu.memory_space<hbm>> -> memref<1x1408xf32, #tpu.memory_space<hbm>>
    %dma_start3A_762 = tpu.memref_squeeze %dma_start3A_761 : memref<1x1408xf32, #tpu.memory_space<hbm>> -> memref<1408xf32, #tpu.memory_space<hbm>>
    %dma_start3A_763 = arith.constant 70400 : i32
    %dma_start3A_764 = tpu.memref_slice %arg9[%dma_start3A_763] : memref<90112xf32, #tpu.memory_space<vmem>> -> memref<1408xf32, #tpu.memory_space<vmem>>
    %dma_start3A_765 = tpu.memref_slice %arg3[%dma_start3A_758, %mul3A_2] : memref<64x100000xf32, #tpu.memory_space<hbm>> -> memref<1x1408xf32, #tpu.memory_space<hbm>>
    %dma_start3A_766 = tpu.memref_squeeze %dma_start3A_765 : memref<1x1408xf32, #tpu.memory_space<hbm>> -> memref<1408xf32, #tpu.memory_space<hbm>>
    tpu.enqueue_dma source(%dma_start3A_766 : memref<1408xf32, #tpu.memory_space<hbm>>) target(%dma_start3A_764 : memref<1408xf32, #tpu.memory_space<vmem>>) target_semaphore(%arg16 : memref<!tpu.dma_semaphore, #tpu.memory_space<semaphore_mem>>)
    %dma_start3A_767 = arith.constant 51 : i32
    %dma_start3A_768 = arith.constant 71808 : i32
    %dma_start3A_769 = tpu.memref_slice %arg9[%dma_start3A_768] : memref<90112xf32, #tpu.memory_space<vmem>> -> memref<1408xf32, #tpu.memory_space<vmem>>
    %dma_start3A_770 = tpu.memref_slice %arg3[%dma_start3A_767, %mul3A_2] : memref<64x100000xf32, #tpu.memory_space<hbm>> -> memref<1x1408xf32, #tpu.memory_space<hbm>>
    %dma_start3A_771 = tpu.memref_squeeze %dma_start3A_770 : memref<1x1408xf32, #tpu.memory_space<hbm>> -> memref<1408xf32, #tpu.memory_space<hbm>>
    %dma_start3A_772 = arith.constant 71808 : i32
    %dma_start3A_773 = tpu.memref_slice %arg9[%dma_start3A_772] : memref<90112xf32, #tpu.memory_space<vmem>> -> memref<1408xf32, #tpu.memory_space<vmem>>
    %dma_start3A_774 = tpu.memref_slice %arg3[%dma_start3A_767, %mul3A_2] : memref<64x100000xf32, #tpu.memory_space<hbm>> -> memref<1x1408xf32, #tpu.memory_space<hbm>>
    %dma_start3A_775 = tpu.memref_squeeze %dma_start3A_774 : memref<1x1408xf32, #tpu.memory_space<hbm>> -> memref<1408xf32, #tpu.memory_space<hbm>>
    tpu.enqueue_dma source(%dma_start3A_775 : memref<1408xf32, #tpu.memory_space<hbm>>) target(%dma_start3A_773 : memref<1408xf32, #tpu.memory_space<vmem>>) target_semaphore(%arg16 : memref<!tpu.dma_semaphore, #tpu.memory_space<semaphore_mem>>)
    %dma_start3A_776 = arith.constant 52 : i32
    %dma_start3A_777 = arith.constant 73216 : i32
    %dma_start3A_778 = tpu.memref_slice %arg9[%dma_start3A_777] : memref<90112xf32, #tpu.memory_space<vmem>> -> memref<1408xf32, #tpu.memory_space<vmem>>
    %dma_start3A_779 = tpu.memref_slice %arg3[%dma_start3A_776, %mul3A_2] : memref<64x100000xf32, #tpu.memory_space<hbm>> -> memref<1x1408xf32, #tpu.memory_space<hbm>>
    %dma_start3A_780 = tpu.memref_squeeze %dma_start3A_779 : memref<1x1408xf32, #tpu.memory_space<hbm>> -> memref<1408xf32, #tpu.memory_space<hbm>>
    %dma_start3A_781 = arith.constant 73216 : i32
    %dma_start3A_782 = tpu.memref_slice %arg9[%dma_start3A_781] : memref<90112xf32, #tpu.memory_space<vmem>> -> memref<1408xf32, #tpu.memory_space<vmem>>
    %dma_start3A_783 = tpu.memref_slice %arg3[%dma_start3A_776, %mul3A_2] : memref<64x100000xf32, #tpu.memory_space<hbm>> -> memref<1x1408xf32, #tpu.memory_space<hbm>>
    %dma_start3A_784 = tpu.memref_squeeze %dma_start3A_783 : memref<1x1408xf32, #tpu.memory_space<hbm>> -> memref<1408xf32, #tpu.memory_space<hbm>>
    tpu.enqueue_dma source(%dma_start3A_784 : memref<1408xf32, #tpu.memory_space<hbm>>) target(%dma_start3A_782 : memref<1408xf32, #tpu.memory_space<vmem>>) target_semaphore(%arg16 : memref<!tpu.dma_semaphore, #tpu.memory_space<semaphore_mem>>)
    %dma_start3A_785 = arith.constant 53 : i32
    %dma_start3A_786 = arith.constant 74624 : i32
    %dma_start3A_787 = tpu.memref_slice %arg9[%dma_start3A_786] : memref<90112xf32, #tpu.memory_space<vmem>> -> memref<1408xf32, #tpu.memory_space<vmem>>
    %dma_start3A_788 = tpu.memref_slice %arg3[%dma_start3A_785, %mul3A_2] : memref<64x100000xf32, #tpu.memory_space<hbm>> -> memref<1x1408xf32, #tpu.memory_space<hbm>>
    %dma_start3A_789 = tpu.memref_squeeze %dma_start3A_788 : memref<1x1408xf32, #tpu.memory_space<hbm>> -> memref<1408xf32, #tpu.memory_space<hbm>>
    %dma_start3A_790 = arith.constant 74624 : i32
    %dma_start3A_791 = tpu.memref_slice %arg9[%dma_start3A_790] : memref<90112xf32, #tpu.memory_space<vmem>> -> memref<1408xf32, #tpu.memory_space<vmem>>
    %dma_start3A_792 = tpu.memref_slice %arg3[%dma_start3A_785, %mul3A_2] : memref<64x100000xf32, #tpu.memory_space<hbm>> -> memref<1x1408xf32, #tpu.memory_space<hbm>>
    %dma_start3A_793 = tpu.memref_squeeze %dma_start3A_792 : memref<1x1408xf32, #tpu.memory_space<hbm>> -> memref<1408xf32, #tpu.memory_space<hbm>>
    tpu.enqueue_dma source(%dma_start3A_793 : memref<1408xf32, #tpu.memory_space<hbm>>) target(%dma_start3A_791 : memref<1408xf32, #tpu.memory_space<vmem>>) target_semaphore(%arg16 : memref<!tpu.dma_semaphore, #tpu.memory_space<semaphore_mem>>)
    %dma_start3A_794 = arith.constant 54 : i32
    %dma_start3A_795 = arith.constant 76032 : i32
    %dma_start3A_796 = tpu.memref_slice %arg9[%dma_start3A_795] : memref<90112xf32, #tpu.memory_space<vmem>> -> memref<1408xf32, #tpu.memory_space<vmem>>
    %dma_start3A_797 = tpu.memref_slice %arg3[%dma_start3A_794, %mul3A_2] : memref<64x100000xf32, #tpu.memory_space<hbm>> -> memref<1x1408xf32, #tpu.memory_space<hbm>>
    %dma_start3A_798 = tpu.memref_squeeze %dma_start3A_797 : memref<1x1408xf32, #tpu.memory_space<hbm>> -> memref<1408xf32, #tpu.memory_space<hbm>>
    %dma_start3A_799 = arith.constant 76032 : i32
    %dma_start3A_800 = tpu.memref_slice %arg9[%dma_start3A_799] : memref<90112xf32, #tpu.memory_space<vmem>> -> memref<1408xf32, #tpu.memory_space<vmem>>
    %dma_start3A_801 = tpu.memref_slice %arg3[%dma_start3A_794, %mul3A_2] : memref<64x100000xf32, #tpu.memory_space<hbm>> -> memref<1x1408xf32, #tpu.memory_space<hbm>>
    %dma_start3A_802 = tpu.memref_squeeze %dma_start3A_801 : memref<1x1408xf32, #tpu.memory_space<hbm>> -> memref<1408xf32, #tpu.memory_space<hbm>>
    tpu.enqueue_dma source(%dma_start3A_802 : memref<1408xf32, #tpu.memory_space<hbm>>) target(%dma_start3A_800 : memref<1408xf32, #tpu.memory_space<vmem>>) target_semaphore(%arg16 : memref<!tpu.dma_semaphore, #tpu.memory_space<semaphore_mem>>)
    %dma_start3A_803 = arith.constant 55 : i32
    %dma_start3A_804 = arith.constant 77440 : i32
    %dma_start3A_805 = tpu.memref_slice %arg9[%dma_start3A_804] : memref<90112xf32, #tpu.memory_space<vmem>> -> memref<1408xf32, #tpu.memory_space<vmem>>
    %dma_start3A_806 = tpu.memref_slice %arg3[%dma_start3A_803, %mul3A_2] : memref<64x100000xf32, #tpu.memory_space<hbm>> -> memref<1x1408xf32, #tpu.memory_space<hbm>>
    %dma_start3A_807 = tpu.memref_squeeze %dma_start3A_806 : memref<1x1408xf32, #tpu.memory_space<hbm>> -> memref<1408xf32, #tpu.memory_space<hbm>>
    %dma_start3A_808 = arith.constant 77440 : i32
    %dma_start3A_809 = tpu.memref_slice %arg9[%dma_start3A_808] : memref<90112xf32, #tpu.memory_space<vmem>> -> memref<1408xf32, #tpu.memory_space<vmem>>
    %dma_start3A_810 = tpu.memref_slice %arg3[%dma_start3A_803, %mul3A_2] : memref<64x100000xf32, #tpu.memory_space<hbm>> -> memref<1x1408xf32, #tpu.memory_space<hbm>>
    %dma_start3A_811 = tpu.memref_squeeze %dma_start3A_810 : memref<1x1408xf32, #tpu.memory_space<hbm>> -> memref<1408xf32, #tpu.memory_space<hbm>>
    tpu.enqueue_dma source(%dma_start3A_811 : memref<1408xf32, #tpu.memory_space<hbm>>) target(%dma_start3A_809 : memref<1408xf32, #tpu.memory_space<vmem>>) target_semaphore(%arg16 : memref<!tpu.dma_semaphore, #tpu.memory_space<semaphore_mem>>)
    %dma_start3A_812 = arith.constant 56 : i32
    %dma_start3A_813 = arith.constant 78848 : i32
    %dma_start3A_814 = tpu.memref_slice %arg9[%dma_start3A_813] : memref<90112xf32, #tpu.memory_space<vmem>> -> memref<1408xf32, #tpu.memory_space<vmem>>
    %dma_start3A_815 = tpu.memref_slice %arg3[%dma_start3A_812, %mul3A_2] : memref<64x100000xf32, #tpu.memory_space<hbm>> -> memref<1x1408xf32, #tpu.memory_space<hbm>>
    %dma_start3A_816 = tpu.memref_squeeze %dma_start3A_815 : memref<1x1408xf32, #tpu.memory_space<hbm>> -> memref<1408xf32, #tpu.memory_space<hbm>>
    %dma_start3A_817 = arith.constant 78848 : i32
    %dma_start3A_818 = tpu.memref_slice %arg9[%dma_start3A_817] : memref<90112xf32, #tpu.memory_space<vmem>> -> memref<1408xf32, #tpu.memory_space<vmem>>
    %dma_start3A_819 = tpu.memref_slice %arg3[%dma_start3A_812, %mul3A_2] : memref<64x100000xf32, #tpu.memory_space<hbm>> -> memref<1x1408xf32, #tpu.memory_space<hbm>>
    %dma_start3A_820 = tpu.memref_squeeze %dma_start3A_819 : memref<1x1408xf32, #tpu.memory_space<hbm>> -> memref<1408xf32, #tpu.memory_space<hbm>>
    tpu.enqueue_dma source(%dma_start3A_820 : memref<1408xf32, #tpu.memory_space<hbm>>) target(%dma_start3A_818 : memref<1408xf32, #tpu.memory_space<vmem>>) target_semaphore(%arg16 : memref<!tpu.dma_semaphore, #tpu.memory_space<semaphore_mem>>)
    %dma_start3A_821 = arith.constant 57 : i32
    %dma_start3A_822 = arith.constant 80256 : i32
    %dma_start3A_823 = tpu.memref_slice %arg9[%dma_start3A_822] : memref<90112xf32, #tpu.memory_space<vmem>> -> memref<1408xf32, #tpu.memory_space<vmem>>
    %dma_start3A_824 = tpu.memref_slice %arg3[%dma_start3A_821, %mul3A_2] : memref<64x100000xf32, #tpu.memory_space<hbm>> -> memref<1x1408xf32, #tpu.memory_space<hbm>>
    %dma_start3A_825 = tpu.memref_squeeze %dma_start3A_824 : memref<1x1408xf32, #tpu.memory_space<hbm>> -> memref<1408xf32, #tpu.memory_space<hbm>>
    %dma_start3A_826 = arith.constant 80256 : i32
    %dma_start3A_827 = tpu.memref_slice %arg9[%dma_start3A_826] : memref<90112xf32, #tpu.memory_space<vmem>> -> memref<1408xf32, #tpu.memory_space<vmem>>
    %dma_start3A_828 = tpu.memref_slice %arg3[%dma_start3A_821, %mul3A_2] : memref<64x100000xf32, #tpu.memory_space<hbm>> -> memref<1x1408xf32, #tpu.memory_space<hbm>>
    %dma_start3A_829 = tpu.memref_squeeze %dma_start3A_828 : memref<1x1408xf32, #tpu.memory_space<hbm>> -> memref<1408xf32, #tpu.memory_space<hbm>>
    tpu.enqueue_dma source(%dma_start3A_829 : memref<1408xf32, #tpu.memory_space<hbm>>) target(%dma_start3A_827 : memref<1408xf32, #tpu.memory_space<vmem>>) target_semaphore(%arg16 : memref<!tpu.dma_semaphore, #tpu.memory_space<semaphore_mem>>)
    %dma_start3A_830 = arith.constant 58 : i32
    %dma_start3A_831 = arith.constant 81664 : i32
    %dma_start3A_832 = tpu.memref_slice %arg9[%dma_start3A_831] : memref<90112xf32, #tpu.memory_space<vmem>> -> memref<1408xf32, #tpu.memory_space<vmem>>
    %dma_start3A_833 = tpu.memref_slice %arg3[%dma_start3A_830, %mul3A_2] : memref<64x100000xf32, #tpu.memory_space<hbm>> -> memref<1x1408xf32, #tpu.memory_space<hbm>>
    %dma_start3A_834 = tpu.memref_squeeze %dma_start3A_833 : memref<1x1408xf32, #tpu.memory_space<hbm>> -> memref<1408xf32, #tpu.memory_space<hbm>>
    %dma_start3A_835 = arith.constant 81664 : i32
    %dma_start3A_836 = tpu.memref_slice %arg9[%dma_start3A_835] : memref<90112xf32, #tpu.memory_space<vmem>> -> memref<1408xf32, #tpu.memory_space<vmem>>
    %dma_start3A_837 = tpu.memref_slice %arg3[%dma_start3A_830, %mul3A_2] : memref<64x100000xf32, #tpu.memory_space<hbm>> -> memref<1x1408xf32, #tpu.memory_space<hbm>>
    %dma_start3A_838 = tpu.memref_squeeze %dma_start3A_837 : memref<1x1408xf32, #tpu.memory_space<hbm>> -> memref<1408xf32, #tpu.memory_space<hbm>>
    tpu.enqueue_dma source(%dma_start3A_838 : memref<1408xf32, #tpu.memory_space<hbm>>) target(%dma_start3A_836 : memref<1408xf32, #tpu.memory_space<vmem>>) target_semaphore(%arg16 : memref<!tpu.dma_semaphore, #tpu.memory_space<semaphore_mem>>)
    %dma_start3A_839 = arith.constant 59 : i32
    %dma_start3A_840 = arith.constant 83072 : i32
    %dma_start3A_841 = tpu.memref_slice %arg9[%dma_start3A_840] : memref<90112xf32, #tpu.memory_space<vmem>> -> memref<1408xf32, #tpu.memory_space<vmem>>
    %dma_start3A_842 = tpu.memref_slice %arg3[%dma_start3A_839, %mul3A_2] : memref<64x100000xf32, #tpu.memory_space<hbm>> -> memref<1x1408xf32, #tpu.memory_space<hbm>>
    %dma_start3A_843 = tpu.memref_squeeze %dma_start3A_842 : memref<1x1408xf32, #tpu.memory_space<hbm>> -> memref<1408xf32, #tpu.memory_space<hbm>>
    %dma_start3A_844 = arith.constant 83072 : i32
    %dma_start3A_845 = tpu.memref_slice %arg9[%dma_start3A_844] : memref<90112xf32, #tpu.memory_space<vmem>> -> memref<1408xf32, #tpu.memory_space<vmem>>
    %dma_start3A_846 = tpu.memref_slice %arg3[%dma_start3A_839, %mul3A_2] : memref<64x100000xf32, #tpu.memory_space<hbm>> -> memref<1x1408xf32, #tpu.memory_space<hbm>>
    %dma_start3A_847 = tpu.memref_squeeze %dma_start3A_846 : memref<1x1408xf32, #tpu.memory_space<hbm>> -> memref<1408xf32, #tpu.memory_space<hbm>>
    tpu.enqueue_dma source(%dma_start3A_847 : memref<1408xf32, #tpu.memory_space<hbm>>) target(%dma_start3A_845 : memref<1408xf32, #tpu.memory_space<vmem>>) target_semaphore(%arg16 : memref<!tpu.dma_semaphore, #tpu.memory_space<semaphore_mem>>)
    %dma_start3A_848 = arith.constant 60 : i32
    %dma_start3A_849 = arith.constant 84480 : i32
    %dma_start3A_850 = tpu.memref_slice %arg9[%dma_start3A_849] : memref<90112xf32, #tpu.memory_space<vmem>> -> memref<1408xf32, #tpu.memory_space<vmem>>
    %dma_start3A_851 = tpu.memref_slice %arg3[%dma_start3A_848, %mul3A_2] : memref<64x100000xf32, #tpu.memory_space<hbm>> -> memref<1x1408xf32, #tpu.memory_space<hbm>>
    %dma_start3A_852 = tpu.memref_squeeze %dma_start3A_851 : memref<1x1408xf32, #tpu.memory_space<hbm>> -> memref<1408xf32, #tpu.memory_space<hbm>>
    %dma_start3A_853 = arith.constant 84480 : i32
    %dma_start3A_854 = tpu.memref_slice %arg9[%dma_start3A_853] : memref<90112xf32, #tpu.memory_space<vmem>> -> memref<1408xf32, #tpu.memory_space<vmem>>
    %dma_start3A_855 = tpu.memref_slice %arg3[%dma_start3A_848, %mul3A_2] : memref<64x100000xf32, #tpu.memory_space<hbm>> -> memref<1x1408xf32, #tpu.memory_space<hbm>>
    %dma_start3A_856 = tpu.memref_squeeze %dma_start3A_855 : memref<1x1408xf32, #tpu.memory_space<hbm>> -> memref<1408xf32, #tpu.memory_space<hbm>>
    tpu.enqueue_dma source(%dma_start3A_856 : memref<1408xf32, #tpu.memory_space<hbm>>) target(%dma_start3A_854 : memref<1408xf32, #tpu.memory_space<vmem>>) target_semaphore(%arg16 : memref<!tpu.dma_semaphore, #tpu.memory_space<semaphore_mem>>)
    %dma_start3A_857 = arith.constant 61 : i32
    %dma_start3A_858 = arith.constant 85888 : i32
    %dma_start3A_859 = tpu.memref_slice %arg9[%dma_start3A_858] : memref<90112xf32, #tpu.memory_space<vmem>> -> memref<1408xf32, #tpu.memory_space<vmem>>
    %dma_start3A_860 = tpu.memref_slice %arg3[%dma_start3A_857, %mul3A_2] : memref<64x100000xf32, #tpu.memory_space<hbm>> -> memref<1x1408xf32, #tpu.memory_space<hbm>>
    %dma_start3A_861 = tpu.memref_squeeze %dma_start3A_860 : memref<1x1408xf32, #tpu.memory_space<hbm>> -> memref<1408xf32, #tpu.memory_space<hbm>>
    %dma_start3A_862 = arith.constant 85888 : i32
    %dma_start3A_863 = tpu.memref_slice %arg9[%dma_start3A_862] : memref<90112xf32, #tpu.memory_space<vmem>> -> memref<1408xf32, #tpu.memory_space<vmem>>
    %dma_start3A_864 = tpu.memref_slice %arg3[%dma_start3A_857, %mul3A_2] : memref<64x100000xf32, #tpu.memory_space<hbm>> -> memref<1x1408xf32, #tpu.memory_space<hbm>>
    %dma_start3A_865 = tpu.memref_squeeze %dma_start3A_864 : memref<1x1408xf32, #tpu.memory_space<hbm>> -> memref<1408xf32, #tpu.memory_space<hbm>>
    tpu.enqueue_dma source(%dma_start3A_865 : memref<1408xf32, #tpu.memory_space<hbm>>) target(%dma_start3A_863 : memref<1408xf32, #tpu.memory_space<vmem>>) target_semaphore(%arg16 : memref<!tpu.dma_semaphore, #tpu.memory_space<semaphore_mem>>)
    %dma_start3A_866 = arith.constant 62 : i32
    %dma_start3A_867 = arith.constant 87296 : i32
    %dma_start3A_868 = tpu.memref_slice %arg9[%dma_start3A_867] : memref<90112xf32, #tpu.memory_space<vmem>> -> memref<1408xf32, #tpu.memory_space<vmem>>
    %dma_start3A_869 = tpu.memref_slice %arg3[%dma_start3A_866, %mul3A_2] : memref<64x100000xf32, #tpu.memory_space<hbm>> -> memref<1x1408xf32, #tpu.memory_space<hbm>>
    %dma_start3A_870 = tpu.memref_squeeze %dma_start3A_869 : memref<1x1408xf32, #tpu.memory_space<hbm>> -> memref<1408xf32, #tpu.memory_space<hbm>>
    %dma_start3A_871 = arith.constant 87296 : i32
    %dma_start3A_872 = tpu.memref_slice %arg9[%dma_start3A_871] : memref<90112xf32, #tpu.memory_space<vmem>> -> memref<1408xf32, #tpu.memory_space<vmem>>
    %dma_start3A_873 = tpu.memref_slice %arg3[%dma_start3A_866, %mul3A_2] : memref<64x100000xf32, #tpu.memory_space<hbm>> -> memref<1x1408xf32, #tpu.memory_space<hbm>>
    %dma_start3A_874 = tpu.memref_squeeze %dma_start3A_873 : memref<1x1408xf32, #tpu.memory_space<hbm>> -> memref<1408xf32, #tpu.memory_space<hbm>>
    tpu.enqueue_dma source(%dma_start3A_874 : memref<1408xf32, #tpu.memory_space<hbm>>) target(%dma_start3A_872 : memref<1408xf32, #tpu.memory_space<vmem>>) target_semaphore(%arg16 : memref<!tpu.dma_semaphore, #tpu.memory_space<semaphore_mem>>)
    %dma_start3A_875 = arith.constant 63 : i32
    %dma_start3A_876 = arith.constant 88704 : i32
    %dma_start3A_877 = tpu.memref_slice %arg9[%dma_start3A_876] : memref<90112xf32, #tpu.memory_space<vmem>> -> memref<1408xf32, #tpu.memory_space<vmem>>
    %dma_start3A_878 = tpu.memref_slice %arg3[%dma_start3A_875, %mul3A_2] : memref<64x100000xf32, #tpu.memory_space<hbm>> -> memref<1x1408xf32, #tpu.memory_space<hbm>>
    %dma_start3A_879 = tpu.memref_squeeze %dma_start3A_878 : memref<1x1408xf32, #tpu.memory_space<hbm>> -> memref<1408xf32, #tpu.memory_space<hbm>>
    %dma_start3A_880 = arith.constant 88704 : i32
    %dma_start3A_881 = tpu.memref_slice %arg9[%dma_start3A_880] : memref<90112xf32, #tpu.memory_space<vmem>> -> memref<1408xf32, #tpu.memory_space<vmem>>
    %dma_start3A_882 = tpu.memref_slice %arg3[%dma_start3A_875, %mul3A_2] : memref<64x100000xf32, #tpu.memory_space<hbm>> -> memref<1x1408xf32, #tpu.memory_space<hbm>>
    %dma_start3A_883 = tpu.memref_squeeze %dma_start3A_882 : memref<1x1408xf32, #tpu.memory_space<hbm>> -> memref<1408xf32, #tpu.memory_space<hbm>>
    tpu.enqueue_dma source(%dma_start3A_883 : memref<1408xf32, #tpu.memory_space<hbm>>) target(%dma_start3A_881 : memref<1408xf32, #tpu.memory_space<vmem>>) target_semaphore(%arg16 : memref<!tpu.dma_semaphore, #tpu.memory_space<semaphore_mem>>)
    %dma_wait3A_884 = arith.constant 32 : i32
    %dma_wait3A_885 = arith.constant 45056 : i32
    %dma_wait3A_886 = tpu.memref_slice %arg9[%dma_wait3A_885] : memref<90112xf32, #tpu.memory_space<vmem>> -> memref<1408xf32, #tpu.memory_space<vmem>>
    %dma_wait3A_887 = tpu.memref_slice %arg3[%dma_wait3A_884, %mul3A_2] : memref<64x100000xf32, #tpu.memory_space<hbm>> -> memref<1x1408xf32, #tpu.memory_space<hbm>>
    %dma_wait3A_888 = tpu.memref_squeeze %dma_wait3A_887 : memref<1x1408xf32, #tpu.memory_space<hbm>> -> memref<1408xf32, #tpu.memory_space<hbm>>
    %dma_wait3A_889 = arith.constant 45056 : i32
    %dma_wait3A_890 = tpu.memref_slice %arg9[%dma_wait3A_889] : memref<90112xf32, #tpu.memory_space<vmem>> -> memref<1408xf32, #tpu.memory_space<vmem>>
    %dma_wait3A_891 = tpu.memref_slice %arg3[%dma_wait3A_884, %mul3A_2] : memref<64x100000xf32, #tpu.memory_space<hbm>> -> memref<1x1408xf32, #tpu.memory_space<hbm>>
    %dma_wait3A_892 = tpu.memref_squeeze %dma_wait3A_891 : memref<1x1408xf32, #tpu.memory_space<hbm>> -> memref<1408xf32, #tpu.memory_space<hbm>>
    tpu.wait_dma2 semaphore(%arg15 : memref<!tpu.dma_semaphore, #tpu.memory_space<semaphore_mem>>) src(%dma_wait3A_892 : memref<1408xf32, #tpu.memory_space<hbm>>) dst(%dma_wait3A_890 : memref<1408xf32, #tpu.memory_space<vmem>>)
    %dma_wait3A_893 = arith.constant 33 : i32
    %dma_wait3A_894 = arith.constant 46464 : i32
    %dma_wait3A_895 = tpu.memref_slice %arg9[%dma_wait3A_894] : memref<90112xf32, #tpu.memory_space<vmem>> -> memref<1408xf32, #tpu.memory_space<vmem>>
    %dma_wait3A_896 = tpu.memref_slice %arg3[%dma_wait3A_893, %mul3A_2] : memref<64x100000xf32, #tpu.memory_space<hbm>> -> memref<1x1408xf32, #tpu.memory_space<hbm>>
    %dma_wait3A_897 = tpu.memref_squeeze %dma_wait3A_896 : memref<1x1408xf32, #tpu.memory_space<hbm>> -> memref<1408xf32, #tpu.memory_space<hbm>>
    %dma_wait3A_898 = arith.constant 46464 : i32
    %dma_wait3A_899 = tpu.memref_slice %arg9[%dma_wait3A_898] : memref<90112xf32, #tpu.memory_space<vmem>> -> memref<1408xf32, #tpu.memory_space<vmem>>
    %dma_wait3A_900 = tpu.memref_slice %arg3[%dma_wait3A_893, %mul3A_2] : memref<64x100000xf32, #tpu.memory_space<hbm>> -> memref<1x1408xf32, #tpu.memory_space<hbm>>
    %dma_wait3A_901 = tpu.memref_squeeze %dma_wait3A_900 : memref<1x1408xf32, #tpu.memory_space<hbm>> -> memref<1408xf32, #tpu.memory_space<hbm>>
    tpu.wait_dma2 semaphore(%arg15 : memref<!tpu.dma_semaphore, #tpu.memory_space<semaphore_mem>>) src(%dma_wait3A_901 : memref<1408xf32, #tpu.memory_space<hbm>>) dst(%dma_wait3A_899 : memref<1408xf32, #tpu.memory_space<vmem>>)
    %dma_wait3A_902 = arith.constant 34 : i32
    %dma_wait3A_903 = arith.constant 47872 : i32
    %dma_wait3A_904 = tpu.memref_slice %arg9[%dma_wait3A_903] : memref<90112xf32, #tpu.memory_space<vmem>> -> memref<1408xf32, #tpu.memory_space<vmem>>
    %dma_wait3A_905 = tpu.memref_slice %arg3[%dma_wait3A_902, %mul3A_2] : memref<64x100000xf32, #tpu.memory_space<hbm>> -> memref<1x1408xf32, #tpu.memory_space<hbm>>
    %dma_wait3A_906 = tpu.memref_squeeze %dma_wait3A_905 : memref<1x1408xf32, #tpu.memory_space<hbm>> -> memref<1408xf32, #tpu.memory_space<hbm>>
    %dma_wait3A_907 = arith.constant 47872 : i32
    %dma_wait3A_908 = tpu.memref_slice %arg9[%dma_wait3A_907] : memref<90112xf32, #tpu.memory_space<vmem>> -> memref<1408xf32, #tpu.memory_space<vmem>>
    %dma_wait3A_909 = tpu.memref_slice %arg3[%dma_wait3A_902, %mul3A_2] : memref<64x100000xf32, #tpu.memory_space<hbm>> -> memref<1x1408xf32, #tpu.memory_space<hbm>>
    %dma_wait3A_910 = tpu.memref_squeeze %dma_wait3A_909 : memref<1x1408xf32, #tpu.memory_space<hbm>> -> memref<1408xf32, #tpu.memory_space<hbm>>
    tpu.wait_dma2 semaphore(%arg15 : memref<!tpu.dma_semaphore, #tpu.memory_space<semaphore_mem>>) src(%dma_wait3A_910 : memref<1408xf32, #tpu.memory_space<hbm>>) dst(%dma_wait3A_908 : memref<1408xf32, #tpu.memory_space<vmem>>)
    %dma_wait3A_911 = arith.constant 35 : i32
    %dma_wait3A_912 = arith.constant 49280 : i32
    %dma_wait3A_913 = tpu.memref_slice %arg9[%dma_wait3A_912] : memref<90112xf32, #tpu.memory_space<vmem>> -> memref<1408xf32, #tpu.memory_space<vmem>>
    %dma_wait3A_914 = tpu.memref_slice %arg3[%dma_wait3A_911, %mul3A_2] : memref<64x100000xf32, #tpu.memory_space<hbm>> -> memref<1x1408xf32, #tpu.memory_space<hbm>>
    %dma_wait3A_915 = tpu.memref_squeeze %dma_wait3A_914 : memref<1x1408xf32, #tpu.memory_space<hbm>> -> memref<1408xf32, #tpu.memory_space<hbm>>
    %dma_wait3A_916 = arith.constant 49280 : i32
    %dma_wait3A_917 = tpu.memref_slice %arg9[%dma_wait3A_916] : memref<90112xf32, #tpu.memory_space<vmem>> -> memref<1408xf32, #tpu.memory_space<vmem>>
    %dma_wait3A_918 = tpu.memref_slice %arg3[%dma_wait3A_911, %mul3A_2] : memref<64x100000xf32, #tpu.memory_space<hbm>> -> memref<1x1408xf32, #tpu.memory_space<hbm>>
    %dma_wait3A_919 = tpu.memref_squeeze %dma_wait3A_918 : memref<1x1408xf32, #tpu.memory_space<hbm>> -> memref<1408xf32, #tpu.memory_space<hbm>>
    tpu.wait_dma2 semaphore(%arg15 : memref<!tpu.dma_semaphore, #tpu.memory_space<semaphore_mem>>) src(%dma_wait3A_919 : memref<1408xf32, #tpu.memory_space<hbm>>) dst(%dma_wait3A_917 : memref<1408xf32, #tpu.memory_space<vmem>>)
    %dma_wait3A_920 = arith.constant 36 : i32
    %dma_wait3A_921 = arith.constant 50688 : i32
    %dma_wait3A_922 = tpu.memref_slice %arg9[%dma_wait3A_921] : memref<90112xf32, #tpu.memory_space<vmem>> -> memref<1408xf32, #tpu.memory_space<vmem>>
    %dma_wait3A_923 = tpu.memref_slice %arg3[%dma_wait3A_920, %mul3A_2] : memref<64x100000xf32, #tpu.memory_space<hbm>> -> memref<1x1408xf32, #tpu.memory_space<hbm>>
    %dma_wait3A_924 = tpu.memref_squeeze %dma_wait3A_923 : memref<1x1408xf32, #tpu.memory_space<hbm>> -> memref<1408xf32, #tpu.memory_space<hbm>>
    %dma_wait3A_925 = arith.constant 50688 : i32
    %dma_wait3A_926 = tpu.memref_slice %arg9[%dma_wait3A_925] : memref<90112xf32, #tpu.memory_space<vmem>> -> memref<1408xf32, #tpu.memory_space<vmem>>
    %dma_wait3A_927 = tpu.memref_slice %arg3[%dma_wait3A_920, %mul3A_2] : memref<64x100000xf32, #tpu.memory_space<hbm>> -> memref<1x1408xf32, #tpu.memory_space<hbm>>
    %dma_wait3A_928 = tpu.memref_squeeze %dma_wait3A_927 : memref<1x1408xf32, #tpu.memory_space<hbm>> -> memref<1408xf32, #tpu.memory_space<hbm>>
    tpu.wait_dma2 semaphore(%arg15 : memref<!tpu.dma_semaphore, #tpu.memory_space<semaphore_mem>>) src(%dma_wait3A_928 : memref<1408xf32, #tpu.memory_space<hbm>>) dst(%dma_wait3A_926 : memref<1408xf32, #tpu.memory_space<vmem>>)
    %dma_wait3A_929 = arith.constant 37 : i32
    %dma_wait3A_930 = arith.constant 52096 : i32
    %dma_wait3A_931 = tpu.memref_slice %arg9[%dma_wait3A_930] : memref<90112xf32, #tpu.memory_space<vmem>> -> memref<1408xf32, #tpu.memory_space<vmem>>
    %dma_wait3A_932 = tpu.memref_slice %arg3[%dma_wait3A_929, %mul3A_2] : memref<64x100000xf32, #tpu.memory_space<hbm>> -> memref<1x1408xf32, #tpu.memory_space<hbm>>
    %dma_wait3A_933 = tpu.memref_squeeze %dma_wait3A_932 : memref<1x1408xf32, #tpu.memory_space<hbm>> -> memref<1408xf32, #tpu.memory_space<hbm>>
    %dma_wait3A_934 = arith.constant 52096 : i32
    %dma_wait3A_935 = tpu.memref_slice %arg9[%dma_wait3A_934] : memref<90112xf32, #tpu.memory_space<vmem>> -> memref<1408xf32, #tpu.memory_space<vmem>>
    %dma_wait3A_936 = tpu.memref_slice %arg3[%dma_wait3A_929, %mul3A_2] : memref<64x100000xf32, #tpu.memory_space<hbm>> -> memref<1x1408xf32, #tpu.memory_space<hbm>>
    %dma_wait3A_937 = tpu.memref_squeeze %dma_wait3A_936 : memref<1x1408xf32, #tpu.memory_space<hbm>> -> memref<1408xf32, #tpu.memory_space<hbm>>
    tpu.wait_dma2 semaphore(%arg15 : memref<!tpu.dma_semaphore, #tpu.memory_space<semaphore_mem>>) src(%dma_wait3A_937 : memref<1408xf32, #tpu.memory_space<hbm>>) dst(%dma_wait3A_935 : memref<1408xf32, #tpu.memory_space<vmem>>)
    %dma_wait3A_938 = arith.constant 38 : i32
    %dma_wait3A_939 = arith.constant 53504 : i32
    %dma_wait3A_940 = tpu.memref_slice %arg9[%dma_wait3A_939] : memref<90112xf32, #tpu.memory_space<vmem>> -> memref<1408xf32, #tpu.memory_space<vmem>>
    %dma_wait3A_941 = tpu.memref_slice %arg3[%dma_wait3A_938, %mul3A_2] : memref<64x100000xf32, #tpu.memory_space<hbm>> -> memref<1x1408xf32, #tpu.memory_space<hbm>>
    %dma_wait3A_942 = tpu.memref_squeeze %dma_wait3A_941 : memref<1x1408xf32, #tpu.memory_space<hbm>> -> memref<1408xf32, #tpu.memory_space<hbm>>
    %dma_wait3A_943 = arith.constant 53504 : i32
    %dma_wait3A_944 = tpu.memref_slice %arg9[%dma_wait3A_943] : memref<90112xf32, #tpu.memory_space<vmem>> -> memref<1408xf32, #tpu.memory_space<vmem>>
    %dma_wait3A_945 = tpu.memref_slice %arg3[%dma_wait3A_938, %mul3A_2] : memref<64x100000xf32, #tpu.memory_space<hbm>> -> memref<1x1408xf32, #tpu.memory_space<hbm>>
    %dma_wait3A_946 = tpu.memref_squeeze %dma_wait3A_945 : memref<1x1408xf32, #tpu.memory_space<hbm>> -> memref<1408xf32, #tpu.memory_space<hbm>>
    tpu.wait_dma2 semaphore(%arg15 : memref<!tpu.dma_semaphore, #tpu.memory_space<semaphore_mem>>) src(%dma_wait3A_946 : memref<1408xf32, #tpu.memory_space<hbm>>) dst(%dma_wait3A_944 : memref<1408xf32, #tpu.memory_space<vmem>>)
    %dma_wait3A_947 = arith.constant 39 : i32
    %dma_wait3A_948 = arith.constant 54912 : i32
    %dma_wait3A_949 = tpu.memref_slice %arg9[%dma_wait3A_948] : memref<90112xf32, #tpu.memory_space<vmem>> -> memref<1408xf32, #tpu.memory_space<vmem>>
    %dma_wait3A_950 = tpu.memref_slice %arg3[%dma_wait3A_947, %mul3A_2] : memref<64x100000xf32, #tpu.memory_space<hbm>> -> memref<1x1408xf32, #tpu.memory_space<hbm>>
    %dma_wait3A_951 = tpu.memref_squeeze %dma_wait3A_950 : memref<1x1408xf32, #tpu.memory_space<hbm>> -> memref<1408xf32, #tpu.memory_space<hbm>>
    %dma_wait3A_952 = arith.constant 54912 : i32
    %dma_wait3A_953 = tpu.memref_slice %arg9[%dma_wait3A_952] : memref<90112xf32, #tpu.memory_space<vmem>> -> memref<1408xf32, #tpu.memory_space<vmem>>
    %dma_wait3A_954 = tpu.memref_slice %arg3[%dma_wait3A_947, %mul3A_2] : memref<64x100000xf32, #tpu.memory_space<hbm>> -> memref<1x1408xf32, #tpu.memory_space<hbm>>
    %dma_wait3A_955 = tpu.memref_squeeze %dma_wait3A_954 : memref<1x1408xf32, #tpu.memory_space<hbm>> -> memref<1408xf32, #tpu.memory_space<hbm>>
    tpu.wait_dma2 semaphore(%arg15 : memref<!tpu.dma_semaphore, #tpu.memory_space<semaphore_mem>>) src(%dma_wait3A_955 : memref<1408xf32, #tpu.memory_space<hbm>>) dst(%dma_wait3A_953 : memref<1408xf32, #tpu.memory_space<vmem>>)
    %dma_wait3A_956 = arith.constant 40 : i32
    %dma_wait3A_957 = arith.constant 56320 : i32
    %dma_wait3A_958 = tpu.memref_slice %arg9[%dma_wait3A_957] : memref<90112xf32, #tpu.memory_space<vmem>> -> memref<1408xf32, #tpu.memory_space<vmem>>
    %dma_wait3A_959 = tpu.memref_slice %arg3[%dma_wait3A_956, %mul3A_2] : memref<64x100000xf32, #tpu.memory_space<hbm>> -> memref<1x1408xf32, #tpu.memory_space<hbm>>
    %dma_wait3A_960 = tpu.memref_squeeze %dma_wait3A_959 : memref<1x1408xf32, #tpu.memory_space<hbm>> -> memref<1408xf32, #tpu.memory_space<hbm>>
    %dma_wait3A_961 = arith.constant 56320 : i32
    %dma_wait3A_962 = tpu.memref_slice %arg9[%dma_wait3A_961] : memref<90112xf32, #tpu.memory_space<vmem>> -> memref<1408xf32, #tpu.memory_space<vmem>>
    %dma_wait3A_963 = tpu.memref_slice %arg3[%dma_wait3A_956, %mul3A_2] : memref<64x100000xf32, #tpu.memory_space<hbm>> -> memref<1x1408xf32, #tpu.memory_space<hbm>>
    %dma_wait3A_964 = tpu.memref_squeeze %dma_wait3A_963 : memref<1x1408xf32, #tpu.memory_space<hbm>> -> memref<1408xf32, #tpu.memory_space<hbm>>
    tpu.wait_dma2 semaphore(%arg15 : memref<!tpu.dma_semaphore, #tpu.memory_space<semaphore_mem>>) src(%dma_wait3A_964 : memref<1408xf32, #tpu.memory_space<hbm>>) dst(%dma_wait3A_962 : memref<1408xf32, #tpu.memory_space<vmem>>)
    %dma_wait3A_965 = arith.constant 41 : i32
    %dma_wait3A_966 = arith.constant 57728 : i32
    %dma_wait3A_967 = tpu.memref_slice %arg9[%dma_wait3A_966] : memref<90112xf32, #tpu.memory_space<vmem>> -> memref<1408xf32, #tpu.memory_space<vmem>>
    %dma_wait3A_968 = tpu.memref_slice %arg3[%dma_wait3A_965, %mul3A_2] : memref<64x100000xf32, #tpu.memory_space<hbm>> -> memref<1x1408xf32, #tpu.memory_space<hbm>>
    %dma_wait3A_969 = tpu.memref_squeeze %dma_wait3A_968 : memref<1x1408xf32, #tpu.memory_space<hbm>> -> memref<1408xf32, #tpu.memory_space<hbm>>
    %dma_wait3A_970 = arith.constant 57728 : i32
    %dma_wait3A_971 = tpu.memref_slice %arg9[%dma_wait3A_970] : memref<90112xf32, #tpu.memory_space<vmem>> -> memref<1408xf32, #tpu.memory_space<vmem>>
    %dma_wait3A_972 = tpu.memref_slice %arg3[%dma_wait3A_965, %mul3A_2] : memref<64x100000xf32, #tpu.memory_space<hbm>> -> memref<1x1408xf32, #tpu.memory_space<hbm>>
    %dma_wait3A_973 = tpu.memref_squeeze %dma_wait3A_972 : memref<1x1408xf32, #tpu.memory_space<hbm>> -> memref<1408xf32, #tpu.memory_space<hbm>>
    tpu.wait_dma2 semaphore(%arg15 : memref<!tpu.dma_semaphore, #tpu.memory_space<semaphore_mem>>) src(%dma_wait3A_973 : memref<1408xf32, #tpu.memory_space<hbm>>) dst(%dma_wait3A_971 : memref<1408xf32, #tpu.memory_space<vmem>>)
    %dma_wait3A_974 = arith.constant 42 : i32
    %dma_wait3A_975 = arith.constant 59136 : i32
    %dma_wait3A_976 = tpu.memref_slice %arg9[%dma_wait3A_975] : memref<90112xf32, #tpu.memory_space<vmem>> -> memref<1408xf32, #tpu.memory_space<vmem>>
    %dma_wait3A_977 = tpu.memref_slice %arg3[%dma_wait3A_974, %mul3A_2] : memref<64x100000xf32, #tpu.memory_space<hbm>> -> memref<1x1408xf32, #tpu.memory_space<hbm>>
    %dma_wait3A_978 = tpu.memref_squeeze %dma_wait3A_977 : memref<1x1408xf32, #tpu.memory_space<hbm>> -> memref<1408xf32, #tpu.memory_space<hbm>>
    %dma_wait3A_979 = arith.constant 59136 : i32
    %dma_wait3A_980 = tpu.memref_slice %arg9[%dma_wait3A_979] : memref<90112xf32, #tpu.memory_space<vmem>> -> memref<1408xf32, #tpu.memory_space<vmem>>
    %dma_wait3A_981 = tpu.memref_slice %arg3[%dma_wait3A_974, %mul3A_2] : memref<64x100000xf32, #tpu.memory_space<hbm>> -> memref<1x1408xf32, #tpu.memory_space<hbm>>
    %dma_wait3A_982 = tpu.memref_squeeze %dma_wait3A_981 : memref<1x1408xf32, #tpu.memory_space<hbm>> -> memref<1408xf32, #tpu.memory_space<hbm>>
    tpu.wait_dma2 semaphore(%arg15 : memref<!tpu.dma_semaphore, #tpu.memory_space<semaphore_mem>>) src(%dma_wait3A_982 : memref<1408xf32, #tpu.memory_space<hbm>>) dst(%dma_wait3A_980 : memref<1408xf32, #tpu.memory_space<vmem>>)
    %dma_wait3A_983 = arith.constant 43 : i32
    %dma_wait3A_984 = arith.constant 60544 : i32
    %dma_wait3A_985 = tpu.memref_slice %arg9[%dma_wait3A_984] : memref<90112xf32, #tpu.memory_space<vmem>> -> memref<1408xf32, #tpu.memory_space<vmem>>
    %dma_wait3A_986 = tpu.memref_slice %arg3[%dma_wait3A_983, %mul3A_2] : memref<64x100000xf32, #tpu.memory_space<hbm>> -> memref<1x1408xf32, #tpu.memory_space<hbm>>
    %dma_wait3A_987 = tpu.memref_squeeze %dma_wait3A_986 : memref<1x1408xf32, #tpu.memory_space<hbm>> -> memref<1408xf32, #tpu.memory_space<hbm>>
    %dma_wait3A_988 = arith.constant 60544 : i32
    %dma_wait3A_989 = tpu.memref_slice %arg9[%dma_wait3A_988] : memref<90112xf32, #tpu.memory_space<vmem>> -> memref<1408xf32, #tpu.memory_space<vmem>>
    %dma_wait3A_990 = tpu.memref_slice %arg3[%dma_wait3A_983, %mul3A_2] : memref<64x100000xf32, #tpu.memory_space<hbm>> -> memref<1x1408xf32, #tpu.memory_space<hbm>>
    %dma_wait3A_991 = tpu.memref_squeeze %dma_wait3A_990 : memref<1x1408xf32, #tpu.memory_space<hbm>> -> memref<1408xf32, #tpu.memory_space<hbm>>
    tpu.wait_dma2 semaphore(%arg15 : memref<!tpu.dma_semaphore, #tpu.memory_space<semaphore_mem>>) src(%dma_wait3A_991 : memref<1408xf32, #tpu.memory_space<hbm>>) dst(%dma_wait3A_989 : memref<1408xf32, #tpu.memory_space<vmem>>)
    %dma_wait3A_992 = arith.constant 44 : i32
    %dma_wait3A_993 = arith.constant 61952 : i32
    %dma_wait3A_994 = tpu.memref_slice %arg9[%dma_wait3A_993] : memref<90112xf32, #tpu.memory_space<vmem>> -> memref<1408xf32, #tpu.memory_space<vmem>>
    %dma_wait3A_995 = tpu.memref_slice %arg3[%dma_wait3A_992, %mul3A_2] : memref<64x100000xf32, #tpu.memory_space<hbm>> -> memref<1x1408xf32, #tpu.memory_space<hbm>>
    %dma_wait3A_996 = tpu.memref_squeeze %dma_wait3A_995 : memref<1x1408xf32, #tpu.memory_space<hbm>> -> memref<1408xf32, #tpu.memory_space<hbm>>
    %dma_wait3A_997 = arith.constant 61952 : i32
    %dma_wait3A_998 = tpu.memref_slice %arg9[%dma_wait3A_997] : memref<90112xf32, #tpu.memory_space<vmem>> -> memref<1408xf32, #tpu.memory_space<vmem>>
    %dma_wait3A_999 = tpu.memref_slice %arg3[%dma_wait3A_992, %mul3A_2] : memref<64x100000xf32, #tpu.memory_space<hbm>> -> memref<1x1408xf32, #tpu.memory_space<hbm>>
    %dma_wait3A_1000 = tpu.memref_squeeze %dma_wait3A_999 : memref<1x1408xf32, #tpu.memory_space<hbm>> -> memref<1408xf32, #tpu.memory_space<hbm>>
    tpu.wait_dma2 semaphore(%arg15 : memref<!tpu.dma_semaphore, #tpu.memory_space<semaphore_mem>>) src(%dma_wait3A_1000 : memref<1408xf32, #tpu.memory_space<hbm>>) dst(%dma_wait3A_998 : memref<1408xf32, #tpu.memory_space<vmem>>)
    %dma_wait3A_1001 = arith.constant 45 : i32
    %dma_wait3A_1002 = arith.constant 63360 : i32
    %dma_wait3A_1003 = tpu.memref_slice %arg9[%dma_wait3A_1002] : memref<90112xf32, #tpu.memory_space<vmem>> -> memref<1408xf32, #tpu.memory_space<vmem>>
    %dma_wait3A_1004 = tpu.memref_slice %arg3[%dma_wait3A_1001, %mul3A_2] : memref<64x100000xf32, #tpu.memory_space<hbm>> -> memref<1x1408xf32, #tpu.memory_space<hbm>>
    %dma_wait3A_1005 = tpu.memref_squeeze %dma_wait3A_1004 : memref<1x1408xf32, #tpu.memory_space<hbm>> -> memref<1408xf32, #tpu.memory_space<hbm>>
    %dma_wait3A_1006 = arith.constant 63360 : i32
    %dma_wait3A_1007 = tpu.memref_slice %arg9[%dma_wait3A_1006] : memref<90112xf32, #tpu.memory_space<vmem>> -> memref<1408xf32, #tpu.memory_space<vmem>>
    %dma_wait3A_1008 = tpu.memref_slice %arg3[%dma_wait3A_1001, %mul3A_2] : memref<64x100000xf32, #tpu.memory_space<hbm>> -> memref<1x1408xf32, #tpu.memory_space<hbm>>
    %dma_wait3A_1009 = tpu.memref_squeeze %dma_wait3A_1008 : memref<1x1408xf32, #tpu.memory_space<hbm>> -> memref<1408xf32, #tpu.memory_space<hbm>>
    tpu.wait_dma2 semaphore(%arg15 : memref<!tpu.dma_semaphore, #tpu.memory_space<semaphore_mem>>) src(%dma_wait3A_1009 : memref<1408xf32, #tpu.memory_space<hbm>>) dst(%dma_wait3A_1007 : memref<1408xf32, #tpu.memory_space<vmem>>)
    %dma_wait3A_1010 = arith.constant 46 : i32
    %dma_wait3A_1011 = arith.constant 64768 : i32
    %dma_wait3A_1012 = tpu.memref_slice %arg9[%dma_wait3A_1011] : memref<90112xf32, #tpu.memory_space<vmem>> -> memref<1408xf32, #tpu.memory_space<vmem>>
    %dma_wait3A_1013 = tpu.memref_slice %arg3[%dma_wait3A_1010, %mul3A_2] : memref<64x100000xf32, #tpu.memory_space<hbm>> -> memref<1x1408xf32, #tpu.memory_space<hbm>>
    %dma_wait3A_1014 = tpu.memref_squeeze %dma_wait3A_1013 : memref<1x1408xf32, #tpu.memory_space<hbm>> -> memref<1408xf32, #tpu.memory_space<hbm>>
    %dma_wait3A_1015 = arith.constant 64768 : i32
    %dma_wait3A_1016 = tpu.memref_slice %arg9[%dma_wait3A_1015] : memref<90112xf32, #tpu.memory_space<vmem>> -> memref<1408xf32, #tpu.memory_space<vmem>>
    %dma_wait3A_1017 = tpu.memref_slice %arg3[%dma_wait3A_1010, %mul3A_2] : memref<64x100000xf32, #tpu.memory_space<hbm>> -> memref<1x1408xf32, #tpu.memory_space<hbm>>
    %dma_wait3A_1018 = tpu.memref_squeeze %dma_wait3A_1017 : memref<1x1408xf32, #tpu.memory_space<hbm>> -> memref<1408xf32, #tpu.memory_space<hbm>>
    tpu.wait_dma2 semaphore(%arg15 : memref<!tpu.dma_semaphore, #tpu.memory_space<semaphore_mem>>) src(%dma_wait3A_1018 : memref<1408xf32, #tpu.memory_space<hbm>>) dst(%dma_wait3A_1016 : memref<1408xf32, #tpu.memory_space<vmem>>)
    %dma_wait3A_1019 = arith.constant 47 : i32
    %dma_wait3A_1020 = arith.constant 66176 : i32
    %dma_wait3A_1021 = tpu.memref_slice %arg9[%dma_wait3A_1020] : memref<90112xf32, #tpu.memory_space<vmem>> -> memref<1408xf32, #tpu.memory_space<vmem>>
    %dma_wait3A_1022 = tpu.memref_slice %arg3[%dma_wait3A_1019, %mul3A_2] : memref<64x100000xf32, #tpu.memory_space<hbm>> -> memref<1x1408xf32, #tpu.memory_space<hbm>>
    %dma_wait3A_1023 = tpu.memref_squeeze %dma_wait3A_1022 : memref<1x1408xf32, #tpu.memory_space<hbm>> -> memref<1408xf32, #tpu.memory_space<hbm>>
    %dma_wait3A_1024 = arith.constant 66176 : i32
    %dma_wait3A_1025 = tpu.memref_slice %arg9[%dma_wait3A_1024] : memref<90112xf32, #tpu.memory_space<vmem>> -> memref<1408xf32, #tpu.memory_space<vmem>>
    %dma_wait3A_1026 = tpu.memref_slice %arg3[%dma_wait3A_1019, %mul3A_2] : memref<64x100000xf32, #tpu.memory_space<hbm>> -> memref<1x1408xf32, #tpu.memory_space<hbm>>
    %dma_wait3A_1027 = tpu.memref_squeeze %dma_wait3A_1026 : memref<1x1408xf32, #tpu.memory_space<hbm>> -> memref<1408xf32, #tpu.memory_space<hbm>>
    tpu.wait_dma2 semaphore(%arg15 : memref<!tpu.dma_semaphore, #tpu.memory_space<semaphore_mem>>) src(%dma_wait3A_1027 : memref<1408xf32, #tpu.memory_space<hbm>>) dst(%dma_wait3A_1025 : memref<1408xf32, #tpu.memory_space<vmem>>)
    %scan3A_1028 = arith.constant 0 : i32
    %scan3A_1029 = arith.constant 0 : i32
    %scan3A_1030 = arith.constant 88 : i32
    %scan3A_1031 = arith.addi %scan3A_1029, %scan3A_1030 : i32
    %scan3A_1032 = arith.constant 1 : i32
    %scan3A_1033 = scf.for %scan3A_2069 = %scan3A_1029 to %scan3A_1031 step %scan3A_1032 iter_args(%scan3A_2070 = %scan3A_1028) -> (i32)  : i32 {
      %mul3A_2071 = arith.constant 16 : i32
      %mul3A_2072 = arith.muli %scan3A_2069, %mul3A_2071 : i32
      %get3A_2073 = arith.constant 512 : index
      %get3A_2074 = tpu.vector_load %arg8[%get3A_2073] {strides = array<i32>} : memref<1024xf32, #tpu.memory_space<vmem>>, vector<16xf32>,
      %get3A_2075 = vector.shape_cast %get3A_2074 : vector<16xf32> to vector<16xf32>
      %add3A_2076 = arith.constant 45056 : i32
      %add3A_2077 = arith.addi %add3A_2076, %mul3A_2072 : i32
      %get3A_2078 = arith.index_cast %add3A_2077 : i32 to index
      %get3A_2079 = tpu.vector_load %arg9[%get3A_2078] {strides = array<i32>} : memref<90112xf32, #tpu.memory_space<vmem>>, vector<16xf32>,
      %get3A_2080 = vector.shape_cast %get3A_2079 : vector<16xf32> to vector<16xf32>
      %mul3A_2081 = arith.mulf %get3A_2075, %get3A_2080 : vector<16xf32>
      %get3A_2082 = arith.constant 528 : index
      %get3A_2083 = tpu.vector_load %arg8[%get3A_2082] {strides = array<i32>} : memref<1024xf32, #tpu.memory_space<vmem>>, vector<16xf32>,
      %get3A_2084 = vector.shape_cast %get3A_2083 : vector<16xf32> to vector<16xf32>
      %add3A_2085 = arith.constant 46464 : i32
      %add3A_2086 = arith.addi %add3A_2085, %mul3A_2072 : i32
      %get3A_2087 = arith.index_cast %add3A_2086 : i32 to index
      %get3A_2088 = tpu.vector_load %arg9[%get3A_2087] {strides = array<i32>} : memref<90112xf32, #tpu.memory_space<vmem>>, vector<16xf32>,
      %get3A_2089 = vector.shape_cast %get3A_2088 : vector<16xf32> to vector<16xf32>
      %mul3A_2090 = arith.mulf %get3A_2084, %get3A_2089 : vector<16xf32>
      %get3A_2091 = arith.constant 544 : index
      %get3A_2092 = tpu.vector_load %arg8[%get3A_2091] {strides = array<i32>} : memref<1024xf32, #tpu.memory_space<vmem>>, vector<16xf32>,
      %get3A_2093 = vector.shape_cast %get3A_2092 : vector<16xf32> to vector<16xf32>
      %add3A_2094 = arith.constant 47872 : i32
      %add3A_2095 = arith.addi %add3A_2094, %mul3A_2072 : i32
      %get3A_2096 = arith.index_cast %add3A_2095 : i32 to index
      %get3A_2097 = tpu.vector_load %arg9[%get3A_2096] {strides = array<i32>} : memref<90112xf32, #tpu.memory_space<vmem>>, vector<16xf32>,
      %get3A_2098 = vector.shape_cast %get3A_2097 : vector<16xf32> to vector<16xf32>
      %mul3A_2099 = arith.mulf %get3A_2093, %get3A_2098 : vector<16xf32>
      %get3A_2100 = arith.constant 560 : index
      %get3A_2101 = tpu.vector_load %arg8[%get3A_2100] {strides = array<i32>} : memref<1024xf32, #tpu.memory_space<vmem>>, vector<16xf32>,
      %get3A_2102 = vector.shape_cast %get3A_2101 : vector<16xf32> to vector<16xf32>
      %add3A_2103 = arith.constant 49280 : i32
      %add3A_2104 = arith.addi %add3A_2103, %mul3A_2072 : i32
      %get3A_2105 = arith.index_cast %add3A_2104 : i32 to index
      %get3A_2106 = tpu.vector_load %arg9[%get3A_2105] {strides = array<i32>} : memref<90112xf32, #tpu.memory_space<vmem>>, vector<16xf32>,
      %get3A_2107 = vector.shape_cast %get3A_2106 : vector<16xf32> to vector<16xf32>
      %mul3A_2108 = arith.mulf %get3A_2102, %get3A_2107 : vector<16xf32>
      %get3A_2109 = arith.constant 576 : index
      %get3A_2110 = tpu.vector_load %arg8[%get3A_2109] {strides = array<i32>} : memref<1024xf32, #tpu.memory_space<vmem>>, vector<16xf32>,
      %get3A_2111 = vector.shape_cast %get3A_2110 : vector<16xf32> to vector<16xf32>
      %add3A_2112 = arith.constant 50688 : i32
      %add3A_2113 = arith.addi %add3A_2112, %mul3A_2072 : i32
      %get3A_2114 = arith.index_cast %add3A_2113 : i32 to index
      %get3A_2115 = tpu.vector_load %arg9[%get3A_2114] {strides = array<i32>} : memref<90112xf32, #tpu.memory_space<vmem>>, vector<16xf32>,
      %get3A_2116 = vector.shape_cast %get3A_2115 : vector<16xf32> to vector<16xf32>
      %mul3A_2117 = arith.mulf %get3A_2111, %get3A_2116 : vector<16xf32>
      %add3A_2118 = arith.addf %mul3A_2081, %mul3A_2117 : vector<16xf32>
      %get3A_2119 = arith.constant 592 : index
      %get3A_2120 = tpu.vector_load %arg8[%get3A_2119] {strides = array<i32>} : memref<1024xf32, #tpu.memory_space<vmem>>, vector<16xf32>,
      %get3A_2121 = vector.shape_cast %get3A_2120 : vector<16xf32> to vector<16xf32>
      %add3A_2122 = arith.constant 52096 : i32
      %add3A_2123 = arith.addi %add3A_2122, %mul3A_2072 : i32
      %get3A_2124 = arith.index_cast %add3A_2123 : i32 to index
      %get3A_2125 = tpu.vector_load %arg9[%get3A_2124] {strides = array<i32>} : memref<90112xf32, #tpu.memory_space<vmem>>, vector<16xf32>,
      %get3A_2126 = vector.shape_cast %get3A_2125 : vector<16xf32> to vector<16xf32>
      %mul3A_2127 = arith.mulf %get3A_2121, %get3A_2126 : vector<16xf32>
      %add3A_2128 = arith.addf %mul3A_2090, %mul3A_2127 : vector<16xf32>
      %get3A_2129 = arith.constant 608 : index
      %get3A_2130 = tpu.vector_load %arg8[%get3A_2129] {strides = array<i32>} : memref<1024xf32, #tpu.memory_space<vmem>>, vector<16xf32>,
      %get3A_2131 = vector.shape_cast %get3A_2130 : vector<16xf32> to vector<16xf32>
      %add3A_2132 = arith.constant 53504 : i32
      %add3A_2133 = arith.addi %add3A_2132, %mul3A_2072 : i32
      %get3A_2134 = arith.index_cast %add3A_2133 : i32 to index
      %get3A_2135 = tpu.vector_load %arg9[%get3A_2134] {strides = array<i32>} : memref<90112xf32, #tpu.memory_space<vmem>>, vector<16xf32>,
      %get3A_2136 = vector.shape_cast %get3A_2135 : vector<16xf32> to vector<16xf32>
      %mul3A_2137 = arith.mulf %get3A_2131, %get3A_2136 : vector<16xf32>
      %add3A_2138 = arith.addf %mul3A_2099, %mul3A_2137 : vector<16xf32>
      %get3A_2139 = arith.constant 624 : index
      %get3A_2140 = tpu.vector_load %arg8[%get3A_2139] {strides = array<i32>} : memref<1024xf32, #tpu.memory_space<vmem>>, vector<16xf32>,
      %get3A_2141 = vector.shape_cast %get3A_2140 : vector<16xf32> to vector<16xf32>
      %add3A_2142 = arith.constant 54912 : i32
      %add3A_2143 = arith.addi %add3A_2142, %mul3A_2072 : i32
      %get3A_2144 = arith.index_cast %add3A_2143 : i32 to index
      %get3A_2145 = tpu.vector_load %arg9[%get3A_2144] {strides = array<i32>} : memref<90112xf32, #tpu.memory_space<vmem>>, vector<16xf32>,
      %get3A_2146 = vector.shape_cast %get3A_2145 : vector<16xf32> to vector<16xf32>
      %mul3A_2147 = arith.mulf %get3A_2141, %get3A_2146 : vector<16xf32>
      %add3A_2148 = arith.addf %mul3A_2108, %mul3A_2147 : vector<16xf32>
      %get3A_2149 = arith.constant 640 : index
      %get3A_2150 = tpu.vector_load %arg8[%get3A_2149] {strides = array<i32>} : memref<1024xf32, #tpu.memory_space<vmem>>, vector<16xf32>,
      %get3A_2151 = vector.shape_cast %get3A_2150 : vector<16xf32> to vector<16xf32>
      %add3A_2152 = arith.constant 56320 : i32
      %add3A_2153 = arith.addi %add3A_2152, %mul3A_2072 : i32
      %get3A_2154 = arith.index_cast %add3A_2153 : i32 to index
      %get3A_2155 = tpu.vector_load %arg9[%get3A_2154] {strides = array<i32>} : memref<90112xf32, #tpu.memory_space<vmem>>, vector<16xf32>,
      %get3A_2156 = vector.shape_cast %get3A_2155 : vector<16xf32> to vector<16xf32>
      %mul3A_2157 = arith.mulf %get3A_2151, %get3A_2156 : vector<16xf32>
      %add3A_2158 = arith.addf %add3A_2118, %mul3A_2157 : vector<16xf32>
      %get3A_2159 = arith.constant 656 : index
      %get3A_2160 = tpu.vector_load %arg8[%get3A_2159] {strides = array<i32>} : memref<1024xf32, #tpu.memory_space<vmem>>, vector<16xf32>,
      %get3A_2161 = vector.shape_cast %get3A_2160 : vector<16xf32> to vector<16xf32>
      %add3A_2162 = arith.constant 57728 : i32
      %add3A_2163 = arith.addi %add3A_2162, %mul3A_2072 : i32
      %get3A_2164 = arith.index_cast %add3A_2163 : i32 to index
      %get3A_2165 = tpu.vector_load %arg9[%get3A_2164] {strides = array<i32>} : memref<90112xf32, #tpu.memory_space<vmem>>, vector<16xf32>,
      %get3A_2166 = vector.shape_cast %get3A_2165 : vector<16xf32> to vector<16xf32>
      %mul3A_2167 = arith.mulf %get3A_2161, %get3A_2166 : vector<16xf32>
      %add3A_2168 = arith.addf %add3A_2128, %mul3A_2167 : vector<16xf32>
      %get3A_2169 = arith.constant 672 : index
      %get3A_2170 = tpu.vector_load %arg8[%get3A_2169] {strides = array<i32>} : memref<1024xf32, #tpu.memory_space<vmem>>, vector<16xf32>,
      %get3A_2171 = vector.shape_cast %get3A_2170 : vector<16xf32> to vector<16xf32>
      %add3A_2172 = arith.constant 59136 : i32
      %add3A_2173 = arith.addi %add3A_2172, %mul3A_2072 : i32
      %get3A_2174 = arith.index_cast %add3A_2173 : i32 to index
      %get3A_2175 = tpu.vector_load %arg9[%get3A_2174] {strides = array<i32>} : memref<90112xf32, #tpu.memory_space<vmem>>, vector<16xf32>,
      %get3A_2176 = vector.shape_cast %get3A_2175 : vector<16xf32> to vector<16xf32>
      %mul3A_2177 = arith.mulf %get3A_2171, %get3A_2176 : vector<16xf32>
      %add3A_2178 = arith.addf %add3A_2138, %mul3A_2177 : vector<16xf32>
      %get3A_2179 = arith.constant 688 : index
      %get3A_2180 = tpu.vector_load %arg8[%get3A_2179] {strides = array<i32>} : memref<1024xf32, #tpu.memory_space<vmem>>, vector<16xf32>,
      %get3A_2181 = vector.shape_cast %get3A_2180 : vector<16xf32> to vector<16xf32>
      %add3A_2182 = arith.constant 60544 : i32
      %add3A_2183 = arith.addi %add3A_2182, %mul3A_2072 : i32
      %get3A_2184 = arith.index_cast %add3A_2183 : i32 to index
      %get3A_2185 = tpu.vector_load %arg9[%get3A_2184] {strides = array<i32>} : memref<90112xf32, #tpu.memory_space<vmem>>, vector<16xf32>,
      %get3A_2186 = vector.shape_cast %get3A_2185 : vector<16xf32> to vector<16xf32>
      %mul3A_2187 = arith.mulf %get3A_2181, %get3A_2186 : vector<16xf32>
      %add3A_2188 = arith.addf %add3A_2148, %mul3A_2187 : vector<16xf32>
      %get3A_2189 = arith.constant 704 : index
      %get3A_2190 = tpu.vector_load %arg8[%get3A_2189] {strides = array<i32>} : memref<1024xf32, #tpu.memory_space<vmem>>, vector<16xf32>,
      %get3A_2191 = vector.shape_cast %get3A_2190 : vector<16xf32> to vector<16xf32>
      %add3A_2192 = arith.constant 61952 : i32
      %add3A_2193 = arith.addi %add3A_2192, %mul3A_2072 : i32
      %get3A_2194 = arith.index_cast %add3A_2193 : i32 to index
      %get3A_2195 = tpu.vector_load %arg9[%get3A_2194] {strides = array<i32>} : memref<90112xf32, #tpu.memory_space<vmem>>, vector<16xf32>,
      %get3A_2196 = vector.shape_cast %get3A_2195 : vector<16xf32> to vector<16xf32>
      %mul3A_2197 = arith.mulf %get3A_2191, %get3A_2196 : vector<16xf32>
      %add3A_2198 = arith.addf %add3A_2158, %mul3A_2197 : vector<16xf32>
      %get3A_2199 = arith.constant 720 : index
      %get3A_2200 = tpu.vector_load %arg8[%get3A_2199] {strides = array<i32>} : memref<1024xf32, #tpu.memory_space<vmem>>, vector<16xf32>,
      %get3A_2201 = vector.shape_cast %get3A_2200 : vector<16xf32> to vector<16xf32>
      %add3A_2202 = arith.constant 63360 : i32
      %add3A_2203 = arith.addi %add3A_2202, %mul3A_2072 : i32
      %get3A_2204 = arith.index_cast %add3A_2203 : i32 to index
      %get3A_2205 = tpu.vector_load %arg9[%get3A_2204] {strides = array<i32>} : memref<90112xf32, #tpu.memory_space<vmem>>, vector<16xf32>,
      %get3A_2206 = vector.shape_cast %get3A_2205 : vector<16xf32> to vector<16xf32>
      %mul3A_2207 = arith.mulf %get3A_2201, %get3A_2206 : vector<16xf32>
      %add3A_2208 = arith.addf %add3A_2168, %mul3A_2207 : vector<16xf32>
      %get3A_2209 = arith.constant 736 : index
      %get3A_2210 = tpu.vector_load %arg8[%get3A_2209] {strides = array<i32>} : memref<1024xf32, #tpu.memory_space<vmem>>, vector<16xf32>,
      %get3A_2211 = vector.shape_cast %get3A_2210 : vector<16xf32> to vector<16xf32>
      %add3A_2212 = arith.constant 64768 : i32
      %add3A_2213 = arith.addi %add3A_2212, %mul3A_2072 : i32
      %get3A_2214 = arith.index_cast %add3A_2213 : i32 to index
      %get3A_2215 = tpu.vector_load %arg9[%get3A_2214] {strides = array<i32>} : memref<90112xf32, #tpu.memory_space<vmem>>, vector<16xf32>,
      %get3A_2216 = vector.shape_cast %get3A_2215 : vector<16xf32> to vector<16xf32>
      %mul3A_2217 = arith.mulf %get3A_2211, %get3A_2216 : vector<16xf32>
      %add3A_2218 = arith.addf %add3A_2178, %mul3A_2217 : vector<16xf32>
      %get3A_2219 = arith.constant 752 : index
      %get3A_2220 = tpu.vector_load %arg8[%get3A_2219] {strides = array<i32>} : memref<1024xf32, #tpu.memory_space<vmem>>, vector<16xf32>,
      %get3A_2221 = vector.shape_cast %get3A_2220 : vector<16xf32> to vector<16xf32>
      %add3A_2222 = arith.constant 66176 : i32
      %add3A_2223 = arith.addi %add3A_2222, %mul3A_2072 : i32
      %get3A_2224 = arith.index_cast %add3A_2223 : i32 to index
      %get3A_2225 = tpu.vector_load %arg9[%get3A_2224] {strides = array<i32>} : memref<90112xf32, #tpu.memory_space<vmem>>, vector<16xf32>,
      %get3A_2226 = vector.shape_cast %get3A_2225 : vector<16xf32> to vector<16xf32>
      %mul3A_2227 = arith.mulf %get3A_2221, %get3A_2226 : vector<16xf32>
      %add3A_2228 = arith.addf %add3A_2188, %mul3A_2227 : vector<16xf32>
      %add3A_2229 = arith.addf %add3A_2198, %add3A_2208 : vector<16xf32>
      %add3A_2230 = arith.addf %add3A_2218, %add3A_2228 : vector<16xf32>
      %add3A_2231 = arith.addf %add3A_2229, %add3A_2230 : vector<16xf32>
      %swap3A_2232 = arith.index_cast %mul3A_2072 : i32 to index
      %swap3A_2233 = tpu.vector_load %arg10[%swap3A_2232] {strides = array<i32>} : memref<1408xf32, #tpu.memory_space<vmem>>, vector<16xf32>,
      %swap3A_2234 = vector.shape_cast %swap3A_2233 : vector<16xf32> to vector<16xf32>
      %swap3A_2235 = vector.shape_cast %add3A_2231 : vector<16xf32> to vector<16xf32>
      tpu.vector_store %arg10[%swap3A_2232], %swap3A_2235 {add = true, strides = array<i32>} : memref<1408xf32, #tpu.memory_space<vmem>>, vector<16xf32>,
      %scan3A_2236 = arith.constant 0 : i32
      scf.yield %scan3A_2236 : i32
    }
    %scan3A_1034 = arith.constant 88 : i32
    %dma_wait3A_1035 = arith.constant 48 : i32
    %dma_wait3A_1036 = arith.constant 67584 : i32
    %dma_wait3A_1037 = tpu.memref_slice %arg9[%dma_wait3A_1036] : memref<90112xf32, #tpu.memory_space<vmem>> -> memref<1408xf32, #tpu.memory_space<vmem>>
    %dma_wait3A_1038 = tpu.memref_slice %arg3[%dma_wait3A_1035, %mul3A_2] : memref<64x100000xf32, #tpu.memory_space<hbm>> -> memref<1x1408xf32, #tpu.memory_space<hbm>>
    %dma_wait3A_1039 = tpu.memref_squeeze %dma_wait3A_1038 : memref<1x1408xf32, #tpu.memory_space<hbm>> -> memref<1408xf32, #tpu.memory_space<hbm>>
    %dma_wait3A_1040 = arith.constant 67584 : i32
    %dma_wait3A_1041 = tpu.memref_slice %arg9[%dma_wait3A_1040] : memref<90112xf32, #tpu.memory_space<vmem>> -> memref<1408xf32, #tpu.memory_space<vmem>>
    %dma_wait3A_1042 = tpu.memref_slice %arg3[%dma_wait3A_1035, %mul3A_2] : memref<64x100000xf32, #tpu.memory_space<hbm>> -> memref<1x1408xf32, #tpu.memory_space<hbm>>
    %dma_wait3A_1043 = tpu.memref_squeeze %dma_wait3A_1042 : memref<1x1408xf32, #tpu.memory_space<hbm>> -> memref<1408xf32, #tpu.memory_space<hbm>>
    tpu.wait_dma2 semaphore(%arg16 : memref<!tpu.dma_semaphore, #tpu.memory_space<semaphore_mem>>) src(%dma_wait3A_1043 : memref<1408xf32, #tpu.memory_space<hbm>>) dst(%dma_wait3A_1041 : memref<1408xf32, #tpu.memory_space<vmem>>)
    %dma_wait3A_1044 = arith.constant 49 : i32
    %dma_wait3A_1045 = arith.constant 68992 : i32
    %dma_wait3A_1046 = tpu.memref_slice %arg9[%dma_wait3A_1045] : memref<90112xf32, #tpu.memory_space<vmem>> -> memref<1408xf32, #tpu.memory_space<vmem>>
    %dma_wait3A_1047 = tpu.memref_slice %arg3[%dma_wait3A_1044, %mul3A_2] : memref<64x100000xf32, #tpu.memory_space<hbm>> -> memref<1x1408xf32, #tpu.memory_space<hbm>>
    %dma_wait3A_1048 = tpu.memref_squeeze %dma_wait3A_1047 : memref<1x1408xf32, #tpu.memory_space<hbm>> -> memref<1408xf32, #tpu.memory_space<hbm>>
    %dma_wait3A_1049 = arith.constant 68992 : i32
    %dma_wait3A_1050 = tpu.memref_slice %arg9[%dma_wait3A_1049] : memref<90112xf32, #tpu.memory_space<vmem>> -> memref<1408xf32, #tpu.memory_space<vmem>>
    %dma_wait3A_1051 = tpu.memref_slice %arg3[%dma_wait3A_1044, %mul3A_2] : memref<64x100000xf32, #tpu.memory_space<hbm>> -> memref<1x1408xf32, #tpu.memory_space<hbm>>
    %dma_wait3A_1052 = tpu.memref_squeeze %dma_wait3A_1051 : memref<1x1408xf32, #tpu.memory_space<hbm>> -> memref<1408xf32, #tpu.memory_space<hbm>>
    tpu.wait_dma2 semaphore(%arg16 : memref<!tpu.dma_semaphore, #tpu.memory_space<semaphore_mem>>) src(%dma_wait3A_1052 : memref<1408xf32, #tpu.memory_space<hbm>>) dst(%dma_wait3A_1050 : memref<1408xf32, #tpu.memory_space<vmem>>)
    %dma_wait3A_1053 = arith.constant 50 : i32
    %dma_wait3A_1054 = arith.constant 70400 : i32
    %dma_wait3A_1055 = tpu.memref_slice %arg9[%dma_wait3A_1054] : memref<90112xf32, #tpu.memory_space<vmem>> -> memref<1408xf32, #tpu.memory_space<vmem>>
    %dma_wait3A_1056 = tpu.memref_slice %arg3[%dma_wait3A_1053, %mul3A_2] : memref<64x100000xf32, #tpu.memory_space<hbm>> -> memref<1x1408xf32, #tpu.memory_space<hbm>>
    %dma_wait3A_1057 = tpu.memref_squeeze %dma_wait3A_1056 : memref<1x1408xf32, #tpu.memory_space<hbm>> -> memref<1408xf32, #tpu.memory_space<hbm>>
    %dma_wait3A_1058 = arith.constant 70400 : i32
    %dma_wait3A_1059 = tpu.memref_slice %arg9[%dma_wait3A_1058] : memref<90112xf32, #tpu.memory_space<vmem>> -> memref<1408xf32, #tpu.memory_space<vmem>>
    %dma_wait3A_1060 = tpu.memref_slice %arg3[%dma_wait3A_1053, %mul3A_2] : memref<64x100000xf32, #tpu.memory_space<hbm>> -> memref<1x1408xf32, #tpu.memory_space<hbm>>
    %dma_wait3A_1061 = tpu.memref_squeeze %dma_wait3A_1060 : memref<1x1408xf32, #tpu.memory_space<hbm>> -> memref<1408xf32, #tpu.memory_space<hbm>>
    tpu.wait_dma2 semaphore(%arg16 : memref<!tpu.dma_semaphore, #tpu.memory_space<semaphore_mem>>) src(%dma_wait3A_1061 : memref<1408xf32, #tpu.memory_space<hbm>>) dst(%dma_wait3A_1059 : memref<1408xf32, #tpu.memory_space<vmem>>)
    %dma_wait3A_1062 = arith.constant 51 : i32
    %dma_wait3A_1063 = arith.constant 71808 : i32
    %dma_wait3A_1064 = tpu.memref_slice %arg9[%dma_wait3A_1063] : memref<90112xf32, #tpu.memory_space<vmem>> -> memref<1408xf32, #tpu.memory_space<vmem>>
    %dma_wait3A_1065 = tpu.memref_slice %arg3[%dma_wait3A_1062, %mul3A_2] : memref<64x100000xf32, #tpu.memory_space<hbm>> -> memref<1x1408xf32, #tpu.memory_space<hbm>>
    %dma_wait3A_1066 = tpu.memref_squeeze %dma_wait3A_1065 : memref<1x1408xf32, #tpu.memory_space<hbm>> -> memref<1408xf32, #tpu.memory_space<hbm>>
    %dma_wait3A_1067 = arith.constant 71808 : i32
    %dma_wait3A_1068 = tpu.memref_slice %arg9[%dma_wait3A_1067] : memref<90112xf32, #tpu.memory_space<vmem>> -> memref<1408xf32, #tpu.memory_space<vmem>>
    %dma_wait3A_1069 = tpu.memref_slice %arg3[%dma_wait3A_1062, %mul3A_2] : memref<64x100000xf32, #tpu.memory_space<hbm>> -> memref<1x1408xf32, #tpu.memory_space<hbm>>
    %dma_wait3A_1070 = tpu.memref_squeeze %dma_wait3A_1069 : memref<1x1408xf32, #tpu.memory_space<hbm>> -> memref<1408xf32, #tpu.memory_space<hbm>>
    tpu.wait_dma2 semaphore(%arg16 : memref<!tpu.dma_semaphore, #tpu.memory_space<semaphore_mem>>) src(%dma_wait3A_1070 : memref<1408xf32, #tpu.memory_space<hbm>>) dst(%dma_wait3A_1068 : memref<1408xf32, #tpu.memory_space<vmem>>)
    %dma_wait3A_1071 = arith.constant 52 : i32
    %dma_wait3A_1072 = arith.constant 73216 : i32
    %dma_wait3A_1073 = tpu.memref_slice %arg9[%dma_wait3A_1072] : memref<90112xf32, #tpu.memory_space<vmem>> -> memref<1408xf32, #tpu.memory_space<vmem>>
    %dma_wait3A_1074 = tpu.memref_slice %arg3[%dma_wait3A_1071, %mul3A_2] : memref<64x100000xf32, #tpu.memory_space<hbm>> -> memref<1x1408xf32, #tpu.memory_space<hbm>>
    %dma_wait3A_1075 = tpu.memref_squeeze %dma_wait3A_1074 : memref<1x1408xf32, #tpu.memory_space<hbm>> -> memref<1408xf32, #tpu.memory_space<hbm>>
    %dma_wait3A_1076 = arith.constant 73216 : i32
    %dma_wait3A_1077 = tpu.memref_slice %arg9[%dma_wait3A_1076] : memref<90112xf32, #tpu.memory_space<vmem>> -> memref<1408xf32, #tpu.memory_space<vmem>>
    %dma_wait3A_1078 = tpu.memref_slice %arg3[%dma_wait3A_1071, %mul3A_2] : memref<64x100000xf32, #tpu.memory_space<hbm>> -> memref<1x1408xf32, #tpu.memory_space<hbm>>
    %dma_wait3A_1079 = tpu.memref_squeeze %dma_wait3A_1078 : memref<1x1408xf32, #tpu.memory_space<hbm>> -> memref<1408xf32, #tpu.memory_space<hbm>>
    tpu.wait_dma2 semaphore(%arg16 : memref<!tpu.dma_semaphore, #tpu.memory_space<semaphore_mem>>) src(%dma_wait3A_1079 : memref<1408xf32, #tpu.memory_space<hbm>>) dst(%dma_wait3A_1077 : memref<1408xf32, #tpu.memory_space<vmem>>)
    %dma_wait3A_1080 = arith.constant 53 : i32
    %dma_wait3A_1081 = arith.constant 74624 : i32
    %dma_wait3A_1082 = tpu.memref_slice %arg9[%dma_wait3A_1081] : memref<90112xf32, #tpu.memory_space<vmem>> -> memref<1408xf32, #tpu.memory_space<vmem>>
    %dma_wait3A_1083 = tpu.memref_slice %arg3[%dma_wait3A_1080, %mul3A_2] : memref<64x100000xf32, #tpu.memory_space<hbm>> -> memref<1x1408xf32, #tpu.memory_space<hbm>>
    %dma_wait3A_1084 = tpu.memref_squeeze %dma_wait3A_1083 : memref<1x1408xf32, #tpu.memory_space<hbm>> -> memref<1408xf32, #tpu.memory_space<hbm>>
    %dma_wait3A_1085 = arith.constant 74624 : i32
    %dma_wait3A_1086 = tpu.memref_slice %arg9[%dma_wait3A_1085] : memref<90112xf32, #tpu.memory_space<vmem>> -> memref<1408xf32, #tpu.memory_space<vmem>>
    %dma_wait3A_1087 = tpu.memref_slice %arg3[%dma_wait3A_1080, %mul3A_2] : memref<64x100000xf32, #tpu.memory_space<hbm>> -> memref<1x1408xf32, #tpu.memory_space<hbm>>
    %dma_wait3A_1088 = tpu.memref_squeeze %dma_wait3A_1087 : memref<1x1408xf32, #tpu.memory_space<hbm>> -> memref<1408xf32, #tpu.memory_space<hbm>>
    tpu.wait_dma2 semaphore(%arg16 : memref<!tpu.dma_semaphore, #tpu.memory_space<semaphore_mem>>) src(%dma_wait3A_1088 : memref<1408xf32, #tpu.memory_space<hbm>>) dst(%dma_wait3A_1086 : memref<1408xf32, #tpu.memory_space<vmem>>)
    %dma_wait3A_1089 = arith.constant 54 : i32
    %dma_wait3A_1090 = arith.constant 76032 : i32
    %dma_wait3A_1091 = tpu.memref_slice %arg9[%dma_wait3A_1090] : memref<90112xf32, #tpu.memory_space<vmem>> -> memref<1408xf32, #tpu.memory_space<vmem>>
    %dma_wait3A_1092 = tpu.memref_slice %arg3[%dma_wait3A_1089, %mul3A_2] : memref<64x100000xf32, #tpu.memory_space<hbm>> -> memref<1x1408xf32, #tpu.memory_space<hbm>>
    %dma_wait3A_1093 = tpu.memref_squeeze %dma_wait3A_1092 : memref<1x1408xf32, #tpu.memory_space<hbm>> -> memref<1408xf32, #tpu.memory_space<hbm>>
    %dma_wait3A_1094 = arith.constant 76032 : i32
    %dma_wait3A_1095 = tpu.memref_slice %arg9[%dma_wait3A_1094] : memref<90112xf32, #tpu.memory_space<vmem>> -> memref<1408xf32, #tpu.memory_space<vmem>>
    %dma_wait3A_1096 = tpu.memref_slice %arg3[%dma_wait3A_1089, %mul3A_2] : memref<64x100000xf32, #tpu.memory_space<hbm>> -> memref<1x1408xf32, #tpu.memory_space<hbm>>
    %dma_wait3A_1097 = tpu.memref_squeeze %dma_wait3A_1096 : memref<1x1408xf32, #tpu.memory_space<hbm>> -> memref<1408xf32, #tpu.memory_space<hbm>>
    tpu.wait_dma2 semaphore(%arg16 : memref<!tpu.dma_semaphore, #tpu.memory_space<semaphore_mem>>) src(%dma_wait3A_1097 : memref<1408xf32, #tpu.memory_space<hbm>>) dst(%dma_wait3A_1095 : memref<1408xf32, #tpu.memory_space<vmem>>)
    %dma_wait3A_1098 = arith.constant 55 : i32
    %dma_wait3A_1099 = arith.constant 77440 : i32
    %dma_wait3A_1100 = tpu.memref_slice %arg9[%dma_wait3A_1099] : memref<90112xf32, #tpu.memory_space<vmem>> -> memref<1408xf32, #tpu.memory_space<vmem>>
    %dma_wait3A_1101 = tpu.memref_slice %arg3[%dma_wait3A_1098, %mul3A_2] : memref<64x100000xf32, #tpu.memory_space<hbm>> -> memref<1x1408xf32, #tpu.memory_space<hbm>>
    %dma_wait3A_1102 = tpu.memref_squeeze %dma_wait3A_1101 : memref<1x1408xf32, #tpu.memory_space<hbm>> -> memref<1408xf32, #tpu.memory_space<hbm>>
    %dma_wait3A_1103 = arith.constant 77440 : i32
    %dma_wait3A_1104 = tpu.memref_slice %arg9[%dma_wait3A_1103] : memref<90112xf32, #tpu.memory_space<vmem>> -> memref<1408xf32, #tpu.memory_space<vmem>>
    %dma_wait3A_1105 = tpu.memref_slice %arg3[%dma_wait3A_1098, %mul3A_2] : memref<64x100000xf32, #tpu.memory_space<hbm>> -> memref<1x1408xf32, #tpu.memory_space<hbm>>
    %dma_wait3A_1106 = tpu.memref_squeeze %dma_wait3A_1105 : memref<1x1408xf32, #tpu.memory_space<hbm>> -> memref<1408xf32, #tpu.memory_space<hbm>>
    tpu.wait_dma2 semaphore(%arg16 : memref<!tpu.dma_semaphore, #tpu.memory_space<semaphore_mem>>) src(%dma_wait3A_1106 : memref<1408xf32, #tpu.memory_space<hbm>>) dst(%dma_wait3A_1104 : memref<1408xf32, #tpu.memory_space<vmem>>)
    %dma_wait3A_1107 = arith.constant 56 : i32
    %dma_wait3A_1108 = arith.constant 78848 : i32
    %dma_wait3A_1109 = tpu.memref_slice %arg9[%dma_wait3A_1108] : memref<90112xf32, #tpu.memory_space<vmem>> -> memref<1408xf32, #tpu.memory_space<vmem>>
    %dma_wait3A_1110 = tpu.memref_slice %arg3[%dma_wait3A_1107, %mul3A_2] : memref<64x100000xf32, #tpu.memory_space<hbm>> -> memref<1x1408xf32, #tpu.memory_space<hbm>>
    %dma_wait3A_1111 = tpu.memref_squeeze %dma_wait3A_1110 : memref<1x1408xf32, #tpu.memory_space<hbm>> -> memref<1408xf32, #tpu.memory_space<hbm>>
    %dma_wait3A_1112 = arith.constant 78848 : i32
    %dma_wait3A_1113 = tpu.memref_slice %arg9[%dma_wait3A_1112] : memref<90112xf32, #tpu.memory_space<vmem>> -> memref<1408xf32, #tpu.memory_space<vmem>>
    %dma_wait3A_1114 = tpu.memref_slice %arg3[%dma_wait3A_1107, %mul3A_2] : memref<64x100000xf32, #tpu.memory_space<hbm>> -> memref<1x1408xf32, #tpu.memory_space<hbm>>
    %dma_wait3A_1115 = tpu.memref_squeeze %dma_wait3A_1114 : memref<1x1408xf32, #tpu.memory_space<hbm>> -> memref<1408xf32, #tpu.memory_space<hbm>>
    tpu.wait_dma2 semaphore(%arg16 : memref<!tpu.dma_semaphore, #tpu.memory_space<semaphore_mem>>) src(%dma_wait3A_1115 : memref<1408xf32, #tpu.memory_space<hbm>>) dst(%dma_wait3A_1113 : memref<1408xf32, #tpu.memory_space<vmem>>)
    %dma_wait3A_1116 = arith.constant 57 : i32
    %dma_wait3A_1117 = arith.constant 80256 : i32
    %dma_wait3A_1118 = tpu.memref_slice %arg9[%dma_wait3A_1117] : memref<90112xf32, #tpu.memory_space<vmem>> -> memref<1408xf32, #tpu.memory_space<vmem>>
    %dma_wait3A_1119 = tpu.memref_slice %arg3[%dma_wait3A_1116, %mul3A_2] : memref<64x100000xf32, #tpu.memory_space<hbm>> -> memref<1x1408xf32, #tpu.memory_space<hbm>>
    %dma_wait3A_1120 = tpu.memref_squeeze %dma_wait3A_1119 : memref<1x1408xf32, #tpu.memory_space<hbm>> -> memref<1408xf32, #tpu.memory_space<hbm>>
    %dma_wait3A_1121 = arith.constant 80256 : i32
    %dma_wait3A_1122 = tpu.memref_slice %arg9[%dma_wait3A_1121] : memref<90112xf32, #tpu.memory_space<vmem>> -> memref<1408xf32, #tpu.memory_space<vmem>>
    %dma_wait3A_1123 = tpu.memref_slice %arg3[%dma_wait3A_1116, %mul3A_2] : memref<64x100000xf32, #tpu.memory_space<hbm>> -> memref<1x1408xf32, #tpu.memory_space<hbm>>
    %dma_wait3A_1124 = tpu.memref_squeeze %dma_wait3A_1123 : memref<1x1408xf32, #tpu.memory_space<hbm>> -> memref<1408xf32, #tpu.memory_space<hbm>>
    tpu.wait_dma2 semaphore(%arg16 : memref<!tpu.dma_semaphore, #tpu.memory_space<semaphore_mem>>) src(%dma_wait3A_1124 : memref<1408xf32, #tpu.memory_space<hbm>>) dst(%dma_wait3A_1122 : memref<1408xf32, #tpu.memory_space<vmem>>)
    %dma_wait3A_1125 = arith.constant 58 : i32
    %dma_wait3A_1126 = arith.constant 81664 : i32
    %dma_wait3A_1127 = tpu.memref_slice %arg9[%dma_wait3A_1126] : memref<90112xf32, #tpu.memory_space<vmem>> -> memref<1408xf32, #tpu.memory_space<vmem>>
    %dma_wait3A_1128 = tpu.memref_slice %arg3[%dma_wait3A_1125, %mul3A_2] : memref<64x100000xf32, #tpu.memory_space<hbm>> -> memref<1x1408xf32, #tpu.memory_space<hbm>>
    %dma_wait3A_1129 = tpu.memref_squeeze %dma_wait3A_1128 : memref<1x1408xf32, #tpu.memory_space<hbm>> -> memref<1408xf32, #tpu.memory_space<hbm>>
    %dma_wait3A_1130 = arith.constant 81664 : i32
    %dma_wait3A_1131 = tpu.memref_slice %arg9[%dma_wait3A_1130] : memref<90112xf32, #tpu.memory_space<vmem>> -> memref<1408xf32, #tpu.memory_space<vmem>>
    %dma_wait3A_1132 = tpu.memref_slice %arg3[%dma_wait3A_1125, %mul3A_2] : memref<64x100000xf32, #tpu.memory_space<hbm>> -> memref<1x1408xf32, #tpu.memory_space<hbm>>
    %dma_wait3A_1133 = tpu.memref_squeeze %dma_wait3A_1132 : memref<1x1408xf32, #tpu.memory_space<hbm>> -> memref<1408xf32, #tpu.memory_space<hbm>>
    tpu.wait_dma2 semaphore(%arg16 : memref<!tpu.dma_semaphore, #tpu.memory_space<semaphore_mem>>) src(%dma_wait3A_1133 : memref<1408xf32, #tpu.memory_space<hbm>>) dst(%dma_wait3A_1131 : memref<1408xf32, #tpu.memory_space<vmem>>)
    %dma_wait3A_1134 = arith.constant 59 : i32
    %dma_wait3A_1135 = arith.constant 83072 : i32
    %dma_wait3A_1136 = tpu.memref_slice %arg9[%dma_wait3A_1135] : memref<90112xf32, #tpu.memory_space<vmem>> -> memref<1408xf32, #tpu.memory_space<vmem>>
    %dma_wait3A_1137 = tpu.memref_slice %arg3[%dma_wait3A_1134, %mul3A_2] : memref<64x100000xf32, #tpu.memory_space<hbm>> -> memref<1x1408xf32, #tpu.memory_space<hbm>>
    %dma_wait3A_1138 = tpu.memref_squeeze %dma_wait3A_1137 : memref<1x1408xf32, #tpu.memory_space<hbm>> -> memref<1408xf32, #tpu.memory_space<hbm>>
    %dma_wait3A_1139 = arith.constant 83072 : i32
    %dma_wait3A_1140 = tpu.memref_slice %arg9[%dma_wait3A_1139] : memref<90112xf32, #tpu.memory_space<vmem>> -> memref<1408xf32, #tpu.memory_space<vmem>>
    %dma_wait3A_1141 = tpu.memref_slice %arg3[%dma_wait3A_1134, %mul3A_2] : memref<64x100000xf32, #tpu.memory_space<hbm>> -> memref<1x1408xf32, #tpu.memory_space<hbm>>
    %dma_wait3A_1142 = tpu.memref_squeeze %dma_wait3A_1141 : memref<1x1408xf32, #tpu.memory_space<hbm>> -> memref<1408xf32, #tpu.memory_space<hbm>>
    tpu.wait_dma2 semaphore(%arg16 : memref<!tpu.dma_semaphore, #tpu.memory_space<semaphore_mem>>) src(%dma_wait3A_1142 : memref<1408xf32, #tpu.memory_space<hbm>>) dst(%dma_wait3A_1140 : memref<1408xf32, #tpu.memory_space<vmem>>)
    %dma_wait3A_1143 = arith.constant 60 : i32
    %dma_wait3A_1144 = arith.constant 84480 : i32
    %dma_wait3A_1145 = tpu.memref_slice %arg9[%dma_wait3A_1144] : memref<90112xf32, #tpu.memory_space<vmem>> -> memref<1408xf32, #tpu.memory_space<vmem>>
    %dma_wait3A_1146 = tpu.memref_slice %arg3[%dma_wait3A_1143, %mul3A_2] : memref<64x100000xf32, #tpu.memory_space<hbm>> -> memref<1x1408xf32, #tpu.memory_space<hbm>>
    %dma_wait3A_1147 = tpu.memref_squeeze %dma_wait3A_1146 : memref<1x1408xf32, #tpu.memory_space<hbm>> -> memref<1408xf32, #tpu.memory_space<hbm>>
    %dma_wait3A_1148 = arith.constant 84480 : i32
    %dma_wait3A_1149 = tpu.memref_slice %arg9[%dma_wait3A_1148] : memref<90112xf32, #tpu.memory_space<vmem>> -> memref<1408xf32, #tpu.memory_space<vmem>>
    %dma_wait3A_1150 = tpu.memref_slice %arg3[%dma_wait3A_1143, %mul3A_2] : memref<64x100000xf32, #tpu.memory_space<hbm>> -> memref<1x1408xf32, #tpu.memory_space<hbm>>
    %dma_wait3A_1151 = tpu.memref_squeeze %dma_wait3A_1150 : memref<1x1408xf32, #tpu.memory_space<hbm>> -> memref<1408xf32, #tpu.memory_space<hbm>>
    tpu.wait_dma2 semaphore(%arg16 : memref<!tpu.dma_semaphore, #tpu.memory_space<semaphore_mem>>) src(%dma_wait3A_1151 : memref<1408xf32, #tpu.memory_space<hbm>>) dst(%dma_wait3A_1149 : memref<1408xf32, #tpu.memory_space<vmem>>)
    %dma_wait3A_1152 = arith.constant 61 : i32
    %dma_wait3A_1153 = arith.constant 85888 : i32
    %dma_wait3A_1154 = tpu.memref_slice %arg9[%dma_wait3A_1153] : memref<90112xf32, #tpu.memory_space<vmem>> -> memref<1408xf32, #tpu.memory_space<vmem>>
    %dma_wait3A_1155 = tpu.memref_slice %arg3[%dma_wait3A_1152, %mul3A_2] : memref<64x100000xf32, #tpu.memory_space<hbm>> -> memref<1x1408xf32, #tpu.memory_space<hbm>>
    %dma_wait3A_1156 = tpu.memref_squeeze %dma_wait3A_1155 : memref<1x1408xf32, #tpu.memory_space<hbm>> -> memref<1408xf32, #tpu.memory_space<hbm>>
    %dma_wait3A_1157 = arith.constant 85888 : i32
    %dma_wait3A_1158 = tpu.memref_slice %arg9[%dma_wait3A_1157] : memref<90112xf32, #tpu.memory_space<vmem>> -> memref<1408xf32, #tpu.memory_space<vmem>>
    %dma_wait3A_1159 = tpu.memref_slice %arg3[%dma_wait3A_1152, %mul3A_2] : memref<64x100000xf32, #tpu.memory_space<hbm>> -> memref<1x1408xf32, #tpu.memory_space<hbm>>
    %dma_wait3A_1160 = tpu.memref_squeeze %dma_wait3A_1159 : memref<1x1408xf32, #tpu.memory_space<hbm>> -> memref<1408xf32, #tpu.memory_space<hbm>>
    tpu.wait_dma2 semaphore(%arg16 : memref<!tpu.dma_semaphore, #tpu.memory_space<semaphore_mem>>) src(%dma_wait3A_1160 : memref<1408xf32, #tpu.memory_space<hbm>>) dst(%dma_wait3A_1158 : memref<1408xf32, #tpu.memory_space<vmem>>)
    %dma_wait3A_1161 = arith.constant 62 : i32
    %dma_wait3A_1162 = arith.constant 87296 : i32
    %dma_wait3A_1163 = tpu.memref_slice %arg9[%dma_wait3A_1162] : memref<90112xf32, #tpu.memory_space<vmem>> -> memref<1408xf32, #tpu.memory_space<vmem>>
    %dma_wait3A_1164 = tpu.memref_slice %arg3[%dma_wait3A_1161, %mul3A_2] : memref<64x100000xf32, #tpu.memory_space<hbm>> -> memref<1x1408xf32, #tpu.memory_space<hbm>>
    %dma_wait3A_1165 = tpu.memref_squeeze %dma_wait3A_1164 : memref<1x1408xf32, #tpu.memory_space<hbm>> -> memref<1408xf32, #tpu.memory_space<hbm>>
    %dma_wait3A_1166 = arith.constant 87296 : i32
    %dma_wait3A_1167 = tpu.memref_slice %arg9[%dma_wait3A_1166] : memref<90112xf32, #tpu.memory_space<vmem>> -> memref<1408xf32, #tpu.memory_space<vmem>>
    %dma_wait3A_1168 = tpu.memref_slice %arg3[%dma_wait3A_1161, %mul3A_2] : memref<64x100000xf32, #tpu.memory_space<hbm>> -> memref<1x1408xf32, #tpu.memory_space<hbm>>
    %dma_wait3A_1169 = tpu.memref_squeeze %dma_wait3A_1168 : memref<1x1408xf32, #tpu.memory_space<hbm>> -> memref<1408xf32, #tpu.memory_space<hbm>>
    tpu.wait_dma2 semaphore(%arg16 : memref<!tpu.dma_semaphore, #tpu.memory_space<semaphore_mem>>) src(%dma_wait3A_1169 : memref<1408xf32, #tpu.memory_space<hbm>>) dst(%dma_wait3A_1167 : memref<1408xf32, #tpu.memory_space<vmem>>)
    %dma_wait3A_1170 = arith.constant 63 : i32
    %dma_wait3A_1171 = arith.constant 88704 : i32
    %dma_wait3A_1172 = tpu.memref_slice %arg9[%dma_wait3A_1171] : memref<90112xf32, #tpu.memory_space<vmem>> -> memref<1408xf32, #tpu.memory_space<vmem>>
    %dma_wait3A_1173 = tpu.memref_slice %arg3[%dma_wait3A_1170, %mul3A_2] : memref<64x100000xf32, #tpu.memory_space<hbm>> -> memref<1x1408xf32, #tpu.memory_space<hbm>>
    %dma_wait3A_1174 = tpu.memref_squeeze %dma_wait3A_1173 : memref<1x1408xf32, #tpu.memory_space<hbm>> -> memref<1408xf32, #tpu.memory_space<hbm>>
    %dma_wait3A_1175 = arith.constant 88704 : i32
    %dma_wait3A_1176 = tpu.memref_slice %arg9[%dma_wait3A_1175] : memref<90112xf32, #tpu.memory_space<vmem>> -> memref<1408xf32, #tpu.memory_space<vmem>>
    %dma_wait3A_1177 = tpu.memref_slice %arg3[%dma_wait3A_1170, %mul3A_2] : memref<64x100000xf32, #tpu.memory_space<hbm>> -> memref<1x1408xf32, #tpu.memory_space<hbm>>
    %dma_wait3A_1178 = tpu.memref_squeeze %dma_wait3A_1177 : memref<1x1408xf32, #tpu.memory_space<hbm>> -> memref<1408xf32, #tpu.memory_space<hbm>>
    tpu.wait_dma2 semaphore(%arg16 : memref<!tpu.dma_semaphore, #tpu.memory_space<semaphore_mem>>) src(%dma_wait3A_1178 : memref<1408xf32, #tpu.memory_space<hbm>>) dst(%dma_wait3A_1176 : memref<1408xf32, #tpu.memory_space<vmem>>)
    %scan3A_1179 = arith.constant 0 : i32
    %scan3A_1180 = arith.constant 0 : i32
    %scan3A_1181 = arith.constant 88 : i32
    %scan3A_1182 = arith.addi %scan3A_1180, %scan3A_1181 : i32
    %scan3A_1183 = arith.constant 1 : i32
    %scan3A_1184 = scf.for %scan3A_2069 = %scan3A_1180 to %scan3A_1182 step %scan3A_1183 iter_args(%scan3A_2070 = %scan3A_1179) -> (i32)  : i32 {
      %mul3A_2071 = arith.constant 16 : i32
      %mul3A_2072 = arith.muli %scan3A_2069, %mul3A_2071 : i32
      %get3A_2073 = arith.constant 768 : index
      %get3A_2074 = tpu.vector_load %arg8[%get3A_2073] {strides = array<i32>} : memref<1024xf32, #tpu.memory_space<vmem>>, vector<16xf32>,
      %get3A_2075 = vector.shape_cast %get3A_2074 : vector<16xf32> to vector<16xf32>
      %add3A_2076 = arith.constant 67584 : i32
      %add3A_2077 = arith.addi %add3A_2076, %mul3A_2072 : i32
      %get3A_2078 = arith.index_cast %add3A_2077 : i32 to index
      %get3A_2079 = tpu.vector_load %arg9[%get3A_2078] {strides = array<i32>} : memref<90112xf32, #tpu.memory_space<vmem>>, vector<16xf32>,
      %get3A_2080 = vector.shape_cast %get3A_2079 : vector<16xf32> to vector<16xf32>
      %mul3A_2081 = arith.mulf %get3A_2075, %get3A_2080 : vector<16xf32>
      %get3A_2082 = arith.constant 784 : index
      %get3A_2083 = tpu.vector_load %arg8[%get3A_2082] {strides = array<i32>} : memref<1024xf32, #tpu.memory_space<vmem>>, vector<16xf32>,
      %get3A_2084 = vector.shape_cast %get3A_2083 : vector<16xf32> to vector<16xf32>
      %add3A_2085 = arith.constant 68992 : i32
      %add3A_2086 = arith.addi %add3A_2085, %mul3A_2072 : i32
      %get3A_2087 = arith.index_cast %add3A_2086 : i32 to index
      %get3A_2088 = tpu.vector_load %arg9[%get3A_2087] {strides = array<i32>} : memref<90112xf32, #tpu.memory_space<vmem>>, vector<16xf32>,
      %get3A_2089 = vector.shape_cast %get3A_2088 : vector<16xf32> to vector<16xf32>
      %mul3A_2090 = arith.mulf %get3A_2084, %get3A_2089 : vector<16xf32>
      %get3A_2091 = arith.constant 800 : index
      %get3A_2092 = tpu.vector_load %arg8[%get3A_2091] {strides = array<i32>} : memref<1024xf32, #tpu.memory_space<vmem>>, vector<16xf32>,
      %get3A_2093 = vector.shape_cast %get3A_2092 : vector<16xf32> to vector<16xf32>
      %add3A_2094 = arith.constant 70400 : i32
      %add3A_2095 = arith.addi %add3A_2094, %mul3A_2072 : i32
      %get3A_2096 = arith.index_cast %add3A_2095 : i32 to index
      %get3A_2097 = tpu.vector_load %arg9[%get3A_2096] {strides = array<i32>} : memref<90112xf32, #tpu.memory_space<vmem>>, vector<16xf32>,
      %get3A_2098 = vector.shape_cast %get3A_2097 : vector<16xf32> to vector<16xf32>
      %mul3A_2099 = arith.mulf %get3A_2093, %get3A_2098 : vector<16xf32>
      %get3A_2100 = arith.constant 816 : index
      %get3A_2101 = tpu.vector_load %arg8[%get3A_2100] {strides = array<i32>} : memref<1024xf32, #tpu.memory_space<vmem>>, vector<16xf32>,
      %get3A_2102 = vector.shape_cast %get3A_2101 : vector<16xf32> to vector<16xf32>
      %add3A_2103 = arith.constant 71808 : i32
      %add3A_2104 = arith.addi %add3A_2103, %mul3A_2072 : i32
      %get3A_2105 = arith.index_cast %add3A_2104 : i32 to index
      %get3A_2106 = tpu.vector_load %arg9[%get3A_2105] {strides = array<i32>} : memref<90112xf32, #tpu.memory_space<vmem>>, vector<16xf32>,
      %get3A_2107 = vector.shape_cast %get3A_2106 : vector<16xf32> to vector<16xf32>
      %mul3A_2108 = arith.mulf %get3A_2102, %get3A_2107 : vector<16xf32>
      %get3A_2109 = arith.constant 832 : index
      %get3A_2110 = tpu.vector_load %arg8[%get3A_2109] {strides = array<i32>} : memref<1024xf32, #tpu.memory_space<vmem>>, vector<16xf32>,
      %get3A_2111 = vector.shape_cast %get3A_2110 : vector<16xf32> to vector<16xf32>
      %add3A_2112 = arith.constant 73216 : i32
      %add3A_2113 = arith.addi %add3A_2112, %mul3A_2072 : i32
      %get3A_2114 = arith.index_cast %add3A_2113 : i32 to index
      %get3A_2115 = tpu.vector_load %arg9[%get3A_2114] {strides = array<i32>} : memref<90112xf32, #tpu.memory_space<vmem>>, vector<16xf32>,
      %get3A_2116 = vector.shape_cast %get3A_2115 : vector<16xf32> to vector<16xf32>
      %mul3A_2117 = arith.mulf %get3A_2111, %get3A_2116 : vector<16xf32>
      %add3A_2118 = arith.addf %mul3A_2081, %mul3A_2117 : vector<16xf32>
      %get3A_2119 = arith.constant 848 : index
      %get3A_2120 = tpu.vector_load %arg8[%get3A_2119] {strides = array<i32>} : memref<1024xf32, #tpu.memory_space<vmem>>, vector<16xf32>,
      %get3A_2121 = vector.shape_cast %get3A_2120 : vector<16xf32> to vector<16xf32>
      %add3A_2122 = arith.constant 74624 : i32
      %add3A_2123 = arith.addi %add3A_2122, %mul3A_2072 : i32
      %get3A_2124 = arith.index_cast %add3A_2123 : i32 to index
      %get3A_2125 = tpu.vector_load %arg9[%get3A_2124] {strides = array<i32>} : memref<90112xf32, #tpu.memory_space<vmem>>, vector<16xf32>,
      %get3A_2126 = vector.shape_cast %get3A_2125 : vector<16xf32> to vector<16xf32>
      %mul3A_2127 = arith.mulf %get3A_2121, %get3A_2126 : vector<16xf32>
      %add3A_2128 = arith.addf %mul3A_2090, %mul3A_2127 : vector<16xf32>
      %get3A_2129 = arith.constant 864 : index
      %get3A_2130 = tpu.vector_load %arg8[%get3A_2129] {strides = array<i32>} : memref<1024xf32, #tpu.memory_space<vmem>>, vector<16xf32>,
      %get3A_2131 = vector.shape_cast %get3A_2130 : vector<16xf32> to vector<16xf32>
      %add3A_2132 = arith.constant 76032 : i32
      %add3A_2133 = arith.addi %add3A_2132, %mul3A_2072 : i32
      %get3A_2134 = arith.index_cast %add3A_2133 : i32 to index
      %get3A_2135 = tpu.vector_load %arg9[%get3A_2134] {strides = array<i32>} : memref<90112xf32, #tpu.memory_space<vmem>>, vector<16xf32>,
      %get3A_2136 = vector.shape_cast %get3A_2135 : vector<16xf32> to vector<16xf32>
      %mul3A_2137 = arith.mulf %get3A_2131, %get3A_2136 : vector<16xf32>
      %add3A_2138 = arith.addf %mul3A_2099, %mul3A_2137 : vector<16xf32>
      %get3A_2139 = arith.constant 880 : index
      %get3A_2140 = tpu.vector_load %arg8[%get3A_2139] {strides = array<i32>} : memref<1024xf32, #tpu.memory_space<vmem>>, vector<16xf32>,
      %get3A_2141 = vector.shape_cast %get3A_2140 : vector<16xf32> to vector<16xf32>
      %add3A_2142 = arith.constant 77440 : i32
      %add3A_2143 = arith.addi %add3A_2142, %mul3A_2072 : i32
      %get3A_2144 = arith.index_cast %add3A_2143 : i32 to index
      %get3A_2145 = tpu.vector_load %arg9[%get3A_2144] {strides = array<i32>} : memref<90112xf32, #tpu.memory_space<vmem>>, vector<16xf32>,
      %get3A_2146 = vector.shape_cast %get3A_2145 : vector<16xf32> to vector<16xf32>
      %mul3A_2147 = arith.mulf %get3A_2141, %get3A_2146 : vector<16xf32>
      %add3A_2148 = arith.addf %mul3A_2108, %mul3A_2147 : vector<16xf32>
      %get3A_2149 = arith.constant 896 : index
      %get3A_2150 = tpu.vector_load %arg8[%get3A_2149] {strides = array<i32>} : memref<1024xf32, #tpu.memory_space<vmem>>, vector<16xf32>,
      %get3A_2151 = vector.shape_cast %get3A_2150 : vector<16xf32> to vector<16xf32>
      %add3A_2152 = arith.constant 78848 : i32
      %add3A_2153 = arith.addi %add3A_2152, %mul3A_2072 : i32
      %get3A_2154 = arith.index_cast %add3A_2153 : i32 to index
      %get3A_2155 = tpu.vector_load %arg9[%get3A_2154] {strides = array<i32>} : memref<90112xf32, #tpu.memory_space<vmem>>, vector<16xf32>,
      %get3A_2156 = vector.shape_cast %get3A_2155 : vector<16xf32> to vector<16xf32>
      %mul3A_2157 = arith.mulf %get3A_2151, %get3A_2156 : vector<16xf32>
      %add3A_2158 = arith.addf %add3A_2118, %mul3A_2157 : vector<16xf32>
      %get3A_2159 = arith.constant 912 : index
      %get3A_2160 = tpu.vector_load %arg8[%get3A_2159] {strides = array<i32>} : memref<1024xf32, #tpu.memory_space<vmem>>, vector<16xf32>,
      %get3A_2161 = vector.shape_cast %get3A_2160 : vector<16xf32> to vector<16xf32>
      %add3A_2162 = arith.constant 80256 : i32
      %add3A_2163 = arith.addi %add3A_2162, %mul3A_2072 : i32
      %get3A_2164 = arith.index_cast %add3A_2163 : i32 to index
      %get3A_2165 = tpu.vector_load %arg9[%get3A_2164] {strides = array<i32>} : memref<90112xf32, #tpu.memory_space<vmem>>, vector<16xf32>,
      %get3A_2166 = vector.shape_cast %get3A_2165 : vector<16xf32> to vector<16xf32>
      %mul3A_2167 = arith.mulf %get3A_2161, %get3A_2166 : vector<16xf32>
      %add3A_2168 = arith.addf %add3A_2128, %mul3A_2167 : vector<16xf32>
      %get3A_2169 = arith.constant 928 : index
      %get3A_2170 = tpu.vector_load %arg8[%get3A_2169] {strides = array<i32>} : memref<1024xf32, #tpu.memory_space<vmem>>, vector<16xf32>,
      %get3A_2171 = vector.shape_cast %get3A_2170 : vector<16xf32> to vector<16xf32>
      %add3A_2172 = arith.constant 81664 : i32
      %add3A_2173 = arith.addi %add3A_2172, %mul3A_2072 : i32
      %get3A_2174 = arith.index_cast %add3A_2173 : i32 to index
      %get3A_2175 = tpu.vector_load %arg9[%get3A_2174] {strides = array<i32>} : memref<90112xf32, #tpu.memory_space<vmem>>, vector<16xf32>,
      %get3A_2176 = vector.shape_cast %get3A_2175 : vector<16xf32> to vector<16xf32>
      %mul3A_2177 = arith.mulf %get3A_2171, %get3A_2176 : vector<16xf32>
      %add3A_2178 = arith.addf %add3A_2138, %mul3A_2177 : vector<16xf32>
      %get3A_2179 = arith.constant 944 : index
      %get3A_2180 = tpu.vector_load %arg8[%get3A_2179] {strides = array<i32>} : memref<1024xf32, #tpu.memory_space<vmem>>, vector<16xf32>,
      %get3A_2181 = vector.shape_cast %get3A_2180 : vector<16xf32> to vector<16xf32>
      %add3A_2182 = arith.constant 83072 : i32
      %add3A_2183 = arith.addi %add3A_2182, %mul3A_2072 : i32
      %get3A_2184 = arith.index_cast %add3A_2183 : i32 to index
      %get3A_2185 = tpu.vector_load %arg9[%get3A_2184] {strides = array<i32>} : memref<90112xf32, #tpu.memory_space<vmem>>, vector<16xf32>,
      %get3A_2186 = vector.shape_cast %get3A_2185 : vector<16xf32> to vector<16xf32>
      %mul3A_2187 = arith.mulf %get3A_2181, %get3A_2186 : vector<16xf32>
      %add3A_2188 = arith.addf %add3A_2148, %mul3A_2187 : vector<16xf32>
      %get3A_2189 = arith.constant 960 : index
      %get3A_2190 = tpu.vector_load %arg8[%get3A_2189] {strides = array<i32>} : memref<1024xf32, #tpu.memory_space<vmem>>, vector<16xf32>,
      %get3A_2191 = vector.shape_cast %get3A_2190 : vector<16xf32> to vector<16xf32>
      %add3A_2192 = arith.constant 84480 : i32
      %add3A_2193 = arith.addi %add3A_2192, %mul3A_2072 : i32
      %get3A_2194 = arith.index_cast %add3A_2193 : i32 to index
      %get3A_2195 = tpu.vector_load %arg9[%get3A_2194] {strides = array<i32>} : memref<90112xf32, #tpu.memory_space<vmem>>, vector<16xf32>,
      %get3A_2196 = vector.shape_cast %get3A_2195 : vector<16xf32> to vector<16xf32>
      %mul3A_2197 = arith.mulf %get3A_2191, %get3A_2196 : vector<16xf32>
      %add3A_2198 = arith.addf %add3A_2158, %mul3A_2197 : vector<16xf32>
      %get3A_2199 = arith.constant 976 : index
      %get3A_2200 = tpu.vector_load %arg8[%get3A_2199] {strides = array<i32>} : memref<1024xf32, #tpu.memory_space<vmem>>, vector<16xf32>,
      %get3A_2201 = vector.shape_cast %get3A_2200 : vector<16xf32> to vector<16xf32>
      %add3A_2202 = arith.constant 85888 : i32
      %add3A_2203 = arith.addi %add3A_2202, %mul3A_2072 : i32
      %get3A_2204 = arith.index_cast %add3A_2203 : i32 to index
      %get3A_2205 = tpu.vector_load %arg9[%get3A_2204] {strides = array<i32>} : memref<90112xf32, #tpu.memory_space<vmem>>, vector<16xf32>,
      %get3A_2206 = vector.shape_cast %get3A_2205 : vector<16xf32> to vector<16xf32>
      %mul3A_2207 = arith.mulf %get3A_2201, %get3A_2206 : vector<16xf32>
      %add3A_2208 = arith.addf %add3A_2168, %mul3A_2207 : vector<16xf32>
      %get3A_2209 = arith.constant 992 : index
      %get3A_2210 = tpu.vector_load %arg8[%get3A_2209] {strides = array<i32>} : memref<1024xf32, #tpu.memory_space<vmem>>, vector<16xf32>,
      %get3A_2211 = vector.shape_cast %get3A_2210 : vector<16xf32> to vector<16xf32>
      %add3A_2212 = arith.constant 87296 : i32
      %add3A_2213 = arith.addi %add3A_2212, %mul3A_2072 : i32
      %get3A_2214 = arith.index_cast %add3A_2213 : i32 to index
      %get3A_2215 = tpu.vector_load %arg9[%get3A_2214] {strides = array<i32>} : memref<90112xf32, #tpu.memory_space<vmem>>, vector<16xf32>,
      %get3A_2216 = vector.shape_cast %get3A_2215 : vector<16xf32> to vector<16xf32>
      %mul3A_2217 = arith.mulf %get3A_2211, %get3A_2216 : vector<16xf32>
      %add3A_2218 = arith.addf %add3A_2178, %mul3A_2217 : vector<16xf32>
      %get3A_2219 = arith.constant 1008 : index
      %get3A_2220 = tpu.vector_load %arg8[%get3A_2219] {strides = array<i32>} : memref<1024xf32, #tpu.memory_space<vmem>>, vector<16xf32>,
      %get3A_2221 = vector.shape_cast %get3A_2220 : vector<16xf32> to vector<16xf32>
      %add3A_2222 = arith.constant 88704 : i32
      %add3A_2223 = arith.addi %add3A_2222, %mul3A_2072 : i32
      %get3A_2224 = arith.index_cast %add3A_2223 : i32 to index
      %get3A_2225 = tpu.vector_load %arg9[%get3A_2224] {strides = array<i32>} : memref<90112xf32, #tpu.memory_space<vmem>>, vector<16xf32>,
      %get3A_2226 = vector.shape_cast %get3A_2225 : vector<16xf32> to vector<16xf32>
      %mul3A_2227 = arith.mulf %get3A_2221, %get3A_2226 : vector<16xf32>
      %add3A_2228 = arith.addf %add3A_2188, %mul3A_2227 : vector<16xf32>
      %add3A_2229 = arith.addf %add3A_2198, %add3A_2208 : vector<16xf32>
      %add3A_2230 = arith.addf %add3A_2218, %add3A_2228 : vector<16xf32>
      %add3A_2231 = arith.addf %add3A_2229, %add3A_2230 : vector<16xf32>
      %swap3A_2232 = arith.index_cast %mul3A_2072 : i32 to index
      %swap3A_2233 = tpu.vector_load %arg10[%swap3A_2232] {strides = array<i32>} : memref<1408xf32, #tpu.memory_space<vmem>>, vector<16xf32>,
      %swap3A_2234 = vector.shape_cast %swap3A_2233 : vector<16xf32> to vector<16xf32>
      %swap3A_2235 = vector.shape_cast %add3A_2231 : vector<16xf32> to vector<16xf32>
      tpu.vector_store %arg10[%swap3A_2232], %swap3A_2235 {add = true, strides = array<i32>} : memref<1408xf32, #tpu.memory_space<vmem>>, vector<16xf32>,
      %scan3A_2236 = arith.constant 0 : i32
      scf.yield %scan3A_2236 : i32
    }
    %scan3A_1185 = arith.constant 88 : i32
    %get3A = arith.constant 0 : index
    %get3A_1186 = tpu.vector_load %arg10[%get3A] {strides = array<i32>} : memref<1408xf32, #tpu.memory_space<vmem>>, vector<16xf32>,
    %get3A_1187 = vector.shape_cast %get3A_1186 : vector<16xf32> to vector<16xf32>
    %get3A_1188 = arith.constant 16 : index
    %get3A_1189 = tpu.vector_load %arg10[%get3A_1188] {strides = array<i32>} : memref<1408xf32, #tpu.memory_space<vmem>>, vector<16xf32>,
    %get3A_1190 = vector.shape_cast %get3A_1189 : vector<16xf32> to vector<16xf32>
    %max3A = arith.maximumf %get3A_1187, %get3A_1190 : vector<16xf32>
    %get3A_1191 = arith.constant 32 : index
    %get3A_1192 = tpu.vector_load %arg10[%get3A_1191] {strides = array<i32>} : memref<1408xf32, #tpu.memory_space<vmem>>, vector<16xf32>,
    %get3A_1193 = vector.shape_cast %get3A_1192 : vector<16xf32> to vector<16xf32>
    %max3A_1194 = arith.maximumf %max3A, %get3A_1193 : vector<16xf32>
    %get3A_1195 = arith.constant 48 : index
    %get3A_1196 = tpu.vector_load %arg10[%get3A_1195] {strides = array<i32>} : memref<1408xf32, #tpu.memory_space<vmem>>, vector<16xf32>,
    %get3A_1197 = vector.shape_cast %get3A_1196 : vector<16xf32> to vector<16xf32>
    %max3A_1198 = arith.maximumf %max3A_1194, %get3A_1197 : vector<16xf32>
    %get3A_1199 = arith.constant 64 : index
    %get3A_1200 = tpu.vector_load %arg10[%get3A_1199] {strides = array<i32>} : memref<1408xf32, #tpu.memory_space<vmem>>, vector<16xf32>,
    %get3A_1201 = vector.shape_cast %get3A_1200 : vector<16xf32> to vector<16xf32>
    %max3A_1202 = arith.maximumf %max3A_1198, %get3A_1201 : vector<16xf32>
    %get3A_1203 = arith.constant 80 : index
    %get3A_1204 = tpu.vector_load %arg10[%get3A_1203] {strides = array<i32>} : memref<1408xf32, #tpu.memory_space<vmem>>, vector<16xf32>,
    %get3A_1205 = vector.shape_cast %get3A_1204 : vector<16xf32> to vector<16xf32>
    %max3A_1206 = arith.maximumf %max3A_1202, %get3A_1205 : vector<16xf32>
    %get3A_1207 = arith.constant 96 : index
    %get3A_1208 = tpu.vector_load %arg10[%get3A_1207] {strides = array<i32>} : memref<1408xf32, #tpu.memory_space<vmem>>, vector<16xf32>,
    %get3A_1209 = vector.shape_cast %get3A_1208 : vector<16xf32> to vector<16xf32>
    %max3A_1210 = arith.maximumf %max3A_1206, %get3A_1209 : vector<16xf32>
    %get3A_1211 = arith.constant 112 : index
    %get3A_1212 = tpu.vector_load %arg10[%get3A_1211] {strides = array<i32>} : memref<1408xf32, #tpu.memory_space<vmem>>, vector<16xf32>,
    %get3A_1213 = vector.shape_cast %get3A_1212 : vector<16xf32> to vector<16xf32>
    %max3A_1214 = arith.maximumf %max3A_1210, %get3A_1213 : vector<16xf32>
    %get3A_1215 = arith.constant 128 : index
    %get3A_1216 = tpu.vector_load %arg10[%get3A_1215] {strides = array<i32>} : memref<1408xf32, #tpu.memory_space<vmem>>, vector<16xf32>,
    %get3A_1217 = vector.shape_cast %get3A_1216 : vector<16xf32> to vector<16xf32>
    %max3A_1218 = arith.maximumf %max3A_1214, %get3A_1217 : vector<16xf32>
    %get3A_1219 = arith.constant 144 : index
    %get3A_1220 = tpu.vector_load %arg10[%get3A_1219] {strides = array<i32>} : memref<1408xf32, #tpu.memory_space<vmem>>, vector<16xf32>,
    %get3A_1221 = vector.shape_cast %get3A_1220 : vector<16xf32> to vector<16xf32>
    %max3A_1222 = arith.maximumf %max3A_1218, %get3A_1221 : vector<16xf32>
    %get3A_1223 = arith.constant 160 : index
    %get3A_1224 = tpu.vector_load %arg10[%get3A_1223] {strides = array<i32>} : memref<1408xf32, #tpu.memory_space<vmem>>, vector<16xf32>,
    %get3A_1225 = vector.shape_cast %get3A_1224 : vector<16xf32> to vector<16xf32>
    %max3A_1226 = arith.maximumf %max3A_1222, %get3A_1225 : vector<16xf32>
    %get3A_1227 = arith.constant 176 : index
    %get3A_1228 = tpu.vector_load %arg10[%get3A_1227] {strides = array<i32>} : memref<1408xf32, #tpu.memory_space<vmem>>, vector<16xf32>,
    %get3A_1229 = vector.shape_cast %get3A_1228 : vector<16xf32> to vector<16xf32>
    %max3A_1230 = arith.maximumf %max3A_1226, %get3A_1229 : vector<16xf32>
    %get3A_1231 = arith.constant 192 : index
    %get3A_1232 = tpu.vector_load %arg10[%get3A_1231] {strides = array<i32>} : memref<1408xf32, #tpu.memory_space<vmem>>, vector<16xf32>,
    %get3A_1233 = vector.shape_cast %get3A_1232 : vector<16xf32> to vector<16xf32>
    %max3A_1234 = arith.maximumf %max3A_1230, %get3A_1233 : vector<16xf32>
    %get3A_1235 = arith.constant 208 : index
    %get3A_1236 = tpu.vector_load %arg10[%get3A_1235] {strides = array<i32>} : memref<1408xf32, #tpu.memory_space<vmem>>, vector<16xf32>,
    %get3A_1237 = vector.shape_cast %get3A_1236 : vector<16xf32> to vector<16xf32>
    %max3A_1238 = arith.maximumf %max3A_1234, %get3A_1237 : vector<16xf32>
    %get3A_1239 = arith.constant 224 : index
    %get3A_1240 = tpu.vector_load %arg10[%get3A_1239] {strides = array<i32>} : memref<1408xf32, #tpu.memory_space<vmem>>, vector<16xf32>,
    %get3A_1241 = vector.shape_cast %get3A_1240 : vector<16xf32> to vector<16xf32>
    %max3A_1242 = arith.maximumf %max3A_1238, %get3A_1241 : vector<16xf32>
    %get3A_1243 = arith.constant 240 : index
    %get3A_1244 = tpu.vector_load %arg10[%get3A_1243] {strides = array<i32>} : memref<1408xf32, #tpu.memory_space<vmem>>, vector<16xf32>,
    %get3A_1245 = vector.shape_cast %get3A_1244 : vector<16xf32> to vector<16xf32>
    %max3A_1246 = arith.maximumf %max3A_1242, %get3A_1245 : vector<16xf32>
    %get3A_1247 = arith.constant 256 : index
    %get3A_1248 = tpu.vector_load %arg10[%get3A_1247] {strides = array<i32>} : memref<1408xf32, #tpu.memory_space<vmem>>, vector<16xf32>,
    %get3A_1249 = vector.shape_cast %get3A_1248 : vector<16xf32> to vector<16xf32>
    %max3A_1250 = arith.maximumf %max3A_1246, %get3A_1249 : vector<16xf32>
    %get3A_1251 = arith.constant 272 : index
    %get3A_1252 = tpu.vector_load %arg10[%get3A_1251] {strides = array<i32>} : memref<1408xf32, #tpu.memory_space<vmem>>, vector<16xf32>,
    %get3A_1253 = vector.shape_cast %get3A_1252 : vector<16xf32> to vector<16xf32>
    %max3A_1254 = arith.maximumf %max3A_1250, %get3A_1253 : vector<16xf32>
    %get3A_1255 = arith.constant 288 : index
    %get3A_1256 = tpu.vector_load %arg10[%get3A_1255] {strides = array<i32>} : memref<1408xf32, #tpu.memory_space<vmem>>, vector<16xf32>,
    %get3A_1257 = vector.shape_cast %get3A_1256 : vector<16xf32> to vector<16xf32>
    %max3A_1258 = arith.maximumf %max3A_1254, %get3A_1257 : vector<16xf32>
    %get3A_1259 = arith.constant 304 : index
    %get3A_1260 = tpu.vector_load %arg10[%get3A_1259] {strides = array<i32>} : memref<1408xf32, #tpu.memory_space<vmem>>, vector<16xf32>,
    %get3A_1261 = vector.shape_cast %get3A_1260 : vector<16xf32> to vector<16xf32>
    %max3A_1262 = arith.maximumf %max3A_1258, %get3A_1261 : vector<16xf32>
    %get3A_1263 = arith.constant 320 : index
    %get3A_1264 = tpu.vector_load %arg10[%get3A_1263] {strides = array<i32>} : memref<1408xf32, #tpu.memory_space<vmem>>, vector<16xf32>,
    %get3A_1265 = vector.shape_cast %get3A_1264 : vector<16xf32> to vector<16xf32>
    %max3A_1266 = arith.maximumf %max3A_1262, %get3A_1265 : vector<16xf32>
    %get3A_1267 = arith.constant 336 : index
    %get3A_1268 = tpu.vector_load %arg10[%get3A_1267] {strides = array<i32>} : memref<1408xf32, #tpu.memory_space<vmem>>, vector<16xf32>,
    %get3A_1269 = vector.shape_cast %get3A_1268 : vector<16xf32> to vector<16xf32>
    %max3A_1270 = arith.maximumf %max3A_1266, %get3A_1269 : vector<16xf32>
    %get3A_1271 = arith.constant 352 : index
    %get3A_1272 = tpu.vector_load %arg10[%get3A_1271] {strides = array<i32>} : memref<1408xf32, #tpu.memory_space<vmem>>, vector<16xf32>,
    %get3A_1273 = vector.shape_cast %get3A_1272 : vector<16xf32> to vector<16xf32>
    %max3A_1274 = arith.maximumf %max3A_1270, %get3A_1273 : vector<16xf32>
    %get3A_1275 = arith.constant 368 : index
    %get3A_1276 = tpu.vector_load %arg10[%get3A_1275] {strides = array<i32>} : memref<1408xf32, #tpu.memory_space<vmem>>, vector<16xf32>,
    %get3A_1277 = vector.shape_cast %get3A_1276 : vector<16xf32> to vector<16xf32>
    %max3A_1278 = arith.maximumf %max3A_1274, %get3A_1277 : vector<16xf32>
    %get3A_1279 = arith.constant 384 : index
    %get3A_1280 = tpu.vector_load %arg10[%get3A_1279] {strides = array<i32>} : memref<1408xf32, #tpu.memory_space<vmem>>, vector<16xf32>,
    %get3A_1281 = vector.shape_cast %get3A_1280 : vector<16xf32> to vector<16xf32>
    %max3A_1282 = arith.maximumf %max3A_1278, %get3A_1281 : vector<16xf32>
    %get3A_1283 = arith.constant 400 : index
    %get3A_1284 = tpu.vector_load %arg10[%get3A_1283] {strides = array<i32>} : memref<1408xf32, #tpu.memory_space<vmem>>, vector<16xf32>,
    %get3A_1285 = vector.shape_cast %get3A_1284 : vector<16xf32> to vector<16xf32>
    %max3A_1286 = arith.maximumf %max3A_1282, %get3A_1285 : vector<16xf32>
    %get3A_1287 = arith.constant 416 : index
    %get3A_1288 = tpu.vector_load %arg10[%get3A_1287] {strides = array<i32>} : memref<1408xf32, #tpu.memory_space<vmem>>, vector<16xf32>,
    %get3A_1289 = vector.shape_cast %get3A_1288 : vector<16xf32> to vector<16xf32>
    %max3A_1290 = arith.maximumf %max3A_1286, %get3A_1289 : vector<16xf32>
    %get3A_1291 = arith.constant 432 : index
    %get3A_1292 = tpu.vector_load %arg10[%get3A_1291] {strides = array<i32>} : memref<1408xf32, #tpu.memory_space<vmem>>, vector<16xf32>,
    %get3A_1293 = vector.shape_cast %get3A_1292 : vector<16xf32> to vector<16xf32>
    %max3A_1294 = arith.maximumf %max3A_1290, %get3A_1293 : vector<16xf32>
    %get3A_1295 = arith.constant 448 : index
    %get3A_1296 = tpu.vector_load %arg10[%get3A_1295] {strides = array<i32>} : memref<1408xf32, #tpu.memory_space<vmem>>, vector<16xf32>,
    %get3A_1297 = vector.shape_cast %get3A_1296 : vector<16xf32> to vector<16xf32>
    %max3A_1298 = arith.maximumf %max3A_1294, %get3A_1297 : vector<16xf32>
    %get3A_1299 = arith.constant 464 : index
    %get3A_1300 = tpu.vector_load %arg10[%get3A_1299] {strides = array<i32>} : memref<1408xf32, #tpu.memory_space<vmem>>, vector<16xf32>,
    %get3A_1301 = vector.shape_cast %get3A_1300 : vector<16xf32> to vector<16xf32>
    %max3A_1302 = arith.maximumf %max3A_1298, %get3A_1301 : vector<16xf32>
    %get3A_1303 = arith.constant 480 : index
    %get3A_1304 = tpu.vector_load %arg10[%get3A_1303] {strides = array<i32>} : memref<1408xf32, #tpu.memory_space<vmem>>, vector<16xf32>,
    %get3A_1305 = vector.shape_cast %get3A_1304 : vector<16xf32> to vector<16xf32>
    %max3A_1306 = arith.maximumf %max3A_1302, %get3A_1305 : vector<16xf32>
    %get3A_1307 = arith.constant 496 : index
    %get3A_1308 = tpu.vector_load %arg10[%get3A_1307] {strides = array<i32>} : memref<1408xf32, #tpu.memory_space<vmem>>, vector<16xf32>,
    %get3A_1309 = vector.shape_cast %get3A_1308 : vector<16xf32> to vector<16xf32>
    %max3A_1310 = arith.maximumf %max3A_1306, %get3A_1309 : vector<16xf32>
    %get3A_1311 = arith.constant 512 : index
    %get3A_1312 = tpu.vector_load %arg10[%get3A_1311] {strides = array<i32>} : memref<1408xf32, #tpu.memory_space<vmem>>, vector<16xf32>,
    %get3A_1313 = vector.shape_cast %get3A_1312 : vector<16xf32> to vector<16xf32>
    %max3A_1314 = arith.maximumf %max3A_1310, %get3A_1313 : vector<16xf32>
    %get3A_1315 = arith.constant 528 : index
    %get3A_1316 = tpu.vector_load %arg10[%get3A_1315] {strides = array<i32>} : memref<1408xf32, #tpu.memory_space<vmem>>, vector<16xf32>,
    %get3A_1317 = vector.shape_cast %get3A_1316 : vector<16xf32> to vector<16xf32>
    %max3A_1318 = arith.maximumf %max3A_1314, %get3A_1317 : vector<16xf32>
    %get3A_1319 = arith.constant 544 : index
    %get3A_1320 = tpu.vector_load %arg10[%get3A_1319] {strides = array<i32>} : memref<1408xf32, #tpu.memory_space<vmem>>, vector<16xf32>,
    %get3A_1321 = vector.shape_cast %get3A_1320 : vector<16xf32> to vector<16xf32>
    %max3A_1322 = arith.maximumf %max3A_1318, %get3A_1321 : vector<16xf32>
    %get3A_1323 = arith.constant 560 : index
    %get3A_1324 = tpu.vector_load %arg10[%get3A_1323] {strides = array<i32>} : memref<1408xf32, #tpu.memory_space<vmem>>, vector<16xf32>,
    %get3A_1325 = vector.shape_cast %get3A_1324 : vector<16xf32> to vector<16xf32>
    %max3A_1326 = arith.maximumf %max3A_1322, %get3A_1325 : vector<16xf32>
    %get3A_1327 = arith.constant 576 : index
    %get3A_1328 = tpu.vector_load %arg10[%get3A_1327] {strides = array<i32>} : memref<1408xf32, #tpu.memory_space<vmem>>, vector<16xf32>,
    %get3A_1329 = vector.shape_cast %get3A_1328 : vector<16xf32> to vector<16xf32>
    %max3A_1330 = arith.maximumf %max3A_1326, %get3A_1329 : vector<16xf32>
    %get3A_1331 = arith.constant 592 : index
    %get3A_1332 = tpu.vector_load %arg10[%get3A_1331] {strides = array<i32>} : memref<1408xf32, #tpu.memory_space<vmem>>, vector<16xf32>,
    %get3A_1333 = vector.shape_cast %get3A_1332 : vector<16xf32> to vector<16xf32>
    %max3A_1334 = arith.maximumf %max3A_1330, %get3A_1333 : vector<16xf32>
    %get3A_1335 = arith.constant 608 : index
    %get3A_1336 = tpu.vector_load %arg10[%get3A_1335] {strides = array<i32>} : memref<1408xf32, #tpu.memory_space<vmem>>, vector<16xf32>,
    %get3A_1337 = vector.shape_cast %get3A_1336 : vector<16xf32> to vector<16xf32>
    %max3A_1338 = arith.maximumf %max3A_1334, %get3A_1337 : vector<16xf32>
    %get3A_1339 = arith.constant 624 : index
    %get3A_1340 = tpu.vector_load %arg10[%get3A_1339] {strides = array<i32>} : memref<1408xf32, #tpu.memory_space<vmem>>, vector<16xf32>,
    %get3A_1341 = vector.shape_cast %get3A_1340 : vector<16xf32> to vector<16xf32>
    %max3A_1342 = arith.maximumf %max3A_1338, %get3A_1341 : vector<16xf32>
    %get3A_1343 = arith.constant 640 : index
    %get3A_1344 = tpu.vector_load %arg10[%get3A_1343] {strides = array<i32>} : memref<1408xf32, #tpu.memory_space<vmem>>, vector<16xf32>,
    %get3A_1345 = vector.shape_cast %get3A_1344 : vector<16xf32> to vector<16xf32>
    %max3A_1346 = arith.maximumf %max3A_1342, %get3A_1345 : vector<16xf32>
    %get3A_1347 = arith.constant 656 : index
    %get3A_1348 = tpu.vector_load %arg10[%get3A_1347] {strides = array<i32>} : memref<1408xf32, #tpu.memory_space<vmem>>, vector<16xf32>,
    %get3A_1349 = vector.shape_cast %get3A_1348 : vector<16xf32> to vector<16xf32>
    %max3A_1350 = arith.maximumf %max3A_1346, %get3A_1349 : vector<16xf32>
    %get3A_1351 = arith.constant 672 : index
    %get3A_1352 = tpu.vector_load %arg10[%get3A_1351] {strides = array<i32>} : memref<1408xf32, #tpu.memory_space<vmem>>, vector<16xf32>,
    %get3A_1353 = vector.shape_cast %get3A_1352 : vector<16xf32> to vector<16xf32>
    %max3A_1354 = arith.maximumf %max3A_1350, %get3A_1353 : vector<16xf32>
    %get3A_1355 = arith.constant 688 : index
    %get3A_1356 = tpu.vector_load %arg10[%get3A_1355] {strides = array<i32>} : memref<1408xf32, #tpu.memory_space<vmem>>, vector<16xf32>,
    %get3A_1357 = vector.shape_cast %get3A_1356 : vector<16xf32> to vector<16xf32>
    %max3A_1358 = arith.maximumf %max3A_1354, %get3A_1357 : vector<16xf32>
    %get3A_1359 = arith.constant 704 : index
    %get3A_1360 = tpu.vector_load %arg10[%get3A_1359] {strides = array<i32>} : memref<1408xf32, #tpu.memory_space<vmem>>, vector<16xf32>,
    %get3A_1361 = vector.shape_cast %get3A_1360 : vector<16xf32> to vector<16xf32>
    %max3A_1362 = arith.maximumf %max3A_1358, %get3A_1361 : vector<16xf32>
    %get3A_1363 = arith.constant 720 : index
    %get3A_1364 = tpu.vector_load %arg10[%get3A_1363] {strides = array<i32>} : memref<1408xf32, #tpu.memory_space<vmem>>, vector<16xf32>,
    %get3A_1365 = vector.shape_cast %get3A_1364 : vector<16xf32> to vector<16xf32>
    %max3A_1366 = arith.maximumf %max3A_1362, %get3A_1365 : vector<16xf32>
    %get3A_1367 = arith.constant 736 : index
    %get3A_1368 = tpu.vector_load %arg10[%get3A_1367] {strides = array<i32>} : memref<1408xf32, #tpu.memory_space<vmem>>, vector<16xf32>,
    %get3A_1369 = vector.shape_cast %get3A_1368 : vector<16xf32> to vector<16xf32>
    %max3A_1370 = arith.maximumf %max3A_1366, %get3A_1369 : vector<16xf32>
    %get3A_1371 = arith.constant 752 : index
    %get3A_1372 = tpu.vector_load %arg10[%get3A_1371] {strides = array<i32>} : memref<1408xf32, #tpu.memory_space<vmem>>, vector<16xf32>,
    %get3A_1373 = vector.shape_cast %get3A_1372 : vector<16xf32> to vector<16xf32>
    %max3A_1374 = arith.maximumf %max3A_1370, %get3A_1373 : vector<16xf32>
    %get3A_1375 = arith.constant 768 : index
    %get3A_1376 = tpu.vector_load %arg10[%get3A_1375] {strides = array<i32>} : memref<1408xf32, #tpu.memory_space<vmem>>, vector<16xf32>,
    %get3A_1377 = vector.shape_cast %get3A_1376 : vector<16xf32> to vector<16xf32>
    %max3A_1378 = arith.maximumf %max3A_1374, %get3A_1377 : vector<16xf32>
    %get3A_1379 = arith.constant 784 : index
    %get3A_1380 = tpu.vector_load %arg10[%get3A_1379] {strides = array<i32>} : memref<1408xf32, #tpu.memory_space<vmem>>, vector<16xf32>,
    %get3A_1381 = vector.shape_cast %get3A_1380 : vector<16xf32> to vector<16xf32>
    %max3A_1382 = arith.maximumf %max3A_1378, %get3A_1381 : vector<16xf32>
    %get3A_1383 = arith.constant 800 : index
    %get3A_1384 = tpu.vector_load %arg10[%get3A_1383] {strides = array<i32>} : memref<1408xf32, #tpu.memory_space<vmem>>, vector<16xf32>,
    %get3A_1385 = vector.shape_cast %get3A_1384 : vector<16xf32> to vector<16xf32>
    %max3A_1386 = arith.maximumf %max3A_1382, %get3A_1385 : vector<16xf32>
    %get3A_1387 = arith.constant 816 : index
    %get3A_1388 = tpu.vector_load %arg10[%get3A_1387] {strides = array<i32>} : memref<1408xf32, #tpu.memory_space<vmem>>, vector<16xf32>,
    %get3A_1389 = vector.shape_cast %get3A_1388 : vector<16xf32> to vector<16xf32>
    %max3A_1390 = arith.maximumf %max3A_1386, %get3A_1389 : vector<16xf32>
    %get3A_1391 = arith.constant 832 : index
    %get3A_1392 = tpu.vector_load %arg10[%get3A_1391] {strides = array<i32>} : memref<1408xf32, #tpu.memory_space<vmem>>, vector<16xf32>,
    %get3A_1393 = vector.shape_cast %get3A_1392 : vector<16xf32> to vector<16xf32>
    %max3A_1394 = arith.maximumf %max3A_1390, %get3A_1393 : vector<16xf32>
    %get3A_1395 = arith.constant 848 : index
    %get3A_1396 = tpu.vector_load %arg10[%get3A_1395] {strides = array<i32>} : memref<1408xf32, #tpu.memory_space<vmem>>, vector<16xf32>,
    %get3A_1397 = vector.shape_cast %get3A_1396 : vector<16xf32> to vector<16xf32>
    %max3A_1398 = arith.maximumf %max3A_1394, %get3A_1397 : vector<16xf32>
    %get3A_1399 = arith.constant 864 : index
    %get3A_1400 = tpu.vector_load %arg10[%get3A_1399] {strides = array<i32>} : memref<1408xf32, #tpu.memory_space<vmem>>, vector<16xf32>,
    %get3A_1401 = vector.shape_cast %get3A_1400 : vector<16xf32> to vector<16xf32>
    %max3A_1402 = arith.maximumf %max3A_1398, %get3A_1401 : vector<16xf32>
    %get3A_1403 = arith.constant 880 : index
    %get3A_1404 = tpu.vector_load %arg10[%get3A_1403] {strides = array<i32>} : memref<1408xf32, #tpu.memory_space<vmem>>, vector<16xf32>,
    %get3A_1405 = vector.shape_cast %get3A_1404 : vector<16xf32> to vector<16xf32>
    %max3A_1406 = arith.maximumf %max3A_1402, %get3A_1405 : vector<16xf32>
    %get3A_1407 = arith.constant 896 : index
    %get3A_1408 = tpu.vector_load %arg10[%get3A_1407] {strides = array<i32>} : memref<1408xf32, #tpu.memory_space<vmem>>, vector<16xf32>,
    %get3A_1409 = vector.shape_cast %get3A_1408 : vector<16xf32> to vector<16xf32>
    %max3A_1410 = arith.maximumf %max3A_1406, %get3A_1409 : vector<16xf32>
    %get3A_1411 = arith.constant 912 : index
    %get3A_1412 = tpu.vector_load %arg10[%get3A_1411] {strides = array<i32>} : memref<1408xf32, #tpu.memory_space<vmem>>, vector<16xf32>,
    %get3A_1413 = vector.shape_cast %get3A_1412 : vector<16xf32> to vector<16xf32>
    %max3A_1414 = arith.maximumf %max3A_1410, %get3A_1413 : vector<16xf32>
    %get3A_1415 = arith.constant 928 : index
    %get3A_1416 = tpu.vector_load %arg10[%get3A_1415] {strides = array<i32>} : memref<1408xf32, #tpu.memory_space<vmem>>, vector<16xf32>,
    %get3A_1417 = vector.shape_cast %get3A_1416 : vector<16xf32> to vector<16xf32>
    %max3A_1418 = arith.maximumf %max3A_1414, %get3A_1417 : vector<16xf32>
    %get3A_1419 = arith.constant 944 : index
    %get3A_1420 = tpu.vector_load %arg10[%get3A_1419] {strides = array<i32>} : memref<1408xf32, #tpu.memory_space<vmem>>, vector<16xf32>,
    %get3A_1421 = vector.shape_cast %get3A_1420 : vector<16xf32> to vector<16xf32>
    %max3A_1422 = arith.maximumf %max3A_1418, %get3A_1421 : vector<16xf32>
    %get3A_1423 = arith.constant 960 : index
    %get3A_1424 = tpu.vector_load %arg10[%get3A_1423] {strides = array<i32>} : memref<1408xf32, #tpu.memory_space<vmem>>, vector<16xf32>,
    %get3A_1425 = vector.shape_cast %get3A_1424 : vector<16xf32> to vector<16xf32>
    %max3A_1426 = arith.maximumf %max3A_1422, %get3A_1425 : vector<16xf32>
    %get3A_1427 = arith.constant 976 : index
    %get3A_1428 = tpu.vector_load %arg10[%get3A_1427] {strides = array<i32>} : memref<1408xf32, #tpu.memory_space<vmem>>, vector<16xf32>,
    %get3A_1429 = vector.shape_cast %get3A_1428 : vector<16xf32> to vector<16xf32>
    %max3A_1430 = arith.maximumf %max3A_1426, %get3A_1429 : vector<16xf32>
    %get3A_1431 = arith.constant 992 : index
    %get3A_1432 = tpu.vector_load %arg10[%get3A_1431] {strides = array<i32>} : memref<1408xf32, #tpu.memory_space<vmem>>, vector<16xf32>,
    %get3A_1433 = vector.shape_cast %get3A_1432 : vector<16xf32> to vector<16xf32>
    %max3A_1434 = arith.maximumf %max3A_1430, %get3A_1433 : vector<16xf32>
    %get3A_1435 = arith.constant 1008 : index
    %get3A_1436 = tpu.vector_load %arg10[%get3A_1435] {strides = array<i32>} : memref<1408xf32, #tpu.memory_space<vmem>>, vector<16xf32>,
    %get3A_1437 = vector.shape_cast %get3A_1436 : vector<16xf32> to vector<16xf32>
    %max3A_1438 = arith.maximumf %max3A_1434, %get3A_1437 : vector<16xf32>
    %get3A_1439 = arith.constant 1024 : index
    %get3A_1440 = tpu.vector_load %arg10[%get3A_1439] {strides = array<i32>} : memref<1408xf32, #tpu.memory_space<vmem>>, vector<16xf32>,
    %get3A_1441 = vector.shape_cast %get3A_1440 : vector<16xf32> to vector<16xf32>
    %max3A_1442 = arith.maximumf %max3A_1438, %get3A_1441 : vector<16xf32>
    %get3A_1443 = arith.constant 1040 : index
    %get3A_1444 = tpu.vector_load %arg10[%get3A_1443] {strides = array<i32>} : memref<1408xf32, #tpu.memory_space<vmem>>, vector<16xf32>,
    %get3A_1445 = vector.shape_cast %get3A_1444 : vector<16xf32> to vector<16xf32>
    %max3A_1446 = arith.maximumf %max3A_1442, %get3A_1445 : vector<16xf32>
    %get3A_1447 = arith.constant 1056 : index
    %get3A_1448 = tpu.vector_load %arg10[%get3A_1447] {strides = array<i32>} : memref<1408xf32, #tpu.memory_space<vmem>>, vector<16xf32>,
    %get3A_1449 = vector.shape_cast %get3A_1448 : vector<16xf32> to vector<16xf32>
    %max3A_1450 = arith.maximumf %max3A_1446, %get3A_1449 : vector<16xf32>
    %get3A_1451 = arith.constant 1072 : index
    %get3A_1452 = tpu.vector_load %arg10[%get3A_1451] {strides = array<i32>} : memref<1408xf32, #tpu.memory_space<vmem>>, vector<16xf32>,
    %get3A_1453 = vector.shape_cast %get3A_1452 : vector<16xf32> to vector<16xf32>
    %max3A_1454 = arith.maximumf %max3A_1450, %get3A_1453 : vector<16xf32>
    %get3A_1455 = arith.constant 1088 : index
    %get3A_1456 = tpu.vector_load %arg10[%get3A_1455] {strides = array<i32>} : memref<1408xf32, #tpu.memory_space<vmem>>, vector<16xf32>,
    %get3A_1457 = vector.shape_cast %get3A_1456 : vector<16xf32> to vector<16xf32>
    %max3A_1458 = arith.maximumf %max3A_1454, %get3A_1457 : vector<16xf32>
    %get3A_1459 = arith.constant 1104 : index
    %get3A_1460 = tpu.vector_load %arg10[%get3A_1459] {strides = array<i32>} : memref<1408xf32, #tpu.memory_space<vmem>>, vector<16xf32>,
    %get3A_1461 = vector.shape_cast %get3A_1460 : vector<16xf32> to vector<16xf32>
    %max3A_1462 = arith.maximumf %max3A_1458, %get3A_1461 : vector<16xf32>
    %get3A_1463 = arith.constant 1120 : index
    %get3A_1464 = tpu.vector_load %arg10[%get3A_1463] {strides = array<i32>} : memref<1408xf32, #tpu.memory_space<vmem>>, vector<16xf32>,
    %get3A_1465 = vector.shape_cast %get3A_1464 : vector<16xf32> to vector<16xf32>
    %max3A_1466 = arith.maximumf %max3A_1462, %get3A_1465 : vector<16xf32>
    %get3A_1467 = arith.constant 1136 : index
    %get3A_1468 = tpu.vector_load %arg10[%get3A_1467] {strides = array<i32>} : memref<1408xf32, #tpu.memory_space<vmem>>, vector<16xf32>,
    %get3A_1469 = vector.shape_cast %get3A_1468 : vector<16xf32> to vector<16xf32>
    %max3A_1470 = arith.maximumf %max3A_1466, %get3A_1469 : vector<16xf32>
    %get3A_1471 = arith.constant 1152 : index
    %get3A_1472 = tpu.vector_load %arg10[%get3A_1471] {strides = array<i32>} : memref<1408xf32, #tpu.memory_space<vmem>>, vector<16xf32>,
    %get3A_1473 = vector.shape_cast %get3A_1472 : vector<16xf32> to vector<16xf32>
    %max3A_1474 = arith.maximumf %max3A_1470, %get3A_1473 : vector<16xf32>
    %get3A_1475 = arith.constant 1168 : index
    %get3A_1476 = tpu.vector_load %arg10[%get3A_1475] {strides = array<i32>} : memref<1408xf32, #tpu.memory_space<vmem>>, vector<16xf32>,
    %get3A_1477 = vector.shape_cast %get3A_1476 : vector<16xf32> to vector<16xf32>
    %max3A_1478 = arith.maximumf %max3A_1474, %get3A_1477 : vector<16xf32>
    %get3A_1479 = arith.constant 1184 : index
    %get3A_1480 = tpu.vector_load %arg10[%get3A_1479] {strides = array<i32>} : memref<1408xf32, #tpu.memory_space<vmem>>, vector<16xf32>,
    %get3A_1481 = vector.shape_cast %get3A_1480 : vector<16xf32> to vector<16xf32>
    %max3A_1482 = arith.maximumf %max3A_1478, %get3A_1481 : vector<16xf32>
    %get3A_1483 = arith.constant 1200 : index
    %get3A_1484 = tpu.vector_load %arg10[%get3A_1483] {strides = array<i32>} : memref<1408xf32, #tpu.memory_space<vmem>>, vector<16xf32>,
    %get3A_1485 = vector.shape_cast %get3A_1484 : vector<16xf32> to vector<16xf32>
    %max3A_1486 = arith.maximumf %max3A_1482, %get3A_1485 : vector<16xf32>
    %get3A_1487 = arith.constant 1216 : index
    %get3A_1488 = tpu.vector_load %arg10[%get3A_1487] {strides = array<i32>} : memref<1408xf32, #tpu.memory_space<vmem>>, vector<16xf32>,
    %get3A_1489 = vector.shape_cast %get3A_1488 : vector<16xf32> to vector<16xf32>
    %max3A_1490 = arith.maximumf %max3A_1486, %get3A_1489 : vector<16xf32>
    %get3A_1491 = arith.constant 1232 : index
    %get3A_1492 = tpu.vector_load %arg10[%get3A_1491] {strides = array<i32>} : memref<1408xf32, #tpu.memory_space<vmem>>, vector<16xf32>,
    %get3A_1493 = vector.shape_cast %get3A_1492 : vector<16xf32> to vector<16xf32>
    %max3A_1494 = arith.maximumf %max3A_1490, %get3A_1493 : vector<16xf32>
    %get3A_1495 = arith.constant 1248 : index
    %get3A_1496 = tpu.vector_load %arg10[%get3A_1495] {strides = array<i32>} : memref<1408xf32, #tpu.memory_space<vmem>>, vector<16xf32>,
    %get3A_1497 = vector.shape_cast %get3A_1496 : vector<16xf32> to vector<16xf32>
    %max3A_1498 = arith.maximumf %max3A_1494, %get3A_1497 : vector<16xf32>
    %get3A_1499 = arith.constant 1264 : index
    %get3A_1500 = tpu.vector_load %arg10[%get3A_1499] {strides = array<i32>} : memref<1408xf32, #tpu.memory_space<vmem>>, vector<16xf32>,
    %get3A_1501 = vector.shape_cast %get3A_1500 : vector<16xf32> to vector<16xf32>
    %max3A_1502 = arith.maximumf %max3A_1498, %get3A_1501 : vector<16xf32>
    %get3A_1503 = arith.constant 1280 : index
    %get3A_1504 = tpu.vector_load %arg10[%get3A_1503] {strides = array<i32>} : memref<1408xf32, #tpu.memory_space<vmem>>, vector<16xf32>,
    %get3A_1505 = vector.shape_cast %get3A_1504 : vector<16xf32> to vector<16xf32>
    %max3A_1506 = arith.maximumf %max3A_1502, %get3A_1505 : vector<16xf32>
    %get3A_1507 = arith.constant 1296 : index
    %get3A_1508 = tpu.vector_load %arg10[%get3A_1507] {strides = array<i32>} : memref<1408xf32, #tpu.memory_space<vmem>>, vector<16xf32>,
    %get3A_1509 = vector.shape_cast %get3A_1508 : vector<16xf32> to vector<16xf32>
    %max3A_1510 = arith.maximumf %max3A_1506, %get3A_1509 : vector<16xf32>
    %get3A_1511 = arith.constant 1312 : index
    %get3A_1512 = tpu.vector_load %arg10[%get3A_1511] {strides = array<i32>} : memref<1408xf32, #tpu.memory_space<vmem>>, vector<16xf32>,
    %get3A_1513 = vector.shape_cast %get3A_1512 : vector<16xf32> to vector<16xf32>
    %max3A_1514 = arith.maximumf %max3A_1510, %get3A_1513 : vector<16xf32>
    %get3A_1515 = arith.constant 1328 : index
    %get3A_1516 = tpu.vector_load %arg10[%get3A_1515] {strides = array<i32>} : memref<1408xf32, #tpu.memory_space<vmem>>, vector<16xf32>,
    %get3A_1517 = vector.shape_cast %get3A_1516 : vector<16xf32> to vector<16xf32>
    %max3A_1518 = arith.maximumf %max3A_1514, %get3A_1517 : vector<16xf32>
    %get3A_1519 = arith.constant 1344 : index
    %get3A_1520 = tpu.vector_load %arg10[%get3A_1519] {strides = array<i32>} : memref<1408xf32, #tpu.memory_space<vmem>>, vector<16xf32>,
    %get3A_1521 = vector.shape_cast %get3A_1520 : vector<16xf32> to vector<16xf32>
    %max3A_1522 = arith.maximumf %max3A_1518, %get3A_1521 : vector<16xf32>
    %get3A_1523 = arith.constant 1360 : index
    %get3A_1524 = tpu.vector_load %arg10[%get3A_1523] {strides = array<i32>} : memref<1408xf32, #tpu.memory_space<vmem>>, vector<16xf32>,
    %get3A_1525 = vector.shape_cast %get3A_1524 : vector<16xf32> to vector<16xf32>
    %max3A_1526 = arith.maximumf %max3A_1522, %get3A_1525 : vector<16xf32>
    %get3A_1527 = arith.constant 1376 : index
    %get3A_1528 = tpu.vector_load %arg10[%get3A_1527] {strides = array<i32>} : memref<1408xf32, #tpu.memory_space<vmem>>, vector<16xf32>,
    %get3A_1529 = vector.shape_cast %get3A_1528 : vector<16xf32> to vector<16xf32>
    %max3A_1530 = arith.maximumf %max3A_1526, %get3A_1529 : vector<16xf32>
    %get3A_1531 = arith.constant 1392 : index
    %get3A_1532 = tpu.vector_load %arg10[%get3A_1531] {strides = array<i32>} : memref<1408xf32, #tpu.memory_space<vmem>>, vector<16xf32>,
    %get3A_1533 = vector.shape_cast %get3A_1532 : vector<16xf32> to vector<16xf32>
    %max3A_1534 = arith.maximumf %max3A_1530, %get3A_1533 : vector<16xf32>
    %broadcast_in_dim3A = arith.constant 0.000000e+00 : f32
    %broadcast_in_dim3A_1535 = vector.broadcast %broadcast_in_dim3A : f32 to vector<16xf32>
    %get3A_1536 = arith.constant 0 : index
    %get3A_1537 = tpu.vector_load %arg10[%get3A_1536] {strides = array<i32>} : memref<1408xf32, #tpu.memory_space<vmem>>, vector<16xf32>,
    %get3A_1538 = vector.shape_cast %get3A_1537 : vector<16xf32> to vector<16xf32>
    %sub3A = arith.subf %get3A_1538, %max3A_1534 : vector<16xf32>
    %exp3A = math.exp %sub3A : vector<16xf32>
    %add3A_1539 = arith.addf %broadcast_in_dim3A_1535, %exp3A : vector<16xf32>
    %get3A_1540 = arith.constant 16 : index
    %get3A_1541 = tpu.vector_load %arg10[%get3A_1540] {strides = array<i32>} : memref<1408xf32, #tpu.memory_space<vmem>>, vector<16xf32>,
    %get3A_1542 = vector.shape_cast %get3A_1541 : vector<16xf32> to vector<16xf32>
    %sub3A_1543 = arith.subf %get3A_1542, %max3A_1534 : vector<16xf32>
    %exp3A_1544 = math.exp %sub3A_1543 : vector<16xf32>
    %add3A_1545 = arith.addf %add3A_1539, %exp3A_1544 : vector<16xf32>
    %get3A_1546 = arith.constant 32 : index
    %get3A_1547 = tpu.vector_load %arg10[%get3A_1546] {strides = array<i32>} : memref<1408xf32, #tpu.memory_space<vmem>>, vector<16xf32>,
    %get3A_1548 = vector.shape_cast %get3A_1547 : vector<16xf32> to vector<16xf32>
    %sub3A_1549 = arith.subf %get3A_1548, %max3A_1534 : vector<16xf32>
    %exp3A_1550 = math.exp %sub3A_1549 : vector<16xf32>
    %add3A_1551 = arith.addf %add3A_1545, %exp3A_1550 : vector<16xf32>
    %get3A_1552 = arith.constant 48 : index
    %get3A_1553 = tpu.vector_load %arg10[%get3A_1552] {strides = array<i32>} : memref<1408xf32, #tpu.memory_space<vmem>>, vector<16xf32>,
    %get3A_1554 = vector.shape_cast %get3A_1553 : vector<16xf32> to vector<16xf32>
    %sub3A_1555 = arith.subf %get3A_1554, %max3A_1534 : vector<16xf32>
    %exp3A_1556 = math.exp %sub3A_1555 : vector<16xf32>
    %add3A_1557 = arith.addf %add3A_1551, %exp3A_1556 : vector<16xf32>
    %get3A_1558 = arith.constant 64 : index
    %get3A_1559 = tpu.vector_load %arg10[%get3A_1558] {strides = array<i32>} : memref<1408xf32, #tpu.memory_space<vmem>>, vector<16xf32>,
    %get3A_1560 = vector.shape_cast %get3A_1559 : vector<16xf32> to vector<16xf32>
    %sub3A_1561 = arith.subf %get3A_1560, %max3A_1534 : vector<16xf32>
    %exp3A_1562 = math.exp %sub3A_1561 : vector<16xf32>
    %add3A_1563 = arith.addf %add3A_1557, %exp3A_1562 : vector<16xf32>
    %get3A_1564 = arith.constant 80 : index
    %get3A_1565 = tpu.vector_load %arg10[%get3A_1564] {strides = array<i32>} : memref<1408xf32, #tpu.memory_space<vmem>>, vector<16xf32>,
    %get3A_1566 = vector.shape_cast %get3A_1565 : vector<16xf32> to vector<16xf32>
    %sub3A_1567 = arith.subf %get3A_1566, %max3A_1534 : vector<16xf32>
    %exp3A_1568 = math.exp %sub3A_1567 : vector<16xf32>
    %add3A_1569 = arith.addf %add3A_1563, %exp3A_1568 : vector<16xf32>
    %get3A_1570 = arith.constant 96 : index
    %get3A_1571 = tpu.vector_load %arg10[%get3A_1570] {strides = array<i32>} : memref<1408xf32, #tpu.memory_space<vmem>>, vector<16xf32>,
    %get3A_1572 = vector.shape_cast %get3A_1571 : vector<16xf32> to vector<16xf32>
    %sub3A_1573 = arith.subf %get3A_1572, %max3A_1534 : vector<16xf32>
    %exp3A_1574 = math.exp %sub3A_1573 : vector<16xf32>
    %add3A_1575 = arith.addf %add3A_1569, %exp3A_1574 : vector<16xf32>
    %get3A_1576 = arith.constant 112 : index
    %get3A_1577 = tpu.vector_load %arg10[%get3A_1576] {strides = array<i32>} : memref<1408xf32, #tpu.memory_space<vmem>>, vector<16xf32>,
    %get3A_1578 = vector.shape_cast %get3A_1577 : vector<16xf32> to vector<16xf32>
    %sub3A_1579 = arith.subf %get3A_1578, %max3A_1534 : vector<16xf32>
    %exp3A_1580 = math.exp %sub3A_1579 : vector<16xf32>
    %add3A_1581 = arith.addf %add3A_1575, %exp3A_1580 : vector<16xf32>
    %get3A_1582 = arith.constant 128 : index
    %get3A_1583 = tpu.vector_load %arg10[%get3A_1582] {strides = array<i32>} : memref<1408xf32, #tpu.memory_space<vmem>>, vector<16xf32>,
    %get3A_1584 = vector.shape_cast %get3A_1583 : vector<16xf32> to vector<16xf32>
    %sub3A_1585 = arith.subf %get3A_1584, %max3A_1534 : vector<16xf32>
    %exp3A_1586 = math.exp %sub3A_1585 : vector<16xf32>
    %add3A_1587 = arith.addf %add3A_1581, %exp3A_1586 : vector<16xf32>
    %get3A_1588 = arith.constant 144 : index
    %get3A_1589 = tpu.vector_load %arg10[%get3A_1588] {strides = array<i32>} : memref<1408xf32, #tpu.memory_space<vmem>>, vector<16xf32>,
    %get3A_1590 = vector.shape_cast %get3A_1589 : vector<16xf32> to vector<16xf32>
    %sub3A_1591 = arith.subf %get3A_1590, %max3A_1534 : vector<16xf32>
    %exp3A_1592 = math.exp %sub3A_1591 : vector<16xf32>
    %add3A_1593 = arith.addf %add3A_1587, %exp3A_1592 : vector<16xf32>
    %get3A_1594 = arith.constant 160 : index
    %get3A_1595 = tpu.vector_load %arg10[%get3A_1594] {strides = array<i32>} : memref<1408xf32, #tpu.memory_space<vmem>>, vector<16xf32>,
    %get3A_1596 = vector.shape_cast %get3A_1595 : vector<16xf32> to vector<16xf32>
    %sub3A_1597 = arith.subf %get3A_1596, %max3A_1534 : vector<16xf32>
    %exp3A_1598 = math.exp %sub3A_1597 : vector<16xf32>
    %add3A_1599 = arith.addf %add3A_1593, %exp3A_1598 : vector<16xf32>
    %get3A_1600 = arith.constant 176 : index
    %get3A_1601 = tpu.vector_load %arg10[%get3A_1600] {strides = array<i32>} : memref<1408xf32, #tpu.memory_space<vmem>>, vector<16xf32>,
    %get3A_1602 = vector.shape_cast %get3A_1601 : vector<16xf32> to vector<16xf32>
    %sub3A_1603 = arith.subf %get3A_1602, %max3A_1534 : vector<16xf32>
    %exp3A_1604 = math.exp %sub3A_1603 : vector<16xf32>
    %add3A_1605 = arith.addf %add3A_1599, %exp3A_1604 : vector<16xf32>
    %get3A_1606 = arith.constant 192 : index
    %get3A_1607 = tpu.vector_load %arg10[%get3A_1606] {strides = array<i32>} : memref<1408xf32, #tpu.memory_space<vmem>>, vector<16xf32>,
    %get3A_1608 = vector.shape_cast %get3A_1607 : vector<16xf32> to vector<16xf32>
    %sub3A_1609 = arith.subf %get3A_1608, %max3A_1534 : vector<16xf32>
    %exp3A_1610 = math.exp %sub3A_1609 : vector<16xf32>
    %add3A_1611 = arith.addf %add3A_1605, %exp3A_1610 : vector<16xf32>
    %get3A_1612 = arith.constant 208 : index
    %get3A_1613 = tpu.vector_load %arg10[%get3A_1612] {strides = array<i32>} : memref<1408xf32, #tpu.memory_space<vmem>>, vector<16xf32>,
    %get3A_1614 = vector.shape_cast %get3A_1613 : vector<16xf32> to vector<16xf32>
    %sub3A_1615 = arith.subf %get3A_1614, %max3A_1534 : vector<16xf32>
    %exp3A_1616 = math.exp %sub3A_1615 : vector<16xf32>
    %add3A_1617 = arith.addf %add3A_1611, %exp3A_1616 : vector<16xf32>
    %get3A_1618 = arith.constant 224 : index
    %get3A_1619 = tpu.vector_load %arg10[%get3A_1618] {strides = array<i32>} : memref<1408xf32, #tpu.memory_space<vmem>>, vector<16xf32>,
    %get3A_1620 = vector.shape_cast %get3A_1619 : vector<16xf32> to vector<16xf32>
    %sub3A_1621 = arith.subf %get3A_1620, %max3A_1534 : vector<16xf32>
    %exp3A_1622 = math.exp %sub3A_1621 : vector<16xf32>
    %add3A_1623 = arith.addf %add3A_1617, %exp3A_1622 : vector<16xf32>
    %get3A_1624 = arith.constant 240 : index
    %get3A_1625 = tpu.vector_load %arg10[%get3A_1624] {strides = array<i32>} : memref<1408xf32, #tpu.memory_space<vmem>>, vector<16xf32>,
    %get3A_1626 = vector.shape_cast %get3A_1625 : vector<16xf32> to vector<16xf32>
    %sub3A_1627 = arith.subf %get3A_1626, %max3A_1534 : vector<16xf32>
    %exp3A_1628 = math.exp %sub3A_1627 : vector<16xf32>
    %add3A_1629 = arith.addf %add3A_1623, %exp3A_1628 : vector<16xf32>
    %get3A_1630 = arith.constant 256 : index
    %get3A_1631 = tpu.vector_load %arg10[%get3A_1630] {strides = array<i32>} : memref<1408xf32, #tpu.memory_space<vmem>>, vector<16xf32>,
    %get3A_1632 = vector.shape_cast %get3A_1631 : vector<16xf32> to vector<16xf32>
    %sub3A_1633 = arith.subf %get3A_1632, %max3A_1534 : vector<16xf32>
    %exp3A_1634 = math.exp %sub3A_1633 : vector<16xf32>
    %add3A_1635 = arith.addf %add3A_1629, %exp3A_1634 : vector<16xf32>
    %get3A_1636 = arith.constant 272 : index
    %get3A_1637 = tpu.vector_load %arg10[%get3A_1636] {strides = array<i32>} : memref<1408xf32, #tpu.memory_space<vmem>>, vector<16xf32>,
    %get3A_1638 = vector.shape_cast %get3A_1637 : vector<16xf32> to vector<16xf32>
    %sub3A_1639 = arith.subf %get3A_1638, %max3A_1534 : vector<16xf32>
    %exp3A_1640 = math.exp %sub3A_1639 : vector<16xf32>
    %add3A_1641 = arith.addf %add3A_1635, %exp3A_1640 : vector<16xf32>
    %get3A_1642 = arith.constant 288 : index
    %get3A_1643 = tpu.vector_load %arg10[%get3A_1642] {strides = array<i32>} : memref<1408xf32, #tpu.memory_space<vmem>>, vector<16xf32>,
    %get3A_1644 = vector.shape_cast %get3A_1643 : vector<16xf32> to vector<16xf32>
    %sub3A_1645 = arith.subf %get3A_1644, %max3A_1534 : vector<16xf32>
    %exp3A_1646 = math.exp %sub3A_1645 : vector<16xf32>
    %add3A_1647 = arith.addf %add3A_1641, %exp3A_1646 : vector<16xf32>
    %get3A_1648 = arith.constant 304 : index
    %get3A_1649 = tpu.vector_load %arg10[%get3A_1648] {strides = array<i32>} : memref<1408xf32, #tpu.memory_space<vmem>>, vector<16xf32>,
    %get3A_1650 = vector.shape_cast %get3A_1649 : vector<16xf32> to vector<16xf32>
    %sub3A_1651 = arith.subf %get3A_1650, %max3A_1534 : vector<16xf32>
    %exp3A_1652 = math.exp %sub3A_1651 : vector<16xf32>
    %add3A_1653 = arith.addf %add3A_1647, %exp3A_1652 : vector<16xf32>
    %get3A_1654 = arith.constant 320 : index
    %get3A_1655 = tpu.vector_load %arg10[%get3A_1654] {strides = array<i32>} : memref<1408xf32, #tpu.memory_space<vmem>>, vector<16xf32>,
    %get3A_1656 = vector.shape_cast %get3A_1655 : vector<16xf32> to vector<16xf32>
    %sub3A_1657 = arith.subf %get3A_1656, %max3A_1534 : vector<16xf32>
    %exp3A_1658 = math.exp %sub3A_1657 : vector<16xf32>
    %add3A_1659 = arith.addf %add3A_1653, %exp3A_1658 : vector<16xf32>
    %get3A_1660 = arith.constant 336 : index
    %get3A_1661 = tpu.vector_load %arg10[%get3A_1660] {strides = array<i32>} : memref<1408xf32, #tpu.memory_space<vmem>>, vector<16xf32>,
    %get3A_1662 = vector.shape_cast %get3A_1661 : vector<16xf32> to vector<16xf32>
    %sub3A_1663 = arith.subf %get3A_1662, %max3A_1534 : vector<16xf32>
    %exp3A_1664 = math.exp %sub3A_1663 : vector<16xf32>
    %add3A_1665 = arith.addf %add3A_1659, %exp3A_1664 : vector<16xf32>
    %get3A_1666 = arith.constant 352 : index
    %get3A_1667 = tpu.vector_load %arg10[%get3A_1666] {strides = array<i32>} : memref<1408xf32, #tpu.memory_space<vmem>>, vector<16xf32>,
    %get3A_1668 = vector.shape_cast %get3A_1667 : vector<16xf32> to vector<16xf32>
    %sub3A_1669 = arith.subf %get3A_1668, %max3A_1534 : vector<16xf32>
    %exp3A_1670 = math.exp %sub3A_1669 : vector<16xf32>
    %add3A_1671 = arith.addf %add3A_1665, %exp3A_1670 : vector<16xf32>
    %get3A_1672 = arith.constant 368 : index
    %get3A_1673 = tpu.vector_load %arg10[%get3A_1672] {strides = array<i32>} : memref<1408xf32, #tpu.memory_space<vmem>>, vector<16xf32>,
    %get3A_1674 = vector.shape_cast %get3A_1673 : vector<16xf32> to vector<16xf32>
    %sub3A_1675 = arith.subf %get3A_1674, %max3A_1534 : vector<16xf32>
    %exp3A_1676 = math.exp %sub3A_1675 : vector<16xf32>
    %add3A_1677 = arith.addf %add3A_1671, %exp3A_1676 : vector<16xf32>
    %get3A_1678 = arith.constant 384 : index
    %get3A_1679 = tpu.vector_load %arg10[%get3A_1678] {strides = array<i32>} : memref<1408xf32, #tpu.memory_space<vmem>>, vector<16xf32>,
    %get3A_1680 = vector.shape_cast %get3A_1679 : vector<16xf32> to vector<16xf32>
    %sub3A_1681 = arith.subf %get3A_1680, %max3A_1534 : vector<16xf32>
    %exp3A_1682 = math.exp %sub3A_1681 : vector<16xf32>
    %add3A_1683 = arith.addf %add3A_1677, %exp3A_1682 : vector<16xf32>
    %get3A_1684 = arith.constant 400 : index
    %get3A_1685 = tpu.vector_load %arg10[%get3A_1684] {strides = array<i32>} : memref<1408xf32, #tpu.memory_space<vmem>>, vector<16xf32>,
    %get3A_1686 = vector.shape_cast %get3A_1685 : vector<16xf32> to vector<16xf32>
    %sub3A_1687 = arith.subf %get3A_1686, %max3A_1534 : vector<16xf32>
    %exp3A_1688 = math.exp %sub3A_1687 : vector<16xf32>
    %add3A_1689 = arith.addf %add3A_1683, %exp3A_1688 : vector<16xf32>
    %get3A_1690 = arith.constant 416 : index
    %get3A_1691 = tpu.vector_load %arg10[%get3A_1690] {strides = array<i32>} : memref<1408xf32, #tpu.memory_space<vmem>>, vector<16xf32>,
    %get3A_1692 = vector.shape_cast %get3A_1691 : vector<16xf32> to vector<16xf32>
    %sub3A_1693 = arith.subf %get3A_1692, %max3A_1534 : vector<16xf32>
    %exp3A_1694 = math.exp %sub3A_1693 : vector<16xf32>
    %add3A_1695 = arith.addf %add3A_1689, %exp3A_1694 : vector<16xf32>
    %get3A_1696 = arith.constant 432 : index
    %get3A_1697 = tpu.vector_load %arg10[%get3A_1696] {strides = array<i32>} : memref<1408xf32, #tpu.memory_space<vmem>>, vector<16xf32>,
    %get3A_1698 = vector.shape_cast %get3A_1697 : vector<16xf32> to vector<16xf32>
    %sub3A_1699 = arith.subf %get3A_1698, %max3A_1534 : vector<16xf32>
    %exp3A_1700 = math.exp %sub3A_1699 : vector<16xf32>
    %add3A_1701 = arith.addf %add3A_1695, %exp3A_1700 : vector<16xf32>
    %get3A_1702 = arith.constant 448 : index
    %get3A_1703 = tpu.vector_load %arg10[%get3A_1702] {strides = array<i32>} : memref<1408xf32, #tpu.memory_space<vmem>>, vector<16xf32>,
    %get3A_1704 = vector.shape_cast %get3A_1703 : vector<16xf32> to vector<16xf32>
    %sub3A_1705 = arith.subf %get3A_1704, %max3A_1534 : vector<16xf32>
    %exp3A_1706 = math.exp %sub3A_1705 : vector<16xf32>
    %add3A_1707 = arith.addf %add3A_1701, %exp3A_1706 : vector<16xf32>
    %get3A_1708 = arith.constant 464 : index
    %get3A_1709 = tpu.vector_load %arg10[%get3A_1708] {strides = array<i32>} : memref<1408xf32, #tpu.memory_space<vmem>>, vector<16xf32>,
    %get3A_1710 = vector.shape_cast %get3A_1709 : vector<16xf32> to vector<16xf32>
    %sub3A_1711 = arith.subf %get3A_1710, %max3A_1534 : vector<16xf32>
    %exp3A_1712 = math.exp %sub3A_1711 : vector<16xf32>
    %add3A_1713 = arith.addf %add3A_1707, %exp3A_1712 : vector<16xf32>
    %get3A_1714 = arith.constant 480 : index
    %get3A_1715 = tpu.vector_load %arg10[%get3A_1714] {strides = array<i32>} : memref<1408xf32, #tpu.memory_space<vmem>>, vector<16xf32>,
    %get3A_1716 = vector.shape_cast %get3A_1715 : vector<16xf32> to vector<16xf32>
    %sub3A_1717 = arith.subf %get3A_1716, %max3A_1534 : vector<16xf32>
    %exp3A_1718 = math.exp %sub3A_1717 : vector<16xf32>
    %add3A_1719 = arith.addf %add3A_1713, %exp3A_1718 : vector<16xf32>
    %get3A_1720 = arith.constant 496 : index
    %get3A_1721 = tpu.vector_load %arg10[%get3A_1720] {strides = array<i32>} : memref<1408xf32, #tpu.memory_space<vmem>>, vector<16xf32>,
    %get3A_1722 = vector.shape_cast %get3A_1721 : vector<16xf32> to vector<16xf32>
    %sub3A_1723 = arith.subf %get3A_1722, %max3A_1534 : vector<16xf32>
    %exp3A_1724 = math.exp %sub3A_1723 : vector<16xf32>
    %add3A_1725 = arith.addf %add3A_1719, %exp3A_1724 : vector<16xf32>
    %get3A_1726 = arith.constant 512 : index
    %get3A_1727 = tpu.vector_load %arg10[%get3A_1726] {strides = array<i32>} : memref<1408xf32, #tpu.memory_space<vmem>>, vector<16xf32>,
    %get3A_1728 = vector.shape_cast %get3A_1727 : vector<16xf32> to vector<16xf32>
    %sub3A_1729 = arith.subf %get3A_1728, %max3A_1534 : vector<16xf32>
    %exp3A_1730 = math.exp %sub3A_1729 : vector<16xf32>
    %add3A_1731 = arith.addf %add3A_1725, %exp3A_1730 : vector<16xf32>
    %get3A_1732 = arith.constant 528 : index
    %get3A_1733 = tpu.vector_load %arg10[%get3A_1732] {strides = array<i32>} : memref<1408xf32, #tpu.memory_space<vmem>>, vector<16xf32>,
    %get3A_1734 = vector.shape_cast %get3A_1733 : vector<16xf32> to vector<16xf32>
    %sub3A_1735 = arith.subf %get3A_1734, %max3A_1534 : vector<16xf32>
    %exp3A_1736 = math.exp %sub3A_1735 : vector<16xf32>
    %add3A_1737 = arith.addf %add3A_1731, %exp3A_1736 : vector<16xf32>
    %get3A_1738 = arith.constant 544 : index
    %get3A_1739 = tpu.vector_load %arg10[%get3A_1738] {strides = array<i32>} : memref<1408xf32, #tpu.memory_space<vmem>>, vector<16xf32>,
    %get3A_1740 = vector.shape_cast %get3A_1739 : vector<16xf32> to vector<16xf32>
    %sub3A_1741 = arith.subf %get3A_1740, %max3A_1534 : vector<16xf32>
    %exp3A_1742 = math.exp %sub3A_1741 : vector<16xf32>
    %add3A_1743 = arith.addf %add3A_1737, %exp3A_1742 : vector<16xf32>
    %get3A_1744 = arith.constant 560 : index
    %get3A_1745 = tpu.vector_load %arg10[%get3A_1744] {strides = array<i32>} : memref<1408xf32, #tpu.memory_space<vmem>>, vector<16xf32>,
    %get3A_1746 = vector.shape_cast %get3A_1745 : vector<16xf32> to vector<16xf32>
    %sub3A_1747 = arith.subf %get3A_1746, %max3A_1534 : vector<16xf32>
    %exp3A_1748 = math.exp %sub3A_1747 : vector<16xf32>
    %add3A_1749 = arith.addf %add3A_1743, %exp3A_1748 : vector<16xf32>
    %get3A_1750 = arith.constant 576 : index
    %get3A_1751 = tpu.vector_load %arg10[%get3A_1750] {strides = array<i32>} : memref<1408xf32, #tpu.memory_space<vmem>>, vector<16xf32>,
    %get3A_1752 = vector.shape_cast %get3A_1751 : vector<16xf32> to vector<16xf32>
    %sub3A_1753 = arith.subf %get3A_1752, %max3A_1534 : vector<16xf32>
    %exp3A_1754 = math.exp %sub3A_1753 : vector<16xf32>
    %add3A_1755 = arith.addf %add3A_1749, %exp3A_1754 : vector<16xf32>
    %get3A_1756 = arith.constant 592 : index
    %get3A_1757 = tpu.vector_load %arg10[%get3A_1756] {strides = array<i32>} : memref<1408xf32, #tpu.memory_space<vmem>>, vector<16xf32>,
    %get3A_1758 = vector.shape_cast %get3A_1757 : vector<16xf32> to vector<16xf32>
    %sub3A_1759 = arith.subf %get3A_1758, %max3A_1534 : vector<16xf32>
    %exp3A_1760 = math.exp %sub3A_1759 : vector<16xf32>
    %add3A_1761 = arith.addf %add3A_1755, %exp3A_1760 : vector<16xf32>
    %get3A_1762 = arith.constant 608 : index
    %get3A_1763 = tpu.vector_load %arg10[%get3A_1762] {strides = array<i32>} : memref<1408xf32, #tpu.memory_space<vmem>>, vector<16xf32>,
    %get3A_1764 = vector.shape_cast %get3A_1763 : vector<16xf32> to vector<16xf32>
    %sub3A_1765 = arith.subf %get3A_1764, %max3A_1534 : vector<16xf32>
    %exp3A_1766 = math.exp %sub3A_1765 : vector<16xf32>
    %add3A_1767 = arith.addf %add3A_1761, %exp3A_1766 : vector<16xf32>
    %get3A_1768 = arith.constant 624 : index
    %get3A_1769 = tpu.vector_load %arg10[%get3A_1768] {strides = array<i32>} : memref<1408xf32, #tpu.memory_space<vmem>>, vector<16xf32>,
    %get3A_1770 = vector.shape_cast %get3A_1769 : vector<16xf32> to vector<16xf32>
    %sub3A_1771 = arith.subf %get3A_1770, %max3A_1534 : vector<16xf32>
    %exp3A_1772 = math.exp %sub3A_1771 : vector<16xf32>
    %add3A_1773 = arith.addf %add3A_1767, %exp3A_1772 : vector<16xf32>
    %get3A_1774 = arith.constant 640 : index
    %get3A_1775 = tpu.vector_load %arg10[%get3A_1774] {strides = array<i32>} : memref<1408xf32, #tpu.memory_space<vmem>>, vector<16xf32>,
    %get3A_1776 = vector.shape_cast %get3A_1775 : vector<16xf32> to vector<16xf32>
    %sub3A_1777 = arith.subf %get3A_1776, %max3A_1534 : vector<16xf32>
    %exp3A_1778 = math.exp %sub3A_1777 : vector<16xf32>
    %add3A_1779 = arith.addf %add3A_1773, %exp3A_1778 : vector<16xf32>
    %get3A_1780 = arith.constant 656 : index
    %get3A_1781 = tpu.vector_load %arg10[%get3A_1780] {strides = array<i32>} : memref<1408xf32, #tpu.memory_space<vmem>>, vector<16xf32>,
    %get3A_1782 = vector.shape_cast %get3A_1781 : vector<16xf32> to vector<16xf32>
    %sub3A_1783 = arith.subf %get3A_1782, %max3A_1534 : vector<16xf32>
    %exp3A_1784 = math.exp %sub3A_1783 : vector<16xf32>
    %add3A_1785 = arith.addf %add3A_1779, %exp3A_1784 : vector<16xf32>
    %get3A_1786 = arith.constant 672 : index
    %get3A_1787 = tpu.vector_load %arg10[%get3A_1786] {strides = array<i32>} : memref<1408xf32, #tpu.memory_space<vmem>>, vector<16xf32>,
    %get3A_1788 = vector.shape_cast %get3A_1787 : vector<16xf32> to vector<16xf32>
    %sub3A_1789 = arith.subf %get3A_1788, %max3A_1534 : vector<16xf32>
    %exp3A_1790 = math.exp %sub3A_1789 : vector<16xf32>
    %add3A_1791 = arith.addf %add3A_1785, %exp3A_1790 : vector<16xf32>
    %get3A_1792 = arith.constant 688 : index
    %get3A_1793 = tpu.vector_load %arg10[%get3A_1792] {strides = array<i32>} : memref<1408xf32, #tpu.memory_space<vmem>>, vector<16xf32>,
    %get3A_1794 = vector.shape_cast %get3A_1793 : vector<16xf32> to vector<16xf32>
    %sub3A_1795 = arith.subf %get3A_1794, %max3A_1534 : vector<16xf32>
    %exp3A_1796 = math.exp %sub3A_1795 : vector<16xf32>
    %add3A_1797 = arith.addf %add3A_1791, %exp3A_1796 : vector<16xf32>
    %get3A_1798 = arith.constant 704 : index
    %get3A_1799 = tpu.vector_load %arg10[%get3A_1798] {strides = array<i32>} : memref<1408xf32, #tpu.memory_space<vmem>>, vector<16xf32>,
    %get3A_1800 = vector.shape_cast %get3A_1799 : vector<16xf32> to vector<16xf32>
    %sub3A_1801 = arith.subf %get3A_1800, %max3A_1534 : vector<16xf32>
    %exp3A_1802 = math.exp %sub3A_1801 : vector<16xf32>
    %add3A_1803 = arith.addf %add3A_1797, %exp3A_1802 : vector<16xf32>
    %get3A_1804 = arith.constant 720 : index
    %get3A_1805 = tpu.vector_load %arg10[%get3A_1804] {strides = array<i32>} : memref<1408xf32, #tpu.memory_space<vmem>>, vector<16xf32>,
    %get3A_1806 = vector.shape_cast %get3A_1805 : vector<16xf32> to vector<16xf32>
    %sub3A_1807 = arith.subf %get3A_1806, %max3A_1534 : vector<16xf32>
    %exp3A_1808 = math.exp %sub3A_1807 : vector<16xf32>
    %add3A_1809 = arith.addf %add3A_1803, %exp3A_1808 : vector<16xf32>
    %get3A_1810 = arith.constant 736 : index
    %get3A_1811 = tpu.vector_load %arg10[%get3A_1810] {strides = array<i32>} : memref<1408xf32, #tpu.memory_space<vmem>>, vector<16xf32>,
    %get3A_1812 = vector.shape_cast %get3A_1811 : vector<16xf32> to vector<16xf32>
    %sub3A_1813 = arith.subf %get3A_1812, %max3A_1534 : vector<16xf32>
    %exp3A_1814 = math.exp %sub3A_1813 : vector<16xf32>
    %add3A_1815 = arith.addf %add3A_1809, %exp3A_1814 : vector<16xf32>
    %get3A_1816 = arith.constant 752 : index
    %get3A_1817 = tpu.vector_load %arg10[%get3A_1816] {strides = array<i32>} : memref<1408xf32, #tpu.memory_space<vmem>>, vector<16xf32>,
    %get3A_1818 = vector.shape_cast %get3A_1817 : vector<16xf32> to vector<16xf32>
    %sub3A_1819 = arith.subf %get3A_1818, %max3A_1534 : vector<16xf32>
    %exp3A_1820 = math.exp %sub3A_1819 : vector<16xf32>
    %add3A_1821 = arith.addf %add3A_1815, %exp3A_1820 : vector<16xf32>
    %get3A_1822 = arith.constant 768 : index
    %get3A_1823 = tpu.vector_load %arg10[%get3A_1822] {strides = array<i32>} : memref<1408xf32, #tpu.memory_space<vmem>>, vector<16xf32>,
    %get3A_1824 = vector.shape_cast %get3A_1823 : vector<16xf32> to vector<16xf32>
    %sub3A_1825 = arith.subf %get3A_1824, %max3A_1534 : vector<16xf32>
    %exp3A_1826 = math.exp %sub3A_1825 : vector<16xf32>
    %add3A_1827 = arith.addf %add3A_1821, %exp3A_1826 : vector<16xf32>
    %get3A_1828 = arith.constant 784 : index
    %get3A_1829 = tpu.vector_load %arg10[%get3A_1828] {strides = array<i32>} : memref<1408xf32, #tpu.memory_space<vmem>>, vector<16xf32>,
    %get3A_1830 = vector.shape_cast %get3A_1829 : vector<16xf32> to vector<16xf32>
    %sub3A_1831 = arith.subf %get3A_1830, %max3A_1534 : vector<16xf32>
    %exp3A_1832 = math.exp %sub3A_1831 : vector<16xf32>
    %add3A_1833 = arith.addf %add3A_1827, %exp3A_1832 : vector<16xf32>
    %get3A_1834 = arith.constant 800 : index
    %get3A_1835 = tpu.vector_load %arg10[%get3A_1834] {strides = array<i32>} : memref<1408xf32, #tpu.memory_space<vmem>>, vector<16xf32>,
    %get3A_1836 = vector.shape_cast %get3A_1835 : vector<16xf32> to vector<16xf32>
    %sub3A_1837 = arith.subf %get3A_1836, %max3A_1534 : vector<16xf32>
    %exp3A_1838 = math.exp %sub3A_1837 : vector<16xf32>
    %add3A_1839 = arith.addf %add3A_1833, %exp3A_1838 : vector<16xf32>
    %get3A_1840 = arith.constant 816 : index
    %get3A_1841 = tpu.vector_load %arg10[%get3A_1840] {strides = array<i32>} : memref<1408xf32, #tpu.memory_space<vmem>>, vector<16xf32>,
    %get3A_1842 = vector.shape_cast %get3A_1841 : vector<16xf32> to vector<16xf32>
    %sub3A_1843 = arith.subf %get3A_1842, %max3A_1534 : vector<16xf32>
    %exp3A_1844 = math.exp %sub3A_1843 : vector<16xf32>
    %add3A_1845 = arith.addf %add3A_1839, %exp3A_1844 : vector<16xf32>
    %get3A_1846 = arith.constant 832 : index
    %get3A_1847 = tpu.vector_load %arg10[%get3A_1846] {strides = array<i32>} : memref<1408xf32, #tpu.memory_space<vmem>>, vector<16xf32>,
    %get3A_1848 = vector.shape_cast %get3A_1847 : vector<16xf32> to vector<16xf32>
    %sub3A_1849 = arith.subf %get3A_1848, %max3A_1534 : vector<16xf32>
    %exp3A_1850 = math.exp %sub3A_1849 : vector<16xf32>
    %add3A_1851 = arith.addf %add3A_1845, %exp3A_1850 : vector<16xf32>
    %get3A_1852 = arith.constant 848 : index
    %get3A_1853 = tpu.vector_load %arg10[%get3A_1852] {strides = array<i32>} : memref<1408xf32, #tpu.memory_space<vmem>>, vector<16xf32>,
    %get3A_1854 = vector.shape_cast %get3A_1853 : vector<16xf32> to vector<16xf32>
    %sub3A_1855 = arith.subf %get3A_1854, %max3A_1534 : vector<16xf32>
    %exp3A_1856 = math.exp %sub3A_1855 : vector<16xf32>
    %add3A_1857 = arith.addf %add3A_1851, %exp3A_1856 : vector<16xf32>
    %get3A_1858 = arith.constant 864 : index
    %get3A_1859 = tpu.vector_load %arg10[%get3A_1858] {strides = array<i32>} : memref<1408xf32, #tpu.memory_space<vmem>>, vector<16xf32>,
    %get3A_1860 = vector.shape_cast %get3A_1859 : vector<16xf32> to vector<16xf32>
    %sub3A_1861 = arith.subf %get3A_1860, %max3A_1534 : vector<16xf32>
    %exp3A_1862 = math.exp %sub3A_1861 : vector<16xf32>
    %add3A_1863 = arith.addf %add3A_1857, %exp3A_1862 : vector<16xf32>
    %get3A_1864 = arith.constant 880 : index
    %get3A_1865 = tpu.vector_load %arg10[%get3A_1864] {strides = array<i32>} : memref<1408xf32, #tpu.memory_space<vmem>>, vector<16xf32>,
    %get3A_1866 = vector.shape_cast %get3A_1865 : vector<16xf32> to vector<16xf32>
    %sub3A_1867 = arith.subf %get3A_1866, %max3A_1534 : vector<16xf32>
    %exp3A_1868 = math.exp %sub3A_1867 : vector<16xf32>
    %add3A_1869 = arith.addf %add3A_1863, %exp3A_1868 : vector<16xf32>
    %get3A_1870 = arith.constant 896 : index
    %get3A_1871 = tpu.vector_load %arg10[%get3A_1870] {strides = array<i32>} : memref<1408xf32, #tpu.memory_space<vmem>>, vector<16xf32>,
    %get3A_1872 = vector.shape_cast %get3A_1871 : vector<16xf32> to vector<16xf32>
    %sub3A_1873 = arith.subf %get3A_1872, %max3A_1534 : vector<16xf32>
    %exp3A_1874 = math.exp %sub3A_1873 : vector<16xf32>
    %add3A_1875 = arith.addf %add3A_1869, %exp3A_1874 : vector<16xf32>
    %get3A_1876 = arith.constant 912 : index
    %get3A_1877 = tpu.vector_load %arg10[%get3A_1876] {strides = array<i32>} : memref<1408xf32, #tpu.memory_space<vmem>>, vector<16xf32>,
    %get3A_1878 = vector.shape_cast %get3A_1877 : vector<16xf32> to vector<16xf32>
    %sub3A_1879 = arith.subf %get3A_1878, %max3A_1534 : vector<16xf32>
    %exp3A_1880 = math.exp %sub3A_1879 : vector<16xf32>
    %add3A_1881 = arith.addf %add3A_1875, %exp3A_1880 : vector<16xf32>
    %get3A_1882 = arith.constant 928 : index
    %get3A_1883 = tpu.vector_load %arg10[%get3A_1882] {strides = array<i32>} : memref<1408xf32, #tpu.memory_space<vmem>>, vector<16xf32>,
    %get3A_1884 = vector.shape_cast %get3A_1883 : vector<16xf32> to vector<16xf32>
    %sub3A_1885 = arith.subf %get3A_1884, %max3A_1534 : vector<16xf32>
    %exp3A_1886 = math.exp %sub3A_1885 : vector<16xf32>
    %add3A_1887 = arith.addf %add3A_1881, %exp3A_1886 : vector<16xf32>
    %get3A_1888 = arith.constant 944 : index
    %get3A_1889 = tpu.vector_load %arg10[%get3A_1888] {strides = array<i32>} : memref<1408xf32, #tpu.memory_space<vmem>>, vector<16xf32>,
    %get3A_1890 = vector.shape_cast %get3A_1889 : vector<16xf32> to vector<16xf32>
    %sub3A_1891 = arith.subf %get3A_1890, %max3A_1534 : vector<16xf32>
    %exp3A_1892 = math.exp %sub3A_1891 : vector<16xf32>
    %add3A_1893 = arith.addf %add3A_1887, %exp3A_1892 : vector<16xf32>
    %get3A_1894 = arith.constant 960 : index
    %get3A_1895 = tpu.vector_load %arg10[%get3A_1894] {strides = array<i32>} : memref<1408xf32, #tpu.memory_space<vmem>>, vector<16xf32>,
    %get3A_1896 = vector.shape_cast %get3A_1895 : vector<16xf32> to vector<16xf32>
    %sub3A_1897 = arith.subf %get3A_1896, %max3A_1534 : vector<16xf32>
    %exp3A_1898 = math.exp %sub3A_1897 : vector<16xf32>
    %add3A_1899 = arith.addf %add3A_1893, %exp3A_1898 : vector<16xf32>
    %get3A_1900 = arith.constant 976 : index
    %get3A_1901 = tpu.vector_load %arg10[%get3A_1900] {strides = array<i32>} : memref<1408xf32, #tpu.memory_space<vmem>>, vector<16xf32>,
    %get3A_1902 = vector.shape_cast %get3A_1901 : vector<16xf32> to vector<16xf32>
    %sub3A_1903 = arith.subf %get3A_1902, %max3A_1534 : vector<16xf32>
    %exp3A_1904 = math.exp %sub3A_1903 : vector<16xf32>
    %add3A_1905 = arith.addf %add3A_1899, %exp3A_1904 : vector<16xf32>
    %get3A_1906 = arith.constant 992 : index
    %get3A_1907 = tpu.vector_load %arg10[%get3A_1906] {strides = array<i32>} : memref<1408xf32, #tpu.memory_space<vmem>>, vector<16xf32>,
    %get3A_1908 = vector.shape_cast %get3A_1907 : vector<16xf32> to vector<16xf32>
    %sub3A_1909 = arith.subf %get3A_1908, %max3A_1534 : vector<16xf32>
    %exp3A_1910 = math.exp %sub3A_1909 : vector<16xf32>
    %add3A_1911 = arith.addf %add3A_1905, %exp3A_1910 : vector<16xf32>
    %get3A_1912 = arith.constant 1008 : index
    %get3A_1913 = tpu.vector_load %arg10[%get3A_1912] {strides = array<i32>} : memref<1408xf32, #tpu.memory_space<vmem>>, vector<16xf32>,
    %get3A_1914 = vector.shape_cast %get3A_1913 : vector<16xf32> to vector<16xf32>
    %sub3A_1915 = arith.subf %get3A_1914, %max3A_1534 : vector<16xf32>
    %exp3A_1916 = math.exp %sub3A_1915 : vector<16xf32>
    %add3A_1917 = arith.addf %add3A_1911, %exp3A_1916 : vector<16xf32>
    %get3A_1918 = arith.constant 1024 : index
    %get3A_1919 = tpu.vector_load %arg10[%get3A_1918] {strides = array<i32>} : memref<1408xf32, #tpu.memory_space<vmem>>, vector<16xf32>,
    %get3A_1920 = vector.shape_cast %get3A_1919 : vector<16xf32> to vector<16xf32>
    %sub3A_1921 = arith.subf %get3A_1920, %max3A_1534 : vector<16xf32>
    %exp3A_1922 = math.exp %sub3A_1921 : vector<16xf32>
    %add3A_1923 = arith.addf %add3A_1917, %exp3A_1922 : vector<16xf32>
    %get3A_1924 = arith.constant 1040 : index
    %get3A_1925 = tpu.vector_load %arg10[%get3A_1924] {strides = array<i32>} : memref<1408xf32, #tpu.memory_space<vmem>>, vector<16xf32>,
    %get3A_1926 = vector.shape_cast %get3A_1925 : vector<16xf32> to vector<16xf32>
    %sub3A_1927 = arith.subf %get3A_1926, %max3A_1534 : vector<16xf32>
    %exp3A_1928 = math.exp %sub3A_1927 : vector<16xf32>
    %add3A_1929 = arith.addf %add3A_1923, %exp3A_1928 : vector<16xf32>
    %get3A_1930 = arith.constant 1056 : index
    %get3A_1931 = tpu.vector_load %arg10[%get3A_1930] {strides = array<i32>} : memref<1408xf32, #tpu.memory_space<vmem>>, vector<16xf32>,
    %get3A_1932 = vector.shape_cast %get3A_1931 : vector<16xf32> to vector<16xf32>
    %sub3A_1933 = arith.subf %get3A_1932, %max3A_1534 : vector<16xf32>
    %exp3A_1934 = math.exp %sub3A_1933 : vector<16xf32>
    %add3A_1935 = arith.addf %add3A_1929, %exp3A_1934 : vector<16xf32>
    %get3A_1936 = arith.constant 1072 : index
    %get3A_1937 = tpu.vector_load %arg10[%get3A_1936] {strides = array<i32>} : memref<1408xf32, #tpu.memory_space<vmem>>, vector<16xf32>,
    %get3A_1938 = vector.shape_cast %get3A_1937 : vector<16xf32> to vector<16xf32>
    %sub3A_1939 = arith.subf %get3A_1938, %max3A_1534 : vector<16xf32>
    %exp3A_1940 = math.exp %sub3A_1939 : vector<16xf32>
    %add3A_1941 = arith.addf %add3A_1935, %exp3A_1940 : vector<16xf32>
    %get3A_1942 = arith.constant 1088 : index
    %get3A_1943 = tpu.vector_load %arg10[%get3A_1942] {strides = array<i32>} : memref<1408xf32, #tpu.memory_space<vmem>>, vector<16xf32>,
    %get3A_1944 = vector.shape_cast %get3A_1943 : vector<16xf32> to vector<16xf32>
    %sub3A_1945 = arith.subf %get3A_1944, %max3A_1534 : vector<16xf32>
    %exp3A_1946 = math.exp %sub3A_1945 : vector<16xf32>
    %add3A_1947 = arith.addf %add3A_1941, %exp3A_1946 : vector<16xf32>
    %get3A_1948 = arith.constant 1104 : index
    %get3A_1949 = tpu.vector_load %arg10[%get3A_1948] {strides = array<i32>} : memref<1408xf32, #tpu.memory_space<vmem>>, vector<16xf32>,
    %get3A_1950 = vector.shape_cast %get3A_1949 : vector<16xf32> to vector<16xf32>
    %sub3A_1951 = arith.subf %get3A_1950, %max3A_1534 : vector<16xf32>
    %exp3A_1952 = math.exp %sub3A_1951 : vector<16xf32>
    %add3A_1953 = arith.addf %add3A_1947, %exp3A_1952 : vector<16xf32>
    %get3A_1954 = arith.constant 1120 : index
    %get3A_1955 = tpu.vector_load %arg10[%get3A_1954] {strides = array<i32>} : memref<1408xf32, #tpu.memory_space<vmem>>, vector<16xf32>,
    %get3A_1956 = vector.shape_cast %get3A_1955 : vector<16xf32> to vector<16xf32>
    %sub3A_1957 = arith.subf %get3A_1956, %max3A_1534 : vector<16xf32>
    %exp3A_1958 = math.exp %sub3A_1957 : vector<16xf32>
    %add3A_1959 = arith.addf %add3A_1953, %exp3A_1958 : vector<16xf32>
    %get3A_1960 = arith.constant 1136 : index
    %get3A_1961 = tpu.vector_load %arg10[%get3A_1960] {strides = array<i32>} : memref<1408xf32, #tpu.memory_space<vmem>>, vector<16xf32>,
    %get3A_1962 = vector.shape_cast %get3A_1961 : vector<16xf32> to vector<16xf32>
    %sub3A_1963 = arith.subf %get3A_1962, %max3A_1534 : vector<16xf32>
    %exp3A_1964 = math.exp %sub3A_1963 : vector<16xf32>
    %add3A_1965 = arith.addf %add3A_1959, %exp3A_1964 : vector<16xf32>
    %get3A_1966 = arith.constant 1152 : index
    %get3A_1967 = tpu.vector_load %arg10[%get3A_1966] {strides = array<i32>} : memref<1408xf32, #tpu.memory_space<vmem>>, vector<16xf32>,
    %get3A_1968 = vector.shape_cast %get3A_1967 : vector<16xf32> to vector<16xf32>
    %sub3A_1969 = arith.subf %get3A_1968, %max3A_1534 : vector<16xf32>
    %exp3A_1970 = math.exp %sub3A_1969 : vector<16xf32>
    %add3A_1971 = arith.addf %add3A_1965, %exp3A_1970 : vector<16xf32>
    %get3A_1972 = arith.constant 1168 : index
    %get3A_1973 = tpu.vector_load %arg10[%get3A_1972] {strides = array<i32>} : memref<1408xf32, #tpu.memory_space<vmem>>, vector<16xf32>,
    %get3A_1974 = vector.shape_cast %get3A_1973 : vector<16xf32> to vector<16xf32>
    %sub3A_1975 = arith.subf %get3A_1974, %max3A_1534 : vector<16xf32>
    %exp3A_1976 = math.exp %sub3A_1975 : vector<16xf32>
    %add3A_1977 = arith.addf %add3A_1971, %exp3A_1976 : vector<16xf32>
    %get3A_1978 = arith.constant 1184 : index
    %get3A_1979 = tpu.vector_load %arg10[%get3A_1978] {strides = array<i32>} : memref<1408xf32, #tpu.memory_space<vmem>>, vector<16xf32>,
    %get3A_1980 = vector.shape_cast %get3A_1979 : vector<16xf32> to vector<16xf32>
    %sub3A_1981 = arith.subf %get3A_1980, %max3A_1534 : vector<16xf32>
    %exp3A_1982 = math.exp %sub3A_1981 : vector<16xf32>
    %add3A_1983 = arith.addf %add3A_1977, %exp3A_1982 : vector<16xf32>
    %get3A_1984 = arith.constant 1200 : index
    %get3A_1985 = tpu.vector_load %arg10[%get3A_1984] {strides = array<i32>} : memref<1408xf32, #tpu.memory_space<vmem>>, vector<16xf32>,
    %get3A_1986 = vector.shape_cast %get3A_1985 : vector<16xf32> to vector<16xf32>
    %sub3A_1987 = arith.subf %get3A_1986, %max3A_1534 : vector<16xf32>
    %exp3A_1988 = math.exp %sub3A_1987 : vector<16xf32>
    %add3A_1989 = arith.addf %add3A_1983, %exp3A_1988 : vector<16xf32>
    %get3A_1990 = arith.constant 1216 : index
    %get3A_1991 = tpu.vector_load %arg10[%get3A_1990] {strides = array<i32>} : memref<1408xf32, #tpu.memory_space<vmem>>, vector<16xf32>,
    %get3A_1992 = vector.shape_cast %get3A_1991 : vector<16xf32> to vector<16xf32>
    %sub3A_1993 = arith.subf %get3A_1992, %max3A_1534 : vector<16xf32>
    %exp3A_1994 = math.exp %sub3A_1993 : vector<16xf32>
    %add3A_1995 = arith.addf %add3A_1989, %exp3A_1994 : vector<16xf32>
    %get3A_1996 = arith.constant 1232 : index
    %get3A_1997 = tpu.vector_load %arg10[%get3A_1996] {strides = array<i32>} : memref<1408xf32, #tpu.memory_space<vmem>>, vector<16xf32>,
    %get3A_1998 = vector.shape_cast %get3A_1997 : vector<16xf32> to vector<16xf32>
    %sub3A_1999 = arith.subf %get3A_1998, %max3A_1534 : vector<16xf32>
    %exp3A_2000 = math.exp %sub3A_1999 : vector<16xf32>
    %add3A_2001 = arith.addf %add3A_1995, %exp3A_2000 : vector<16xf32>
    %get3A_2002 = arith.constant 1248 : index
    %get3A_2003 = tpu.vector_load %arg10[%get3A_2002] {strides = array<i32>} : memref<1408xf32, #tpu.memory_space<vmem>>, vector<16xf32>,
    %get3A_2004 = vector.shape_cast %get3A_2003 : vector<16xf32> to vector<16xf32>
    %sub3A_2005 = arith.subf %get3A_2004, %max3A_1534 : vector<16xf32>
    %exp3A_2006 = math.exp %sub3A_2005 : vector<16xf32>
    %add3A_2007 = arith.addf %add3A_2001, %exp3A_2006 : vector<16xf32>
    %get3A_2008 = arith.constant 1264 : index
    %get3A_2009 = tpu.vector_load %arg10[%get3A_2008] {strides = array<i32>} : memref<1408xf32, #tpu.memory_space<vmem>>, vector<16xf32>,
    %get3A_2010 = vector.shape_cast %get3A_2009 : vector<16xf32> to vector<16xf32>
    %sub3A_2011 = arith.subf %get3A_2010, %max3A_1534 : vector<16xf32>
    %exp3A_2012 = math.exp %sub3A_2011 : vector<16xf32>
    %add3A_2013 = arith.addf %add3A_2007, %exp3A_2012 : vector<16xf32>
    %get3A_2014 = arith.constant 1280 : index
    %get3A_2015 = tpu.vector_load %arg10[%get3A_2014] {strides = array<i32>} : memref<1408xf32, #tpu.memory_space<vmem>>, vector<16xf32>,
    %get3A_2016 = vector.shape_cast %get3A_2015 : vector<16xf32> to vector<16xf32>
    %sub3A_2017 = arith.subf %get3A_2016, %max3A_1534 : vector<16xf32>
    %exp3A_2018 = math.exp %sub3A_2017 : vector<16xf32>
    %add3A_2019 = arith.addf %add3A_2013, %exp3A_2018 : vector<16xf32>
    %get3A_2020 = arith.constant 1296 : index
    %get3A_2021 = tpu.vector_load %arg10[%get3A_2020] {strides = array<i32>} : memref<1408xf32, #tpu.memory_space<vmem>>, vector<16xf32>,
    %get3A_2022 = vector.shape_cast %get3A_2021 : vector<16xf32> to vector<16xf32>
    %sub3A_2023 = arith.subf %get3A_2022, %max3A_1534 : vector<16xf32>
    %exp3A_2024 = math.exp %sub3A_2023 : vector<16xf32>
    %add3A_2025 = arith.addf %add3A_2019, %exp3A_2024 : vector<16xf32>
    %get3A_2026 = arith.constant 1312 : index
    %get3A_2027 = tpu.vector_load %arg10[%get3A_2026] {strides = array<i32>} : memref<1408xf32, #tpu.memory_space<vmem>>, vector<16xf32>,
    %get3A_2028 = vector.shape_cast %get3A_2027 : vector<16xf32> to vector<16xf32>
    %sub3A_2029 = arith.subf %get3A_2028, %max3A_1534 : vector<16xf32>
    %exp3A_2030 = math.exp %sub3A_2029 : vector<16xf32>
    %add3A_2031 = arith.addf %add3A_2025, %exp3A_2030 : vector<16xf32>
    %get3A_2032 = arith.constant 1328 : index
    %get3A_2033 = tpu.vector_load %arg10[%get3A_2032] {strides = array<i32>} : memref<1408xf32, #tpu.memory_space<vmem>>, vector<16xf32>,
    %get3A_2034 = vector.shape_cast %get3A_2033 : vector<16xf32> to vector<16xf32>
    %sub3A_2035 = arith.subf %get3A_2034, %max3A_1534 : vector<16xf32>
    %exp3A_2036 = math.exp %sub3A_2035 : vector<16xf32>
    %add3A_2037 = arith.addf %add3A_2031, %exp3A_2036 : vector<16xf32>
    %get3A_2038 = arith.constant 1344 : index
    %get3A_2039 = tpu.vector_load %arg10[%get3A_2038] {strides = array<i32>} : memref<1408xf32, #tpu.memory_space<vmem>>, vector<16xf32>,
    %get3A_2040 = vector.shape_cast %get3A_2039 : vector<16xf32> to vector<16xf32>
    %sub3A_2041 = arith.subf %get3A_2040, %max3A_1534 : vector<16xf32>
    %exp3A_2042 = math.exp %sub3A_2041 : vector<16xf32>
    %add3A_2043 = arith.addf %add3A_2037, %exp3A_2042 : vector<16xf32>
    %get3A_2044 = arith.constant 1360 : index
    %get3A_2045 = tpu.vector_load %arg10[%get3A_2044] {strides = array<i32>} : memref<1408xf32, #tpu.memory_space<vmem>>, vector<16xf32>,
    %get3A_2046 = vector.shape_cast %get3A_2045 : vector<16xf32> to vector<16xf32>
    %sub3A_2047 = arith.subf %get3A_2046, %max3A_1534 : vector<16xf32>
    %exp3A_2048 = math.exp %sub3A_2047 : vector<16xf32>
    %add3A_2049 = arith.addf %add3A_2043, %exp3A_2048 : vector<16xf32>
    %get3A_2050 = arith.constant 1376 : index
    %get3A_2051 = tpu.vector_load %arg10[%get3A_2050] {strides = array<i32>} : memref<1408xf32, #tpu.memory_space<vmem>>, vector<16xf32>,
    %get3A_2052 = vector.shape_cast %get3A_2051 : vector<16xf32> to vector<16xf32>
    %sub3A_2053 = arith.subf %get3A_2052, %max3A_1534 : vector<16xf32>
    %exp3A_2054 = math.exp %sub3A_2053 : vector<16xf32>
    %add3A_2055 = arith.addf %add3A_2049, %exp3A_2054 : vector<16xf32>
    %get3A_2056 = arith.constant 1392 : index
    %get3A_2057 = tpu.vector_load %arg10[%get3A_2056] {strides = array<i32>} : memref<1408xf32, #tpu.memory_space<vmem>>, vector<16xf32>,
    %get3A_2058 = vector.shape_cast %get3A_2057 : vector<16xf32> to vector<16xf32>
    %sub3A_2059 = arith.subf %get3A_2058, %max3A_1534 : vector<16xf32>
    %exp3A_2060 = math.exp %sub3A_2059 : vector<16xf32>
    %add3A_2061 = arith.addf %add3A_2055, %exp3A_2060 : vector<16xf32>
    %swap3A = arith.constant 0 : index
    %swap3A_2062 = tpu.vector_load %arg11[%swap3A] {strides = array<i32>} : memref<16xf32, #tpu.memory_space<vmem>>, vector<16xf32>,
    %swap3A_2063 = vector.shape_cast %swap3A_2062 : vector<16xf32> to vector<16xf32>
    %swap3A_2064 = vector.shape_cast %max3A_1534 : vector<16xf32> to vector<16xf32>
    tpu.vector_store %arg11[%swap3A], %swap3A_2064 {strides = array<i32>} : memref<16xf32, #tpu.memory_space<vmem>>, vector<16xf32>,
    %swap3A_2065 = arith.constant 0 : index
    %swap3A_2066 = tpu.vector_load %arg12[%swap3A_2065] {strides = array<i32>} : memref<16xf32, #tpu.memory_space<vmem>>, vector<16xf32>,
    %swap3A_2067 = vector.shape_cast %swap3A_2066 : vector<16xf32> to vector<16xf32>
    %swap3A_2068 = vector.shape_cast %add3A_2061 : vector<16xf32> to vector<16xf32>
    tpu.vector_store %arg12[%swap3A_2065], %swap3A_2068 {strides = array<i32>} : memref<16xf32, #tpu.memory_space<vmem>>, vector<16xf32>,
    "tpu.region"() ({
      %run_scoped3A = tpu.sem_alloc : memref<!tpu.dma_semaphore, #tpu.memory_space<semaphore_mem>>
      %dma_start3A_2069 = arith.constant 0 : i32
      %dma_start3A_2070 = tpu.memref_slice %arg5[%add3A, %dma_start3A_2069] : memref<32x1408xf32, #tpu.memory_space<hbm>> -> memref<1x1408xf32, #tpu.memory_space<hbm>>
      %dma_start3A_2071 = tpu.memref_squeeze %dma_start3A_2070 : memref<1x1408xf32, #tpu.memory_space<hbm>> -> memref<1408xf32, #tpu.memory_space<hbm>>
      %dma_start3A_2072 = arith.constant 0 : i32
      %dma_start3A_2073 = tpu.memref_slice %arg5[%add3A, %dma_start3A_2072] : memref<32x1408xf32, #tpu.memory_space<hbm>> -> memref<1x1408xf32, #tpu.memory_space<hbm>>
      %dma_start3A_2074 = tpu.memref_squeeze %dma_start3A_2073 : memref<1x1408xf32, #tpu.memory_space<hbm>> -> memref<1408xf32, #tpu.memory_space<hbm>>
      tpu.enqueue_dma source(%arg10 : memref<1408xf32, #tpu.memory_space<vmem>>) target(%dma_start3A_2074 : memref<1408xf32, #tpu.memory_space<hbm>>) target_semaphore(%run_scoped3A : memref<!tpu.dma_semaphore, #tpu.memory_space<semaphore_mem>>)
      %dma_wait3A_2075 = arith.constant 0 : i32
      %dma_wait3A_2076 = tpu.memref_slice %arg5[%add3A, %dma_wait3A_2075] : memref<32x1408xf32, #tpu.memory_space<hbm>> -> memref<1x1408xf32, #tpu.memory_space<hbm>>
      %dma_wait3A_2077 = tpu.memref_squeeze %dma_wait3A_2076 : memref<1x1408xf32, #tpu.memory_space<hbm>> -> memref<1408xf32, #tpu.memory_space<hbm>>
      %dma_wait3A_2078 = arith.constant 0 : i32
      %dma_wait3A_2079 = tpu.memref_slice %arg5[%add3A, %dma_wait3A_2078] : memref<32x1408xf32, #tpu.memory_space<hbm>> -> memref<1x1408xf32, #tpu.memory_space<hbm>>
      %dma_wait3A_2080 = tpu.memref_squeeze %dma_wait3A_2079 : memref<1x1408xf32, #tpu.memory_space<hbm>> -> memref<1408xf32, #tpu.memory_space<hbm>>
      tpu.wait_dma2 semaphore(%run_scoped3A : memref<!tpu.dma_semaphore, #tpu.memory_space<semaphore_mem>>) src(%arg10 : memref<1408xf32, #tpu.memory_space<vmem>>) dst(%dma_wait3A_2080 : memref<1408xf32, #tpu.memory_space<hbm>>)
      tpu.yield
    }) : () -> ()
    "tpu.region"() ({
      %run_scoped3A = tpu.sem_alloc : memref<!tpu.dma_semaphore, #tpu.memory_space<semaphore_mem>>
      %dma_start3A_2069 = arith.constant 0 : i32
      %dma_start3A_2070 = tpu.memref_slice %arg6[%add3A, %dma_start3A_2069] : memref<32x16xf32, #tpu.memory_space<hbm>> -> memref<1x16xf32, #tpu.memory_space<hbm>>
      %dma_start3A_2071 = tpu.memref_squeeze %dma_start3A_2070 : memref<1x16xf32, #tpu.memory_space<hbm>> -> memref<16xf32, #tpu.memory_space<hbm>>
      %dma_start3A_2072 = arith.constant 0 : i32
      %dma_start3A_2073 = tpu.memref_slice %arg6[%add3A, %dma_start3A_2072] : memref<32x16xf32, #tpu.memory_space<hbm>> -> memref<1x16xf32, #tpu.memory_space<hbm>>
      %dma_start3A_2074 = tpu.memref_squeeze %dma_start3A_2073 : memref<1x16xf32, #tpu.memory_space<hbm>> -> memref<16xf32, #tpu.memory_space<hbm>>
      tpu.enqueue_dma source(%arg11 : memref<16xf32, #tpu.memory_space<vmem>>) target(%dma_start3A_2074 : memref<16xf32, #tpu.memory_space<hbm>>) target_semaphore(%run_scoped3A : memref<!tpu.dma_semaphore, #tpu.memory_space<semaphore_mem>>)
      %dma_wait3A_2075 = arith.constant 0 : i32
      %dma_wait3A_2076 = tpu.memref_slice %arg6[%add3A, %dma_wait3A_2075] : memref<32x16xf32, #tpu.memory_space<hbm>> -> memref<1x16xf32, #tpu.memory_space<hbm>>
      %dma_wait3A_2077 = tpu.memref_squeeze %dma_wait3A_2076 : memref<1x16xf32, #tpu.memory_space<hbm>> -> memref<16xf32, #tpu.memory_space<hbm>>
      %dma_wait3A_2078 = arith.constant 0 : i32
      %dma_wait3A_2079 = tpu.memref_slice %arg6[%add3A, %dma_wait3A_2078] : memref<32x16xf32, #tpu.memory_space<hbm>> -> memref<1x16xf32, #tpu.memory_space<hbm>>
      %dma_wait3A_2080 = tpu.memref_squeeze %dma_wait3A_2079 : memref<1x16xf32, #tpu.memory_space<hbm>> -> memref<16xf32, #tpu.memory_space<hbm>>
      tpu.wait_dma2 semaphore(%run_scoped3A : memref<!tpu.dma_semaphore, #tpu.memory_space<semaphore_mem>>) src(%arg11 : memref<16xf32, #tpu.memory_space<vmem>>) dst(%dma_wait3A_2080 : memref<16xf32, #tpu.memory_space<hbm>>)
      tpu.yield
    }) : () -> ()
    "tpu.region"() ({
      %run_scoped3A = tpu.sem_alloc : memref<!tpu.dma_semaphore, #tpu.memory_space<semaphore_mem>>
      %dma_start3A_2069 = arith.constant 0 : i32
      %dma_start3A_2070 = tpu.memref_slice %arg7[%add3A, %dma_start3A_2069] : memref<32x16xf32, #tpu.memory_space<hbm>> -> memref<1x16xf32, #tpu.memory_space<hbm>>
      %dma_start3A_2071 = tpu.memref_squeeze %dma_start3A_2070 : memref<1x16xf32, #tpu.memory_space<hbm>> -> memref<16xf32, #tpu.memory_space<hbm>>
      %dma_start3A_2072 = arith.constant 0 : i32
      %dma_start3A_2073 = tpu.memref_slice %arg7[%add3A, %dma_start3A_2072] : memref<32x16xf32, #tpu.memory_space<hbm>> -> memref<1x16xf32, #tpu.memory_space<hbm>>
      %dma_start3A_2074 = tpu.memref_squeeze %dma_start3A_2073 : memref<1x16xf32, #tpu.memory_space<hbm>> -> memref<16xf32, #tpu.memory_space<hbm>>
      tpu.enqueue_dma source(%arg12 : memref<16xf32, #tpu.memory_space<vmem>>) target(%dma_start3A_2074 : memref<16xf32, #tpu.memory_space<hbm>>) target_semaphore(%run_scoped3A : memref<!tpu.dma_semaphore, #tpu.memory_space<semaphore_mem>>)
      %dma_wait3A_2075 = arith.constant 0 : i32
      %dma_wait3A_2076 = tpu.memref_slice %arg7[%add3A, %dma_wait3A_2075] : memref<32x16xf32, #tpu.memory_space<hbm>> -> memref<1x16xf32, #tpu.memory_space<hbm>>
      %dma_wait3A_2077 = tpu.memref_squeeze %dma_wait3A_2076 : memref<1x16xf32, #tpu.memory_space<hbm>> -> memref<16xf32, #tpu.memory_space<hbm>>
      %dma_wait3A_2078 = arith.constant 0 : i32
      %dma_wait3A_2079 = tpu.memref_slice %arg7[%add3A, %dma_wait3A_2078] : memref<32x16xf32, #tpu.memory_space<hbm>> -> memref<1x16xf32, #tpu.memory_space<hbm>>
      %dma_wait3A_2080 = tpu.memref_squeeze %dma_wait3A_2079 : memref<1x16xf32, #tpu.memory_space<hbm>> -> memref<16xf32, #tpu.memory_space<hbm>>
      tpu.wait_dma2 semaphore(%run_scoped3A : memref<!tpu.dma_semaphore, #tpu.memory_space<semaphore_mem>>) src(%arg12 : memref<16xf32, #tpu.memory_space<vmem>>) dst(%dma_wait3A_2080 : memref<16xf32, #tpu.memory_space<hbm>>)
      tpu.yield
    }) : () -> ()
    return
  }
}

module attributes {stable_mosaic.version = 14 : i64} {
  func.func @_norm_body(%arg0: memref<1x57344xf32, #tpu.memory_space<vmem>>, %arg1: memref<32x1408xf32, #tpu.memory_space<vmem>>, %arg2: memref<1x128xf32, #tpu.memory_space<vmem>>, %arg3: memref<1x128xf32, #tpu.memory_space<vmem>>, %arg4: memref<32x16xf32, #tpu.memory_space<vmem>>, %arg5: memref<32x16xf32, #tpu.memory_space<vmem>>, %arg6: memref<1x100000xf32, #tpu.memory_space<vmem>>) attributes {dimension_semantics = [], scalar_prefetch = 0 : i64, scratch_operands = 0 : i64, tpu.core_type = #tpu.core_type<tc>} {
    %get3A = arith.constant 0 : index
    %get3A_0 = arith.constant 0 : index
    %get3A_1 = vector.load %arg2[%get3A, %get3A_0] : memref<1x128xf32, #tpu.memory_space<vmem>>, vector<1x1xf32>
    %get3A_2 = vector.extract %get3A_1[0, 0] : f32 from vector<1x1xf32>
    %get3A_3 = arith.constant 0 : index
    %get3A_4 = arith.constant 0 : index
    %get3A_5 = vector.load %arg3[%get3A_3, %get3A_4] : memref<1x128xf32, #tpu.memory_space<vmem>>, vector<1x1xf32>
    %get3A_6 = vector.extract %get3A_5[0, 0] : f32 from vector<1x1xf32>
    %get3A_7 = arith.constant 0 : index
    %get3A_8 = arith.constant 0 : index
    %get3A_9 = vector.load %arg4[%get3A_7, %get3A_8] : memref<32x16xf32, #tpu.memory_space<vmem>>, vector<32x16xf32>
    %get3A_10 = arith.constant 0 : index
    %get3A_11 = arith.constant 0 : index
    %get3A_12 = vector.load %arg5[%get3A_10, %get3A_11] : memref<32x16xf32, #tpu.memory_space<vmem>>, vector<32x16xf32>
    %reduce_max3A = vector.shape_cast %get3A_9 : vector<32x16xf32> to vector<1x32x16xf32>
    %reduce_max3A_13 = arith.constant dense<0xFF800000> : vector<1xf32>
    %reduce_max3A_14 = vector.multi_reduction <maximumf>, %reduce_max3A, %reduce_max3A_13 [1, 2] : vector<1x32x16xf32> to vector<1xf32>
    %reduce_max3A_15 = vector.shape_cast %reduce_max3A_14 : vector<1xf32> to vector<1x1x1xf32>
    %reduce_max3A_16 = vector.extract %reduce_max3A_15[0, 0, 0] : f32 from vector<1x1x1xf32>
    %max3A = arith.maximumf %get3A_2, %reduce_max3A_16 : f32
    %sub3A = arith.subf %get3A_2, %max3A : f32
    %exp3A = math.exp %sub3A : f32
    %mul3A = arith.mulf %get3A_6, %exp3A : f32
    %sub3A_17 = vector.broadcast %max3A : f32 to vector<32x16xf32>
    %sub3A_18 = arith.subf %get3A_9, %sub3A_17 : vector<32x16xf32>
    %exp3A_19 = math.exp %sub3A_18 : vector<32x16xf32>
    %mul3A_20 = arith.mulf %get3A_12, %exp3A_19 : vector<32x16xf32>
    %reduce_sum3A = vector.shape_cast %mul3A_20 : vector<32x16xf32> to vector<1x32x16xf32>
    %reduce_sum3A_21 = arith.constant dense<0.000000e+00> : vector<1xf32>
    %reduce_sum3A_22 = vector.multi_reduction <add>, %reduce_sum3A, %reduce_sum3A_21 [1, 2] : vector<1x32x16xf32> to vector<1xf32>
    %reduce_sum3A_23 = vector.shape_cast %reduce_sum3A_22 : vector<1xf32> to vector<1x1x1xf32>
    %reduce_sum3A_24 = vector.extract %reduce_sum3A_23[0, 0, 0] : f32 from vector<1x1x1xf32>
    %add3A = arith.addf %mul3A, %reduce_sum3A_24 : f32
    %log3A = math.log %add3A : f32
    %add3A_25 = arith.addf %max3A, %log3A : f32
    %get3A_26 = arith.constant 0 : index
    %get3A_27 = arith.constant 0 : index
    %get3A_28 = vector.load %arg1[%get3A_26, %get3A_27] : memref<32x1408xf32, #tpu.memory_space<vmem>>, vector<1x1408xf32>
    %sub3A_29 = vector.broadcast %add3A_25 : f32 to vector<1x1408xf32>
    %sub3A_30 = arith.subf %get3A_28, %sub3A_29 : vector<1x1408xf32>
    %swap3A = arith.constant 0 : index
    %swap3A_31 = arith.constant 0 : index
    %swap3A_32 = vector.load %arg6[%swap3A, %swap3A_31] : memref<1x100000xf32, #tpu.memory_space<vmem>>, vector<1x1408xf32>
    tpu.vector_store %arg6[%swap3A, %swap3A_31], %sub3A_30 {strides = array<i32>} : memref<1x100000xf32, #tpu.memory_space<vmem>>, vector<1x1408xf32>,
    %get3A_33 = arith.constant 1 : index
    %get3A_34 = arith.constant 0 : index
    %get3A_35 = vector.load %arg1[%get3A_33, %get3A_34] : memref<32x1408xf32, #tpu.memory_space<vmem>>, vector<1x1408xf32>
    %sub3A_36 = vector.broadcast %add3A_25 : f32 to vector<1x1408xf32>
    %sub3A_37 = arith.subf %get3A_35, %sub3A_36 : vector<1x1408xf32>
    %swap3A_38 = arith.constant 0 : index
    %swap3A_39 = arith.constant 1408 : index
    %swap3A_40 = vector.load %arg6[%swap3A_38, %swap3A_39] : memref<1x100000xf32, #tpu.memory_space<vmem>>, vector<1x1408xf32>
    tpu.vector_store %arg6[%swap3A_38, %swap3A_39], %sub3A_37 {strides = array<i32>} : memref<1x100000xf32, #tpu.memory_space<vmem>>, vector<1x1408xf32>,
    %get3A_41 = arith.constant 2 : index
    %get3A_42 = arith.constant 0 : index
    %get3A_43 = vector.load %arg1[%get3A_41, %get3A_42] : memref<32x1408xf32, #tpu.memory_space<vmem>>, vector<1x1408xf32>
    %sub3A_44 = vector.broadcast %add3A_25 : f32 to vector<1x1408xf32>
    %sub3A_45 = arith.subf %get3A_43, %sub3A_44 : vector<1x1408xf32>
    %swap3A_46 = arith.constant 0 : index
    %swap3A_47 = arith.constant 2816 : index
    %swap3A_48 = vector.load %arg6[%swap3A_46, %swap3A_47] : memref<1x100000xf32, #tpu.memory_space<vmem>>, vector<1x1408xf32>
    tpu.vector_store %arg6[%swap3A_46, %swap3A_47], %sub3A_45 {strides = array<i32>} : memref<1x100000xf32, #tpu.memory_space<vmem>>, vector<1x1408xf32>,
    %get3A_49 = arith.constant 3 : index
    %get3A_50 = arith.constant 0 : index
    %get3A_51 = vector.load %arg1[%get3A_49, %get3A_50] : memref<32x1408xf32, #tpu.memory_space<vmem>>, vector<1x1408xf32>
    %sub3A_52 = vector.broadcast %add3A_25 : f32 to vector<1x1408xf32>
    %sub3A_53 = arith.subf %get3A_51, %sub3A_52 : vector<1x1408xf32>
    %swap3A_54 = arith.constant 0 : index
    %swap3A_55 = arith.constant 4224 : index
    %swap3A_56 = vector.load %arg6[%swap3A_54, %swap3A_55] : memref<1x100000xf32, #tpu.memory_space<vmem>>, vector<1x1408xf32>
    tpu.vector_store %arg6[%swap3A_54, %swap3A_55], %sub3A_53 {strides = array<i32>} : memref<1x100000xf32, #tpu.memory_space<vmem>>, vector<1x1408xf32>,
    %get3A_57 = arith.constant 4 : index
    %get3A_58 = arith.constant 0 : index
    %get3A_59 = vector.load %arg1[%get3A_57, %get3A_58] : memref<32x1408xf32, #tpu.memory_space<vmem>>, vector<1x1408xf32>
    %sub3A_60 = vector.broadcast %add3A_25 : f32 to vector<1x1408xf32>
    %sub3A_61 = arith.subf %get3A_59, %sub3A_60 : vector<1x1408xf32>
    %swap3A_62 = arith.constant 0 : index
    %swap3A_63 = arith.constant 5632 : index
    %swap3A_64 = vector.load %arg6[%swap3A_62, %swap3A_63] : memref<1x100000xf32, #tpu.memory_space<vmem>>, vector<1x1408xf32>
    tpu.vector_store %arg6[%swap3A_62, %swap3A_63], %sub3A_61 {strides = array<i32>} : memref<1x100000xf32, #tpu.memory_space<vmem>>, vector<1x1408xf32>,
    %get3A_65 = arith.constant 5 : index
    %get3A_66 = arith.constant 0 : index
    %get3A_67 = vector.load %arg1[%get3A_65, %get3A_66] : memref<32x1408xf32, #tpu.memory_space<vmem>>, vector<1x1408xf32>
    %sub3A_68 = vector.broadcast %add3A_25 : f32 to vector<1x1408xf32>
    %sub3A_69 = arith.subf %get3A_67, %sub3A_68 : vector<1x1408xf32>
    %swap3A_70 = arith.constant 0 : index
    %swap3A_71 = arith.constant 7040 : index
    %swap3A_72 = vector.load %arg6[%swap3A_70, %swap3A_71] : memref<1x100000xf32, #tpu.memory_space<vmem>>, vector<1x1408xf32>
    tpu.vector_store %arg6[%swap3A_70, %swap3A_71], %sub3A_69 {strides = array<i32>} : memref<1x100000xf32, #tpu.memory_space<vmem>>, vector<1x1408xf32>,
    %get3A_73 = arith.constant 6 : index
    %get3A_74 = arith.constant 0 : index
    %get3A_75 = vector.load %arg1[%get3A_73, %get3A_74] : memref<32x1408xf32, #tpu.memory_space<vmem>>, vector<1x1408xf32>
    %sub3A_76 = vector.broadcast %add3A_25 : f32 to vector<1x1408xf32>
    %sub3A_77 = arith.subf %get3A_75, %sub3A_76 : vector<1x1408xf32>
    %swap3A_78 = arith.constant 0 : index
    %swap3A_79 = arith.constant 8448 : index
    %swap3A_80 = vector.load %arg6[%swap3A_78, %swap3A_79] : memref<1x100000xf32, #tpu.memory_space<vmem>>, vector<1x1408xf32>
    tpu.vector_store %arg6[%swap3A_78, %swap3A_79], %sub3A_77 {strides = array<i32>} : memref<1x100000xf32, #tpu.memory_space<vmem>>, vector<1x1408xf32>,
    %get3A_81 = arith.constant 7 : index
    %get3A_82 = arith.constant 0 : index
    %get3A_83 = vector.load %arg1[%get3A_81, %get3A_82] : memref<32x1408xf32, #tpu.memory_space<vmem>>, vector<1x1408xf32>
    %sub3A_84 = vector.broadcast %add3A_25 : f32 to vector<1x1408xf32>
    %sub3A_85 = arith.subf %get3A_83, %sub3A_84 : vector<1x1408xf32>
    %swap3A_86 = arith.constant 0 : index
    %swap3A_87 = arith.constant 9856 : index
    %swap3A_88 = vector.load %arg6[%swap3A_86, %swap3A_87] : memref<1x100000xf32, #tpu.memory_space<vmem>>, vector<1x1408xf32>
    tpu.vector_store %arg6[%swap3A_86, %swap3A_87], %sub3A_85 {strides = array<i32>} : memref<1x100000xf32, #tpu.memory_space<vmem>>, vector<1x1408xf32>,
    %get3A_89 = arith.constant 8 : index
    %get3A_90 = arith.constant 0 : index
    %get3A_91 = vector.load %arg1[%get3A_89, %get3A_90] : memref<32x1408xf32, #tpu.memory_space<vmem>>, vector<1x1408xf32>
    %sub3A_92 = vector.broadcast %add3A_25 : f32 to vector<1x1408xf32>
    %sub3A_93 = arith.subf %get3A_91, %sub3A_92 : vector<1x1408xf32>
    %swap3A_94 = arith.constant 0 : index
    %swap3A_95 = arith.constant 11264 : index
    %swap3A_96 = vector.load %arg6[%swap3A_94, %swap3A_95] : memref<1x100000xf32, #tpu.memory_space<vmem>>, vector<1x1408xf32>
    tpu.vector_store %arg6[%swap3A_94, %swap3A_95], %sub3A_93 {strides = array<i32>} : memref<1x100000xf32, #tpu.memory_space<vmem>>, vector<1x1408xf32>,
    %get3A_97 = arith.constant 9 : index
    %get3A_98 = arith.constant 0 : index
    %get3A_99 = vector.load %arg1[%get3A_97, %get3A_98] : memref<32x1408xf32, #tpu.memory_space<vmem>>, vector<1x1408xf32>
    %sub3A_100 = vector.broadcast %add3A_25 : f32 to vector<1x1408xf32>
    %sub3A_101 = arith.subf %get3A_99, %sub3A_100 : vector<1x1408xf32>
    %swap3A_102 = arith.constant 0 : index
    %swap3A_103 = arith.constant 12672 : index
    %swap3A_104 = vector.load %arg6[%swap3A_102, %swap3A_103] : memref<1x100000xf32, #tpu.memory_space<vmem>>, vector<1x1408xf32>
    tpu.vector_store %arg6[%swap3A_102, %swap3A_103], %sub3A_101 {strides = array<i32>} : memref<1x100000xf32, #tpu.memory_space<vmem>>, vector<1x1408xf32>,
    %get3A_105 = arith.constant 10 : index
    %get3A_106 = arith.constant 0 : index
    %get3A_107 = vector.load %arg1[%get3A_105, %get3A_106] : memref<32x1408xf32, #tpu.memory_space<vmem>>, vector<1x1408xf32>
    %sub3A_108 = vector.broadcast %add3A_25 : f32 to vector<1x1408xf32>
    %sub3A_109 = arith.subf %get3A_107, %sub3A_108 : vector<1x1408xf32>
    %swap3A_110 = arith.constant 0 : index
    %swap3A_111 = arith.constant 14080 : index
    %swap3A_112 = vector.load %arg6[%swap3A_110, %swap3A_111] : memref<1x100000xf32, #tpu.memory_space<vmem>>, vector<1x1408xf32>
    tpu.vector_store %arg6[%swap3A_110, %swap3A_111], %sub3A_109 {strides = array<i32>} : memref<1x100000xf32, #tpu.memory_space<vmem>>, vector<1x1408xf32>,
    %get3A_113 = arith.constant 11 : index
    %get3A_114 = arith.constant 0 : index
    %get3A_115 = vector.load %arg1[%get3A_113, %get3A_114] : memref<32x1408xf32, #tpu.memory_space<vmem>>, vector<1x1408xf32>
    %sub3A_116 = vector.broadcast %add3A_25 : f32 to vector<1x1408xf32>
    %sub3A_117 = arith.subf %get3A_115, %sub3A_116 : vector<1x1408xf32>
    %swap3A_118 = arith.constant 0 : index
    %swap3A_119 = arith.constant 15488 : index
    %swap3A_120 = vector.load %arg6[%swap3A_118, %swap3A_119] : memref<1x100000xf32, #tpu.memory_space<vmem>>, vector<1x1408xf32>
    tpu.vector_store %arg6[%swap3A_118, %swap3A_119], %sub3A_117 {strides = array<i32>} : memref<1x100000xf32, #tpu.memory_space<vmem>>, vector<1x1408xf32>,
    %get3A_121 = arith.constant 12 : index
    %get3A_122 = arith.constant 0 : index
    %get3A_123 = vector.load %arg1[%get3A_121, %get3A_122] : memref<32x1408xf32, #tpu.memory_space<vmem>>, vector<1x1408xf32>
    %sub3A_124 = vector.broadcast %add3A_25 : f32 to vector<1x1408xf32>
    %sub3A_125 = arith.subf %get3A_123, %sub3A_124 : vector<1x1408xf32>
    %swap3A_126 = arith.constant 0 : index
    %swap3A_127 = arith.constant 16896 : index
    %swap3A_128 = vector.load %arg6[%swap3A_126, %swap3A_127] : memref<1x100000xf32, #tpu.memory_space<vmem>>, vector<1x1408xf32>
    tpu.vector_store %arg6[%swap3A_126, %swap3A_127], %sub3A_125 {strides = array<i32>} : memref<1x100000xf32, #tpu.memory_space<vmem>>, vector<1x1408xf32>,
    %get3A_129 = arith.constant 13 : index
    %get3A_130 = arith.constant 0 : index
    %get3A_131 = vector.load %arg1[%get3A_129, %get3A_130] : memref<32x1408xf32, #tpu.memory_space<vmem>>, vector<1x1408xf32>
    %sub3A_132 = vector.broadcast %add3A_25 : f32 to vector<1x1408xf32>
    %sub3A_133 = arith.subf %get3A_131, %sub3A_132 : vector<1x1408xf32>
    %swap3A_134 = arith.constant 0 : index
    %swap3A_135 = arith.constant 18304 : index
    %swap3A_136 = vector.load %arg6[%swap3A_134, %swap3A_135] : memref<1x100000xf32, #tpu.memory_space<vmem>>, vector<1x1408xf32>
    tpu.vector_store %arg6[%swap3A_134, %swap3A_135], %sub3A_133 {strides = array<i32>} : memref<1x100000xf32, #tpu.memory_space<vmem>>, vector<1x1408xf32>,
    %get3A_137 = arith.constant 14 : index
    %get3A_138 = arith.constant 0 : index
    %get3A_139 = vector.load %arg1[%get3A_137, %get3A_138] : memref<32x1408xf32, #tpu.memory_space<vmem>>, vector<1x1408xf32>
    %sub3A_140 = vector.broadcast %add3A_25 : f32 to vector<1x1408xf32>
    %sub3A_141 = arith.subf %get3A_139, %sub3A_140 : vector<1x1408xf32>
    %swap3A_142 = arith.constant 0 : index
    %swap3A_143 = arith.constant 19712 : index
    %swap3A_144 = vector.load %arg6[%swap3A_142, %swap3A_143] : memref<1x100000xf32, #tpu.memory_space<vmem>>, vector<1x1408xf32>
    tpu.vector_store %arg6[%swap3A_142, %swap3A_143], %sub3A_141 {strides = array<i32>} : memref<1x100000xf32, #tpu.memory_space<vmem>>, vector<1x1408xf32>,
    %get3A_145 = arith.constant 15 : index
    %get3A_146 = arith.constant 0 : index
    %get3A_147 = vector.load %arg1[%get3A_145, %get3A_146] : memref<32x1408xf32, #tpu.memory_space<vmem>>, vector<1x1408xf32>
    %sub3A_148 = vector.broadcast %add3A_25 : f32 to vector<1x1408xf32>
    %sub3A_149 = arith.subf %get3A_147, %sub3A_148 : vector<1x1408xf32>
    %swap3A_150 = arith.constant 0 : index
    %swap3A_151 = arith.constant 21120 : index
    %swap3A_152 = vector.load %arg6[%swap3A_150, %swap3A_151] : memref<1x100000xf32, #tpu.memory_space<vmem>>, vector<1x1408xf32>
    tpu.vector_store %arg6[%swap3A_150, %swap3A_151], %sub3A_149 {strides = array<i32>} : memref<1x100000xf32, #tpu.memory_space<vmem>>, vector<1x1408xf32>,
    %get3A_153 = arith.constant 16 : index
    %get3A_154 = arith.constant 0 : index
    %get3A_155 = vector.load %arg1[%get3A_153, %get3A_154] : memref<32x1408xf32, #tpu.memory_space<vmem>>, vector<1x1408xf32>
    %sub3A_156 = vector.broadcast %add3A_25 : f32 to vector<1x1408xf32>
    %sub3A_157 = arith.subf %get3A_155, %sub3A_156 : vector<1x1408xf32>
    %swap3A_158 = arith.constant 0 : index
    %swap3A_159 = arith.constant 22528 : index
    %swap3A_160 = vector.load %arg6[%swap3A_158, %swap3A_159] : memref<1x100000xf32, #tpu.memory_space<vmem>>, vector<1x1408xf32>
    tpu.vector_store %arg6[%swap3A_158, %swap3A_159], %sub3A_157 {strides = array<i32>} : memref<1x100000xf32, #tpu.memory_space<vmem>>, vector<1x1408xf32>,
    %get3A_161 = arith.constant 17 : index
    %get3A_162 = arith.constant 0 : index
    %get3A_163 = vector.load %arg1[%get3A_161, %get3A_162] : memref<32x1408xf32, #tpu.memory_space<vmem>>, vector<1x1408xf32>
    %sub3A_164 = vector.broadcast %add3A_25 : f32 to vector<1x1408xf32>
    %sub3A_165 = arith.subf %get3A_163, %sub3A_164 : vector<1x1408xf32>
    %swap3A_166 = arith.constant 0 : index
    %swap3A_167 = arith.constant 23936 : index
    %swap3A_168 = vector.load %arg6[%swap3A_166, %swap3A_167] : memref<1x100000xf32, #tpu.memory_space<vmem>>, vector<1x1408xf32>
    tpu.vector_store %arg6[%swap3A_166, %swap3A_167], %sub3A_165 {strides = array<i32>} : memref<1x100000xf32, #tpu.memory_space<vmem>>, vector<1x1408xf32>,
    %get3A_169 = arith.constant 18 : index
    %get3A_170 = arith.constant 0 : index
    %get3A_171 = vector.load %arg1[%get3A_169, %get3A_170] : memref<32x1408xf32, #tpu.memory_space<vmem>>, vector<1x1408xf32>
    %sub3A_172 = vector.broadcast %add3A_25 : f32 to vector<1x1408xf32>
    %sub3A_173 = arith.subf %get3A_171, %sub3A_172 : vector<1x1408xf32>
    %swap3A_174 = arith.constant 0 : index
    %swap3A_175 = arith.constant 25344 : index
    %swap3A_176 = vector.load %arg6[%swap3A_174, %swap3A_175] : memref<1x100000xf32, #tpu.memory_space<vmem>>, vector<1x1408xf32>
    tpu.vector_store %arg6[%swap3A_174, %swap3A_175], %sub3A_173 {strides = array<i32>} : memref<1x100000xf32, #tpu.memory_space<vmem>>, vector<1x1408xf32>,
    %get3A_177 = arith.constant 19 : index
    %get3A_178 = arith.constant 0 : index
    %get3A_179 = vector.load %arg1[%get3A_177, %get3A_178] : memref<32x1408xf32, #tpu.memory_space<vmem>>, vector<1x1408xf32>
    %sub3A_180 = vector.broadcast %add3A_25 : f32 to vector<1x1408xf32>
    %sub3A_181 = arith.subf %get3A_179, %sub3A_180 : vector<1x1408xf32>
    %swap3A_182 = arith.constant 0 : index
    %swap3A_183 = arith.constant 26752 : index
    %swap3A_184 = vector.load %arg6[%swap3A_182, %swap3A_183] : memref<1x100000xf32, #tpu.memory_space<vmem>>, vector<1x1408xf32>
    tpu.vector_store %arg6[%swap3A_182, %swap3A_183], %sub3A_181 {strides = array<i32>} : memref<1x100000xf32, #tpu.memory_space<vmem>>, vector<1x1408xf32>,
    %get3A_185 = arith.constant 20 : index
    %get3A_186 = arith.constant 0 : index
    %get3A_187 = vector.load %arg1[%get3A_185, %get3A_186] : memref<32x1408xf32, #tpu.memory_space<vmem>>, vector<1x1408xf32>
    %sub3A_188 = vector.broadcast %add3A_25 : f32 to vector<1x1408xf32>
    %sub3A_189 = arith.subf %get3A_187, %sub3A_188 : vector<1x1408xf32>
    %swap3A_190 = arith.constant 0 : index
    %swap3A_191 = arith.constant 28160 : index
    %swap3A_192 = vector.load %arg6[%swap3A_190, %swap3A_191] : memref<1x100000xf32, #tpu.memory_space<vmem>>, vector<1x1408xf32>
    tpu.vector_store %arg6[%swap3A_190, %swap3A_191], %sub3A_189 {strides = array<i32>} : memref<1x100000xf32, #tpu.memory_space<vmem>>, vector<1x1408xf32>,
    %get3A_193 = arith.constant 21 : index
    %get3A_194 = arith.constant 0 : index
    %get3A_195 = vector.load %arg1[%get3A_193, %get3A_194] : memref<32x1408xf32, #tpu.memory_space<vmem>>, vector<1x1408xf32>
    %sub3A_196 = vector.broadcast %add3A_25 : f32 to vector<1x1408xf32>
    %sub3A_197 = arith.subf %get3A_195, %sub3A_196 : vector<1x1408xf32>
    %swap3A_198 = arith.constant 0 : index
    %swap3A_199 = arith.constant 29568 : index
    %swap3A_200 = vector.load %arg6[%swap3A_198, %swap3A_199] : memref<1x100000xf32, #tpu.memory_space<vmem>>, vector<1x1408xf32>
    tpu.vector_store %arg6[%swap3A_198, %swap3A_199], %sub3A_197 {strides = array<i32>} : memref<1x100000xf32, #tpu.memory_space<vmem>>, vector<1x1408xf32>,
    %get3A_201 = arith.constant 22 : index
    %get3A_202 = arith.constant 0 : index
    %get3A_203 = vector.load %arg1[%get3A_201, %get3A_202] : memref<32x1408xf32, #tpu.memory_space<vmem>>, vector<1x1408xf32>
    %sub3A_204 = vector.broadcast %add3A_25 : f32 to vector<1x1408xf32>
    %sub3A_205 = arith.subf %get3A_203, %sub3A_204 : vector<1x1408xf32>
    %swap3A_206 = arith.constant 0 : index
    %swap3A_207 = arith.constant 30976 : index
    %swap3A_208 = vector.load %arg6[%swap3A_206, %swap3A_207] : memref<1x100000xf32, #tpu.memory_space<vmem>>, vector<1x1408xf32>
    tpu.vector_store %arg6[%swap3A_206, %swap3A_207], %sub3A_205 {strides = array<i32>} : memref<1x100000xf32, #tpu.memory_space<vmem>>, vector<1x1408xf32>,
    %get3A_209 = arith.constant 23 : index
    %get3A_210 = arith.constant 0 : index
    %get3A_211 = vector.load %arg1[%get3A_209, %get3A_210] : memref<32x1408xf32, #tpu.memory_space<vmem>>, vector<1x1408xf32>
    %sub3A_212 = vector.broadcast %add3A_25 : f32 to vector<1x1408xf32>
    %sub3A_213 = arith.subf %get3A_211, %sub3A_212 : vector<1x1408xf32>
    %swap3A_214 = arith.constant 0 : index
    %swap3A_215 = arith.constant 32384 : index
    %swap3A_216 = vector.load %arg6[%swap3A_214, %swap3A_215] : memref<1x100000xf32, #tpu.memory_space<vmem>>, vector<1x1408xf32>
    tpu.vector_store %arg6[%swap3A_214, %swap3A_215], %sub3A_213 {strides = array<i32>} : memref<1x100000xf32, #tpu.memory_space<vmem>>, vector<1x1408xf32>,
    %get3A_217 = arith.constant 24 : index
    %get3A_218 = arith.constant 0 : index
    %get3A_219 = vector.load %arg1[%get3A_217, %get3A_218] : memref<32x1408xf32, #tpu.memory_space<vmem>>, vector<1x1408xf32>
    %sub3A_220 = vector.broadcast %add3A_25 : f32 to vector<1x1408xf32>
    %sub3A_221 = arith.subf %get3A_219, %sub3A_220 : vector<1x1408xf32>
    %swap3A_222 = arith.constant 0 : index
    %swap3A_223 = arith.constant 33792 : index
    %swap3A_224 = vector.load %arg6[%swap3A_222, %swap3A_223] : memref<1x100000xf32, #tpu.memory_space<vmem>>, vector<1x1408xf32>
    tpu.vector_store %arg6[%swap3A_222, %swap3A_223], %sub3A_221 {strides = array<i32>} : memref<1x100000xf32, #tpu.memory_space<vmem>>, vector<1x1408xf32>,
    %get3A_225 = arith.constant 25 : index
    %get3A_226 = arith.constant 0 : index
    %get3A_227 = vector.load %arg1[%get3A_225, %get3A_226] : memref<32x1408xf32, #tpu.memory_space<vmem>>, vector<1x1408xf32>
    %sub3A_228 = vector.broadcast %add3A_25 : f32 to vector<1x1408xf32>
    %sub3A_229 = arith.subf %get3A_227, %sub3A_228 : vector<1x1408xf32>
    %swap3A_230 = arith.constant 0 : index
    %swap3A_231 = arith.constant 35200 : index
    %swap3A_232 = vector.load %arg6[%swap3A_230, %swap3A_231] : memref<1x100000xf32, #tpu.memory_space<vmem>>, vector<1x1408xf32>
    tpu.vector_store %arg6[%swap3A_230, %swap3A_231], %sub3A_229 {strides = array<i32>} : memref<1x100000xf32, #tpu.memory_space<vmem>>, vector<1x1408xf32>,
    %get3A_233 = arith.constant 26 : index
    %get3A_234 = arith.constant 0 : index
    %get3A_235 = vector.load %arg1[%get3A_233, %get3A_234] : memref<32x1408xf32, #tpu.memory_space<vmem>>, vector<1x1408xf32>
    %sub3A_236 = vector.broadcast %add3A_25 : f32 to vector<1x1408xf32>
    %sub3A_237 = arith.subf %get3A_235, %sub3A_236 : vector<1x1408xf32>
    %swap3A_238 = arith.constant 0 : index
    %swap3A_239 = arith.constant 36608 : index
    %swap3A_240 = vector.load %arg6[%swap3A_238, %swap3A_239] : memref<1x100000xf32, #tpu.memory_space<vmem>>, vector<1x1408xf32>
    tpu.vector_store %arg6[%swap3A_238, %swap3A_239], %sub3A_237 {strides = array<i32>} : memref<1x100000xf32, #tpu.memory_space<vmem>>, vector<1x1408xf32>,
    %get3A_241 = arith.constant 27 : index
    %get3A_242 = arith.constant 0 : index
    %get3A_243 = vector.load %arg1[%get3A_241, %get3A_242] : memref<32x1408xf32, #tpu.memory_space<vmem>>, vector<1x1408xf32>
    %sub3A_244 = vector.broadcast %add3A_25 : f32 to vector<1x1408xf32>
    %sub3A_245 = arith.subf %get3A_243, %sub3A_244 : vector<1x1408xf32>
    %swap3A_246 = arith.constant 0 : index
    %swap3A_247 = arith.constant 38016 : index
    %swap3A_248 = vector.load %arg6[%swap3A_246, %swap3A_247] : memref<1x100000xf32, #tpu.memory_space<vmem>>, vector<1x1408xf32>
    tpu.vector_store %arg6[%swap3A_246, %swap3A_247], %sub3A_245 {strides = array<i32>} : memref<1x100000xf32, #tpu.memory_space<vmem>>, vector<1x1408xf32>,
    %get3A_249 = arith.constant 28 : index
    %get3A_250 = arith.constant 0 : index
    %get3A_251 = vector.load %arg1[%get3A_249, %get3A_250] : memref<32x1408xf32, #tpu.memory_space<vmem>>, vector<1x1408xf32>
    %sub3A_252 = vector.broadcast %add3A_25 : f32 to vector<1x1408xf32>
    %sub3A_253 = arith.subf %get3A_251, %sub3A_252 : vector<1x1408xf32>
    %swap3A_254 = arith.constant 0 : index
    %swap3A_255 = arith.constant 39424 : index
    %swap3A_256 = vector.load %arg6[%swap3A_254, %swap3A_255] : memref<1x100000xf32, #tpu.memory_space<vmem>>, vector<1x1408xf32>
    tpu.vector_store %arg6[%swap3A_254, %swap3A_255], %sub3A_253 {strides = array<i32>} : memref<1x100000xf32, #tpu.memory_space<vmem>>, vector<1x1408xf32>,
    %get3A_257 = arith.constant 29 : index
    %get3A_258 = arith.constant 0 : index
    %get3A_259 = vector.load %arg1[%get3A_257, %get3A_258] : memref<32x1408xf32, #tpu.memory_space<vmem>>, vector<1x1408xf32>
    %sub3A_260 = vector.broadcast %add3A_25 : f32 to vector<1x1408xf32>
    %sub3A_261 = arith.subf %get3A_259, %sub3A_260 : vector<1x1408xf32>
    %swap3A_262 = arith.constant 0 : index
    %swap3A_263 = arith.constant 40832 : index
    %swap3A_264 = vector.load %arg6[%swap3A_262, %swap3A_263] : memref<1x100000xf32, #tpu.memory_space<vmem>>, vector<1x1408xf32>
    tpu.vector_store %arg6[%swap3A_262, %swap3A_263], %sub3A_261 {strides = array<i32>} : memref<1x100000xf32, #tpu.memory_space<vmem>>, vector<1x1408xf32>,
    %get3A_265 = arith.constant 30 : index
    %get3A_266 = arith.constant 0 : index
    %get3A_267 = vector.load %arg1[%get3A_265, %get3A_266] : memref<32x1408xf32, #tpu.memory_space<vmem>>, vector<1x1408xf32>
    %sub3A_268 = vector.broadcast %add3A_25 : f32 to vector<1x1408xf32>
    %sub3A_269 = arith.subf %get3A_267, %sub3A_268 : vector<1x1408xf32>
    %swap3A_270 = arith.constant 0 : index
    %swap3A_271 = arith.constant 42240 : index
    %swap3A_272 = vector.load %arg6[%swap3A_270, %swap3A_271] : memref<1x100000xf32, #tpu.memory_space<vmem>>, vector<1x1408xf32>
    tpu.vector_store %arg6[%swap3A_270, %swap3A_271], %sub3A_269 {strides = array<i32>} : memref<1x100000xf32, #tpu.memory_space<vmem>>, vector<1x1408xf32>,
    %get3A_273 = arith.constant 31 : index
    %get3A_274 = arith.constant 0 : index
    %get3A_275 = vector.load %arg1[%get3A_273, %get3A_274] : memref<32x1408xf32, #tpu.memory_space<vmem>>, vector<1x1408xf32>
    %sub3A_276 = vector.broadcast %add3A_25 : f32 to vector<1x1408xf32>
    %sub3A_277 = arith.subf %get3A_275, %sub3A_276 : vector<1x1408xf32>
    %swap3A_278 = arith.constant 0 : index
    %swap3A_279 = arith.constant 43648 : index
    %swap3A_280 = vector.load %arg6[%swap3A_278, %swap3A_279] : memref<1x100000xf32, #tpu.memory_space<vmem>>, vector<1x1408xf32>
    tpu.vector_store %arg6[%swap3A_278, %swap3A_279], %sub3A_277 {strides = array<i32>} : memref<1x100000xf32, #tpu.memory_space<vmem>>, vector<1x1408xf32>,
    %get3A_281 = arith.constant 0 : index
    %get3A_282 = arith.constant 0 : index
    %get3A_283 = vector.load %arg0[%get3A_281, %get3A_282] : memref<1x57344xf32, #tpu.memory_space<vmem>>, vector<1x54944xf32>
    %sub3A_284 = vector.broadcast %add3A_25 : f32 to vector<1x54944xf32>
    %sub3A_285 = arith.subf %get3A_283, %sub3A_284 : vector<1x54944xf32>
    %swap3A_286 = arith.constant 0 : index
    %swap3A_287 = arith.constant 45056 : index
    %swap3A_288 = vector.load %arg6[%swap3A_286, %swap3A_287] : memref<1x100000xf32, #tpu.memory_space<vmem>>, vector<1x54944xf32>
    tpu.vector_store %arg6[%swap3A_286, %swap3A_287], %sub3A_285 {strides = array<i32>} : memref<1x100000xf32, #tpu.memory_space<vmem>>, vector<1x54944xf32>,
    return
  }
}

module attributes {stable_mosaic.version = 14 : i64} {
  func.func @_fc1_body(%arg0: memref<9xi32, #tpu.memory_space<smem>>, %arg1: memref<1152x64xf32, #tpu.memory_space<vmem>>, %arg2: memref<64xf32, #tpu.memory_space<vmem>>, %arg3: memref<100000x128xf32, #tpu.memory_space<hbm>>, %arg4: memref<1024xf32, #tpu.memory_space<vmem>>, %arg5: memref<16x128xf32, #tpu.memory_space<vmem>>, %arg6: memref<!tpu.dma_semaphore, #tpu.memory_space<semaphore_mem>>) attributes {dimension_semantics = [], scalar_prefetch = 0 : i64, scratch_operands = 2 : i64, tpu.core_type = #tpu.core_type<tc>} {
    %get3A = arith.constant 0 : index
    %get3A_0 = memref.load %arg0[%get3A] : memref<9xi32, #tpu.memory_space<smem>>
    %dma_start3A = arith.constant 0 : i32
    %dma_start3A_1 = arith.constant 0 : i32
    %dma_start3A_2 = tpu.memref_slice %arg5[%dma_start3A, %dma_start3A_1] : memref<16x128xf32, #tpu.memory_space<vmem>> -> memref<1x128xf32, #tpu.memory_space<vmem>>
    %dma_start3A_3 = arith.constant 0 : i32
    %dma_start3A_4 = tpu.memref_slice %arg3[%get3A_0, %dma_start3A_3] : memref<100000x128xf32, #tpu.memory_space<hbm>> -> memref<1x128xf32, #tpu.memory_space<hbm>>
    tpu.enqueue_dma source(%dma_start3A_4 : memref<1x128xf32, #tpu.memory_space<hbm>>) target(%dma_start3A_2 : memref<1x128xf32, #tpu.memory_space<vmem>>) target_semaphore(%arg6 : memref<!tpu.dma_semaphore, #tpu.memory_space<semaphore_mem>>)
    %get3A_5 = arith.constant 1 : index
    %get3A_6 = memref.load %arg0[%get3A_5] : memref<9xi32, #tpu.memory_space<smem>>
    %dma_start3A_7 = arith.constant 1 : i32
    %dma_start3A_8 = arith.constant 0 : i32
    %dma_start3A_9 = tpu.memref_slice %arg5[%dma_start3A_7, %dma_start3A_8] : memref<16x128xf32, #tpu.memory_space<vmem>> -> memref<1x128xf32, #tpu.memory_space<vmem>>
    %dma_start3A_10 = arith.constant 0 : i32
    %dma_start3A_11 = tpu.memref_slice %arg3[%get3A_6, %dma_start3A_10] : memref<100000x128xf32, #tpu.memory_space<hbm>> -> memref<1x128xf32, #tpu.memory_space<hbm>>
    tpu.enqueue_dma source(%dma_start3A_11 : memref<1x128xf32, #tpu.memory_space<hbm>>) target(%dma_start3A_9 : memref<1x128xf32, #tpu.memory_space<vmem>>) target_semaphore(%arg6 : memref<!tpu.dma_semaphore, #tpu.memory_space<semaphore_mem>>)
    %get3A_12 = arith.constant 2 : index
    %get3A_13 = memref.load %arg0[%get3A_12] : memref<9xi32, #tpu.memory_space<smem>>
    %dma_start3A_14 = arith.constant 2 : i32
    %dma_start3A_15 = arith.constant 0 : i32
    %dma_start3A_16 = tpu.memref_slice %arg5[%dma_start3A_14, %dma_start3A_15] : memref<16x128xf32, #tpu.memory_space<vmem>> -> memref<1x128xf32, #tpu.memory_space<vmem>>
    %dma_start3A_17 = arith.constant 0 : i32
    %dma_start3A_18 = tpu.memref_slice %arg3[%get3A_13, %dma_start3A_17] : memref<100000x128xf32, #tpu.memory_space<hbm>> -> memref<1x128xf32, #tpu.memory_space<hbm>>
    tpu.enqueue_dma source(%dma_start3A_18 : memref<1x128xf32, #tpu.memory_space<hbm>>) target(%dma_start3A_16 : memref<1x128xf32, #tpu.memory_space<vmem>>) target_semaphore(%arg6 : memref<!tpu.dma_semaphore, #tpu.memory_space<semaphore_mem>>)
    %get3A_19 = arith.constant 3 : index
    %get3A_20 = memref.load %arg0[%get3A_19] : memref<9xi32, #tpu.memory_space<smem>>
    %dma_start3A_21 = arith.constant 3 : i32
    %dma_start3A_22 = arith.constant 0 : i32
    %dma_start3A_23 = tpu.memref_slice %arg5[%dma_start3A_21, %dma_start3A_22] : memref<16x128xf32, #tpu.memory_space<vmem>> -> memref<1x128xf32, #tpu.memory_space<vmem>>
    %dma_start3A_24 = arith.constant 0 : i32
    %dma_start3A_25 = tpu.memref_slice %arg3[%get3A_20, %dma_start3A_24] : memref<100000x128xf32, #tpu.memory_space<hbm>> -> memref<1x128xf32, #tpu.memory_space<hbm>>
    tpu.enqueue_dma source(%dma_start3A_25 : memref<1x128xf32, #tpu.memory_space<hbm>>) target(%dma_start3A_23 : memref<1x128xf32, #tpu.memory_space<vmem>>) target_semaphore(%arg6 : memref<!tpu.dma_semaphore, #tpu.memory_space<semaphore_mem>>)
    %get3A_26 = arith.constant 4 : index
    %get3A_27 = memref.load %arg0[%get3A_26] : memref<9xi32, #tpu.memory_space<smem>>
    %dma_start3A_28 = arith.constant 4 : i32
    %dma_start3A_29 = arith.constant 0 : i32
    %dma_start3A_30 = tpu.memref_slice %arg5[%dma_start3A_28, %dma_start3A_29] : memref<16x128xf32, #tpu.memory_space<vmem>> -> memref<1x128xf32, #tpu.memory_space<vmem>>
    %dma_start3A_31 = arith.constant 0 : i32
    %dma_start3A_32 = tpu.memref_slice %arg3[%get3A_27, %dma_start3A_31] : memref<100000x128xf32, #tpu.memory_space<hbm>> -> memref<1x128xf32, #tpu.memory_space<hbm>>
    tpu.enqueue_dma source(%dma_start3A_32 : memref<1x128xf32, #tpu.memory_space<hbm>>) target(%dma_start3A_30 : memref<1x128xf32, #tpu.memory_space<vmem>>) target_semaphore(%arg6 : memref<!tpu.dma_semaphore, #tpu.memory_space<semaphore_mem>>)
    %get3A_33 = arith.constant 5 : index
    %get3A_34 = memref.load %arg0[%get3A_33] : memref<9xi32, #tpu.memory_space<smem>>
    %dma_start3A_35 = arith.constant 5 : i32
    %dma_start3A_36 = arith.constant 0 : i32
    %dma_start3A_37 = tpu.memref_slice %arg5[%dma_start3A_35, %dma_start3A_36] : memref<16x128xf32, #tpu.memory_space<vmem>> -> memref<1x128xf32, #tpu.memory_space<vmem>>
    %dma_start3A_38 = arith.constant 0 : i32
    %dma_start3A_39 = tpu.memref_slice %arg3[%get3A_34, %dma_start3A_38] : memref<100000x128xf32, #tpu.memory_space<hbm>> -> memref<1x128xf32, #tpu.memory_space<hbm>>
    tpu.enqueue_dma source(%dma_start3A_39 : memref<1x128xf32, #tpu.memory_space<hbm>>) target(%dma_start3A_37 : memref<1x128xf32, #tpu.memory_space<vmem>>) target_semaphore(%arg6 : memref<!tpu.dma_semaphore, #tpu.memory_space<semaphore_mem>>)
    %get3A_40 = arith.constant 6 : index
    %get3A_41 = memref.load %arg0[%get3A_40] : memref<9xi32, #tpu.memory_space<smem>>
    %dma_start3A_42 = arith.constant 6 : i32
    %dma_start3A_43 = arith.constant 0 : i32
    %dma_start3A_44 = tpu.memref_slice %arg5[%dma_start3A_42, %dma_start3A_43] : memref<16x128xf32, #tpu.memory_space<vmem>> -> memref<1x128xf32, #tpu.memory_space<vmem>>
    %dma_start3A_45 = arith.constant 0 : i32
    %dma_start3A_46 = tpu.memref_slice %arg3[%get3A_41, %dma_start3A_45] : memref<100000x128xf32, #tpu.memory_space<hbm>> -> memref<1x128xf32, #tpu.memory_space<hbm>>
    tpu.enqueue_dma source(%dma_start3A_46 : memref<1x128xf32, #tpu.memory_space<hbm>>) target(%dma_start3A_44 : memref<1x128xf32, #tpu.memory_space<vmem>>) target_semaphore(%arg6 : memref<!tpu.dma_semaphore, #tpu.memory_space<semaphore_mem>>)
    %get3A_47 = arith.constant 7 : index
    %get3A_48 = memref.load %arg0[%get3A_47] : memref<9xi32, #tpu.memory_space<smem>>
    %dma_start3A_49 = arith.constant 7 : i32
    %dma_start3A_50 = arith.constant 0 : i32
    %dma_start3A_51 = tpu.memref_slice %arg5[%dma_start3A_49, %dma_start3A_50] : memref<16x128xf32, #tpu.memory_space<vmem>> -> memref<1x128xf32, #tpu.memory_space<vmem>>
    %dma_start3A_52 = arith.constant 0 : i32
    %dma_start3A_53 = tpu.memref_slice %arg3[%get3A_48, %dma_start3A_52] : memref<100000x128xf32, #tpu.memory_space<hbm>> -> memref<1x128xf32, #tpu.memory_space<hbm>>
    tpu.enqueue_dma source(%dma_start3A_53 : memref<1x128xf32, #tpu.memory_space<hbm>>) target(%dma_start3A_51 : memref<1x128xf32, #tpu.memory_space<vmem>>) target_semaphore(%arg6 : memref<!tpu.dma_semaphore, #tpu.memory_space<semaphore_mem>>)
    %get3A_54 = arith.constant 8 : index
    %get3A_55 = memref.load %arg0[%get3A_54] : memref<9xi32, #tpu.memory_space<smem>>
    %dma_start3A_56 = arith.constant 8 : i32
    %dma_start3A_57 = arith.constant 0 : i32
    %dma_start3A_58 = tpu.memref_slice %arg5[%dma_start3A_56, %dma_start3A_57] : memref<16x128xf32, #tpu.memory_space<vmem>> -> memref<1x128xf32, #tpu.memory_space<vmem>>
    %dma_start3A_59 = arith.constant 0 : i32
    %dma_start3A_60 = tpu.memref_slice %arg3[%get3A_55, %dma_start3A_59] : memref<100000x128xf32, #tpu.memory_space<hbm>> -> memref<1x128xf32, #tpu.memory_space<hbm>>
    tpu.enqueue_dma source(%dma_start3A_60 : memref<1x128xf32, #tpu.memory_space<hbm>>) target(%dma_start3A_58 : memref<1x128xf32, #tpu.memory_space<vmem>>) target_semaphore(%arg6 : memref<!tpu.dma_semaphore, #tpu.memory_space<semaphore_mem>>)
    %get3A_61 = arith.constant 0 : index
    %get3A_62 = memref.load %arg0[%get3A_61] : memref<9xi32, #tpu.memory_space<smem>>
    %dma_wait3A = arith.constant 0 : i32
    %dma_wait3A_63 = arith.constant 0 : i32
    %dma_wait3A_64 = tpu.memref_slice %arg5[%dma_wait3A, %dma_wait3A_63] : memref<16x128xf32, #tpu.memory_space<vmem>> -> memref<1x128xf32, #tpu.memory_space<vmem>>
    %dma_wait3A_65 = arith.constant 0 : i32
    %dma_wait3A_66 = tpu.memref_slice %arg3[%get3A_62, %dma_wait3A_65] : memref<100000x128xf32, #tpu.memory_space<hbm>> -> memref<1x128xf32, #tpu.memory_space<hbm>>
    tpu.wait_dma2 semaphore(%arg6 : memref<!tpu.dma_semaphore, #tpu.memory_space<semaphore_mem>>) src(%dma_wait3A_66 : memref<1x128xf32, #tpu.memory_space<hbm>>) dst(%dma_wait3A_64 : memref<1x128xf32, #tpu.memory_space<vmem>>)
    %get3A_67 = arith.constant 1 : index
    %get3A_68 = memref.load %arg0[%get3A_67] : memref<9xi32, #tpu.memory_space<smem>>
    %dma_wait3A_69 = arith.constant 1 : i32
    %dma_wait3A_70 = arith.constant 0 : i32
    %dma_wait3A_71 = tpu.memref_slice %arg5[%dma_wait3A_69, %dma_wait3A_70] : memref<16x128xf32, #tpu.memory_space<vmem>> -> memref<1x128xf32, #tpu.memory_space<vmem>>
    %dma_wait3A_72 = arith.constant 0 : i32
    %dma_wait3A_73 = tpu.memref_slice %arg3[%get3A_68, %dma_wait3A_72] : memref<100000x128xf32, #tpu.memory_space<hbm>> -> memref<1x128xf32, #tpu.memory_space<hbm>>
    tpu.wait_dma2 semaphore(%arg6 : memref<!tpu.dma_semaphore, #tpu.memory_space<semaphore_mem>>) src(%dma_wait3A_73 : memref<1x128xf32, #tpu.memory_space<hbm>>) dst(%dma_wait3A_71 : memref<1x128xf32, #tpu.memory_space<vmem>>)
    %get3A_74 = arith.constant 2 : index
    %get3A_75 = memref.load %arg0[%get3A_74] : memref<9xi32, #tpu.memory_space<smem>>
    %dma_wait3A_76 = arith.constant 2 : i32
    %dma_wait3A_77 = arith.constant 0 : i32
    %dma_wait3A_78 = tpu.memref_slice %arg5[%dma_wait3A_76, %dma_wait3A_77] : memref<16x128xf32, #tpu.memory_space<vmem>> -> memref<1x128xf32, #tpu.memory_space<vmem>>
    %dma_wait3A_79 = arith.constant 0 : i32
    %dma_wait3A_80 = tpu.memref_slice %arg3[%get3A_75, %dma_wait3A_79] : memref<100000x128xf32, #tpu.memory_space<hbm>> -> memref<1x128xf32, #tpu.memory_space<hbm>>
    tpu.wait_dma2 semaphore(%arg6 : memref<!tpu.dma_semaphore, #tpu.memory_space<semaphore_mem>>) src(%dma_wait3A_80 : memref<1x128xf32, #tpu.memory_space<hbm>>) dst(%dma_wait3A_78 : memref<1x128xf32, #tpu.memory_space<vmem>>)
    %get3A_81 = arith.constant 3 : index
    %get3A_82 = memref.load %arg0[%get3A_81] : memref<9xi32, #tpu.memory_space<smem>>
    %dma_wait3A_83 = arith.constant 3 : i32
    %dma_wait3A_84 = arith.constant 0 : i32
    %dma_wait3A_85 = tpu.memref_slice %arg5[%dma_wait3A_83, %dma_wait3A_84] : memref<16x128xf32, #tpu.memory_space<vmem>> -> memref<1x128xf32, #tpu.memory_space<vmem>>
    %dma_wait3A_86 = arith.constant 0 : i32
    %dma_wait3A_87 = tpu.memref_slice %arg3[%get3A_82, %dma_wait3A_86] : memref<100000x128xf32, #tpu.memory_space<hbm>> -> memref<1x128xf32, #tpu.memory_space<hbm>>
    tpu.wait_dma2 semaphore(%arg6 : memref<!tpu.dma_semaphore, #tpu.memory_space<semaphore_mem>>) src(%dma_wait3A_87 : memref<1x128xf32, #tpu.memory_space<hbm>>) dst(%dma_wait3A_85 : memref<1x128xf32, #tpu.memory_space<vmem>>)
    %get3A_88 = arith.constant 4 : index
    %get3A_89 = memref.load %arg0[%get3A_88] : memref<9xi32, #tpu.memory_space<smem>>
    %dma_wait3A_90 = arith.constant 4 : i32
    %dma_wait3A_91 = arith.constant 0 : i32
    %dma_wait3A_92 = tpu.memref_slice %arg5[%dma_wait3A_90, %dma_wait3A_91] : memref<16x128xf32, #tpu.memory_space<vmem>> -> memref<1x128xf32, #tpu.memory_space<vmem>>
    %dma_wait3A_93 = arith.constant 0 : i32
    %dma_wait3A_94 = tpu.memref_slice %arg3[%get3A_89, %dma_wait3A_93] : memref<100000x128xf32, #tpu.memory_space<hbm>> -> memref<1x128xf32, #tpu.memory_space<hbm>>
    tpu.wait_dma2 semaphore(%arg6 : memref<!tpu.dma_semaphore, #tpu.memory_space<semaphore_mem>>) src(%dma_wait3A_94 : memref<1x128xf32, #tpu.memory_space<hbm>>) dst(%dma_wait3A_92 : memref<1x128xf32, #tpu.memory_space<vmem>>)
    %get3A_95 = arith.constant 5 : index
    %get3A_96 = memref.load %arg0[%get3A_95] : memref<9xi32, #tpu.memory_space<smem>>
    %dma_wait3A_97 = arith.constant 5 : i32
    %dma_wait3A_98 = arith.constant 0 : i32
    %dma_wait3A_99 = tpu.memref_slice %arg5[%dma_wait3A_97, %dma_wait3A_98] : memref<16x128xf32, #tpu.memory_space<vmem>> -> memref<1x128xf32, #tpu.memory_space<vmem>>
    %dma_wait3A_100 = arith.constant 0 : i32
    %dma_wait3A_101 = tpu.memref_slice %arg3[%get3A_96, %dma_wait3A_100] : memref<100000x128xf32, #tpu.memory_space<hbm>> -> memref<1x128xf32, #tpu.memory_space<hbm>>
    tpu.wait_dma2 semaphore(%arg6 : memref<!tpu.dma_semaphore, #tpu.memory_space<semaphore_mem>>) src(%dma_wait3A_101 : memref<1x128xf32, #tpu.memory_space<hbm>>) dst(%dma_wait3A_99 : memref<1x128xf32, #tpu.memory_space<vmem>>)
    %get3A_102 = arith.constant 6 : index
    %get3A_103 = memref.load %arg0[%get3A_102] : memref<9xi32, #tpu.memory_space<smem>>
    %dma_wait3A_104 = arith.constant 6 : i32
    %dma_wait3A_105 = arith.constant 0 : i32
    %dma_wait3A_106 = tpu.memref_slice %arg5[%dma_wait3A_104, %dma_wait3A_105] : memref<16x128xf32, #tpu.memory_space<vmem>> -> memref<1x128xf32, #tpu.memory_space<vmem>>
    %dma_wait3A_107 = arith.constant 0 : i32
    %dma_wait3A_108 = tpu.memref_slice %arg3[%get3A_103, %dma_wait3A_107] : memref<100000x128xf32, #tpu.memory_space<hbm>> -> memref<1x128xf32, #tpu.memory_space<hbm>>
    tpu.wait_dma2 semaphore(%arg6 : memref<!tpu.dma_semaphore, #tpu.memory_space<semaphore_mem>>) src(%dma_wait3A_108 : memref<1x128xf32, #tpu.memory_space<hbm>>) dst(%dma_wait3A_106 : memref<1x128xf32, #tpu.memory_space<vmem>>)
    %get3A_109 = arith.constant 7 : index
    %get3A_110 = memref.load %arg0[%get3A_109] : memref<9xi32, #tpu.memory_space<smem>>
    %dma_wait3A_111 = arith.constant 7 : i32
    %dma_wait3A_112 = arith.constant 0 : i32
    %dma_wait3A_113 = tpu.memref_slice %arg5[%dma_wait3A_111, %dma_wait3A_112] : memref<16x128xf32, #tpu.memory_space<vmem>> -> memref<1x128xf32, #tpu.memory_space<vmem>>
    %dma_wait3A_114 = arith.constant 0 : i32
    %dma_wait3A_115 = tpu.memref_slice %arg3[%get3A_110, %dma_wait3A_114] : memref<100000x128xf32, #tpu.memory_space<hbm>> -> memref<1x128xf32, #tpu.memory_space<hbm>>
    tpu.wait_dma2 semaphore(%arg6 : memref<!tpu.dma_semaphore, #tpu.memory_space<semaphore_mem>>) src(%dma_wait3A_115 : memref<1x128xf32, #tpu.memory_space<hbm>>) dst(%dma_wait3A_113 : memref<1x128xf32, #tpu.memory_space<vmem>>)
    %get3A_116 = arith.constant 8 : index
    %get3A_117 = memref.load %arg0[%get3A_116] : memref<9xi32, #tpu.memory_space<smem>>
    %dma_wait3A_118 = arith.constant 8 : i32
    %dma_wait3A_119 = arith.constant 0 : i32
    %dma_wait3A_120 = tpu.memref_slice %arg5[%dma_wait3A_118, %dma_wait3A_119] : memref<16x128xf32, #tpu.memory_space<vmem>> -> memref<1x128xf32, #tpu.memory_space<vmem>>
    %dma_wait3A_121 = arith.constant 0 : i32
    %dma_wait3A_122 = tpu.memref_slice %arg3[%get3A_117, %dma_wait3A_121] : memref<100000x128xf32, #tpu.memory_space<hbm>> -> memref<1x128xf32, #tpu.memory_space<hbm>>
    tpu.wait_dma2 semaphore(%arg6 : memref<!tpu.dma_semaphore, #tpu.memory_space<semaphore_mem>>) src(%dma_wait3A_122 : memref<1x128xf32, #tpu.memory_space<hbm>>) dst(%dma_wait3A_120 : memref<1x128xf32, #tpu.memory_space<vmem>>)
    %broadcast_in_dim3A = arith.constant 0.000000e+00 : f32
    %broadcast_in_dim3A_123 = vector.broadcast %broadcast_in_dim3A : f32 to vector<1x64xf32>
    %get3A_124 = arith.constant 0 : index
    %get3A_125 = arith.constant 0 : index
    %get3A_126 = vector.load %arg5[%get3A_124, %get3A_125] : memref<16x128xf32, #tpu.memory_space<vmem>>, vector<1x128xf32>
    %get3A_127 = arith.constant 0 : index
    %get3A_128 = arith.constant 0 : index
    %get3A_129 = vector.load %arg1[%get3A_127, %get3A_128] : memref<1152x64xf32, #tpu.memory_space<vmem>>, vector<128x64xf32>
    %dot_general3A = arith.constant dense<0.000000e+00> : vector<1x64xf32>
    %dot_general3A_130 = tpu.matmul %get3A_126, %get3A_129, %dot_general3A {dimension_numbers = #tpu.dot_dimension_numbers<[1], [0], [0], [1], [0, 0, 1, 1], [], []>, transpose_lhs_hint = false} : vector<1x128xf32>, vector<128x64xf32>, vector<1x64xf32> -> vector<1x64xf32>
    %add3A = arith.addf %broadcast_in_dim3A_123, %dot_general3A_130 : vector<1x64xf32>
    %get3A_131 = arith.constant 1 : index
    %get3A_132 = arith.constant 0 : index
    %get3A_133 = vector.load %arg5[%get3A_131, %get3A_132] : memref<16x128xf32, #tpu.memory_space<vmem>>, vector<1x128xf32>
    %get3A_134 = arith.constant 128 : index
    %get3A_135 = arith.constant 0 : index
    %get3A_136 = vector.load %arg1[%get3A_134, %get3A_135] : memref<1152x64xf32, #tpu.memory_space<vmem>>, vector<128x64xf32>
    %dot_general3A_137 = arith.constant dense<0.000000e+00> : vector<1x64xf32>
    %dot_general3A_138 = tpu.matmul %get3A_133, %get3A_136, %dot_general3A_137 {dimension_numbers = #tpu.dot_dimension_numbers<[1], [0], [0], [1], [0, 0, 1, 1], [], []>, transpose_lhs_hint = false} : vector<1x128xf32>, vector<128x64xf32>, vector<1x64xf32> -> vector<1x64xf32>
    %add3A_139 = arith.addf %add3A, %dot_general3A_138 : vector<1x64xf32>
    %get3A_140 = arith.constant 2 : index
    %get3A_141 = arith.constant 0 : index
    %get3A_142 = vector.load %arg5[%get3A_140, %get3A_141] : memref<16x128xf32, #tpu.memory_space<vmem>>, vector<1x128xf32>
    %get3A_143 = arith.constant 256 : index
    %get3A_144 = arith.constant 0 : index
    %get3A_145 = vector.load %arg1[%get3A_143, %get3A_144] : memref<1152x64xf32, #tpu.memory_space<vmem>>, vector<128x64xf32>
    %dot_general3A_146 = arith.constant dense<0.000000e+00> : vector<1x64xf32>
    %dot_general3A_147 = tpu.matmul %get3A_142, %get3A_145, %dot_general3A_146 {dimension_numbers = #tpu.dot_dimension_numbers<[1], [0], [0], [1], [0, 0, 1, 1], [], []>, transpose_lhs_hint = false} : vector<1x128xf32>, vector<128x64xf32>, vector<1x64xf32> -> vector<1x64xf32>
    %add3A_148 = arith.addf %add3A_139, %dot_general3A_147 : vector<1x64xf32>
    %get3A_149 = arith.constant 3 : index
    %get3A_150 = arith.constant 0 : index
    %get3A_151 = vector.load %arg5[%get3A_149, %get3A_150] : memref<16x128xf32, #tpu.memory_space<vmem>>, vector<1x128xf32>
    %get3A_152 = arith.constant 384 : index
    %get3A_153 = arith.constant 0 : index
    %get3A_154 = vector.load %arg1[%get3A_152, %get3A_153] : memref<1152x64xf32, #tpu.memory_space<vmem>>, vector<128x64xf32>
    %dot_general3A_155 = arith.constant dense<0.000000e+00> : vector<1x64xf32>
    %dot_general3A_156 = tpu.matmul %get3A_151, %get3A_154, %dot_general3A_155 {dimension_numbers = #tpu.dot_dimension_numbers<[1], [0], [0], [1], [0, 0, 1, 1], [], []>, transpose_lhs_hint = false} : vector<1x128xf32>, vector<128x64xf32>, vector<1x64xf32> -> vector<1x64xf32>
    %add3A_157 = arith.addf %add3A_148, %dot_general3A_156 : vector<1x64xf32>
    %get3A_158 = arith.constant 4 : index
    %get3A_159 = arith.constant 0 : index
    %get3A_160 = vector.load %arg5[%get3A_158, %get3A_159] : memref<16x128xf32, #tpu.memory_space<vmem>>, vector<1x128xf32>
    %get3A_161 = arith.constant 512 : index
    %get3A_162 = arith.constant 0 : index
    %get3A_163 = vector.load %arg1[%get3A_161, %get3A_162] : memref<1152x64xf32, #tpu.memory_space<vmem>>, vector<128x64xf32>
    %dot_general3A_164 = arith.constant dense<0.000000e+00> : vector<1x64xf32>
    %dot_general3A_165 = tpu.matmul %get3A_160, %get3A_163, %dot_general3A_164 {dimension_numbers = #tpu.dot_dimension_numbers<[1], [0], [0], [1], [0, 0, 1, 1], [], []>, transpose_lhs_hint = false} : vector<1x128xf32>, vector<128x64xf32>, vector<1x64xf32> -> vector<1x64xf32>
    %add3A_166 = arith.addf %add3A_157, %dot_general3A_165 : vector<1x64xf32>
    %get3A_167 = arith.constant 5 : index
    %get3A_168 = arith.constant 0 : index
    %get3A_169 = vector.load %arg5[%get3A_167, %get3A_168] : memref<16x128xf32, #tpu.memory_space<vmem>>, vector<1x128xf32>
    %get3A_170 = arith.constant 640 : index
    %get3A_171 = arith.constant 0 : index
    %get3A_172 = vector.load %arg1[%get3A_170, %get3A_171] : memref<1152x64xf32, #tpu.memory_space<vmem>>, vector<128x64xf32>
    %dot_general3A_173 = arith.constant dense<0.000000e+00> : vector<1x64xf32>
    %dot_general3A_174 = tpu.matmul %get3A_169, %get3A_172, %dot_general3A_173 {dimension_numbers = #tpu.dot_dimension_numbers<[1], [0], [0], [1], [0, 0, 1, 1], [], []>, transpose_lhs_hint = false} : vector<1x128xf32>, vector<128x64xf32>, vector<1x64xf32> -> vector<1x64xf32>
    %add3A_175 = arith.addf %add3A_166, %dot_general3A_174 : vector<1x64xf32>
    %get3A_176 = arith.constant 6 : index
    %get3A_177 = arith.constant 0 : index
    %get3A_178 = vector.load %arg5[%get3A_176, %get3A_177] : memref<16x128xf32, #tpu.memory_space<vmem>>, vector<1x128xf32>
    %get3A_179 = arith.constant 768 : index
    %get3A_180 = arith.constant 0 : index
    %get3A_181 = vector.load %arg1[%get3A_179, %get3A_180] : memref<1152x64xf32, #tpu.memory_space<vmem>>, vector<128x64xf32>
    %dot_general3A_182 = arith.constant dense<0.000000e+00> : vector<1x64xf32>
    %dot_general3A_183 = tpu.matmul %get3A_178, %get3A_181, %dot_general3A_182 {dimension_numbers = #tpu.dot_dimension_numbers<[1], [0], [0], [1], [0, 0, 1, 1], [], []>, transpose_lhs_hint = false} : vector<1x128xf32>, vector<128x64xf32>, vector<1x64xf32> -> vector<1x64xf32>
    %add3A_184 = arith.addf %add3A_175, %dot_general3A_183 : vector<1x64xf32>
    %get3A_185 = arith.constant 7 : index
    %get3A_186 = arith.constant 0 : index
    %get3A_187 = vector.load %arg5[%get3A_185, %get3A_186] : memref<16x128xf32, #tpu.memory_space<vmem>>, vector<1x128xf32>
    %get3A_188 = arith.constant 896 : index
    %get3A_189 = arith.constant 0 : index
    %get3A_190 = vector.load %arg1[%get3A_188, %get3A_189] : memref<1152x64xf32, #tpu.memory_space<vmem>>, vector<128x64xf32>
    %dot_general3A_191 = arith.constant dense<0.000000e+00> : vector<1x64xf32>
    %dot_general3A_192 = tpu.matmul %get3A_187, %get3A_190, %dot_general3A_191 {dimension_numbers = #tpu.dot_dimension_numbers<[1], [0], [0], [1], [0, 0, 1, 1], [], []>, transpose_lhs_hint = false} : vector<1x128xf32>, vector<128x64xf32>, vector<1x64xf32> -> vector<1x64xf32>
    %add3A_193 = arith.addf %add3A_184, %dot_general3A_192 : vector<1x64xf32>
    %get3A_194 = arith.constant 8 : index
    %get3A_195 = arith.constant 0 : index
    %get3A_196 = vector.load %arg5[%get3A_194, %get3A_195] : memref<16x128xf32, #tpu.memory_space<vmem>>, vector<1x128xf32>
    %get3A_197 = arith.constant 1024 : index
    %get3A_198 = arith.constant 0 : index
    %get3A_199 = vector.load %arg1[%get3A_197, %get3A_198] : memref<1152x64xf32, #tpu.memory_space<vmem>>, vector<128x64xf32>
    %dot_general3A_200 = arith.constant dense<0.000000e+00> : vector<1x64xf32>
    %dot_general3A_201 = tpu.matmul %get3A_196, %get3A_199, %dot_general3A_200 {dimension_numbers = #tpu.dot_dimension_numbers<[1], [0], [0], [1], [0, 0, 1, 1], [], []>, transpose_lhs_hint = false} : vector<1x128xf32>, vector<128x64xf32>, vector<1x64xf32> -> vector<1x64xf32>
    %add3A_202 = arith.addf %add3A_193, %dot_general3A_201 : vector<1x64xf32>
    %get3A_203 = arith.constant 0 : index
    %get3A_204 = vector.load %arg2[%get3A_203] : memref<64xf32, #tpu.memory_space<vmem>>, vector<64xf32>
    %reshape3A = vector.shape_cast %get3A_204 : vector<64xf32> to vector<1x64xf32>
    %add3A_205 = arith.addf %add3A_202, %reshape3A : vector<1x64xf32>
    %max3A = arith.constant 0.000000e+00 : f32
    %max3A_206 = vector.broadcast %max3A : f32 to vector<1x64xf32>
    %max3A_207 = arith.maximumf %add3A_205, %max3A_206 : vector<1x64xf32>
    %iota3A = tpu.iota {dimensions = array<i32: 0>} : vector<64x1024xi32>
    %iota3A_208 = tpu.iota {dimensions = array<i32: 1>} : vector<64x1024xi32>
    %jit3A = arith.constant 16 : i32
    %div3A = vector.broadcast %jit3A : i32 to vector<64x1024xi32>
    %div3A_209 = arith.divsi %iota3A_208, %div3A : vector<64x1024xi32>
    %sign3A = arith.constant 0 : i32
    %sign3A_210 = vector.broadcast %sign3A : i32 to vector<64x1024xi32>
    %sign3A_211 = arith.cmpi sgt, %iota3A_208, %sign3A_210 : vector<64x1024xi32>
    %sign3A_212 = arith.extui %sign3A_211 : vector<64x1024xi1> to vector<64x1024xi32>
    %sign3A_213 = arith.constant 0 : i32
    %sign3A_214 = vector.broadcast %sign3A_213 : i32 to vector<64x1024xi32>
    %sign3A_215 = arith.cmpi slt, %iota3A_208, %sign3A_214 : vector<64x1024xi32>
    %sign3A_216 = arith.extui %sign3A_215 : vector<64x1024xi1> to vector<64x1024xi32>
    %sign3A_217 = arith.subi %sign3A_212, %sign3A_216 : vector<64x1024xi32>
    %sign3A_218 = arith.constant 0 : i32
    %sign3A_219 = arith.cmpi sgt, %jit3A, %sign3A_218 : i32
    %sign3A_220 = arith.extui %sign3A_219 : i1 to i32
    %sign3A_221 = arith.constant 0 : i32
    %sign3A_222 = arith.cmpi slt, %jit3A, %sign3A_221 : i32
    %sign3A_223 = arith.extui %sign3A_222 : i1 to i32
    %sign3A_224 = arith.subi %sign3A_220, %sign3A_223 : i32
    %ne3A = vector.broadcast %sign3A_224 : i32 to vector<64x1024xi32>
    %ne3A_225 = arith.cmpi ne, %sign3A_217, %ne3A : vector<64x1024xi32>
    %rem3A = vector.broadcast %jit3A : i32 to vector<64x1024xi32>
    %rem3A_226 = arith.remsi %iota3A_208, %rem3A : vector<64x1024xi32>
    %ne3A_227 = arith.constant 0 : i32
    %ne3A_228 = vector.broadcast %ne3A_227 : i32 to vector<64x1024xi32>
    %ne3A_229 = arith.cmpi ne, %rem3A_226, %ne3A_228 : vector<64x1024xi32>
    %and3A = arith.andi %ne3A_225, %ne3A_229 : vector<64x1024xi1>
    %sub3A = arith.constant 1 : i32
    %sub3A_230 = vector.broadcast %sub3A : i32 to vector<64x1024xi32>
    %sub3A_231 = arith.subi %div3A_209, %sub3A_230 : vector<64x1024xi32>
    %select_n3A = arith.select %and3A, %sub3A_231, %div3A_209 : vector<64x1024xi1>, vector<64x1024xi32>
    %eq3A = arith.cmpi eq, %iota3A, %select_n3A : vector<64x1024xi32>
    %jit3A_232 = arith.constant 1.000000e+00 : f32
    %jit3A_233 = arith.constant 0.000000e+00 : f32
    %broadcast_in_dim3A_234 = vector.broadcast %jit3A_232 : f32 to vector<64x1024xf32>
    %broadcast_in_dim3A_235 = vector.broadcast %jit3A_233 : f32 to vector<64x1024xf32>
    %select_n3A_236 = arith.select %eq3A, %broadcast_in_dim3A_234, %broadcast_in_dim3A_235 : vector<64x1024xi1>, vector<64x1024xf32>
    %dot_general3A_237 = arith.constant dense<0.000000e+00> : vector<1x1024xf32>
    %dot_general3A_238 = tpu.matmul %max3A_207, %select_n3A_236, %dot_general3A_237 {dimension_numbers = #tpu.dot_dimension_numbers<[1], [0], [0], [1], [0, 0, 1, 1], [], []>, transpose_lhs_hint = false} : vector<1x64xf32>, vector<64x1024xf32>, vector<1x1024xf32> -> vector<1x1024xf32>
    %reshape3A_239 = vector.shape_cast %dot_general3A_238 : vector<1x1024xf32> to vector<1024xf32>
    %swap3A = arith.constant 0 : index
    %swap3A_240 = vector.load %arg4[%swap3A] : memref<1024xf32, #tpu.memory_space<vmem>>, vector<1024xf32>
    tpu.vector_store %arg4[%swap3A], %reshape3A_239 {strides = array<i32>} : memref<1024xf32, #tpu.memory_space<vmem>>, vector<1024xf32>,
    return
  }
}

module attributes {stable_mosaic.version = 14 : i64} {
  func.func @_tc_body(%arg0: i32, %arg1: memref<9xi32, #tpu.memory_space<smem>>, %arg2: memref<1152x64xf32, #tpu.memory_space<vmem>>, %arg3: memref<64xf32, #tpu.memory_space<vmem>>, %arg4: memref<100000x128xf32, #tpu.memory_space<hbm>>, %arg5: memref<64x2048xf32, #tpu.memory_space<vmem>>, %arg6: memref<64x2048xf32, #tpu.memory_space<vmem>>, %arg7: memref<64x2048xf32, #tpu.memory_space<vmem>>, %arg8: memref<64x2048xf32, #tpu.memory_space<vmem>>, %arg9: memref<2048xf32, #tpu.memory_space<vmem>>, %arg10: memref<2048xf32, #tpu.memory_space<vmem>>, %arg11: memref<2048xf32, #tpu.memory_space<vmem>>, %arg12: memref<2048xf32, #tpu.memory_space<vmem>>, %arg13: memref<1x8192xf32, #tpu.memory_space<vmem>>, %arg14: memref<1x128xf32, #tpu.memory_space<vmem>>, %arg15: memref<1x128xf32, #tpu.memory_space<vmem>>, %arg16: memref<1x64xf32, #tpu.memory_space<vmem>>, %arg17: memref<16x128xf32, #tpu.memory_space<vmem>>, %arg18: memref<!tpu.dma_semaphore, #tpu.memory_space<semaphore_mem>>, %arg19: memref<1x1xf32, #tpu.memory_space<smem>>, %arg20: memref<1x1xf32, #tpu.memory_space<smem>>) attributes {dimension_semantics = [#tpu.dimension_semantics<arbitrary>], iteration_bounds = array<i64: 7>, scalar_prefetch = 0 : i64, scratch_operands = 5 : i64, tpu.core_type = #tpu.core_type<tc>, window_params = [{transform_indices = @transform_0, window_bounds = array<i64: 9>}, {pipeline_mode = #tpu.pipeline_mode<synchronous>, transform_indices = @transform_1, window_bounds = array<i64: 1152, 64>}, {pipeline_mode = #tpu.pipeline_mode<synchronous>, transform_indices = @transform_2, window_bounds = array<i64: 64>}, {}, {transform_indices = @transform_4, window_bounds = array<i64: 64, 2048>}, {transform_indices = @transform_5, window_bounds = array<i64: 64, 2048>}, {transform_indices = @transform_6, window_bounds = array<i64: 64, 2048>}, {transform_indices = @transform_7, window_bounds = array<i64: 64, 2048>}, {transform_indices = @transform_8, window_bounds = array<i64: 2048>}, {transform_indices = @transform_9, window_bounds = array<i64: 2048>}, {transform_indices = @transform_10, window_bounds = array<i64: 2048>}, {transform_indices = @transform_11, window_bounds = array<i64: 2048>}, {transform_indices = @transform_12, window_bounds = array<i64: 1, 8192>}, {pipeline_mode = #tpu.pipeline_mode<synchronous>, transform_indices = @transform_13, window_bounds = array<i64: 1, 128>}, {pipeline_mode = #tpu.pipeline_mode<synchronous>, transform_indices = @transform_14, window_bounds = array<i64: 1, 128>}]} {
    %eq3A = arith.constant 0 : i32
    %eq3A_0 = arith.cmpi eq, %arg0, %eq3A : i32
    %convert_element_type3A = arith.extui %eq3A_0 : i1 to i32
    %cond3A = arith.constant 0 : i32
    %cond3A_1 = arith.cmpi ne, %convert_element_type3A, %cond3A : i32
    scf.if %cond3A_1 {
      %get3A_189 = arith.constant 0 : index
      %get3A_190 = memref.load %arg1[%get3A_189] : memref<9xi32, #tpu.memory_space<smem>>
      %dma_start3A = arith.constant 0 : i32
      %dma_start3A_191 = arith.constant 0 : i32
      %dma_start3A_192 = tpu.memref_slice %arg17[%dma_start3A, %dma_start3A_191] : memref<16x128xf32, #tpu.memory_space<vmem>> -> memref<1x128xf32, #tpu.memory_space<vmem>>
      %dma_start3A_193 = arith.constant 0 : i32
      %dma_start3A_194 = tpu.memref_slice %arg4[%get3A_190, %dma_start3A_193] : memref<100000x128xf32, #tpu.memory_space<hbm>> -> memref<1x128xf32, #tpu.memory_space<hbm>>
      tpu.enqueue_dma source(%dma_start3A_194 : memref<1x128xf32, #tpu.memory_space<hbm>>) target(%dma_start3A_192 : memref<1x128xf32, #tpu.memory_space<vmem>>) target_semaphore(%arg18 : memref<!tpu.dma_semaphore, #tpu.memory_space<semaphore_mem>>)
      %get3A_195 = arith.constant 1 : index
      %get3A_196 = memref.load %arg1[%get3A_195] : memref<9xi32, #tpu.memory_space<smem>>
      %dma_start3A_197 = arith.constant 1 : i32
      %dma_start3A_198 = arith.constant 0 : i32
      %dma_start3A_199 = tpu.memref_slice %arg17[%dma_start3A_197, %dma_start3A_198] : memref<16x128xf32, #tpu.memory_space<vmem>> -> memref<1x128xf32, #tpu.memory_space<vmem>>
      %dma_start3A_200 = arith.constant 0 : i32
      %dma_start3A_201 = tpu.memref_slice %arg4[%get3A_196, %dma_start3A_200] : memref<100000x128xf32, #tpu.memory_space<hbm>> -> memref<1x128xf32, #tpu.memory_space<hbm>>
      tpu.enqueue_dma source(%dma_start3A_201 : memref<1x128xf32, #tpu.memory_space<hbm>>) target(%dma_start3A_199 : memref<1x128xf32, #tpu.memory_space<vmem>>) target_semaphore(%arg18 : memref<!tpu.dma_semaphore, #tpu.memory_space<semaphore_mem>>)
      %get3A_202 = arith.constant 2 : index
      %get3A_203 = memref.load %arg1[%get3A_202] : memref<9xi32, #tpu.memory_space<smem>>
      %dma_start3A_204 = arith.constant 2 : i32
      %dma_start3A_205 = arith.constant 0 : i32
      %dma_start3A_206 = tpu.memref_slice %arg17[%dma_start3A_204, %dma_start3A_205] : memref<16x128xf32, #tpu.memory_space<vmem>> -> memref<1x128xf32, #tpu.memory_space<vmem>>
      %dma_start3A_207 = arith.constant 0 : i32
      %dma_start3A_208 = tpu.memref_slice %arg4[%get3A_203, %dma_start3A_207] : memref<100000x128xf32, #tpu.memory_space<hbm>> -> memref<1x128xf32, #tpu.memory_space<hbm>>
      tpu.enqueue_dma source(%dma_start3A_208 : memref<1x128xf32, #tpu.memory_space<hbm>>) target(%dma_start3A_206 : memref<1x128xf32, #tpu.memory_space<vmem>>) target_semaphore(%arg18 : memref<!tpu.dma_semaphore, #tpu.memory_space<semaphore_mem>>)
      %get3A_209 = arith.constant 3 : index
      %get3A_210 = memref.load %arg1[%get3A_209] : memref<9xi32, #tpu.memory_space<smem>>
      %dma_start3A_211 = arith.constant 3 : i32
      %dma_start3A_212 = arith.constant 0 : i32
      %dma_start3A_213 = tpu.memref_slice %arg17[%dma_start3A_211, %dma_start3A_212] : memref<16x128xf32, #tpu.memory_space<vmem>> -> memref<1x128xf32, #tpu.memory_space<vmem>>
      %dma_start3A_214 = arith.constant 0 : i32
      %dma_start3A_215 = tpu.memref_slice %arg4[%get3A_210, %dma_start3A_214] : memref<100000x128xf32, #tpu.memory_space<hbm>> -> memref<1x128xf32, #tpu.memory_space<hbm>>
      tpu.enqueue_dma source(%dma_start3A_215 : memref<1x128xf32, #tpu.memory_space<hbm>>) target(%dma_start3A_213 : memref<1x128xf32, #tpu.memory_space<vmem>>) target_semaphore(%arg18 : memref<!tpu.dma_semaphore, #tpu.memory_space<semaphore_mem>>)
      %get3A_216 = arith.constant 4 : index
      %get3A_217 = memref.load %arg1[%get3A_216] : memref<9xi32, #tpu.memory_space<smem>>
      %dma_start3A_218 = arith.constant 4 : i32
      %dma_start3A_219 = arith.constant 0 : i32
      %dma_start3A_220 = tpu.memref_slice %arg17[%dma_start3A_218, %dma_start3A_219] : memref<16x128xf32, #tpu.memory_space<vmem>> -> memref<1x128xf32, #tpu.memory_space<vmem>>
      %dma_start3A_221 = arith.constant 0 : i32
      %dma_start3A_222 = tpu.memref_slice %arg4[%get3A_217, %dma_start3A_221] : memref<100000x128xf32, #tpu.memory_space<hbm>> -> memref<1x128xf32, #tpu.memory_space<hbm>>
      tpu.enqueue_dma source(%dma_start3A_222 : memref<1x128xf32, #tpu.memory_space<hbm>>) target(%dma_start3A_220 : memref<1x128xf32, #tpu.memory_space<vmem>>) target_semaphore(%arg18 : memref<!tpu.dma_semaphore, #tpu.memory_space<semaphore_mem>>)
      %get3A_223 = arith.constant 5 : index
      %get3A_224 = memref.load %arg1[%get3A_223] : memref<9xi32, #tpu.memory_space<smem>>
      %dma_start3A_225 = arith.constant 5 : i32
      %dma_start3A_226 = arith.constant 0 : i32
      %dma_start3A_227 = tpu.memref_slice %arg17[%dma_start3A_225, %dma_start3A_226] : memref<16x128xf32, #tpu.memory_space<vmem>> -> memref<1x128xf32, #tpu.memory_space<vmem>>
      %dma_start3A_228 = arith.constant 0 : i32
      %dma_start3A_229 = tpu.memref_slice %arg4[%get3A_224, %dma_start3A_228] : memref<100000x128xf32, #tpu.memory_space<hbm>> -> memref<1x128xf32, #tpu.memory_space<hbm>>
      tpu.enqueue_dma source(%dma_start3A_229 : memref<1x128xf32, #tpu.memory_space<hbm>>) target(%dma_start3A_227 : memref<1x128xf32, #tpu.memory_space<vmem>>) target_semaphore(%arg18 : memref<!tpu.dma_semaphore, #tpu.memory_space<semaphore_mem>>)
      %get3A_230 = arith.constant 6 : index
      %get3A_231 = memref.load %arg1[%get3A_230] : memref<9xi32, #tpu.memory_space<smem>>
      %dma_start3A_232 = arith.constant 6 : i32
      %dma_start3A_233 = arith.constant 0 : i32
      %dma_start3A_234 = tpu.memref_slice %arg17[%dma_start3A_232, %dma_start3A_233] : memref<16x128xf32, #tpu.memory_space<vmem>> -> memref<1x128xf32, #tpu.memory_space<vmem>>
      %dma_start3A_235 = arith.constant 0 : i32
      %dma_start3A_236 = tpu.memref_slice %arg4[%get3A_231, %dma_start3A_235] : memref<100000x128xf32, #tpu.memory_space<hbm>> -> memref<1x128xf32, #tpu.memory_space<hbm>>
      tpu.enqueue_dma source(%dma_start3A_236 : memref<1x128xf32, #tpu.memory_space<hbm>>) target(%dma_start3A_234 : memref<1x128xf32, #tpu.memory_space<vmem>>) target_semaphore(%arg18 : memref<!tpu.dma_semaphore, #tpu.memory_space<semaphore_mem>>)
      %get3A_237 = arith.constant 7 : index
      %get3A_238 = memref.load %arg1[%get3A_237] : memref<9xi32, #tpu.memory_space<smem>>
      %dma_start3A_239 = arith.constant 7 : i32
      %dma_start3A_240 = arith.constant 0 : i32
      %dma_start3A_241 = tpu.memref_slice %arg17[%dma_start3A_239, %dma_start3A_240] : memref<16x128xf32, #tpu.memory_space<vmem>> -> memref<1x128xf32, #tpu.memory_space<vmem>>
      %dma_start3A_242 = arith.constant 0 : i32
      %dma_start3A_243 = tpu.memref_slice %arg4[%get3A_238, %dma_start3A_242] : memref<100000x128xf32, #tpu.memory_space<hbm>> -> memref<1x128xf32, #tpu.memory_space<hbm>>
      tpu.enqueue_dma source(%dma_start3A_243 : memref<1x128xf32, #tpu.memory_space<hbm>>) target(%dma_start3A_241 : memref<1x128xf32, #tpu.memory_space<vmem>>) target_semaphore(%arg18 : memref<!tpu.dma_semaphore, #tpu.memory_space<semaphore_mem>>)
      %get3A_244 = arith.constant 8 : index
      %get3A_245 = memref.load %arg1[%get3A_244] : memref<9xi32, #tpu.memory_space<smem>>
      %dma_start3A_246 = arith.constant 8 : i32
      %dma_start3A_247 = arith.constant 0 : i32
      %dma_start3A_248 = tpu.memref_slice %arg17[%dma_start3A_246, %dma_start3A_247] : memref<16x128xf32, #tpu.memory_space<vmem>> -> memref<1x128xf32, #tpu.memory_space<vmem>>
      %dma_start3A_249 = arith.constant 0 : i32
      %dma_start3A_250 = tpu.memref_slice %arg4[%get3A_245, %dma_start3A_249] : memref<100000x128xf32, #tpu.memory_space<hbm>> -> memref<1x128xf32, #tpu.memory_space<hbm>>
      tpu.enqueue_dma source(%dma_start3A_250 : memref<1x128xf32, #tpu.memory_space<hbm>>) target(%dma_start3A_248 : memref<1x128xf32, #tpu.memory_space<vmem>>) target_semaphore(%arg18 : memref<!tpu.dma_semaphore, #tpu.memory_space<semaphore_mem>>)
      %get3A_251 = arith.constant 0 : index
      %get3A_252 = memref.load %arg1[%get3A_251] : memref<9xi32, #tpu.memory_space<smem>>
      %dma_wait3A = arith.constant 0 : i32
      %dma_wait3A_253 = arith.constant 0 : i32
      %dma_wait3A_254 = tpu.memref_slice %arg17[%dma_wait3A, %dma_wait3A_253] : memref<16x128xf32, #tpu.memory_space<vmem>> -> memref<1x128xf32, #tpu.memory_space<vmem>>
      %dma_wait3A_255 = arith.constant 0 : i32
      %dma_wait3A_256 = tpu.memref_slice %arg4[%get3A_252, %dma_wait3A_255] : memref<100000x128xf32, #tpu.memory_space<hbm>> -> memref<1x128xf32, #tpu.memory_space<hbm>>
      tpu.wait_dma2 semaphore(%arg18 : memref<!tpu.dma_semaphore, #tpu.memory_space<semaphore_mem>>) src(%dma_wait3A_256 : memref<1x128xf32, #tpu.memory_space<hbm>>) dst(%dma_wait3A_254 : memref<1x128xf32, #tpu.memory_space<vmem>>)
      %get3A_257 = arith.constant 1 : index
      %get3A_258 = memref.load %arg1[%get3A_257] : memref<9xi32, #tpu.memory_space<smem>>
      %dma_wait3A_259 = arith.constant 1 : i32
      %dma_wait3A_260 = arith.constant 0 : i32
      %dma_wait3A_261 = tpu.memref_slice %arg17[%dma_wait3A_259, %dma_wait3A_260] : memref<16x128xf32, #tpu.memory_space<vmem>> -> memref<1x128xf32, #tpu.memory_space<vmem>>
      %dma_wait3A_262 = arith.constant 0 : i32
      %dma_wait3A_263 = tpu.memref_slice %arg4[%get3A_258, %dma_wait3A_262] : memref<100000x128xf32, #tpu.memory_space<hbm>> -> memref<1x128xf32, #tpu.memory_space<hbm>>
      tpu.wait_dma2 semaphore(%arg18 : memref<!tpu.dma_semaphore, #tpu.memory_space<semaphore_mem>>) src(%dma_wait3A_263 : memref<1x128xf32, #tpu.memory_space<hbm>>) dst(%dma_wait3A_261 : memref<1x128xf32, #tpu.memory_space<vmem>>)
      %get3A_264 = arith.constant 2 : index
      %get3A_265 = memref.load %arg1[%get3A_264] : memref<9xi32, #tpu.memory_space<smem>>
      %dma_wait3A_266 = arith.constant 2 : i32
      %dma_wait3A_267 = arith.constant 0 : i32
      %dma_wait3A_268 = tpu.memref_slice %arg17[%dma_wait3A_266, %dma_wait3A_267] : memref<16x128xf32, #tpu.memory_space<vmem>> -> memref<1x128xf32, #tpu.memory_space<vmem>>
      %dma_wait3A_269 = arith.constant 0 : i32
      %dma_wait3A_270 = tpu.memref_slice %arg4[%get3A_265, %dma_wait3A_269] : memref<100000x128xf32, #tpu.memory_space<hbm>> -> memref<1x128xf32, #tpu.memory_space<hbm>>
      tpu.wait_dma2 semaphore(%arg18 : memref<!tpu.dma_semaphore, #tpu.memory_space<semaphore_mem>>) src(%dma_wait3A_270 : memref<1x128xf32, #tpu.memory_space<hbm>>) dst(%dma_wait3A_268 : memref<1x128xf32, #tpu.memory_space<vmem>>)
      %get3A_271 = arith.constant 3 : index
      %get3A_272 = memref.load %arg1[%get3A_271] : memref<9xi32, #tpu.memory_space<smem>>
      %dma_wait3A_273 = arith.constant 3 : i32
      %dma_wait3A_274 = arith.constant 0 : i32
      %dma_wait3A_275 = tpu.memref_slice %arg17[%dma_wait3A_273, %dma_wait3A_274] : memref<16x128xf32, #tpu.memory_space<vmem>> -> memref<1x128xf32, #tpu.memory_space<vmem>>
      %dma_wait3A_276 = arith.constant 0 : i32
      %dma_wait3A_277 = tpu.memref_slice %arg4[%get3A_272, %dma_wait3A_276] : memref<100000x128xf32, #tpu.memory_space<hbm>> -> memref<1x128xf32, #tpu.memory_space<hbm>>
      tpu.wait_dma2 semaphore(%arg18 : memref<!tpu.dma_semaphore, #tpu.memory_space<semaphore_mem>>) src(%dma_wait3A_277 : memref<1x128xf32, #tpu.memory_space<hbm>>) dst(%dma_wait3A_275 : memref<1x128xf32, #tpu.memory_space<vmem>>)
      %get3A_278 = arith.constant 4 : index
      %get3A_279 = memref.load %arg1[%get3A_278] : memref<9xi32, #tpu.memory_space<smem>>
      %dma_wait3A_280 = arith.constant 4 : i32
      %dma_wait3A_281 = arith.constant 0 : i32
      %dma_wait3A_282 = tpu.memref_slice %arg17[%dma_wait3A_280, %dma_wait3A_281] : memref<16x128xf32, #tpu.memory_space<vmem>> -> memref<1x128xf32, #tpu.memory_space<vmem>>
      %dma_wait3A_283 = arith.constant 0 : i32
      %dma_wait3A_284 = tpu.memref_slice %arg4[%get3A_279, %dma_wait3A_283] : memref<100000x128xf32, #tpu.memory_space<hbm>> -> memref<1x128xf32, #tpu.memory_space<hbm>>
      tpu.wait_dma2 semaphore(%arg18 : memref<!tpu.dma_semaphore, #tpu.memory_space<semaphore_mem>>) src(%dma_wait3A_284 : memref<1x128xf32, #tpu.memory_space<hbm>>) dst(%dma_wait3A_282 : memref<1x128xf32, #tpu.memory_space<vmem>>)
      %get3A_285 = arith.constant 5 : index
      %get3A_286 = memref.load %arg1[%get3A_285] : memref<9xi32, #tpu.memory_space<smem>>
      %dma_wait3A_287 = arith.constant 5 : i32
      %dma_wait3A_288 = arith.constant 0 : i32
      %dma_wait3A_289 = tpu.memref_slice %arg17[%dma_wait3A_287, %dma_wait3A_288] : memref<16x128xf32, #tpu.memory_space<vmem>> -> memref<1x128xf32, #tpu.memory_space<vmem>>
      %dma_wait3A_290 = arith.constant 0 : i32
      %dma_wait3A_291 = tpu.memref_slice %arg4[%get3A_286, %dma_wait3A_290] : memref<100000x128xf32, #tpu.memory_space<hbm>> -> memref<1x128xf32, #tpu.memory_space<hbm>>
      tpu.wait_dma2 semaphore(%arg18 : memref<!tpu.dma_semaphore, #tpu.memory_space<semaphore_mem>>) src(%dma_wait3A_291 : memref<1x128xf32, #tpu.memory_space<hbm>>) dst(%dma_wait3A_289 : memref<1x128xf32, #tpu.memory_space<vmem>>)
      %get3A_292 = arith.constant 6 : index
      %get3A_293 = memref.load %arg1[%get3A_292] : memref<9xi32, #tpu.memory_space<smem>>
      %dma_wait3A_294 = arith.constant 6 : i32
      %dma_wait3A_295 = arith.constant 0 : i32
      %dma_wait3A_296 = tpu.memref_slice %arg17[%dma_wait3A_294, %dma_wait3A_295] : memref<16x128xf32, #tpu.memory_space<vmem>> -> memref<1x128xf32, #tpu.memory_space<vmem>>
      %dma_wait3A_297 = arith.constant 0 : i32
      %dma_wait3A_298 = tpu.memref_slice %arg4[%get3A_293, %dma_wait3A_297] : memref<100000x128xf32, #tpu.memory_space<hbm>> -> memref<1x128xf32, #tpu.memory_space<hbm>>
      tpu.wait_dma2 semaphore(%arg18 : memref<!tpu.dma_semaphore, #tpu.memory_space<semaphore_mem>>) src(%dma_wait3A_298 : memref<1x128xf32, #tpu.memory_space<hbm>>) dst(%dma_wait3A_296 : memref<1x128xf32, #tpu.memory_space<vmem>>)
      %get3A_299 = arith.constant 7 : index
      %get3A_300 = memref.load %arg1[%get3A_299] : memref<9xi32, #tpu.memory_space<smem>>
      %dma_wait3A_301 = arith.constant 7 : i32
      %dma_wait3A_302 = arith.constant 0 : i32
      %dma_wait3A_303 = tpu.memref_slice %arg17[%dma_wait3A_301, %dma_wait3A_302] : memref<16x128xf32, #tpu.memory_space<vmem>> -> memref<1x128xf32, #tpu.memory_space<vmem>>
      %dma_wait3A_304 = arith.constant 0 : i32
      %dma_wait3A_305 = tpu.memref_slice %arg4[%get3A_300, %dma_wait3A_304] : memref<100000x128xf32, #tpu.memory_space<hbm>> -> memref<1x128xf32, #tpu.memory_space<hbm>>
      tpu.wait_dma2 semaphore(%arg18 : memref<!tpu.dma_semaphore, #tpu.memory_space<semaphore_mem>>) src(%dma_wait3A_305 : memref<1x128xf32, #tpu.memory_space<hbm>>) dst(%dma_wait3A_303 : memref<1x128xf32, #tpu.memory_space<vmem>>)
      %get3A_306 = arith.constant 8 : index
      %get3A_307 = memref.load %arg1[%get3A_306] : memref<9xi32, #tpu.memory_space<smem>>
      %dma_wait3A_308 = arith.constant 8 : i32
      %dma_wait3A_309 = arith.constant 0 : i32
      %dma_wait3A_310 = tpu.memref_slice %arg17[%dma_wait3A_308, %dma_wait3A_309] : memref<16x128xf32, #tpu.memory_space<vmem>> -> memref<1x128xf32, #tpu.memory_space<vmem>>
      %dma_wait3A_311 = arith.constant 0 : i32
      %dma_wait3A_312 = tpu.memref_slice %arg4[%get3A_307, %dma_wait3A_311] : memref<100000x128xf32, #tpu.memory_space<hbm>> -> memref<1x128xf32, #tpu.memory_space<hbm>>
      tpu.wait_dma2 semaphore(%arg18 : memref<!tpu.dma_semaphore, #tpu.memory_space<semaphore_mem>>) src(%dma_wait3A_312 : memref<1x128xf32, #tpu.memory_space<hbm>>) dst(%dma_wait3A_310 : memref<1x128xf32, #tpu.memory_space<vmem>>)
      %broadcast_in_dim3A_313 = arith.constant 0.000000e+00 : f32
      %broadcast_in_dim3A_314 = vector.broadcast %broadcast_in_dim3A_313 : f32 to vector<1x64xf32>
      %get3A_315 = arith.constant 0 : index
      %get3A_316 = arith.constant 0 : index
      %get3A_317 = vector.load %arg17[%get3A_315, %get3A_316] : memref<16x128xf32, #tpu.memory_space<vmem>>, vector<1x128xf32>
      %get3A_318 = arith.constant 0 : index
      %get3A_319 = arith.constant 0 : index
      %get3A_320 = vector.load %arg2[%get3A_318, %get3A_319] : memref<1152x64xf32, #tpu.memory_space<vmem>>, vector<128x64xf32>
      %dot_general3A_321 = arith.constant dense<0.000000e+00> : vector<1x64xf32>
      %dot_general3A_322 = tpu.matmul %get3A_317, %get3A_320, %dot_general3A_321 {dimension_numbers = #tpu.dot_dimension_numbers<[1], [0], [0], [1], [0, 0, 1, 1], [], []>, transpose_lhs_hint = false} : vector<1x128xf32>, vector<128x64xf32>, vector<1x64xf32> -> vector<1x64xf32>
      %add3A_323 = arith.addf %broadcast_in_dim3A_314, %dot_general3A_322 : vector<1x64xf32>
      %get3A_324 = arith.constant 1 : index
      %get3A_325 = arith.constant 0 : index
      %get3A_326 = vector.load %arg17[%get3A_324, %get3A_325] : memref<16x128xf32, #tpu.memory_space<vmem>>, vector<1x128xf32>
      %get3A_327 = arith.constant 128 : index
      %get3A_328 = arith.constant 0 : index
      %get3A_329 = vector.load %arg2[%get3A_327, %get3A_328] : memref<1152x64xf32, #tpu.memory_space<vmem>>, vector<128x64xf32>
      %dot_general3A_330 = arith.constant dense<0.000000e+00> : vector<1x64xf32>
      %dot_general3A_331 = tpu.matmul %get3A_326, %get3A_329, %dot_general3A_330 {dimension_numbers = #tpu.dot_dimension_numbers<[1], [0], [0], [1], [0, 0, 1, 1], [], []>, transpose_lhs_hint = false} : vector<1x128xf32>, vector<128x64xf32>, vector<1x64xf32> -> vector<1x64xf32>
      %add3A_332 = arith.addf %add3A_323, %dot_general3A_331 : vector<1x64xf32>
      %get3A_333 = arith.constant 2 : index
      %get3A_334 = arith.constant 0 : index
      %get3A_335 = vector.load %arg17[%get3A_333, %get3A_334] : memref<16x128xf32, #tpu.memory_space<vmem>>, vector<1x128xf32>
      %get3A_336 = arith.constant 256 : index
      %get3A_337 = arith.constant 0 : index
      %get3A_338 = vector.load %arg2[%get3A_336, %get3A_337] : memref<1152x64xf32, #tpu.memory_space<vmem>>, vector<128x64xf32>
      %dot_general3A_339 = arith.constant dense<0.000000e+00> : vector<1x64xf32>
      %dot_general3A_340 = tpu.matmul %get3A_335, %get3A_338, %dot_general3A_339 {dimension_numbers = #tpu.dot_dimension_numbers<[1], [0], [0], [1], [0, 0, 1, 1], [], []>, transpose_lhs_hint = false} : vector<1x128xf32>, vector<128x64xf32>, vector<1x64xf32> -> vector<1x64xf32>
      %add3A_341 = arith.addf %add3A_332, %dot_general3A_340 : vector<1x64xf32>
      %get3A_342 = arith.constant 3 : index
      %get3A_343 = arith.constant 0 : index
      %get3A_344 = vector.load %arg17[%get3A_342, %get3A_343] : memref<16x128xf32, #tpu.memory_space<vmem>>, vector<1x128xf32>
      %get3A_345 = arith.constant 384 : index
      %get3A_346 = arith.constant 0 : index
      %get3A_347 = vector.load %arg2[%get3A_345, %get3A_346] : memref<1152x64xf32, #tpu.memory_space<vmem>>, vector<128x64xf32>
      %dot_general3A_348 = arith.constant dense<0.000000e+00> : vector<1x64xf32>
      %dot_general3A_349 = tpu.matmul %get3A_344, %get3A_347, %dot_general3A_348 {dimension_numbers = #tpu.dot_dimension_numbers<[1], [0], [0], [1], [0, 0, 1, 1], [], []>, transpose_lhs_hint = false} : vector<1x128xf32>, vector<128x64xf32>, vector<1x64xf32> -> vector<1x64xf32>
      %add3A_350 = arith.addf %add3A_341, %dot_general3A_349 : vector<1x64xf32>
      %get3A_351 = arith.constant 4 : index
      %get3A_352 = arith.constant 0 : index
      %get3A_353 = vector.load %arg17[%get3A_351, %get3A_352] : memref<16x128xf32, #tpu.memory_space<vmem>>, vector<1x128xf32>
      %get3A_354 = arith.constant 512 : index
      %get3A_355 = arith.constant 0 : index
      %get3A_356 = vector.load %arg2[%get3A_354, %get3A_355] : memref<1152x64xf32, #tpu.memory_space<vmem>>, vector<128x64xf32>
      %dot_general3A_357 = arith.constant dense<0.000000e+00> : vector<1x64xf32>
      %dot_general3A_358 = tpu.matmul %get3A_353, %get3A_356, %dot_general3A_357 {dimension_numbers = #tpu.dot_dimension_numbers<[1], [0], [0], [1], [0, 0, 1, 1], [], []>, transpose_lhs_hint = false} : vector<1x128xf32>, vector<128x64xf32>, vector<1x64xf32> -> vector<1x64xf32>
      %add3A_359 = arith.addf %add3A_350, %dot_general3A_358 : vector<1x64xf32>
      %get3A_360 = arith.constant 5 : index
      %get3A_361 = arith.constant 0 : index
      %get3A_362 = vector.load %arg17[%get3A_360, %get3A_361] : memref<16x128xf32, #tpu.memory_space<vmem>>, vector<1x128xf32>
      %get3A_363 = arith.constant 640 : index
      %get3A_364 = arith.constant 0 : index
      %get3A_365 = vector.load %arg2[%get3A_363, %get3A_364] : memref<1152x64xf32, #tpu.memory_space<vmem>>, vector<128x64xf32>
      %dot_general3A_366 = arith.constant dense<0.000000e+00> : vector<1x64xf32>
      %dot_general3A_367 = tpu.matmul %get3A_362, %get3A_365, %dot_general3A_366 {dimension_numbers = #tpu.dot_dimension_numbers<[1], [0], [0], [1], [0, 0, 1, 1], [], []>, transpose_lhs_hint = false} : vector<1x128xf32>, vector<128x64xf32>, vector<1x64xf32> -> vector<1x64xf32>
      %add3A_368 = arith.addf %add3A_359, %dot_general3A_367 : vector<1x64xf32>
      %get3A_369 = arith.constant 6 : index
      %get3A_370 = arith.constant 0 : index
      %get3A_371 = vector.load %arg17[%get3A_369, %get3A_370] : memref<16x128xf32, #tpu.memory_space<vmem>>, vector<1x128xf32>
      %get3A_372 = arith.constant 768 : index
      %get3A_373 = arith.constant 0 : index
      %get3A_374 = vector.load %arg2[%get3A_372, %get3A_373] : memref<1152x64xf32, #tpu.memory_space<vmem>>, vector<128x64xf32>
      %dot_general3A_375 = arith.constant dense<0.000000e+00> : vector<1x64xf32>
      %dot_general3A_376 = tpu.matmul %get3A_371, %get3A_374, %dot_general3A_375 {dimension_numbers = #tpu.dot_dimension_numbers<[1], [0], [0], [1], [0, 0, 1, 1], [], []>, transpose_lhs_hint = false} : vector<1x128xf32>, vector<128x64xf32>, vector<1x64xf32> -> vector<1x64xf32>
      %add3A_377 = arith.addf %add3A_368, %dot_general3A_376 : vector<1x64xf32>
      %get3A_378 = arith.constant 7 : index
      %get3A_379 = arith.constant 0 : index
      %get3A_380 = vector.load %arg17[%get3A_378, %get3A_379] : memref<16x128xf32, #tpu.memory_space<vmem>>, vector<1x128xf32>
      %get3A_381 = arith.constant 896 : index
      %get3A_382 = arith.constant 0 : index
      %get3A_383 = vector.load %arg2[%get3A_381, %get3A_382] : memref<1152x64xf32, #tpu.memory_space<vmem>>, vector<128x64xf32>
      %dot_general3A_384 = arith.constant dense<0.000000e+00> : vector<1x64xf32>
      %dot_general3A_385 = tpu.matmul %get3A_380, %get3A_383, %dot_general3A_384 {dimension_numbers = #tpu.dot_dimension_numbers<[1], [0], [0], [1], [0, 0, 1, 1], [], []>, transpose_lhs_hint = false} : vector<1x128xf32>, vector<128x64xf32>, vector<1x64xf32> -> vector<1x64xf32>
      %add3A_386 = arith.addf %add3A_377, %dot_general3A_385 : vector<1x64xf32>
      %get3A_387 = arith.constant 8 : index
      %get3A_388 = arith.constant 0 : index
      %get3A_389 = vector.load %arg17[%get3A_387, %get3A_388] : memref<16x128xf32, #tpu.memory_space<vmem>>, vector<1x128xf32>
      %get3A_390 = arith.constant 1024 : index
      %get3A_391 = arith.constant 0 : index
      %get3A_392 = vector.load %arg2[%get3A_390, %get3A_391] : memref<1152x64xf32, #tpu.memory_space<vmem>>, vector<128x64xf32>
      %dot_general3A_393 = arith.constant dense<0.000000e+00> : vector<1x64xf32>
      %dot_general3A_394 = tpu.matmul %get3A_389, %get3A_392, %dot_general3A_393 {dimension_numbers = #tpu.dot_dimension_numbers<[1], [0], [0], [1], [0, 0, 1, 1], [], []>, transpose_lhs_hint = false} : vector<1x128xf32>, vector<128x64xf32>, vector<1x64xf32> -> vector<1x64xf32>
      %add3A_395 = arith.addf %add3A_386, %dot_general3A_394 : vector<1x64xf32>
      %get3A_396 = arith.constant 0 : index
      %get3A_397 = vector.load %arg3[%get3A_396] : memref<64xf32, #tpu.memory_space<vmem>>, vector<64xf32>
      %reshape3A_398 = vector.shape_cast %get3A_397 : vector<64xf32> to vector<1x64xf32>
      %add3A_399 = arith.addf %add3A_395, %reshape3A_398 : vector<1x64xf32>
      %max3A_400 = arith.constant 0.000000e+00 : f32
      %max3A_401 = vector.broadcast %max3A_400 : f32 to vector<1x64xf32>
      %max3A_402 = arith.maximumf %add3A_399, %max3A_401 : vector<1x64xf32>
      %swap3A_403 = arith.constant 0 : index
      %swap3A_404 = arith.constant 0 : index
      %swap3A_405 = vector.load %arg16[%swap3A_403, %swap3A_404] : memref<1x64xf32, #tpu.memory_space<vmem>>, vector<1x64xf32>
      tpu.vector_store %arg16[%swap3A_403, %swap3A_404], %max3A_402 {strides = array<i32>} : memref<1x64xf32, #tpu.memory_space<vmem>>, vector<1x64xf32>,
      %swap3A_406 = arith.constant -1.000000e+30 : f32
      %swap3A_407 = arith.constant 0 : index
      %swap3A_408 = arith.constant 0 : index
      %swap3A_409 = memref.load %arg19[%swap3A_407, %swap3A_408] : memref<1x1xf32, #tpu.memory_space<smem>>
      memref.store %swap3A_406, %arg19[%swap3A_407, %swap3A_408] : memref<1x1xf32, #tpu.memory_space<smem>>
      %swap3A_410 = arith.constant 0.000000e+00 : f32
      %swap3A_411 = arith.constant 0 : index
      %swap3A_412 = arith.constant 0 : index
      %swap3A_413 = memref.load %arg20[%swap3A_411, %swap3A_412] : memref<1x1xf32, #tpu.memory_space<smem>>
      memref.store %swap3A_410, %arg20[%swap3A_411, %swap3A_412] : memref<1x1xf32, #tpu.memory_space<smem>>
    } else {
    }
    %get3A = arith.constant 0 : index
    %get3A_2 = arith.constant 0 : index
    %get3A_3 = vector.load %arg16[%get3A, %get3A_2] : memref<1x64xf32, #tpu.memory_space<vmem>>, vector<1x64xf32>
    %iota3A = tpu.iota {dimensions = array<i32: 1>} : vector<1x2048xi32>
    %get3A_4 = arith.constant 0 : index
    %get3A_5 = arith.constant 0 : index
    %get3A_6 = vector.load %arg5[%get3A_4, %get3A_5] : memref<64x2048xf32, #tpu.memory_space<vmem>>, vector<64x2048xf32>
    %dot_general3A = arith.constant dense<0.000000e+00> : vector<1x2048xf32>
    %dot_general3A_7 = tpu.matmul %get3A_3, %get3A_6, %dot_general3A {dimension_numbers = #tpu.dot_dimension_numbers<[1], [0], [0], [1], [0, 0, 1, 1], [], []>, transpose_lhs_hint = false} : vector<1x64xf32>, vector<64x2048xf32>, vector<1x2048xf32> -> vector<1x2048xf32>
    %get3A_8 = arith.constant 0 : index
    %get3A_9 = vector.load %arg9[%get3A_8] : memref<2048xf32, #tpu.memory_space<vmem>>, vector<2048xf32>
    %reshape3A = vector.shape_cast %get3A_9 : vector<2048xf32> to vector<1x2048xf32>
    %add3A = arith.addf %dot_general3A_7, %reshape3A : vector<1x2048xf32>
    %swap3A = arith.constant 0 : index
    %swap3A_10 = arith.constant 0 : index
    %swap3A_11 = vector.load %arg13[%swap3A, %swap3A_10] : memref<1x8192xf32, #tpu.memory_space<vmem>>, vector<1x2048xf32>
    tpu.vector_store %arg13[%swap3A, %swap3A_10], %add3A {strides = array<i32>} : memref<1x8192xf32, #tpu.memory_space<vmem>>, vector<1x2048xf32>,
    %mul3A = arith.constant 4 : i32
    %mul3A_12 = arith.muli %mul3A, %arg0 : i32
    %add3A_13 = arith.constant 0 : i32
    %add3A_14 = arith.addi %mul3A_12, %add3A_13 : i32
    %mul3A_15 = arith.constant 2048 : i32
    %mul3A_16 = arith.muli %add3A_14, %mul3A_15 : i32
    %add3A_17 = arith.constant 45056 : i32
    %add3A_18 = arith.addi %add3A_17, %mul3A_16 : i32
    %add3A_19 = vector.broadcast %add3A_18 : i32 to vector<1x2048xi32>
    %add3A_20 = arith.addi %add3A_19, %iota3A : vector<1x2048xi32>
    %lt3A = arith.constant 100000 : i32
    %lt3A_21 = vector.broadcast %lt3A : i32 to vector<1x2048xi32>
    %lt3A_22 = arith.cmpi slt, %add3A_20, %lt3A_21 : vector<1x2048xi32>
    %jit3A = arith.constant -1.000000e+30 : f32
    %broadcast_in_dim3A = vector.broadcast %jit3A : f32 to vector<1x2048xf32>
    %select_n3A = arith.select %lt3A_22, %add3A, %broadcast_in_dim3A : vector<1x2048xi1>, vector<1x2048xf32>
    %reduce_max3A = vector.shape_cast %select_n3A : vector<1x2048xf32> to vector<1x1x2048xf32>
    %reduce_max3A_23 = arith.constant dense<0xFF800000> : vector<1xf32>
    %reduce_max3A_24 = vector.multi_reduction <maximumf>, %reduce_max3A, %reduce_max3A_23 [1, 2] : vector<1x1x2048xf32> to vector<1xf32>
    %reduce_max3A_25 = vector.shape_cast %reduce_max3A_24 : vector<1xf32> to vector<1x1x1xf32>
    %reduce_max3A_26 = vector.extract %reduce_max3A_25[0, 0, 0] : f32 from vector<1x1x1xf32>
    %max3A = arith.constant -1.000000e+30 : f32
    %max3A_27 = arith.maximumf %max3A, %reduce_max3A_26 : f32
    %get3A_28 = arith.constant 0 : index
    %get3A_29 = arith.constant 0 : index
    %get3A_30 = vector.load %arg6[%get3A_28, %get3A_29] : memref<64x2048xf32, #tpu.memory_space<vmem>>, vector<64x2048xf32>
    %dot_general3A_31 = arith.constant dense<0.000000e+00> : vector<1x2048xf32>
    %dot_general3A_32 = tpu.matmul %get3A_3, %get3A_30, %dot_general3A_31 {dimension_numbers = #tpu.dot_dimension_numbers<[1], [0], [0], [1], [0, 0, 1, 1], [], []>, transpose_lhs_hint = false} : vector<1x64xf32>, vector<64x2048xf32>, vector<1x2048xf32> -> vector<1x2048xf32>
    %get3A_33 = arith.constant 0 : index
    %get3A_34 = vector.load %arg10[%get3A_33] : memref<2048xf32, #tpu.memory_space<vmem>>, vector<2048xf32>
    %reshape3A_35 = vector.shape_cast %get3A_34 : vector<2048xf32> to vector<1x2048xf32>
    %add3A_36 = arith.addf %dot_general3A_32, %reshape3A_35 : vector<1x2048xf32>
    %swap3A_37 = arith.constant 0 : index
    %swap3A_38 = arith.constant 2048 : index
    %swap3A_39 = vector.load %arg13[%swap3A_37, %swap3A_38] : memref<1x8192xf32, #tpu.memory_space<vmem>>, vector<1x2048xf32>
    tpu.vector_store %arg13[%swap3A_37, %swap3A_38], %add3A_36 {strides = array<i32>} : memref<1x8192xf32, #tpu.memory_space<vmem>>, vector<1x2048xf32>,
    %mul3A_40 = arith.constant 4 : i32
    %mul3A_41 = arith.muli %mul3A_40, %arg0 : i32
    %add3A_42 = arith.constant 1 : i32
    %add3A_43 = arith.addi %mul3A_41, %add3A_42 : i32
    %mul3A_44 = arith.constant 2048 : i32
    %mul3A_45 = arith.muli %add3A_43, %mul3A_44 : i32
    %add3A_46 = arith.constant 45056 : i32
    %add3A_47 = arith.addi %add3A_46, %mul3A_45 : i32
    %add3A_48 = vector.broadcast %add3A_47 : i32 to vector<1x2048xi32>
    %add3A_49 = arith.addi %add3A_48, %iota3A : vector<1x2048xi32>
    %lt3A_50 = arith.constant 100000 : i32
    %lt3A_51 = vector.broadcast %lt3A_50 : i32 to vector<1x2048xi32>
    %lt3A_52 = arith.cmpi slt, %add3A_49, %lt3A_51 : vector<1x2048xi32>
    %jit3A_53 = arith.constant -1.000000e+30 : f32
    %broadcast_in_dim3A_54 = vector.broadcast %jit3A_53 : f32 to vector<1x2048xf32>
    %select_n3A_55 = arith.select %lt3A_52, %add3A_36, %broadcast_in_dim3A_54 : vector<1x2048xi1>, vector<1x2048xf32>
    %reduce_max3A_56 = vector.shape_cast %select_n3A_55 : vector<1x2048xf32> to vector<1x1x2048xf32>
    %reduce_max3A_57 = arith.constant dense<0xFF800000> : vector<1xf32>
    %reduce_max3A_58 = vector.multi_reduction <maximumf>, %reduce_max3A_56, %reduce_max3A_57 [1, 2] : vector<1x1x2048xf32> to vector<1xf32>
    %reduce_max3A_59 = vector.shape_cast %reduce_max3A_58 : vector<1xf32> to vector<1x1x1xf32>
    %reduce_max3A_60 = vector.extract %reduce_max3A_59[0, 0, 0] : f32 from vector<1x1x1xf32>
    %max3A_61 = arith.maximumf %max3A_27, %reduce_max3A_60 : f32
    %get3A_62 = arith.constant 0 : index
    %get3A_63 = arith.constant 0 : index
    %get3A_64 = vector.load %arg7[%get3A_62, %get3A_63] : memref<64x2048xf32, #tpu.memory_space<vmem>>, vector<64x2048xf32>
    %dot_general3A_65 = arith.constant dense<0.000000e+00> : vector<1x2048xf32>
    %dot_general3A_66 = tpu.matmul %get3A_3, %get3A_64, %dot_general3A_65 {dimension_numbers = #tpu.dot_dimension_numbers<[1], [0], [0], [1], [0, 0, 1, 1], [], []>, transpose_lhs_hint = false} : vector<1x64xf32>, vector<64x2048xf32>, vector<1x2048xf32> -> vector<1x2048xf32>
    %get3A_67 = arith.constant 0 : index
    %get3A_68 = vector.load %arg11[%get3A_67] : memref<2048xf32, #tpu.memory_space<vmem>>, vector<2048xf32>
    %reshape3A_69 = vector.shape_cast %get3A_68 : vector<2048xf32> to vector<1x2048xf32>
    %add3A_70 = arith.addf %dot_general3A_66, %reshape3A_69 : vector<1x2048xf32>
    %swap3A_71 = arith.constant 0 : index
    %swap3A_72 = arith.constant 4096 : index
    %swap3A_73 = vector.load %arg13[%swap3A_71, %swap3A_72] : memref<1x8192xf32, #tpu.memory_space<vmem>>, vector<1x2048xf32>
    tpu.vector_store %arg13[%swap3A_71, %swap3A_72], %add3A_70 {strides = array<i32>} : memref<1x8192xf32, #tpu.memory_space<vmem>>, vector<1x2048xf32>,
    %mul3A_74 = arith.constant 4 : i32
    %mul3A_75 = arith.muli %mul3A_74, %arg0 : i32
    %add3A_76 = arith.constant 2 : i32
    %add3A_77 = arith.addi %mul3A_75, %add3A_76 : i32
    %mul3A_78 = arith.constant 2048 : i32
    %mul3A_79 = arith.muli %add3A_77, %mul3A_78 : i32
    %add3A_80 = arith.constant 45056 : i32
    %add3A_81 = arith.addi %add3A_80, %mul3A_79 : i32
    %add3A_82 = vector.broadcast %add3A_81 : i32 to vector<1x2048xi32>
    %add3A_83 = arith.addi %add3A_82, %iota3A : vector<1x2048xi32>
    %lt3A_84 = arith.constant 100000 : i32
    %lt3A_85 = vector.broadcast %lt3A_84 : i32 to vector<1x2048xi32>
    %lt3A_86 = arith.cmpi slt, %add3A_83, %lt3A_85 : vector<1x2048xi32>
    %jit3A_87 = arith.constant -1.000000e+30 : f32
    %broadcast_in_dim3A_88 = vector.broadcast %jit3A_87 : f32 to vector<1x2048xf32>
    %select_n3A_89 = arith.select %lt3A_86, %add3A_70, %broadcast_in_dim3A_88 : vector<1x2048xi1>, vector<1x2048xf32>
    %reduce_max3A_90 = vector.shape_cast %select_n3A_89 : vector<1x2048xf32> to vector<1x1x2048xf32>
    %reduce_max3A_91 = arith.constant dense<0xFF800000> : vector<1xf32>
    %reduce_max3A_92 = vector.multi_reduction <maximumf>, %reduce_max3A_90, %reduce_max3A_91 [1, 2] : vector<1x1x2048xf32> to vector<1xf32>
    %reduce_max3A_93 = vector.shape_cast %reduce_max3A_92 : vector<1xf32> to vector<1x1x1xf32>
    %reduce_max3A_94 = vector.extract %reduce_max3A_93[0, 0, 0] : f32 from vector<1x1x1xf32>
    %max3A_95 = arith.maximumf %max3A_61, %reduce_max3A_94 : f32
    %get3A_96 = arith.constant 0 : index
    %get3A_97 = arith.constant 0 : index
    %get3A_98 = vector.load %arg8[%get3A_96, %get3A_97] : memref<64x2048xf32, #tpu.memory_space<vmem>>, vector<64x2048xf32>
    %dot_general3A_99 = arith.constant dense<0.000000e+00> : vector<1x2048xf32>
    %dot_general3A_100 = tpu.matmul %get3A_3, %get3A_98, %dot_general3A_99 {dimension_numbers = #tpu.dot_dimension_numbers<[1], [0], [0], [1], [0, 0, 1, 1], [], []>, transpose_lhs_hint = false} : vector<1x64xf32>, vector<64x2048xf32>, vector<1x2048xf32> -> vector<1x2048xf32>
    %get3A_101 = arith.constant 0 : index
    %get3A_102 = vector.load %arg12[%get3A_101] : memref<2048xf32, #tpu.memory_space<vmem>>, vector<2048xf32>
    %reshape3A_103 = vector.shape_cast %get3A_102 : vector<2048xf32> to vector<1x2048xf32>
    %add3A_104 = arith.addf %dot_general3A_100, %reshape3A_103 : vector<1x2048xf32>
    %swap3A_105 = arith.constant 0 : index
    %swap3A_106 = arith.constant 6144 : index
    %swap3A_107 = vector.load %arg13[%swap3A_105, %swap3A_106] : memref<1x8192xf32, #tpu.memory_space<vmem>>, vector<1x2048xf32>
    tpu.vector_store %arg13[%swap3A_105, %swap3A_106], %add3A_104 {strides = array<i32>} : memref<1x8192xf32, #tpu.memory_space<vmem>>, vector<1x2048xf32>,
    %mul3A_108 = arith.constant 4 : i32
    %mul3A_109 = arith.muli %mul3A_108, %arg0 : i32
    %add3A_110 = arith.constant 3 : i32
    %add3A_111 = arith.addi %mul3A_109, %add3A_110 : i32
    %mul3A_112 = arith.constant 2048 : i32
    %mul3A_113 = arith.muli %add3A_111, %mul3A_112 : i32
    %add3A_114 = arith.constant 45056 : i32
    %add3A_115 = arith.addi %add3A_114, %mul3A_113 : i32
    %add3A_116 = vector.broadcast %add3A_115 : i32 to vector<1x2048xi32>
    %add3A_117 = arith.addi %add3A_116, %iota3A : vector<1x2048xi32>
    %lt3A_118 = arith.constant 100000 : i32
    %lt3A_119 = vector.broadcast %lt3A_118 : i32 to vector<1x2048xi32>
    %lt3A_120 = arith.cmpi slt, %add3A_117, %lt3A_119 : vector<1x2048xi32>
    %jit3A_121 = arith.constant -1.000000e+30 : f32
    %broadcast_in_dim3A_122 = vector.broadcast %jit3A_121 : f32 to vector<1x2048xf32>
    %select_n3A_123 = arith.select %lt3A_120, %add3A_104, %broadcast_in_dim3A_122 : vector<1x2048xi1>, vector<1x2048xf32>
    %reduce_max3A_124 = vector.shape_cast %select_n3A_123 : vector<1x2048xf32> to vector<1x1x2048xf32>
    %reduce_max3A_125 = arith.constant dense<0xFF800000> : vector<1xf32>
    %reduce_max3A_126 = vector.multi_reduction <maximumf>, %reduce_max3A_124, %reduce_max3A_125 [1, 2] : vector<1x1x2048xf32> to vector<1xf32>
    %reduce_max3A_127 = vector.shape_cast %reduce_max3A_126 : vector<1xf32> to vector<1x1x1xf32>
    %reduce_max3A_128 = vector.extract %reduce_max3A_127[0, 0, 0] : f32 from vector<1x1x1xf32>
    %max3A_129 = arith.maximumf %max3A_95, %reduce_max3A_128 : f32
    %sub3A = vector.broadcast %max3A_129 : f32 to vector<1x2048xf32>
    %sub3A_130 = arith.subf %select_n3A, %sub3A : vector<1x2048xf32>
    %exp3A = math.exp %sub3A_130 : vector<1x2048xf32>
    %reduce_sum3A = vector.shape_cast %exp3A : vector<1x2048xf32> to vector<1x1x2048xf32>
    %reduce_sum3A_131 = arith.constant dense<0.000000e+00> : vector<1xf32>
    %reduce_sum3A_132 = vector.multi_reduction <add>, %reduce_sum3A, %reduce_sum3A_131 [1, 2] : vector<1x1x2048xf32> to vector<1xf32>
    %reduce_sum3A_133 = vector.shape_cast %reduce_sum3A_132 : vector<1xf32> to vector<1x1x1xf32>
    %reduce_sum3A_134 = vector.extract %reduce_sum3A_133[0, 0, 0] : f32 from vector<1x1x1xf32>
    %add3A_135 = arith.constant 0.000000e+00 : f32
    %add3A_136 = arith.addf %add3A_135, %reduce_sum3A_134 : f32
    %sub3A_137 = vector.broadcast %max3A_129 : f32 to vector<1x2048xf32>
    %sub3A_138 = arith.subf %select_n3A_55, %sub3A_137 : vector<1x2048xf32>
    %exp3A_139 = math.exp %sub3A_138 : vector<1x2048xf32>
    %reduce_sum3A_140 = vector.shape_cast %exp3A_139 : vector<1x2048xf32> to vector<1x1x2048xf32>
    %reduce_sum3A_141 = arith.constant dense<0.000000e+00> : vector<1xf32>
    %reduce_sum3A_142 = vector.multi_reduction <add>, %reduce_sum3A_140, %reduce_sum3A_141 [1, 2] : vector<1x1x2048xf32> to vector<1xf32>
    %reduce_sum3A_143 = vector.shape_cast %reduce_sum3A_142 : vector<1xf32> to vector<1x1x1xf32>
    %reduce_sum3A_144 = vector.extract %reduce_sum3A_143[0, 0, 0] : f32 from vector<1x1x1xf32>
    %add3A_145 = arith.addf %add3A_136, %reduce_sum3A_144 : f32
    %sub3A_146 = vector.broadcast %max3A_129 : f32 to vector<1x2048xf32>
    %sub3A_147 = arith.subf %select_n3A_89, %sub3A_146 : vector<1x2048xf32>
    %exp3A_148 = math.exp %sub3A_147 : vector<1x2048xf32>
    %reduce_sum3A_149 = vector.shape_cast %exp3A_148 : vector<1x2048xf32> to vector<1x1x2048xf32>
    %reduce_sum3A_150 = arith.constant dense<0.000000e+00> : vector<1xf32>
    %reduce_sum3A_151 = vector.multi_reduction <add>, %reduce_sum3A_149, %reduce_sum3A_150 [1, 2] : vector<1x1x2048xf32> to vector<1xf32>
    %reduce_sum3A_152 = vector.shape_cast %reduce_sum3A_151 : vector<1xf32> to vector<1x1x1xf32>
    %reduce_sum3A_153 = vector.extract %reduce_sum3A_152[0, 0, 0] : f32 from vector<1x1x1xf32>
    %add3A_154 = arith.addf %add3A_145, %reduce_sum3A_153 : f32
    %sub3A_155 = vector.broadcast %max3A_129 : f32 to vector<1x2048xf32>
    %sub3A_156 = arith.subf %select_n3A_123, %sub3A_155 : vector<1x2048xf32>
    %exp3A_157 = math.exp %sub3A_156 : vector<1x2048xf32>
    %reduce_sum3A_158 = vector.shape_cast %exp3A_157 : vector<1x2048xf32> to vector<1x1x2048xf32>
    %reduce_sum3A_159 = arith.constant dense<0.000000e+00> : vector<1xf32>
    %reduce_sum3A_160 = vector.multi_reduction <add>, %reduce_sum3A_158, %reduce_sum3A_159 [1, 2] : vector<1x1x2048xf32> to vector<1xf32>
    %reduce_sum3A_161 = vector.shape_cast %reduce_sum3A_160 : vector<1xf32> to vector<1x1x1xf32>
    %reduce_sum3A_162 = vector.extract %reduce_sum3A_161[0, 0, 0] : f32 from vector<1x1x1xf32>
    %add3A_163 = arith.addf %add3A_154, %reduce_sum3A_162 : f32
    %get3A_164 = arith.constant 0 : index
    %get3A_165 = arith.constant 0 : index
    %get3A_166 = memref.load %arg19[%get3A_164, %get3A_165] : memref<1x1xf32, #tpu.memory_space<smem>>
    %get3A_167 = arith.constant 0 : index
    %get3A_168 = arith.constant 0 : index
    %get3A_169 = memref.load %arg20[%get3A_167, %get3A_168] : memref<1x1xf32, #tpu.memory_space<smem>>
    %max3A_170 = arith.maximumf %get3A_166, %max3A_129 : f32
    %sub3A_171 = arith.subf %get3A_166, %max3A_170 : f32
    %exp3A_172 = math.exp %sub3A_171 : f32
    %mul3A_173 = arith.mulf %get3A_169, %exp3A_172 : f32
    %sub3A_174 = arith.subf %max3A_129, %max3A_170 : f32
    %exp3A_175 = math.exp %sub3A_174 : f32
    %mul3A_176 = arith.mulf %add3A_163, %exp3A_175 : f32
    %add3A_177 = arith.addf %mul3A_173, %mul3A_176 : f32
    %swap3A_178 = arith.constant 0 : index
    %swap3A_179 = arith.constant 0 : index
    %swap3A_180 = memref.load %arg19[%swap3A_178, %swap3A_179] : memref<1x1xf32, #tpu.memory_space<smem>>
    memref.store %max3A_170, %arg19[%swap3A_178, %swap3A_179] : memref<1x1xf32, #tpu.memory_space<smem>>
    %swap3A_181 = arith.constant 0 : index
    %swap3A_182 = arith.constant 0 : index
    %swap3A_183 = memref.load %arg20[%swap3A_181, %swap3A_182] : memref<1x1xf32, #tpu.memory_space<smem>>
    memref.store %add3A_177, %arg20[%swap3A_181, %swap3A_182] : memref<1x1xf32, #tpu.memory_space<smem>>
    %eq3A_184 = arith.constant 6 : i32
    %eq3A_185 = arith.cmpi eq, %arg0, %eq3A_184 : i32
    %convert_element_type3A_186 = arith.extui %eq3A_185 : i1 to i32
    %cond3A_187 = arith.constant 0 : i32
    %cond3A_188 = arith.cmpi ne, %convert_element_type3A_186, %cond3A_187 : i32
    scf.if %cond3A_188 {
      %broadcast_in_dim3A_189 = vector.broadcast %max3A_170 : f32 to vector<1x128xf32>
      %swap3A_190 = arith.constant 0 : index
      %swap3A_191 = arith.constant 0 : index
      %swap3A_192 = vector.load %arg14[%swap3A_190, %swap3A_191] : memref<1x128xf32, #tpu.memory_space<vmem>>, vector<1x128xf32>
      tpu.vector_store %arg14[%swap3A_190, %swap3A_191], %broadcast_in_dim3A_189 {strides = array<i32>} : memref<1x128xf32, #tpu.memory_space<vmem>>, vector<1x128xf32>,
      %broadcast_in_dim3A_193 = vector.broadcast %add3A_177 : f32 to vector<1x128xf32>
      %swap3A_194 = arith.constant 0 : index
      %swap3A_195 = arith.constant 0 : index
      %swap3A_196 = vector.load %arg15[%swap3A_194, %swap3A_195] : memref<1x128xf32, #tpu.memory_space<vmem>>, vector<1x128xf32>
      tpu.vector_store %arg15[%swap3A_194, %swap3A_195], %broadcast_in_dim3A_193 {strides = array<i32>} : memref<1x128xf32, #tpu.memory_space<vmem>>, vector<1x128xf32>,
    } else {
    }
    return
  }
  func.func @transform_0(%arg0: i32) -> i32 {
    %c0_i32 = arith.constant 0 : i32
    %c0_i32_0 = arith.constant 0 : i32
    return %c0_i32 : i32
  }
  func.func @transform_1(%arg0: i32) -> (i32, i32) {
    %c0_i32 = arith.constant 0 : i32
    %c0_i32_0 = arith.constant 0 : i32
    %c0_i32_1 = arith.constant 0 : i32
    return %c0_i32, %c0_i32_0 : i32, i32
  }
  func.func @transform_2(%arg0: i32) -> i32 {
    %c0_i32 = arith.constant 0 : i32
    %c0_i32_0 = arith.constant 0 : i32
    return %c0_i32 : i32
  }
  func.func @transform_4(%arg0: i32) -> (i32, i32) {
    %mul3A = arith.constant 4 : i32
    %mul3A_0 = arith.muli %mul3A, %arg0 : i32
    %add3A = arith.constant 22 : i32
    %add3A_1 = arith.addi %add3A, %mul3A_0 : i32
    %add3A_2 = arith.constant 0 : i32
    %add3A_3 = arith.addi %add3A_1, %add3A_2 : i32
    %min3A = arith.constant 48 : i32
    %min3A_4 = arith.minsi %add3A_3, %min3A : i32
    %c0_i32 = arith.constant 0 : i32
    %c0_i32_5 = arith.constant 0 : i32
    return %c0_i32, %min3A_4 : i32, i32
  }
  func.func @transform_5(%arg0: i32) -> (i32, i32) {
    %mul3A = arith.constant 4 : i32
    %mul3A_0 = arith.muli %mul3A, %arg0 : i32
    %add3A = arith.constant 22 : i32
    %add3A_1 = arith.addi %add3A, %mul3A_0 : i32
    %add3A_2 = arith.constant 1 : i32
    %add3A_3 = arith.addi %add3A_1, %add3A_2 : i32
    %min3A = arith.constant 48 : i32
    %min3A_4 = arith.minsi %add3A_3, %min3A : i32
    %c0_i32 = arith.constant 0 : i32
    %c0_i32_5 = arith.constant 0 : i32
    return %c0_i32, %min3A_4 : i32, i32
  }
  func.func @transform_6(%arg0: i32) -> (i32, i32) {
    %mul3A = arith.constant 4 : i32
    %mul3A_0 = arith.muli %mul3A, %arg0 : i32
    %add3A = arith.constant 22 : i32
    %add3A_1 = arith.addi %add3A, %mul3A_0 : i32
    %add3A_2 = arith.constant 2 : i32
    %add3A_3 = arith.addi %add3A_1, %add3A_2 : i32
    %min3A = arith.constant 48 : i32
    %min3A_4 = arith.minsi %add3A_3, %min3A : i32
    %c0_i32 = arith.constant 0 : i32
    %c0_i32_5 = arith.constant 0 : i32
    return %c0_i32, %min3A_4 : i32, i32
  }
  func.func @transform_7(%arg0: i32) -> (i32, i32) {
    %mul3A = arith.constant 4 : i32
    %mul3A_0 = arith.muli %mul3A, %arg0 : i32
    %add3A = arith.constant 22 : i32
    %add3A_1 = arith.addi %add3A, %mul3A_0 : i32
    %add3A_2 = arith.constant 3 : i32
    %add3A_3 = arith.addi %add3A_1, %add3A_2 : i32
    %min3A = arith.constant 48 : i32
    %min3A_4 = arith.minsi %add3A_3, %min3A : i32
    %c0_i32 = arith.constant 0 : i32
    %c0_i32_5 = arith.constant 0 : i32
    return %c0_i32, %min3A_4 : i32, i32
  }
  func.func @transform_8(%arg0: i32) -> i32 {
    %mul3A = arith.constant 4 : i32
    %mul3A_0 = arith.muli %mul3A, %arg0 : i32
    %add3A = arith.constant 22 : i32
    %add3A_1 = arith.addi %add3A, %mul3A_0 : i32
    %add3A_2 = arith.constant 0 : i32
    %add3A_3 = arith.addi %add3A_1, %add3A_2 : i32
    %min3A = arith.constant 48 : i32
    %min3A_4 = arith.minsi %add3A_3, %min3A : i32
    %c0_i32 = arith.constant 0 : i32
    return %min3A_4 : i32
  }
  func.func @transform_9(%arg0: i32) -> i32 {
    %mul3A = arith.constant 4 : i32
    %mul3A_0 = arith.muli %mul3A, %arg0 : i32
    %add3A = arith.constant 22 : i32
    %add3A_1 = arith.addi %add3A, %mul3A_0 : i32
    %add3A_2 = arith.constant 1 : i32
    %add3A_3 = arith.addi %add3A_1, %add3A_2 : i32
    %min3A = arith.constant 48 : i32
    %min3A_4 = arith.minsi %add3A_3, %min3A : i32
    %c0_i32 = arith.constant 0 : i32
    return %min3A_4 : i32
  }
  func.func @transform_10(%arg0: i32) -> i32 {
    %mul3A = arith.constant 4 : i32
    %mul3A_0 = arith.muli %mul3A, %arg0 : i32
    %add3A = arith.constant 22 : i32
    %add3A_1 = arith.addi %add3A, %mul3A_0 : i32
    %add3A_2 = arith.constant 2 : i32
    %add3A_3 = arith.addi %add3A_1, %add3A_2 : i32
    %min3A = arith.constant 48 : i32
    %min3A_4 = arith.minsi %add3A_3, %min3A : i32
    %c0_i32 = arith.constant 0 : i32
    return %min3A_4 : i32
  }
  func.func @transform_11(%arg0: i32) -> i32 {
    %mul3A = arith.constant 4 : i32
    %mul3A_0 = arith.muli %mul3A, %arg0 : i32
    %add3A = arith.constant 22 : i32
    %add3A_1 = arith.addi %add3A, %mul3A_0 : i32
    %add3A_2 = arith.constant 3 : i32
    %add3A_3 = arith.addi %add3A_1, %add3A_2 : i32
    %min3A = arith.constant 48 : i32
    %min3A_4 = arith.minsi %add3A_3, %min3A : i32
    %c0_i32 = arith.constant 0 : i32
    return %min3A_4 : i32
  }
  func.func @transform_12(%arg0: i32) -> (i32, i32) {
    %c0_i32 = arith.constant 0 : i32
    %c0_i32_0 = arith.constant 0 : i32
    return %c0_i32, %arg0 : i32, i32
  }
  func.func @transform_13(%arg0: i32) -> (i32, i32) {
    %c0_i32 = arith.constant 0 : i32
    %c0_i32_0 = arith.constant 0 : i32
    %c0_i32_1 = arith.constant 0 : i32
    return %c0_i32, %c0_i32_0 : i32, i32
  }
  func.func @transform_14(%arg0: i32) -> (i32, i32) {
    %c0_i32 = arith.constant 0 : i32
    %c0_i32_0 = arith.constant 0 : i32
    %c0_i32_1 = arith.constant 0 : i32
    return %c0_i32, %c0_i32_0 : i32, i32
  }
}

</mosaic_0001>

<sc_bundles>
// kernel: kernel.6.cloned.1.call-start
scs
__scs_entry_jumppad:
0x0: {  	(pc) =	sbr.rel $0x88, $3  }
0x1: {  	(tag) =	ssettag $0x0;
	lr =	simm.s32 $0x1  }
0x2: {  	[smem:$0x3F9B] =	sst lr;
	_ =	strace $0xD0000000  }
0x3: {  	_ = 	snop  }
0x4: {  	_ = 	snop  }
0x5: {  	_ = 	snop  }
0x6: {  	_ = 	snop  }
0x7: {  	_ = 	snop  }
__scs_overlays_trampoline_lowered:
0x8: {  	[smem:$0x3FAA] =	sst s0  }
0x9: {  	[smem:$0x3FAB] =	sst s1  }
0xa: {  	[smem:$0x3FAC] =	sst s2  }
0xb: {  	[smem:$0x3FAD] =	sst s3  }
0xc: {  	[smem:$0x3FAE] =	sst s4  }
0xd: {  	[smem:$0x3FAF] =	sst s5  }
0xe: {  	[smem:$0x3FB0] =	sst s6  }
0xf: {  	[smem:$0x3FB1] =	sst s7  }
0x10: {  	[smem:$0x3FB2] =	sst s8  }
0x11: {  	[smem:$0x3FB3] =	sst s9;
	s0 =	simm.s32 @!p0 $0x0  }
0x12: {  	s1 =	sld [smem:$0x3F99];
	s0 =	simm.s32 @p0 $0x1  }
0x13: {  	[smem:$0x3FB4] =	sst s0;
	s0 =	simm.s32 @!p1 $0x0  }
0x14: {  	s2 =	sld [smem:$0x3F98];
	s0 =	simm.s32 @p1 $0x1  }
0x15: {  	[smem:$0x3FB5] =	sst s0;
	s0 =	simm.s32 @!p2 $0x0  }
0x16: {  	s3 =	sld [smem:$0x3FDB];
	s0 =	simm.s32 @p2 $0x1  }
0x17: {  	s4 =	simm.s32 $0x1BF5;
	[smem:$0x3FB7] =	sst s0  }
0x18: {  	s0 =	sld [smem:$0x3F9A];
	_ =	swait.ge [sflag:s4], $0x0  }
0x19: {  	s7 =	sld [smem:$0x3F9B]  }
0x1a: {  	s8 =	sadd.s32 $0xFFFFE003, lr  }
0x1b: {  	s9 =	sadd.s32 $0xFFFFFEF7, lr;
	s5 =	simm.s32 $0xFFFFFFFF;
	p2 =	slt.u32 s8, $0xFFFFF086  }
0x1c: {  	p1 =	slt.u32 s9, $0xF7A;
	s5 =	simm.s32 @!p2 $0x0  }
0x1d: {  	s5 =	simm.s32 @p1 $0x1;
	p0 =	seq.s32 s7, s2  }
0x1e: {  	s7 =	smul.u32 @!p0 $0xF7A, s2;
	p2 =	seq.s32 @!p0 s5, $0x0  }
0x1f: {  	s9 =	smul.u32 $0xF7A, s1;
	s8 =	simm.s32 @!p0 $0x1BF5;
	p2 =	por !p2, p0  }
0x20: {  	[sflag:s8] =	ssyncset.s32 @!p0 $0xFFFFF086;
	s6 =	sadd.s32 @!p0 s3, s7;
	s7 =	simm.s32 @!p0 $0x108  }
0x21: {  	s3 =	sadd.s32 s3, s9;
	s6 =	sadd.s32 @!p0 $0x88, s6;
	s7 =	simm.s32 @p2 $0x1082  }
0x22: {  	[simem:s7], [sflag:s8] =	dma.local @!p0 [hbm:s6], $0xF7A  }
0x23: {  	s9 =	sor.u32 $0xD0000000, s2;
	s6 =	simm.s32 $0x108;
	_ =	swait.ge @!p0 [sflag:s8], $0x0  }
0x24: {  	s3 =	sadd.s32 $0x88, s3;
	s6 =	simm.s32 @!p1 $0x1082;
	[sflag:s4] =	ssyncset.s32 $0xFFFFF086  }
0x25: {  	[simem:s6], [sflag:s4] =	dma.local [hbm:s3], $0xF7A  }
0x26: {  	[smem:$0x3F9B] =	sst s1;
	(tag) =	ssettag s2;
	_ =	strace s9  }
0x27: {  	s1 =	sld [smem:$0x3FAB]  }
0x28: {  	s2 =	sld [smem:$0x3FAC]  }
0x29: {  	s4 =	sld [smem:$0x3FAE]  }
0x2a: {  	p0 =	seq.s32 s5, $0x0;
	s5 =	sld [smem:$0x3FAF]  }
0x2b: {  	s6 =	sld [smem:$0x3FB0]  }
0x2c: {  	s7 =	sld [smem:$0x3FB1]  }
0x2d: {  	s3 =	simm.s32 $0x108;
	s8 =	sld [smem:$0x3FB2]  }
0x2e: {  	s3 =	simm.s32 @!p0 $0x1082;
	s9 =	sld [smem:$0x3FB3]  }
0x2f: {  	lr =	sadd.s32 s0, s3;
	s0 =	sld [smem:$0x3FAA]  }
0x30: {  	s3 =	sld [smem:$0x3FAD]  }
0x31: {  	[smem:$0x3FB6] =	sst s10  }
0x32: {  	s10 =	sld [smem:$0x3FB4];
	_ =	sdelay $0x3  }
0x33: {  	p0 =	seq.s32 s10, $0x1;
	s10 =	sld [smem:$0x3FB6];
	_ =	sdelay $0x3  }
0x34: {  	[smem:$0x3FB6] =	sst s10  }
0x35: {  	s10 =	sld [smem:$0x3FB5];
	_ =	sdelay $0x3  }
0x36: {  	p1 =	seq.s32 s10, $0x1;
	s10 =	sld [smem:$0x3FB6];
	_ =	sdelay $0x3  }
0x37: {  	[smem:$0x3FB6] =	sst s10  }
0x38: {  	s10 =	sld [smem:$0x3FB7]  }
0x39: {  	_ = 	snop;
	(pc) =	sbr.ind lr, $3  }
0x3a: {  	_ = 	snop  }
0x3b: {  	_ = 	snop  }
0x3c: {  	p2 =	seq.s32 s10, $0x1;
	s10 =	sld [smem:$0x3FB6]  }
0x3d: {  	_ =	shalt  }
0x3e: {  	_ =	shalt  }
0x3f: {  	_ =	shalt  }
0x40: {  	_ =	shalt  }
0x41: {  	_ =	shalt  }
0x42: {  	_ =	shalt  }
0x43: {  	_ =	shalt  }
0x44: {  	_ =	shalt  }
0x45: {  	_ =	shalt  }
0x46: {  	_ =	shalt  }
0x47: {  	_ =	shalt  }
0x48: {  	_ =	shalt  }
0x49: {  	_ =	shalt  }
0x4a: {  	_ =	shalt  }
0x4b: {  	_ =	shalt  }
0x4c: {  	_ =	shalt  }
0x4d: {  	_ =	shalt  }
0x4e: {  	_ =	shalt  }
0x4f: {  	_ =	shalt  }
0x50: {  	_ =	shalt  }
0x51: {  	_ =	shalt  }
0x52: {  	_ =	shalt  }
0x53: {  	_ =	shalt  }
0x54: {  	_ =	shalt  }
0x55: {  	_ =	shalt  }
0x56: {  	_ =	shalt  }
0x57: {  	_ =	shalt  }
0x58: {  	_ =	shalt  }
0x59: {  	_ =	shalt  }
0x5a: {  	_ =	shalt  }
0x5b: {  	_ =	shalt  }
0x5c: {  	_ =	shalt  }
0x5d: {  	_ =	shalt  }
0x5e: {  	_ =	shalt  }
0x5f: {  	_ =	shalt  }
0x60: {  	_ =	shalt  }
0x61: {  	_ =	shalt  }
0x62: {  	_ =	shalt  }
0x63: {  	_ =	shalt  }
0x64: {  	_ =	shalt  }
0x65: {  	_ =	shalt  }
0x66: {  	_ =	shalt  }
0x67: {  	_ =	shalt  }
0x68: {  	_ =	shalt  }
0x69: {  	_ =	shalt  }
0x6a: {  	_ =	shalt  }
0x6b: {  	_ =	shalt  }
0x6c: {  	_ =	shalt  }
0x6d: {  	_ =	shalt  }
0x6e: {  	_ =	shalt  }
0x6f: {  	_ =	shalt  }
0x70: {  	_ =	shalt  }
0x71: {  	_ =	shalt  }
0x72: {  	_ =	shalt  }
0x73: {  	_ =	shalt  }
0x74: {  	_ =	shalt  }
0x75: {  	_ =	shalt  }
0x76: {  	_ =	shalt  }
0x77: {  	_ =	shalt  }
0x78: {  	_ =	shalt  }
0x79: {  	_ =	shalt  }
0x7a: {  	_ =	shalt  }
0x7b: {  	_ =	shalt  }
0x7c: {  	_ =	shalt  }
0x7d: {  	_ =	shalt  }
0x7e: {  	_ =	shalt  }
0x7f: {  	_ =	shalt  }
0x80: {  	_ =	shalt  }
0x81: {  	_ =	shalt  }
0x82: {  	_ =	shalt  }
0x83: {  	_ =	shalt  }
0x84: {  	_ =	shalt  }
0x85: {  	_ =	shalt  }
0x86: {  	_ =	shalt  }
0x87: {  	_ =	shalt  }
.Lfunc_end0:
.L_simem_size_0:
called_computation_lowered:
.L_overlay_start_0:
0x88: {  	s2 =	sld [smem:$0x3FD9]  }
0x89: {  	s3 =	sld [smem:$0x3FFE];
	_ =	sdelay $0x1  }
0x8a: {  	s1 =	srdreg.scid  }
0x8b: {  	s0 =	sand.u32 $0x1, s1  }
0x8c: {  	s17 =	sshll.u32 s0, $0xA;
	s2 =	sadd.s32 s3, s2  }
0x8d: {  	s2 =	sadd.s32 s2, s17  }
0x8e: {  	[smem:$0x3FC2] =	sst s2  }
0x8f: {  	_ = 	snop  }
0x90: {  	s2 =	sld [smem:$0x3FC5]  }
0x91: {  	s18 =	sld [smem:$0x3FC4]  }
0x92: {  	s4 =	sld [smem:$0x3FD0];
	(tm) =	ssettm $0x1  }
0x93: {  	s5 =	sld [smem:$0x3FFB];
	_ =	sdelay $0x3  }
0x94: {  	_ =	strace s5  }
0x95: {  	s5 =	sld [smem:$0x3FFC];
	_ =	sdelay $0x3  }
0x96: {  	_ =	strace s5  }
0x97: {  	s5 =	sld [smem:$0x3FFD];
	_ =	sdelay $0x3  }
0x98: {  	_ =	strace s5  }
0x99: {  	_ =	strace $0x8FFFFFFF  }
0x9a: {  	s19 =	sld [smem:$0x3FDB];
	_ =	sdelay $0x1  }
0x9b: {  	s6 =	simm.s32 $_scs_section_size  }
0x9c: {  	s7 =	simm.s32 $_size__tile_overlayer_lowered;
	s8 =	simm.s32 $_tile_overlayer_lowered  }
0x9d: {  	s22 =	simm.s32 $0x1BFF;
	s21 =	sshll.u32 s8, $0x1;
	s5 =	sadd.s32 s6, s19  }
0x9e: {  	s9 =	simm.s32 $0x0;
	s20 =	sshll.u32 s7, $0x1;
	s7 =	sadd.s32 s21, s5  }
0x9f: {  	[timem:s9], [sflag:s22] =	dma.local [hbm:s7], s20  }
0xa0: {  	_ =	swait.ge [sflag:s22], s20  }
0xa1: {  	s6 =	ssub.s32 $0x0, s20;
	[sflag:s22] =	ssyncset.done $0x0  }
0xa2: {  	[sflag:s22] =	ssyncadd.s32 s6;
	_ =	sdelay $0x1  }
0xa3: {  	s23 =	simm.s32 $0x1B8B  }
0xa4: {  	_ =	swait.ge [sflag:s23], $0x1  }
0xa5: {  	[sflag:s23] =	ssyncset.done $0x0  }
0xa6: {  	s25 =	simm.s32 $0x1B8E;
	s24 =	sld [smem:$0x3FFE];
	[sflag:s23] =	ssyncadd.s32 $0xFFFFFFFF  }
0xa7: {  	s26 =	simm.s32 $execute0_lowered;
	[smem:$0x3FD2] =	sst s25  }
0xa8: {  	s7 =	sshll.u32 s26, $0x1;
	_ =	strace $0x80000046;
	[dreg:$0x1] =	wrdreg $0xFFFFFFFF  }
0xa9: {  	s28 =	simm.s32 $_size_execute0_lowered;
	s5 =	sadd.s32 s5, s7;
	[dreg:$0x0] =	wrdreg $0x0  }
0xaa: {  	s7 =	sshll.u32 s28, $0x1;
	[dreg:$0x2] =	wrdreg s5  }
0xab: {  	[dreg:$0x3] =	wrdreg s7  }
0xac: {  	[dreg:$0x4] =	wrdreg $0xC0  }
0xad: {  	_ =	task [dreg:s9], $0x5FFFF  }
0xae: {  	[dreg:$0x1] =	wrdreg $0xFFFFFFFF  }
0xaf: {  	[dreg:$0x0] =	wrdreg $0x60  }
0xb0: {  	[dreg:$0x2] =	wrdreg s24  }
0xb1: {  	[dreg:$0x3] =	wrdreg s2  }
0xb2: {  	[dreg:$0x4] =	wrdreg s18  }
0xb3: {  	[dreg:$0x5] =	wrdreg s4  }
0xb4: {  	[dreg:$0x6] =	wrdreg $0x9  }
0xb5: {  	_ =	task.clear_ibuf [dreg:s9], $0x7FFFF;
	_ =	strace $0x90000046  }
0xb6: {  	s29 =	simm.s32 $0x9;
	_ =	strace $0x80000048  }
0xb7: {  	_ =	swait.ge [sflag:s29], $0x1  }
0xb8: {  	[sflag:s29] =	ssyncadd.s32 $0xFFFFFFFF  }
0xb9: {  	_ =	strace $0x90000048  }
0xba: {  	_ =	sfence  }
0xbb: {  	s30 =	sld [smem:$0x0];
	_ =	sdelay $0x2  }
0xbc: {  	s31 =	sshll.u32 s1, $0xD;
	s1 =	sshrl.u32 s1, $0x2  }
0xbd: {  	s3 =	sand.u32 $0x4000, s31;
	s1 =	sadd.s32 s1, s30  }
0xbe: {  	s0 =	sor.u32 s3, s0;
	s1 =	sshll.u32 s1, $0x11  }
0xbf: {  	s0 =	sor.u32 s1, s0  }
0xc0: {  	s0 =	sadd.s32 $0x8F2B, s0  }
0xc1: {  	[sflag:s0] =	ssyncadd.remote.s32 $0x1  }
0xc2: {  	_ =	sfence.sel $0xFFFF  }
0xc3: {  	[dreg:$0x0] =	wrdreg $0xFFFFFFFF;
	(pc) =	sbr.abs _section_cstart, $3  }
0xc4: {  	[dreg:$0x1] =	wrdreg $0xFFFFFFFF  }
0xc5: {  	_ =	task.clear_ibuf [dreg:s9], $0x2FFFF;
	_ =	strace $0x9FFFFFFF  }
0xc6: {  	(tm) =	ssettm $0x7FFFFFFF  }
0xc7: {  	_ =	shalt  }
tec
execute0_lowered:
.L_overlay_start_1:
0x0: {  	(tag) =	ssettag $0x1  }
0x1: {  	s0 =	rddreg [dreg:$0x0]  }
0x2: {  	s1 =	rddreg [dreg:$0x1]  }
0x3: {  	s2 =	srdreg.scid;
	s3 =	rddreg [dreg:$0x2]  }
0x4: {  	s7 =	stileid.u32;
	s6 =	rddreg [dreg:$0x3]  }
0x5: {  	s4 =	sand.u32 $0x1, s2;
	s23 =	sshll.u32 s7, $0x1;
	s7 =	sshrl.u32 s7, $0x2  }
0x6: {  	s2 =	simm.s32 $0x0;
	s11 =	sadd.s32 $0x1C00, s0;
	s5 =	sor.u32 s4, s23  }
0x7: {  	s9 =	sshll.u32 s7, $0xA;
	s24 =	ssub.s32 $0x2, s4;
	s10 =	smul.u32 $0x2C00, s5  }
0x8: {  	[smem:$0x7FF] =	sst s2;
	s8 =	sshll.u32 s5, $0x7;
	s26 =	sshrl.u32 s24, $0x1  }
0x9: {  	_ =	strace $0x80000047;
	s28 =	ssub.s32 s24, s26;
	s25 =	sshrl.u32 s10, $0x3  }
0xa: {  	[dreg:$0x5] =	wrdreg s11;
	s24 =	smax.u32 s28, $0x1;
	s4 =	sadd.s32 s1, s25  }
0xb: {  	s8 =	sand.u32 $0x380, s8;
	[dreg:$0x19] =	wrdreg s24;
	s29 =	sadd.s32 $0x10, s4  }
0xc: {  	s9 =	sor.u32 s9, s8;
	s30 =	sadd.s32 $0x20, s4;
	[dreg:$0x6] =	wrdreg s29  }
0xd: {  	s9 =	sshrl.u32 s9, $0x3;
	s31 =	sadd.s32 $0x30, s4;
	[dreg:$0x7] =	wrdreg s30  }
0xe: {  	s0 =	sadd.s32 s9, s0;
	s9 =	sadd.s32 $0x40, s4;
	[dreg:$0x8] =	wrdreg s31  }
0xf: {  	s10 =	sadd.s32 $0x50, s4;
	[dreg:$0x9] =	wrdreg s9  }
0x10: {  	s11 =	sadd.s32 $0x60, s4;
	[dreg:$0xa] =	wrdreg s10  }
0x11: {  	s12 =	sadd.s32 $0x70, s4;
	[dreg:$0xb] =	wrdreg s11  }
0x12: {  	s13 =	sadd.s32 $0x18700, s4;
	[dreg:$0xc] =	wrdreg s12  }
0x13: {  	s14 =	sadd.s32 $0x18710, s4;
	[dreg:$0xd] =	wrdreg s13  }
0x14: {  	s16 =	sadd.s32 $0x18720, s4;
	[dreg:$0xe] =	wrdreg s14  }
0x15: {  	s17 =	sadd.s32 $0x18730, s4;
	[dreg:$0xf] =	wrdreg s16  }
0x16: {  	s5 =	smul.u32 $0xB0, s5;
	s18 =	sadd.s32 $0x18740, s4;
	[dreg:$0x10] =	wrdreg s17  }
0x17: {  	s15 =	smul.u32 $0x2C00, s7;
	s19 =	sadd.s32 $0x18750, s4;
	[dreg:$0x11] =	wrdreg s18  }
0x18: {  	s5 =	sadd.s32 s3, s5;
	s20 =	sadd.s32 $0x18760, s4;
	[dreg:$0x12] =	wrdreg s19  }
0x19: {  	s3 =	sor.u32 s15, s8;
	s21 =	sadd.s32 $0x18770, s4;
	[dreg:$0x13] =	wrdreg s20  }
0x1a: {  	s3 =	sshrl.u32 s3, $0x3;
	s22 =	sadd.s32 $0x30E00, s4;
	[dreg:$0x14] =	wrdreg s21  }
0x1b: {  	s3 =	sadd.s32 s6, s3;
	[dreg:$0x15] =	wrdreg s22  }
0x1c: {  	s25 =	sadd.s32 $0x30E10, s4;
	[dreg:$0x16] =	wrdreg s3  }
0x1d: {  	s26 =	sadd.s32 $0x30E20, s4;
	[dreg:$0x1a] =	wrdreg s25  }
0x1e: {  	s28 =	sadd.s32 $0x30E30, s4;
	[dreg:$0x1b] =	wrdreg s26  }
0x1f: {  	s1 =	sadd.s32 $0x30E70, s4;
	[dreg:$0x1c] =	wrdreg s28  }
0x20: {  	s6 =	sadd.s32 $0x49510, s4;
	[smem:$0x7E3] =	sst s1  }
0x21: {  	s7 =	sadd.s32 $0x49520, s4;
	[smem:$0x7E5] =	sst s6  }
0x22: {  	s8 =	sadd.s32 $0x49530, s4;
	[smem:$0x7E6] =	sst s7  }
0x23: {  	s15 =	sadd.s32 $0x61C20, s4;
	[smem:$0x7E7] =	sst s8  }
0x24: {  	s24 =	sadd.s32 $0x7A330, s4;
	[smem:$0x7EE] =	sst s15  }
0x25: {  	s23 =	sadd.s32 $0x1E00, s0;
	[smem:$0x7F7] =	sst s24  }
0x26: {  	s0 =	sadd.s32 $0x2000, s0;
	[dreg:$0x17] =	wrdreg s23  }
0x27: {  	s29 =	sadd.s32 $0x30E40, s4;
	[dreg:$0x18] =	wrdreg s0  }
0x28: {  	s30 =	sadd.s32 $0x30E50, s4;
	[dreg:$0x1d] =	wrdreg s29  }
0x29: {  	s31 =	sadd.s32 $0x30E60, s4;
	[dreg:$0x1e] =	wrdreg s30  }
0x2a: {  	s3 =	sadd.s32 $0x49500, s4;
	[dreg:$0x1f] =	wrdreg s31  }
0x2b: {  	s9 =	sadd.s32 $0x49540, s4;
	[smem:$0x7E4] =	sst s3  }
0x2c: {  	s10 =	sadd.s32 $0x49550, s4;
	[smem:$0x7E8] =	sst s9  }
0x2d: {  	s11 =	sadd.s32 $0x49560, s4;
	[smem:$0x7E9] =	sst s10  }
0x2e: {  	s12 =	sadd.s32 $0x49570, s4;
	[smem:$0x7EA] =	sst s11  }
0x2f: {  	s13 =	sadd.s32 $0x61C00, s4;
	[smem:$0x7EB] =	sst s12  }
0x30: {  	s14 =	sadd.s32 $0x61C10, s4;
	[smem:$0x7EC] =	sst s13  }
0x31: {  	s16 =	sadd.s32 $0x61C30, s4;
	[smem:$0x7ED] =	sst s14  }
0x32: {  	s17 =	sadd.s32 $0x61C40, s4;
	[smem:$0x7EF] =	sst s16  }
0x33: {  	s18 =	sadd.s32 $0x61C50, s4;
	[smem:$0x7F0] =	sst s17  }
0x34: {  	s19 =	sadd.s32 $0x61C60, s4;
	[smem:$0x7F1] =	sst s18  }
0x35: {  	s20 =	sadd.s32 $0x61C70, s4;
	s21 =	sadd.s32 $0x7A300, s4;
	[smem:$0x7F2] =	sst s19  }
0x36: {  	s22 =	sadd.s32 $0x7A310, s4;
	s25 =	sadd.s32 $0x7A340, s4;
	[smem:$0x7F3] =	sst s20  }
0x37: {  	s26 =	sadd.s32 $0x7A350, s4;
	s28 =	sadd.s32 $0x7A360, s4;
	[smem:$0x7F4] =	sst s21  }
0x38: {  	s1 =	sadd.s32 $0x92A20, s4;
	s6 =	sadd.s32 $0x92A50, s4;
	[smem:$0x7F5] =	sst s22  }
0x39: {  	s7 =	sadd.s32 $0x92A60, s4;
	s8 =	sadd.s32 $0x92A70, s4;
	[smem:$0x7F8] =	sst s25  }
0x3a: {  	s15 =	sadd.s32 $0xAB160, s4;
	s24 =	simm.s32 $0x4;
	[smem:$0x7F9] =	sst s26  }
0x3b: {  	s23 =	sadd.s32 $0x7A320, s4;
	[smem:$0x7FA] =	sst s28;
	s29 =	sadd.s32 $0x7A370, s4  }
0x3c: {  	s30 =	sadd.s32 $0x92A00, s4;
	s31 =	sadd.s32 $0x92A10, s4;
	s0 =	sadd.s32 $0x92A30, s4  }
0x3d: {  	s3 =	sadd.s32 $0x92A40, s4;
	s9 =	sadd.s32 $0xAB100, s4;
	s10 =	sadd.s32 $0xAB110, s4  }
0x3e: {  	s11 =	sadd.s32 $0xAB120, s4;
	s12 =	sadd.s32 $0xAB130, s4;
	s13 =	sadd.s32 $0xAB140, s4  }
0x3f: {  	s14 =	sadd.s32 $0xAB150, s4;
	s16 =	sadd.s32 $0xAB170, s4;
	s17 =	simm.s32 $0x6  }
0x40: {  	s18 =	simm.s32 $0x80;
	s19 =	simm.s32 $0x5;
	[smem:$0x7F6] =	sst s23  }
0x41: {  	s20 =	simm.s32 $0x1;
	s21 =	simm.s32 $0x400;
	[smem:$0x7FB] =	sst s29  }
0x42: {  	s22 =	simm.s32 $0x2;
	s25 =	simm.s32 $0x16400;
	[smem:$0x7FC] =	sst s30  }
0x43: {  	s26 =	simm.s32 $0x0;
	[smem:$0x7FD] =	sst s31;
	s23 =	simm.s32 $0x3  }
.LBB2_1:
0x44: {  	s28 =	rddreg [dreg:$0x5]  }
0x45: {  	[tilespmem:s2], [sflag:$0x6] =	stream.linear.gather [hbm4b:s28+s2], $0x400, $0x38;
	[tilespmem:$0x16A80] =	vst v63  }
0x46: {  	_ =	swait.ge [sflag:s17], $0x400  }
0x47: {  	[sflag:s17] =	ssyncset.done $0x0  }
0x48: {  	[sflag:s17] =	ssyncadd.s32 $0xFFFFFC00  }
0x49: {  	[tilespmem:s25], [sflag:$0x5] =	stream.linear.gather [hbm4b:s5+s2], $0x580, $0x38;
	[tilespmem:$0x16A80] =	vst v63  }
0x4a: {  	_ = 	snop  }
0x4b: {  	[tilespmem:s25], [sflag:$0x5] =	stream.linear.gather [hbm4b:s5+s2], $0x580, $0x38;
	[tilespmem:$0x16A80] =	vst v63  }
0x4c: {  	_ = 	snop  }
0x4d: {  	[tilespmem:s21], [sflag:$0x1] =	stream.strided.gather [hbm4b:s4+s18], $0x580, s21, s18, $0x38;
	[tilespmem:$0x16A80] =	vst v63  }
0x4e: {  	s29 =	simm.s32 $0x980;
	s28 =	rddreg [dreg:$0x6]  }
0x4f: {  	[tilespmem:s29], [sflag:$0x1] =	stream.strided.gather [hbm4b:s28+s18], $0x580, s21, s18, $0x38;
	[tilespmem:$0x16A80] =	vst v63  }
0x50: {  	s28 =	rddreg [dreg:$0x7];
	s29 =	simm.s32 $0xF00  }
0x51: {  	[tilespmem:s29], [sflag:$0x1] =	stream.strided.gather [hbm4b:s28+s18], $0x580, s21, s18, $0x38;
	[tilespmem:$0x16A80] =	vst v63  }
0x52: {  	s28 =	rddreg [dreg:$0x8];
	s29 =	simm.s32 $0x1480  }
0x53: {  	[tilespmem:s29], [sflag:$0x1] =	stream.strided.gather [hbm4b:s28+s18], $0x580, s21, s18, $0x38;
	[tilespmem:$0x16A80] =	vst v63  }
0x54: {  	s28 =	rddreg [dreg:$0x9];
	s29 =	simm.s32 $0x1A00  }
0x55: {  	[tilespmem:s29], [sflag:$0x1] =	stream.strided.gather [hbm4b:s28+s18], $0x580, s21, s18, $0x38;
	[tilespmem:$0x16A80] =	vst v63  }
0x56: {  	s28 =	rddreg [dreg:$0xa];
	s29 =	simm.s32 $0x1F80  }
0x57: {  	[tilespmem:s29], [sflag:$0x1] =	stream.strided.gather [hbm4b:s28+s18], $0x580, s21, s18, $0x38;
	[tilespmem:$0x16A80] =	vst v63  }
0x58: {  	s28 =	rddreg [dreg:$0xb];
	s29 =	simm.s32 $0x2500  }
0x59: {  	[tilespmem:s29], [sflag:$0x1] =	stream.strided.gather [hbm4b:s28+s18], $0x580, s21, s18, $0x38;
	[tilespmem:$0x16A80] =	vst v63  }
0x5a: {  	s28 =	rddreg [dreg:$0xc];
	s29 =	simm.s32 $0x2A80  }
0x5b: {  	[tilespmem:s29], [sflag:$0x1] =	stream.strided.gather [hbm4b:s28+s18], $0x580, s21, s18, $0x38;
	[tilespmem:$0x16A80] =	vst v63  }
0x5c: {  	s28 =	rddreg [dreg:$0xd];
	s29 =	simm.s32 $0x3000  }
0x5d: {  	[tilespmem:s29], [sflag:$0x1] =	stream.strided.gather [hbm4b:s28+s18], $0x580, s21, s18, $0x38;
	[tilespmem:$0x16A80] =	vst v63  }
0x5e: {  	s28 =	rddreg [dreg:$0xe];
	s29 =	simm.s32 $0x3580  }
0x5f: {  	[tilespmem:s29], [sflag:$0x1] =	stream.strided.gather [hbm4b:s28+s18], $0x580, s21, s18, $0x38;
	[tilespmem:$0x16A80] =	vst v63  }
0x60: {  	s28 =	rddreg [dreg:$0xf];
	s29 =	simm.s32 $0x3B00  }
0x61: {  	[tilespmem:s29], [sflag:$0x1] =	stream.strided.gather [hbm4b:s28+s18], $0x580, s21, s18, $0x38;
	[tilespmem:$0x16A80] =	vst v63  }
0x62: {  	s28 =	rddreg [dreg:$0x10];
	s29 =	simm.s32 $0x4080  }
0x63: {  	[tilespmem:s29], [sflag:$0x1] =	stream.strided.gather [hbm4b:s28+s18], $0x580, s21, s18, $0x38;
	[tilespmem:$0x16A80] =	vst v63  }
0x64: {  	s28 =	rddreg [dreg:$0x11];
	s29 =	simm.s32 $0x4600  }
0x65: {  	[tilespmem:s29], [sflag:$0x1] =	stream.strided.gather [hbm4b:s28+s18], $0x580, s21, s18, $0x38;
	[tilespmem:$0x16A80] =	vst v63  }
0x66: {  	s28 =	rddreg [dreg:$0x12];
	s29 =	simm.s32 $0x4B80  }
0x67: {  	[tilespmem:s29], [sflag:$0x1] =	stream.strided.gather [hbm4b:s28+s18], $0x580, s21, s18, $0x38;
	[tilespmem:$0x16A80] =	vst v63  }
0x68: {  	s28 =	rddreg [dreg:$0x13];
	s29 =	simm.s32 $0x5100  }
0x69: {  	[tilespmem:s29], [sflag:$0x1] =	stream.strided.gather [hbm4b:s28+s18], $0x580, s21, s18, $0x38;
	[tilespmem:$0x16A80] =	vst v63  }
0x6a: {  	s28 =	rddreg [dreg:$0x14];
	s29 =	simm.s32 $0x5680  }
0x6b: {  	[tilespmem:s29], [sflag:$0x1] =	stream.strided.gather [hbm4b:s28+s18], $0x580, s21, s18, $0x38;
	[tilespmem:$0x16A80] =	vst v63  }
0x6c: {  	_ =	swait.ge [sflag:s19], $0x580  }
0x6d: {  	[sflag:s19] =	ssyncset.done $0x0  }
0x6e: {  	s29 =	simm.s32 $0x5C00;
	s28 =	rddreg [dreg:$0x15];
	[sflag:s19] =	ssyncadd.s32 $0xFFFFFA80  }
0x6f: {  	[tilespmem:s29], [sflag:$0x2] =	stream.strided.gather [hbm4b:s28+s18], $0x580, s21, s18, $0x38;
	[tilespmem:$0x16A80] =	vst v63  }
0x70: {  	s28 =	rddreg [dreg:$0x1a];
	s29 =	simm.s32 $0x6180  }
0x71: {  	[tilespmem:s29], [sflag:$0x2] =	stream.strided.gather [hbm4b:s28+s18], $0x580, s21, s18, $0x38;
	[tilespmem:$0x16A80] =	vst v63  }
0x72: {  	s28 =	rddreg [dreg:$0x1b];
	s29 =	simm.s32 $0x6700  }
0x73: {  	[tilespmem:s29], [sflag:$0x2] =	stream.strided.gather [hbm4b:s28+s18], $0x580, s21, s18, $0x38;
	[tilespmem:$0x16A80] =	vst v63  }
0x74: {  	s28 =	rddreg [dreg:$0x1c];
	s29 =	simm.s32 $0x6C80  }
0x75: {  	[tilespmem:s29], [sflag:$0x2] =	stream.strided.gather [hbm4b:s28+s18], $0x580, s21, s18, $0x38;
	[tilespmem:$0x16A80] =	vst v63  }
0x76: {  	s28 =	rddreg [dreg:$0x1d];
	s29 =	simm.s32 $0x7200  }
0x77: {  	[tilespmem:s29], [sflag:$0x2] =	stream.strided.gather [hbm4b:s28+s18], $0x580, s21, s18, $0x38;
	[tilespmem:$0x16A80] =	vst v63  }
0x78: {  	s28 =	rddreg [dreg:$0x1e];
	s29 =	simm.s32 $0x7780  }
0x79: {  	[tilespmem:s29], [sflag:$0x2] =	stream.strided.gather [hbm4b:s28+s18], $0x580, s21, s18, $0x38;
	[tilespmem:$0x16A80] =	vst v63  }
0x7a: {  	s28 =	rddreg [dreg:$0x1f];
	s29 =	simm.s32 $0x7D00  }
0x7b: {  	[tilespmem:s29], [sflag:$0x2] =	stream.strided.gather [hbm4b:s28+s18], $0x580, s21, s18, $0x38;
	[tilespmem:$0x16A80] =	vst v63  }
0x7c: {  	s28 =	sld [smem:$0x7E3];
	_ =	sdelay $0x1  }
0x7d: {  	s29 =	simm.s32 $0x8280  }
0x7e: {  	[tilespmem:s29], [sflag:$0x2] =	stream.strided.gather [hbm4b:s28+s18], $0x580, s21, s18, $0x38;
	[tilespmem:$0x16A80] =	vst v63  }
0x7f: {  	s28 =	sld [smem:$0x7E4];
	_ =	sdelay $0x1  }
0x80: {  	s29 =	simm.s32 $0x8800  }
0x81: {  	[tilespmem:s29], [sflag:$0x2] =	stream.strided.gather [hbm4b:s28+s18], $0x580, s21, s18, $0x38;
	[tilespmem:$0x16A80] =	vst v63  }
0x82: {  	s28 =	sld [smem:$0x7E5];
	_ =	sdelay $0x1  }
0x83: {  	s29 =	simm.s32 $0x8D80  }
0x84: {  	[tilespmem:s29], [sflag:$0x2] =	stream.strided.gather [hbm4b:s28+s18], $0x580, s21, s18, $0x38;
	[tilespmem:$0x16A80] =	vst v63  }
0x85: {  	s28 =	sld [smem:$0x7E6];
	_ =	sdelay $0x1  }
0x86: {  	s29 =	simm.s32 $0x9300  }
0x87: {  	[tilespmem:s29], [sflag:$0x2] =	stream.strided.gather [hbm4b:s28+s18], $0x580, s21, s18, $0x38;
	[tilespmem:$0x16A80] =	vst v63  }
0x88: {  	s28 =	sld [smem:$0x7E7];
	_ =	sdelay $0x1  }
0x89: {  	s29 =	simm.s32 $0x9880  }
0x8a: {  	[tilespmem:s29], [sflag:$0x2] =	stream.strided.gather [hbm4b:s28+s18], $0x580, s21, s18, $0x38;
	[tilespmem:$0x16A80] =	vst v63  }
0x8b: {  	s28 =	sld [smem:$0x7E8];
	_ =	sdelay $0x1  }
0x8c: {  	s29 =	simm.s32 $0x9E00  }
0x8d: {  	[tilespmem:s29], [sflag:$0x2] =	stream.strided.gather [hbm4b:s28+s18], $0x580, s21, s18, $0x38;
	[tilespmem:$0x16A80] =	vst v63  }
0x8e: {  	s28 =	sld [smem:$0x7E9];
	_ =	sdelay $0x1  }
0x8f: {  	s29 =	simm.s32 $0xA380  }
0x90: {  	[tilespmem:s29], [sflag:$0x2] =	stream.strided.gather [hbm4b:s28+s18], $0x580, s21, s18, $0x38;
	[tilespmem:$0x16A80] =	vst v63  }
0x91: {  	s28 =	sld [smem:$0x7EA];
	_ =	sdelay $0x1  }
0x92: {  	s29 =	simm.s32 $0xA900  }
0x93: {  	[tilespmem:s29], [sflag:$0x2] =	stream.strided.gather [hbm4b:s28+s18], $0x580, s21, s18, $0x38;
	[tilespmem:$0x16A80] =	vst v63  }
0x94: {  	s28 =	sld [smem:$0x7EB];
	_ =	sdelay $0x1  }
0x95: {  	s29 =	simm.s32 $0xAE80  }
0x96: {  	[tilespmem:s29], [sflag:$0x2] =	stream.strided.gather [hbm4b:s28+s18], $0x580, s21, s18, $0x38;
	[tilespmem:$0x16A80] =	vst v63  }
0x97: {  	_ =	swait.ge [sflag:s20], $0x580  }
0x98: {  	[sflag:s20] =	ssyncset.done $0x0  }
0x99: {  	[sflag:s20] =	ssyncadd.s32 $0xFFFFFA80  }
0x9a: {  	_ =	swait.ge [sflag:s20], $0x580  }
0x9b: {  	[sflag:s20] =	ssyncset.done $0x0  }
0x9c: {  	[sflag:s20] =	ssyncadd.s32 $0xFFFFFA80  }
0x9d: {  	_ =	swait.ge [sflag:s20], $0x580  }
0x9e: {  	[sflag:s20] =	ssyncset.done $0x0  }
0x9f: {  	[sflag:s20] =	ssyncadd.s32 $0xFFFFFA80  }
0xa0: {  	_ =	swait.ge [sflag:s20], $0x580  }
0xa1: {  	[sflag:s20] =	ssyncset.done $0x0  }
0xa2: {  	[sflag:s20] =	ssyncadd.s32 $0xFFFFFA80  }
0xa3: {  	_ =	swait.ge [sflag:s20], $0x580  }
0xa4: {  	[sflag:s20] =	ssyncset.done $0x0  }
0xa5: {  	[sflag:s20] =	ssyncadd.s32 $0xFFFFFA80  }
0xa6: {  	_ =	swait.ge [sflag:s20], $0x580  }
0xa7: {  	[sflag:s20] =	ssyncset.done $0x0  }
0xa8: {  	[sflag:s20] =	ssyncadd.s32 $0xFFFFFA80  }
0xa9: {  	_ =	swait.ge [sflag:s20], $0x580  }
0xaa: {  	[sflag:s20] =	ssyncset.done $0x0  }
0xab: {  	[sflag:s20] =	ssyncadd.s32 $0xFFFFFA80  }
0xac: {  	_ =	swait.ge [sflag:s20], $0x580  }
0xad: {  	[sflag:s20] =	ssyncset.done $0x0  }
0xae: {  	[sflag:s20] =	ssyncadd.s32 $0xFFFFFA80  }
0xaf: {  	_ =	swait.ge [sflag:s20], $0x580  }
0xb0: {  	[sflag:s20] =	ssyncset.done $0x0  }
0xb1: {  	[sflag:s20] =	ssyncadd.s32 $0xFFFFFA80  }
0xb2: {  	_ =	swait.ge [sflag:s20], $0x580  }
0xb3: {  	[sflag:s20] =	ssyncset.done $0x0  }
0xb4: {  	[sflag:s20] =	ssyncadd.s32 $0xFFFFFA80  }
0xb5: {  	_ =	swait.ge [sflag:s20], $0x580  }
0xb6: {  	[sflag:s20] =	ssyncset.done $0x0  }
0xb7: {  	[sflag:s20] =	ssyncadd.s32 $0xFFFFFA80  }
0xb8: {  	_ =	swait.ge [sflag:s20], $0x580  }
0xb9: {  	[sflag:s20] =	ssyncset.done $0x0  }
0xba: {  	[sflag:s20] =	ssyncadd.s32 $0xFFFFFA80  }
0xbb: {  	_ =	swait.ge [sflag:s20], $0x580  }
0xbc: {  	[sflag:s20] =	ssyncset.done $0x0  }
0xbd: {  	[sflag:s20] =	ssyncadd.s32 $0xFFFFFA80  }
0xbe: {  	_ =	swait.ge [sflag:s20], $0x580  }
0xbf: {  	[sflag:s20] =	ssyncset.done $0x0  }
0xc0: {  	[sflag:s20] =	ssyncadd.s32 $0xFFFFFA80  }
0xc1: {  	_ =	swait.ge [sflag:s20], $0x580  }
0xc2: {  	[sflag:s20] =	ssyncset.done $0x0  }
0xc3: {  	[sflag:s20] =	ssyncadd.s32 $0xFFFFFA80  }
0xc4: {  	_ =	swait.ge [sflag:s20], $0x580  }
0xc5: {  	[sflag:s20] =	ssyncset.done $0x0  }
0xc6: {  	[sflag:s20] =	ssyncadd.s32 $0xFFFFFA80  }
0xc7: {  	s28 =	sand.u32 $0x7F0, s2;
	v0 =	vld [tilespmem:$0xC0]  }
0xc8: {  	v1 =	vld [tilespmem:s28+$0x4600]  }
0xc9: {  	v2 =	vld [tilespmem:$0xD0]  }
0xca: {  	v3 =	vld [tilespmem:s28+$0x4B80]  }
0xcb: {  	v4 =	vld [tilespmem:$0xE0]  }
0xcc: {  	v5 =	vld [tilespmem:s28+$0x5100]  }
0xcd: {  	v6 =	vld [tilespmem:$0x80]  }
0xce: {  	v7 =	vld [tilespmem:s28+$0x3000]  }
0xcf: {  	v8 =	vld [tilespmem:$0x90]  }
0xd0: {  	v9 =	vld [tilespmem:s28+$0x3580]  }
0xd1: {  	v10 =	vld [tilespmem:$0xA0]  }
0xd2: {  	v11 =	vld [tilespmem:s28+$0x3B00]  }
0xd3: {  	v12 =	vld [tilespmem:s21+$0x0]  }
0xd4: {  	v13 =	vld [tilespmem:$0x0]  }
0xd5: {  	v14 =	vld [tilespmem:$0x40]  }
0xd6: {  	v15 =	vld [tilespmem:s28+$0x1A00]  }
0xd7: {  	v16 =	vld [tilespmem:$0x10]  }
0xd8: {  	v17 =	vld [tilespmem:s28+$0x980]  }
0xd9: {  	v18 =	vld [tilespmem:$0x50]  }
0xda: {  	v19 =	vld [tilespmem:s28+$0x1F80]  }
0xdb: {  	v20 =	vld [tilespmem:$0x20]  }
0xdc: {  	v21 =	vld [tilespmem:s28+$0xF00]  }
0xdd: {  	v22 =	vld [tilespmem:$0x60]  }
0xde: {  	v23 =	vld [tilespmem:s28+$0x2500]  }
0xdf: {  	v24 =	vld [tilespmem:$0x30]  }
0xe0: {  	v25 =	vld [tilespmem:s28+$0x1480]  }
0xe1: {  	v26 =	vld [tilespmem:$0x70]  }
0xe2: {  	v27 =	vld [tilespmem:s28+$0x2A80];
	v0 =	vmul.f32 v1, v0;
	v1 =	vmul.f32 v3, v2  }
0xe3: {  	v2 =	vmul.f32 v7, v6;
	v3 =	vmul.f32 v9, v8;
	v6 =	vld [tilespmem:$0xB0]  }
0xe4: {  	v7 =	vmul.f32 v12, v13;
	v8 =	vmul.f32 v15, v14;
	v9 =	vld [tilespmem:s28+$0x4080]  }
0xe5: {  	v12 =	vmul.f32 v17, v16;
	v13 =	vmul.f32 v19, v18;
	v14 =	vld [tilespmem:$0xF0]  }
0xe6: {  	v15 =	vmul.f32 v21, v20;
	v16 =	vmul.f32 v23, v22;
	v17 =	vld [tilespmem:s28+$0x5680]  }
0xe7: {  	v18 =	vmul.f32 v25, v24;
	v19 =	vmul.f32 v27, v26  }
0xe8: {  	v10 =	vmul.f32 v11, v10;
	v7 =	vadd.f32 v8, v7;
	v8 =	vadd.f32 v13, v12  }
0xe9: {  	v11 =	vadd.f32 v16, v15;
	v12 =	vadd.f32 v19, v18;
	v6 =	vmul.f32 v9, v6  }
0xea: {  	v4 =	vmul.f32 v5, v4;
	v2 =	vadd.f32 v2, v7;
	v3 =	vadd.f32 v3, v8  }
0xeb: {  	v5 =	vadd.f32 v10, v11;
	v7 =	vmul.f32 v17, v14;
	v6 =	vadd.f32 v6, v12  }
0xec: {  	v0 =	vadd.f32 v0, v2;
	v1 =	vadd.f32 v1, v3  }
0xed: {  	v2 =	vadd.f32 v4, v5;
	v3 =	vadd.f32 v7, v6;
	_ =	sdelay $0x1  }
0xee: {  	v0 =	vadd.f32 v1, v0;
	v1 =	vadd.f32 v3, v2;
	_ =	sdelay $0x1  }
0xef: {  	v0 =	vadd.f32 v1, v0;
	_ =	sdelay $0x1  }
0xf0: {  	s28 =	simm.s32 $0x10;
	[tilespmem:s25+$0x0] =	vst.add.f32.msk $0xffff, v0  }
0xf1: {  	s30 =	sand.u32 $0x7F0, s28;
	v4 =	vld [tilespmem:$0xC0]  }
0xf2: {  	v5 =	vld [tilespmem:s30+$0x4600]  }
0xf3: {  	v6 =	vld [tilespmem:$0xD0]  }
0xf4: {  	v7 =	vld [tilespmem:s30+$0x4B80]  }
0xf5: {  	v0 =	vld [tilespmem:$0xE0]  }
0xf6: {  	v1 =	vld [tilespmem:s30+$0x5100]  }
0xf7: {  	v8 =	vld [tilespmem:$0x80]  }
0xf8: {  	v9 =	vld [tilespmem:s30+$0x3000]  }
0xf9: {  	v10 =	vld [tilespmem:$0x90]  }
0xfa: {  	v11 =	vld [tilespmem:s30+$0x3580]  }
0xfb: {  	v2 =	vld [tilespmem:$0xA0]  }
0xfc: {  	s29 =	simm.s32 $0x410;
	v3 =	vld [tilespmem:s30+$0x3B00]  }
0xfd: {  	v12 =	vld [tilespmem:s29+$0x0]  }
0xfe: {  	v13 =	vld [tilespmem:$0x0]  }
0xff: {  	v14 =	vld [tilespmem:$0x40]  }
0x100: {  	v16 =	vld [tilespmem:s30+$0x1A00]  }
0x101: {  	v15 =	vld [tilespmem:$0x10]  }
0x102: {  	v17 =	vld [tilespmem:s30+$0x980]  }
0x103: {  	v18 =	vld [tilespmem:$0x50]  }
0x104: {  	v20 =	vld [tilespmem:s30+$0x1F80]  }
0x105: {  	v19 =	vld [tilespmem:$0x20]  }
0x106: {  	v21 =	vld [tilespmem:s30+$0xF00]  }
0x107: {  	v22 =	vld [tilespmem:$0x60]  }
0x108: {  	v24 =	vld [tilespmem:s30+$0x2500]  }
0x109: {  	v23 =	vld [tilespmem:$0x30]  }
0x10a: {  	v25 =	vld [tilespmem:s30+$0x1480]  }
0x10b: {  	s31 =	simm.s32 $0x20;
	s28 =	simm.s32 $0x16400;
	v26 =	vld [tilespmem:$0x70]  }
.LBB2_2:
0x10c: {  	p0 =	sne.s32 s31, $0x570;
	v27 =	vld [tilespmem:s30+$0x2A80];
	v4 =	vmul.f32 v5, v4;
	v5 =	vmul.f32 v7, v6  }
0x10d: {  	v6 =	vmul.f32 v9, v8;
	v7 =	vmul.f32 v11, v10;
	v8 =	vld [tilespmem:$0xB0]  }
0x10e: {  	v9 =	vmul.f32 v12, v13;
	v10 =	vmul.f32 v16, v14;
	v11 =	vld [tilespmem:s30+$0x4080]  }
0x10f: {  	v12 =	vmul.f32 v17, v15;
	v13 =	vmul.f32 v20, v18;
	v14 =	vld [tilespmem:$0xF0]  }
0x110: {  	v15 =	vmul.f32 v21, v19;
	v16 =	vmul.f32 v24, v22;
	v17 =	vld [tilespmem:s30+$0x5680]  }
0x111: {  	v18 =	vmul.f32 v25, v23;
	v19 =	vmul.f32 v27, v26  }
0x112: {  	v2 =	vmul.f32 v3, v2;
	v9 =	vadd.f32 v10, v9;
	v10 =	vadd.f32 v13, v12  }
0x113: {  	v3 =	vadd.f32 v16, v15;
	v12 =	vadd.f32 v19, v18;
	v8 =	vmul.f32 v11, v8  }
0x114: {  	v0 =	vmul.f32 v1, v0;
	v6 =	vadd.f32 v6, v9;
	v7 =	vadd.f32 v7, v10  }
0x115: {  	v1 =	vadd.f32 v2, v3;
	v2 =	vadd.f32 v8, v12;
	v3 =	vmul.f32 v17, v14  }
0x116: {  	v4 =	vadd.f32 v4, v6;
	v5 =	vadd.f32 v5, v7  }
0x117: {  	v0 =	vadd.f32 v0, v1;
	v1 =	vadd.f32 v3, v2;
	_ =	sdelay $0x1  }
0x118: {  	v2 =	vadd.f32 v5, v4;
	v0 =	vadd.f32 v1, v0;
	_ =	sdelay $0x1  }
0x119: {  	v0 =	vadd.f32 v0, v2  }
0x11a: {  	s28 =	sadd.s32 $0x10, s28  }
0x11b: {  	[tilespmem:s28+$0x0] =	vst.add.f32.msk $0xffff, v0  }
0x11c: {  	s30 =	sand.u32 $0x7F0, s31;
	v4 =	vld [tilespmem:$0xC0]  }
0x11d: {  	v5 =	vld [tilespmem:s30+$0x4600]  }
0x11e: {  	v6 =	vld [tilespmem:$0xD0]  }
0x11f: {  	v7 =	vld [tilespmem:s30+$0x4B80]  }
0x120: {  	v0 =	vld [tilespmem:$0xE0]  }
0x121: {  	v1 =	vld [tilespmem:s30+$0x5100]  }
0x122: {  	v8 =	vld [tilespmem:$0x80]  }
0x123: {  	v9 =	vld [tilespmem:s30+$0x3000]  }
0x124: {  	v10 =	vld [tilespmem:$0x90]  }
0x125: {  	v11 =	vld [tilespmem:s30+$0x3580]  }
0x126: {  	v2 =	vld [tilespmem:$0xA0]  }
0x127: {  	s29 =	sadd.s32 $0x10, s29;
	v3 =	vld [tilespmem:s30+$0x3B00]  }
0x128: {  	v12 =	vld [tilespmem:s29+$0x0]  }
0x129: {  	v13 =	vld [tilespmem:$0x0]  }
0x12a: {  	v14 =	vld [tilespmem:$0x40]  }
0x12b: {  	v16 =	vld [tilespmem:s30+$0x1A00]  }
0x12c: {  	v15 =	vld [tilespmem:$0x10]  }
0x12d: {  	v17 =	vld [tilespmem:s30+$0x980]  }
0x12e: {  	v18 =	vld [tilespmem:$0x50]  }
0x12f: {  	v20 =	vld [tilespmem:s30+$0x1F80]  }
0x130: {  	v19 =	vld [tilespmem:$0x20]  }
0x131: {  	v21 =	vld [tilespmem:s30+$0xF00]  }
.Ltmp0:
0x132: {  	v22 =	vld [tilespmem:$0x60];
	(pc) =	sbr.rel @p0 .LBB2_2-.Ltmp0, $4  }
0x133: {  	v24 =	vld [tilespmem:s30+$0x2500]  }
0x134: {  	v23 =	vld [tilespmem:$0x30]  }
0x135: {  	v25 =	vld [tilespmem:s30+$0x1480]  }
0x136: {  	s31 =	sadd.s32 $0x10, s31;
	v26 =	vld [tilespmem:$0x70]  }
0x137: {  	v27 =	vld [tilespmem:s30+$0x2A80];
	v4 =	vmul.f32 v5, v4;
	v5 =	vmul.f32 v7, v6  }
0x138: {  	v6 =	vmul.f32 v9, v8;
	v7 =	vmul.f32 v11, v10;
	v8 =	vld [tilespmem:$0xB0]  }
0x139: {  	v9 =	vmul.f32 v12, v13;
	v10 =	vmul.f32 v16, v14;
	v11 =	vld [tilespmem:s30+$0x4080]  }
0x13a: {  	v12 =	vmul.f32 v17, v15;
	v13 =	vmul.f32 v20, v18;
	v14 =	vld [tilespmem:$0xF0]  }
0x13b: {  	v15 =	vmul.f32 v21, v19;
	v17 =	vld [tilespmem:s30+$0x5680];
	v16 =	vmul.f32 v24, v22  }
0x13c: {  	v18 =	vmul.f32 v25, v23;
	v19 =	vmul.f32 v27, v26  }
0x13d: {  	v2 =	vmul.f32 v3, v2;
	v9 =	vadd.f32 v10, v9;
	v10 =	vadd.f32 v13, v12  }
0x13e: {  	v3 =	vadd.f32 v16, v15;
	v8 =	vmul.f32 v11, v8;
	v12 =	vadd.f32 v19, v18  }
0x13f: {  	v0 =	vmul.f32 v1, v0;
	v6 =	vadd.f32 v6, v9;
	v7 =	vadd.f32 v7, v10  }
0x140: {  	v1 =	vadd.f32 v2, v3;
	v3 =	vmul.f32 v17, v14;
	v2 =	vadd.f32 v8, v12  }
0x141: {  	v4 =	vadd.f32 v4, v6;
	v5 =	vadd.f32 v5, v7  }
0x142: {  	v0 =	vadd.f32 v0, v1;
	v1 =	vadd.f32 v3, v2;
	_ =	sdelay $0x1  }
0x143: {  	v2 =	vadd.f32 v5, v4;
	v0 =	vadd.f32 v1, v0;
	_ =	sdelay $0x1  }
0x144: {  	v0 =	vadd.f32 v0, v2  }
0x145: {  	s28 =	sadd.s32 $0x10, s28  }
0x146: {  	[tilespmem:s28+$0x0] =	vst.add.f32.msk $0xffff, v0;
	s28 =	sld [smem:$0x7EC];
	_ =	sdelay $0x1  }
0x147: {  	s29 =	simm.s32 $0xB400  }
0x148: {  	[tilespmem:s29], [sflag:$0x3] =	stream.strided.gather [hbm4b:s28+s18], $0x580, s21, s18, $0x38;
	[tilespmem:$0x16A80] =	vst v63  }
0x149: {  	s28 =	sld [smem:$0x7ED];
	_ =	sdelay $0x1  }
0x14a: {  	s29 =	simm.s32 $0xB980  }
0x14b: {  	[tilespmem:s29], [sflag:$0x3] =	stream.strided.gather [hbm4b:s28+s18], $0x580, s21, s18, $0x38;
	[tilespmem:$0x16A80] =	vst v63  }
0x14c: {  	s28 =	sld [smem:$0x7EE];
	_ =	sdelay $0x1  }
0x14d: {  	s29 =	simm.s32 $0xBF00  }
0x14e: {  	[tilespmem:s29], [sflag:$0x3] =	stream.strided.gather [hbm4b:s28+s18], $0x580, s21, s18, $0x38;
	[tilespmem:$0x16A80] =	vst v63  }
0x14f: {  	s28 =	sld [smem:$0x7EF];
	_ =	sdelay $0x1  }
0x150: {  	s29 =	simm.s32 $0xC480  }
0x151: {  	[tilespmem:s29], [sflag:$0x3] =	stream.strided.gather [hbm4b:s28+s18], $0x580, s21, s18, $0x38;
	[tilespmem:$0x16A80] =	vst v63  }
0x152: {  	s28 =	sld [smem:$0x7F0];
	_ =	sdelay $0x1  }
0x153: {  	s29 =	simm.s32 $0xCA00  }
0x154: {  	[tilespmem:s29], [sflag:$0x3] =	stream.strided.gather [hbm4b:s28+s18], $0x580, s21, s18, $0x38;
	[tilespmem:$0x16A80] =	vst v63  }
0x155: {  	s28 =	sld [smem:$0x7F1];
	_ =	sdelay $0x1  }
0x156: {  	s29 =	simm.s32 $0xCF80  }
0x157: {  	[tilespmem:s29], [sflag:$0x3] =	stream.strided.gather [hbm4b:s28+s18], $0x580, s21, s18, $0x38;
	[tilespmem:$0x16A80] =	vst v63  }
0x158: {  	s28 =	sld [smem:$0x7F2];
	_ =	sdelay $0x1  }
0x159: {  	s29 =	simm.s32 $0xD500  }
0x15a: {  	[tilespmem:s29], [sflag:$0x3] =	stream.strided.gather [hbm4b:s28+s18], $0x580, s21, s18, $0x38;
	[tilespmem:$0x16A80] =	vst v63  }
0x15b: {  	s28 =	sld [smem:$0x7F3];
	_ =	sdelay $0x1  }
0x15c: {  	s29 =	simm.s32 $0xDA80  }
0x15d: {  	[tilespmem:s29], [sflag:$0x3] =	stream.strided.gather [hbm4b:s28+s18], $0x580, s21, s18, $0x38;
	[tilespmem:$0x16A80] =	vst v63  }
0x15e: {  	s28 =	sld [smem:$0x7F4];
	_ =	sdelay $0x1  }
0x15f: {  	s29 =	simm.s32 $0xE000  }
0x160: {  	[tilespmem:s29], [sflag:$0x3] =	stream.strided.gather [hbm4b:s28+s18], $0x580, s21, s18, $0x38;
	[tilespmem:$0x16A80] =	vst v63  }
0x161: {  	s28 =	sld [smem:$0x7F5];
	_ =	sdelay $0x1  }
0x162: {  	s29 =	simm.s32 $0xE580  }
0x163: {  	[tilespmem:s29], [sflag:$0x3] =	stream.strided.gather [hbm4b:s28+s18], $0x580, s21, s18, $0x38;
	[tilespmem:$0x16A80] =	vst v63  }
0x164: {  	s28 =	sld [smem:$0x7F6];
	_ =	sdelay $0x1  }
0x165: {  	s29 =	simm.s32 $0xEB00  }
0x166: {  	[tilespmem:s29], [sflag:$0x3] =	stream.strided.gather [hbm4b:s28+s18], $0x580, s21, s18, $0x38;
	[tilespmem:$0x16A80] =	vst v63  }
0x167: {  	s28 =	sld [smem:$0x7F7];
	_ =	sdelay $0x1  }
0x168: {  	s29 =	simm.s32 $0xF080  }
0x169: {  	[tilespmem:s29], [sflag:$0x3] =	stream.strided.gather [hbm4b:s28+s18], $0x580, s21, s18, $0x38;
	[tilespmem:$0x16A80] =	vst v63  }
0x16a: {  	s28 =	sld [smem:$0x7F8];
	_ =	sdelay $0x1  }
0x16b: {  	s29 =	simm.s32 $0xF600  }
0x16c: {  	[tilespmem:s29], [sflag:$0x3] =	stream.strided.gather [hbm4b:s28+s18], $0x580, s21, s18, $0x38;
	[tilespmem:$0x16A80] =	vst v63  }
0x16d: {  	s28 =	sld [smem:$0x7F9];
	_ =	sdelay $0x1  }
0x16e: {  	s29 =	simm.s32 $0xFB80  }
0x16f: {  	[tilespmem:s29], [sflag:$0x3] =	stream.strided.gather [hbm4b:s28+s18], $0x580, s21, s18, $0x38;
	[tilespmem:$0x16A80] =	vst v63  }
0x170: {  	s28 =	sld [smem:$0x7FA];
	_ =	sdelay $0x1  }
0x171: {  	s29 =	simm.s32 $0x10100  }
0x172: {  	[tilespmem:s29], [sflag:$0x3] =	stream.strided.gather [hbm4b:s28+s18], $0x580, s21, s18, $0x38;
	[tilespmem:$0x16A80] =	vst v63  }
0x173: {  	s28 =	sld [smem:$0x7FB];
	_ =	sdelay $0x1  }
0x174: {  	s29 =	simm.s32 $0x10680  }
0x175: {  	[tilespmem:s29], [sflag:$0x3] =	stream.strided.gather [hbm4b:s28+s18], $0x580, s21, s18, $0x38;
	[tilespmem:$0x16A80] =	vst v63  }
0x176: {  	_ =	swait.ge [sflag:s22], $0x580  }
0x177: {  	[sflag:s22] =	ssyncset.done $0x0  }
0x178: {  	[sflag:s22] =	ssyncadd.s32 $0xFFFFFA80  }
0x179: {  	_ =	swait.ge [sflag:s22], $0x580  }
0x17a: {  	[sflag:s22] =	ssyncset.done $0x0  }
0x17b: {  	[sflag:s22] =	ssyncadd.s32 $0xFFFFFA80  }
0x17c: {  	_ =	swait.ge [sflag:s22], $0x580  }
0x17d: {  	[sflag:s22] =	ssyncset.done $0x0  }
0x17e: {  	[sflag:s22] =	ssyncadd.s32 $0xFFFFFA80  }
0x17f: {  	_ =	swait.ge [sflag:s22], $0x580  }
0x180: {  	[sflag:s22] =	ssyncset.done $0x0  }
0x181: {  	[sflag:s22] =	ssyncadd.s32 $0xFFFFFA80  }
0x182: {  	_ =	swait.ge [sflag:s22], $0x580  }
0x183: {  	[sflag:s22] =	ssyncset.done $0x0  }
0x184: {  	[sflag:s22] =	ssyncadd.s32 $0xFFFFFA80  }
0x185: {  	_ =	swait.ge [sflag:s22], $0x580  }
0x186: {  	[sflag:s22] =	ssyncset.done $0x0  }
0x187: {  	[sflag:s22] =	ssyncadd.s32 $0xFFFFFA80  }
0x188: {  	_ =	swait.ge [sflag:s22], $0x580  }
0x189: {  	[sflag:s22] =	ssyncset.done $0x0  }
0x18a: {  	[sflag:s22] =	ssyncadd.s32 $0xFFFFFA80  }
0x18b: {  	_ =	swait.ge [sflag:s22], $0x580  }
0x18c: {  	[sflag:s22] =	ssyncset.done $0x0  }
0x18d: {  	[sflag:s22] =	ssyncadd.s32 $0xFFFFFA80  }
0x18e: {  	_ =	swait.ge [sflag:s22], $0x580  }
0x18f: {  	[sflag:s22] =	ssyncset.done $0x0  }
0x190: {  	[sflag:s22] =	ssyncadd.s32 $0xFFFFFA80  }
0x191: {  	_ =	swait.ge [sflag:s22], $0x580  }
0x192: {  	[sflag:s22] =	ssyncset.done $0x0  }
0x193: {  	[sflag:s22] =	ssyncadd.s32 $0xFFFFFA80  }
0x194: {  	_ =	swait.ge [sflag:s22], $0x580  }
0x195: {  	[sflag:s22] =	ssyncset.done $0x0  }
0x196: {  	[sflag:s22] =	ssyncadd.s32 $0xFFFFFA80  }
0x197: {  	_ =	swait.ge [sflag:s22], $0x580  }
0x198: {  	[sflag:s22] =	ssyncset.done $0x0  }
0x199: {  	[sflag:s22] =	ssyncadd.s32 $0xFFFFFA80  }
0x19a: {  	_ =	swait.ge [sflag:s22], $0x580  }
0x19b: {  	[sflag:s22] =	ssyncset.done $0x0  }
0x19c: {  	[sflag:s22] =	ssyncadd.s32 $0xFFFFFA80  }
0x19d: {  	_ =	swait.ge [sflag:s22], $0x580  }
0x19e: {  	[sflag:s22] =	ssyncset.done $0x0  }
0x19f: {  	[sflag:s22] =	ssyncadd.s32 $0xFFFFFA80  }
0x1a0: {  	_ =	swait.ge [sflag:s22], $0x580  }
0x1a1: {  	[sflag:s22] =	ssyncset.done $0x0  }
0x1a2: {  	[sflag:s22] =	ssyncadd.s32 $0xFFFFFA80  }
0x1a3: {  	_ =	swait.ge [sflag:s22], $0x580  }
0x1a4: {  	[sflag:s22] =	ssyncset.done $0x0  }
0x1a5: {  	s28 =	simm.s32 $0x0;
	[sflag:s22] =	ssyncadd.s32 $0xFFFFFA80  }
0x1a6: {  	s28 =	sand.u32 $0x7F0, s28;
	v0 =	vld [tilespmem:$0x1C0]  }
0x1a7: {  	v1 =	vld [tilespmem:s28+$0x9E00]  }
0x1a8: {  	v2 =	vld [tilespmem:$0x1D0]  }
0x1a9: {  	v3 =	vld [tilespmem:s28+$0xA380]  }
0x1aa: {  	v4 =	vld [tilespmem:$0x1E0]  }
0x1ab: {  	v5 =	vld [tilespmem:s28+$0xA900]  }
0x1ac: {  	v6 =	vld [tilespmem:$0x180]  }
0x1ad: {  	v7 =	vld [tilespmem:s28+$0x8800]  }
0x1ae: {  	v8 =	vld [tilespmem:$0x190]  }
0x1af: {  	v9 =	vld [tilespmem:s28+$0x8D80]  }
0x1b0: {  	v10 =	vld [tilespmem:$0x1A0]  }
0x1b1: {  	v11 =	vld [tilespmem:s28+$0x9300]  }
0x1b2: {  	v12 =	vld [tilespmem:s28+$0x5C00]  }
0x1b3: {  	v13 =	vld [tilespmem:$0x100]  }
0x1b4: {  	v14 =	vld [tilespmem:$0x140]  }
0x1b5: {  	v15 =	vld [tilespmem:s28+$0x7200]  }
0x1b6: {  	v16 =	vld [tilespmem:$0x110]  }
0x1b7: {  	v17 =	vld [tilespmem:s28+$0x6180]  }
0x1b8: {  	v18 =	vld [tilespmem:$0x150]  }
0x1b9: {  	v19 =	vld [tilespmem:s28+$0x7780]  }
0x1ba: {  	v20 =	vld [tilespmem:$0x120]  }
0x1bb: {  	v21 =	vld [tilespmem:s28+$0x6700]  }
0x1bc: {  	v22 =	vld [tilespmem:$0x160]  }
0x1bd: {  	v23 =	vld [tilespmem:s28+$0x7D00]  }
0x1be: {  	v24 =	vld [tilespmem:$0x130]  }
0x1bf: {  	v25 =	vld [tilespmem:s28+$0x6C80]  }
0x1c0: {  	v26 =	vld [tilespmem:$0x170]  }
0x1c1: {  	v27 =	vld [tilespmem:s28+$0x8280];
	v0 =	vmul.f32 v1, v0;
	v1 =	vmul.f32 v3, v2  }
0x1c2: {  	v2 =	vmul.f32 v7, v6;
	v3 =	vmul.f32 v9, v8;
	v6 =	vld [tilespmem:$0x1B0]  }
0x1c3: {  	v7 =	vmul.f32 v12, v13;
	v8 =	vmul.f32 v15, v14;
	v9 =	vld [tilespmem:s28+$0x9880]  }
0x1c4: {  	v12 =	vmul.f32 v17, v16;
	v13 =	vmul.f32 v19, v18;
	v14 =	vld [tilespmem:$0x1F0]  }
0x1c5: {  	v15 =	vmul.f32 v21, v20;
	v16 =	vmul.f32 v23, v22;
	v17 =	vld [tilespmem:s28+$0xAE80]  }
0x1c6: {  	v18 =	vmul.f32 v25, v24;
	v19 =	vmul.f32 v27, v26  }
0x1c7: {  	v10 =	vmul.f32 v11, v10;
	v7 =	vadd.f32 v8, v7;
	v8 =	vadd.f32 v13, v12  }
0x1c8: {  	v11 =	vadd.f32 v16, v15;
	v12 =	vadd.f32 v19, v18;
	v6 =	vmul.f32 v9, v6  }
0x1c9: {  	v4 =	vmul.f32 v5, v4;
	v2 =	vadd.f32 v2, v7;
	v3 =	vadd.f32 v3, v8  }
0x1ca: {  	v5 =	vadd.f32 v10, v11;
	v7 =	vmul.f32 v17, v14;
	v6 =	vadd.f32 v6, v12  }
0x1cb: {  	v0 =	vadd.f32 v0, v2;
	v1 =	vadd.f32 v1, v3  }
0x1cc: {  	v2 =	vadd.f32 v4, v5;
	v3 =	vadd.f32 v7, v6;
	_ =	sdelay $0x1  }
0x1cd: {  	v0 =	vadd.f32 v1, v0;
	v1 =	vadd.f32 v3, v2;
	_ =	sdelay $0x1  }
0x1ce: {  	v0 =	vadd.f32 v1, v0  }
0x1cf: {  	s28 =	simm.s32 $0x16400  }
0x1d0: {  	s29 =	simm.s32 $0x10;
	[tilespmem:s28+$0x0] =	vst.add.f32.msk $0xffff, v0  }
0x1d1: {  	s29 =	sand.u32 $0x7F0, s29;
	v4 =	vld [tilespmem:$0x1C0]  }
0x1d2: {  	v5 =	vld [tilespmem:s29+$0x9E00]  }
0x1d3: {  	v6 =	vld [tilespmem:$0x1D0]  }
0x1d4: {  	v7 =	vld [tilespmem:s29+$0xA380]  }
0x1d5: {  	v0 =	vld [tilespmem:$0x1E0]  }
0x1d6: {  	v1 =	vld [tilespmem:s29+$0xA900]  }
0x1d7: {  	v8 =	vld [tilespmem:$0x180]  }
0x1d8: {  	v9 =	vld [tilespmem:s29+$0x8800]  }
0x1d9: {  	v10 =	vld [tilespmem:$0x190]  }
0x1da: {  	v11 =	vld [tilespmem:s29+$0x8D80]  }
0x1db: {  	v2 =	vld [tilespmem:$0x1A0]  }
0x1dc: {  	v3 =	vld [tilespmem:s29+$0x9300]  }
0x1dd: {  	v12 =	vld [tilespmem:s29+$0x5C00]  }
0x1de: {  	v13 =	vld [tilespmem:$0x100]  }
0x1df: {  	v14 =	vld [tilespmem:$0x140]  }
0x1e0: {  	v16 =	vld [tilespmem:s29+$0x7200]  }
0x1e1: {  	v15 =	vld [tilespmem:$0x110]  }
0x1e2: {  	v17 =	vld [tilespmem:s29+$0x6180]  }
0x1e3: {  	v18 =	vld [tilespmem:$0x150]  }
0x1e4: {  	v20 =	vld [tilespmem:s29+$0x7780]  }
0x1e5: {  	v19 =	vld [tilespmem:$0x120]  }
0x1e6: {  	v21 =	vld [tilespmem:s29+$0x6700]  }
0x1e7: {  	v22 =	vld [tilespmem:$0x160]  }
0x1e8: {  	v24 =	vld [tilespmem:s29+$0x7D00]  }
0x1e9: {  	v23 =	vld [tilespmem:$0x130]  }
0x1ea: {  	v25 =	vld [tilespmem:s29+$0x6C80]  }
0x1eb: {  	s30 =	simm.s32 $0x20;
	v26 =	vld [tilespmem:$0x170]  }
.LBB2_4:
0x1ec: {  	p0 =	sne.s32 s30, $0x570;
	v27 =	vld [tilespmem:s29+$0x8280];
	v4 =	vmul.f32 v5, v4;
	v5 =	vmul.f32 v7, v6  }
0x1ed: {  	v6 =	vmul.f32 v9, v8;
	v7 =	vmul.f32 v11, v10;
	v8 =	vld [tilespmem:$0x1B0]  }
0x1ee: {  	v9 =	vmul.f32 v12, v13;
	v10 =	vmul.f32 v16, v14;
	v11 =	vld [tilespmem:s29+$0x9880]  }
0x1ef: {  	v12 =	vmul.f32 v17, v15;
	v13 =	vmul.f32 v20, v18;
	v14 =	vld [tilespmem:$0x1F0]  }
0x1f0: {  	v15 =	vmul.f32 v21, v19;
	v16 =	vmul.f32 v24, v22;
	v17 =	vld [tilespmem:s29+$0xAE80]  }
0x1f1: {  	v18 =	vmul.f32 v25, v23;
	v19 =	vmul.f32 v27, v26  }
0x1f2: {  	v2 =	vmul.f32 v3, v2;
	v9 =	vadd.f32 v10, v9;
	v10 =	vadd.f32 v13, v12  }
0x1f3: {  	v3 =	vadd.f32 v16, v15;
	v12 =	vadd.f32 v19, v18;
	v8 =	vmul.f32 v11, v8  }
0x1f4: {  	v0 =	vmul.f32 v1, v0;
	v6 =	vadd.f32 v6, v9;
	v7 =	vadd.f32 v7, v10  }
0x1f5: {  	v1 =	vadd.f32 v2, v3;
	v2 =	vadd.f32 v8, v12;
	v3 =	vmul.f32 v17, v14  }
0x1f6: {  	v4 =	vadd.f32 v4, v6;
	v5 =	vadd.f32 v5, v7  }
0x1f7: {  	v0 =	vadd.f32 v0, v1;
	v1 =	vadd.f32 v3, v2;
	_ =	sdelay $0x1  }
0x1f8: {  	v2 =	vadd.f32 v5, v4;
	v0 =	vadd.f32 v1, v0;
	_ =	sdelay $0x1  }
0x1f9: {  	v0 =	vadd.f32 v0, v2  }
0x1fa: {  	s28 =	sadd.s32 $0x10, s28  }
0x1fb: {  	[tilespmem:s28+$0x0] =	vst.add.f32.msk $0xffff, v0  }
0x1fc: {  	s29 =	sand.u32 $0x7F0, s30;
	v4 =	vld [tilespmem:$0x1C0]  }
0x1fd: {  	v5 =	vld [tilespmem:s29+$0x9E00]  }
0x1fe: {  	v6 =	vld [tilespmem:$0x1D0]  }
0x1ff: {  	v7 =	vld [tilespmem:s29+$0xA380]  }
0x200: {  	v0 =	vld [tilespmem:$0x1E0]  }
0x201: {  	v1 =	vld [tilespmem:s29+$0xA900]  }
0x202: {  	v8 =	vld [tilespmem:$0x180]  }
0x203: {  	v9 =	vld [tilespmem:s29+$0x8800]  }
0x204: {  	v10 =	vld [tilespmem:$0x190]  }
0x205: {  	v11 =	vld [tilespmem:s29+$0x8D80]  }
0x206: {  	v2 =	vld [tilespmem:$0x1A0]  }
0x207: {  	v3 =	vld [tilespmem:s29+$0x9300]  }
0x208: {  	v12 =	vld [tilespmem:s29+$0x5C00]  }
0x209: {  	v13 =	vld [tilespmem:$0x100]  }
0x20a: {  	v14 =	vld [tilespmem:$0x140]  }
0x20b: {  	v16 =	vld [tilespmem:s29+$0x7200]  }
0x20c: {  	v15 =	vld [tilespmem:$0x110]  }
0x20d: {  	v17 =	vld [tilespmem:s29+$0x6180]  }
0x20e: {  	v18 =	vld [tilespmem:$0x150]  }
0x20f: {  	v20 =	vld [tilespmem:s29+$0x7780]  }
0x210: {  	v19 =	vld [tilespmem:$0x120]  }
0x211: {  	v21 =	vld [tilespmem:s29+$0x6700]  }
.Ltmp1:
0x212: {  	v22 =	vld [tilespmem:$0x160];
	(pc) =	sbr.rel @p0 .LBB2_4-.Ltmp1, $4  }
0x213: {  	v24 =	vld [tilespmem:s29+$0x7D00]  }
0x214: {  	v23 =	vld [tilespmem:$0x130]  }
0x215: {  	v25 =	vld [tilespmem:s29+$0x6C80]  }
0x216: {  	s30 =	sadd.s32 $0x10, s30;
	v26 =	vld [tilespmem:$0x170]  }
0x217: {  	v27 =	vld [tilespmem:s29+$0x8280];
	v4 =	vmul.f32 v5, v4;
	v5 =	vmul.f32 v7, v6  }
0x218: {  	v6 =	vmul.f32 v9, v8;
	v7 =	vmul.f32 v11, v10;
	v8 =	vld [tilespmem:$0x1B0]  }
0x219: {  	v9 =	vmul.f32 v12, v13;
	v10 =	vmul.f32 v16, v14;
	v11 =	vld [tilespmem:s29+$0x9880]  }
0x21a: {  	v12 =	vmul.f32 v17, v15;
	v13 =	vmul.f32 v20, v18;
	v14 =	vld [tilespmem:$0x1F0]  }
0x21b: {  	v15 =	vmul.f32 v21, v19;
	v17 =	vld [tilespmem:s29+$0xAE80];
	v16 =	vmul.f32 v24, v22  }
0x21c: {  	v18 =	vmul.f32 v25, v23;
	v19 =	vmul.f32 v27, v26  }
0x21d: {  	v2 =	vmul.f32 v3, v2;
	v9 =	vadd.f32 v10, v9;
	v10 =	vadd.f32 v13, v12  }
0x21e: {  	v3 =	vadd.f32 v16, v15;
	v8 =	vmul.f32 v11, v8;
	v12 =	vadd.f32 v19, v18  }
0x21f: {  	v0 =	vmul.f32 v1, v0;
	v6 =	vadd.f32 v6, v9;
	v7 =	vadd.f32 v7, v10  }
0x220: {  	v1 =	vadd.f32 v2, v3;
	v3 =	vmul.f32 v17, v14;
	v2 =	vadd.f32 v8, v12  }
0x221: {  	v4 =	vadd.f32 v4, v6;
	v5 =	vadd.f32 v5, v7  }
0x222: {  	v0 =	vadd.f32 v0, v1;
	v1 =	vadd.f32 v3, v2;
	_ =	sdelay $0x1  }
0x223: {  	v2 =	vadd.f32 v5, v4;
	v0 =	vadd.f32 v1, v0;
	_ =	sdelay $0x1  }
0x224: {  	v0 =	vadd.f32 v0, v2  }
0x225: {  	s28 =	sadd.s32 $0x10, s28  }
0x226: {  	[tilespmem:s28+$0x0] =	vst.add.f32.msk $0xffff, v0;
	s28 =	sld [smem:$0x7FC];
	_ =	sdelay $0x1  }
0x227: {  	s29 =	simm.s32 $0x10C00  }
0x228: {  	[tilespmem:s29], [sflag:$0x4] =	stream.strided.gather [hbm4b:s28+s18], $0x580, s21, s18, $0x38;
	[tilespmem:$0x16A80] =	vst v63  }
0x229: {  	s28 =	sld [smem:$0x7FD];
	_ =	sdelay $0x1  }
0x22a: {  	s29 =	simm.s32 $0x11180  }
0x22b: {  	[tilespmem:s29], [sflag:$0x4] =	stream.strided.gather [hbm4b:s28+s18], $0x580, s21, s18, $0x38;
	[tilespmem:$0x16A80] =	vst v63  }
0x22c: {  	s28 =	simm.s32 $0x11700  }
0x22d: {  	[tilespmem:s28], [sflag:$0x4] =	stream.strided.gather [hbm4b:s1+s18], $0x580, s21, s18, $0x38;
	[tilespmem:$0x16A80] =	vst v63  }
0x22e: {  	s28 =	simm.s32 $0x11C80  }
0x22f: {  	[tilespmem:s28], [sflag:$0x4] =	stream.strided.gather [hbm4b:s0+s18], $0x580, s21, s18, $0x38;
	[tilespmem:$0x16A80] =	vst v63  }
0x230: {  	s28 =	simm.s32 $0x12200  }
0x231: {  	[tilespmem:s28], [sflag:$0x4] =	stream.strided.gather [hbm4b:s3+s18], $0x580, s21, s18, $0x38;
	[tilespmem:$0x16A80] =	vst v63  }
0x232: {  	s28 =	simm.s32 $0x12780  }
0x233: {  	[tilespmem:s28], [sflag:$0x4] =	stream.strided.gather [hbm4b:s6+s18], $0x580, s21, s18, $0x38;
	[tilespmem:$0x16A80] =	vst v63  }
0x234: {  	s28 =	simm.s32 $0x12D00  }
0x235: {  	[tilespmem:s28], [sflag:$0x4] =	stream.strided.gather [hbm4b:s7+s18], $0x580, s21, s18, $0x38;
	[tilespmem:$0x16A80] =	vst v63  }
0x236: {  	s28 =	simm.s32 $0x13280  }
0x237: {  	[tilespmem:s28], [sflag:$0x4] =	stream.strided.gather [hbm4b:s8+s18], $0x580, s21, s18, $0x38;
	[tilespmem:$0x16A80] =	vst v63  }
0x238: {  	s28 =	simm.s32 $0x13800  }
0x239: {  	[tilespmem:s28], [sflag:$0x4] =	stream.strided.gather [hbm4b:s9+s18], $0x580, s21, s18, $0x38;
	[tilespmem:$0x16A80] =	vst v63  }
0x23a: {  	s28 =	simm.s32 $0x13D80  }
0x23b: {  	[tilespmem:s28], [sflag:$0x4] =	stream.strided.gather [hbm4b:s10+s18], $0x580, s21, s18, $0x38;
	[tilespmem:$0x16A80] =	vst v63  }
0x23c: {  	s28 =	simm.s32 $0x14300  }
0x23d: {  	[tilespmem:s28], [sflag:$0x4] =	stream.strided.gather [hbm4b:s11+s18], $0x580, s21, s18, $0x38;
	[tilespmem:$0x16A80] =	vst v63  }
0x23e: {  	s28 =	simm.s32 $0x14880  }
0x23f: {  	[tilespmem:s28], [sflag:$0x4] =	stream.strided.gather [hbm4b:s12+s18], $0x580, s21, s18, $0x38;
	[tilespmem:$0x16A80] =	vst v63  }
0x240: {  	s28 =	simm.s32 $0x14E00  }
0x241: {  	[tilespmem:s28], [sflag:$0x4] =	stream.strided.gather [hbm4b:s13+s18], $0x580, s21, s18, $0x38;
	[tilespmem:$0x16A80] =	vst v63  }
0x242: {  	s28 =	simm.s32 $0x15380  }
0x243: {  	[tilespmem:s28], [sflag:$0x4] =	stream.strided.gather [hbm4b:s14+s18], $0x580, s21, s18, $0x38;
	[tilespmem:$0x16A80] =	vst v63  }
0x244: {  	s28 =	simm.s32 $0x15900  }
0x245: {  	[tilespmem:s28], [sflag:$0x4] =	stream.strided.gather [hbm4b:s15+s18], $0x580, s21, s18, $0x38;
	[tilespmem:$0x16A80] =	vst v63  }
0x246: {  	s28 =	simm.s32 $0x15E80  }
0x247: {  	[tilespmem:s28], [sflag:$0x4] =	stream.strided.gather [hbm4b:s16+s18], $0x580, s21, s18, $0x38;
	[tilespmem:$0x16A80] =	vst v63  }
0x248: {  	_ =	swait.ge [sflag:s23], $0x580  }
0x249: {  	[sflag:s23] =	ssyncset.done $0x0  }
0x24a: {  	[sflag:s23] =	ssyncadd.s32 $0xFFFFFA80  }
0x24b: {  	_ =	swait.ge [sflag:s23], $0x580  }
0x24c: {  	[sflag:s23] =	ssyncset.done $0x0  }
0x24d: {  	[sflag:s23] =	ssyncadd.s32 $0xFFFFFA80  }
0x24e: {  	_ =	swait.ge [sflag:s23], $0x580  }
0x24f: {  	[sflag:s23] =	ssyncset.done $0x0  }
0x250: {  	[sflag:s23] =	ssyncadd.s32 $0xFFFFFA80  }
0x251: {  	_ =	swait.ge [sflag:s23], $0x580  }
0x252: {  	[sflag:s23] =	ssyncset.done $0x0  }
0x253: {  	[sflag:s23] =	ssyncadd.s32 $0xFFFFFA80  }
0x254: {  	_ =	swait.ge [sflag:s23], $0x580  }
0x255: {  	[sflag:s23] =	ssyncset.done $0x0  }
0x256: {  	[sflag:s23] =	ssyncadd.s32 $0xFFFFFA80  }
0x257: {  	_ =	swait.ge [sflag:s23], $0x580  }
0x258: {  	[sflag:s23] =	ssyncset.done $0x0  }
0x259: {  	[sflag:s23] =	ssyncadd.s32 $0xFFFFFA80  }
0x25a: {  	_ =	swait.ge [sflag:s23], $0x580  }
0x25b: {  	[sflag:s23] =	ssyncset.done $0x0  }
0x25c: {  	[sflag:s23] =	ssyncadd.s32 $0xFFFFFA80  }
0x25d: {  	_ =	swait.ge [sflag:s23], $0x580  }
0x25e: {  	[sflag:s23] =	ssyncset.done $0x0  }
0x25f: {  	[sflag:s23] =	ssyncadd.s32 $0xFFFFFA80  }
0x260: {  	_ =	swait.ge [sflag:s23], $0x580  }
0x261: {  	[sflag:s23] =	ssyncset.done $0x0  }
0x262: {  	[sflag:s23] =	ssyncadd.s32 $0xFFFFFA80  }
0x263: {  	_ =	swait.ge [sflag:s23], $0x580  }
0x264: {  	[sflag:s23] =	ssyncset.done $0x0  }
0x265: {  	[sflag:s23] =	ssyncadd.s32 $0xFFFFFA80  }
0x266: {  	_ =	swait.ge [sflag:s23], $0x580  }
0x267: {  	[sflag:s23] =	ssyncset.done $0x0  }
0x268: {  	[sflag:s23] =	ssyncadd.s32 $0xFFFFFA80  }
0x269: {  	_ =	swait.ge [sflag:s23], $0x580  }
0x26a: {  	[sflag:s23] =	ssyncset.done $0x0  }
0x26b: {  	[sflag:s23] =	ssyncadd.s32 $0xFFFFFA80  }
0x26c: {  	_ =	swait.ge [sflag:s23], $0x580  }
0x26d: {  	[sflag:s23] =	ssyncset.done $0x0  }
0x26e: {  	[sflag:s23] =	ssyncadd.s32 $0xFFFFFA80  }
0x26f: {  	_ =	swait.ge [sflag:s23], $0x580  }
0x270: {  	[sflag:s23] =	ssyncset.done $0x0  }
0x271: {  	[sflag:s23] =	ssyncadd.s32 $0xFFFFFA80  }
0x272: {  	_ =	swait.ge [sflag:s23], $0x580  }
0x273: {  	[sflag:s23] =	ssyncset.done $0x0  }
0x274: {  	[sflag:s23] =	ssyncadd.s32 $0xFFFFFA80  }
0x275: {  	_ =	swait.ge [sflag:s23], $0x580  }
0x276: {  	[sflag:s23] =	ssyncset.done $0x0  }
0x277: {  	s28 =	simm.s32 $0x0;
	[sflag:s23] =	ssyncadd.s32 $0xFFFFFA80  }
0x278: {  	s28 =	sand.u32 $0x7F0, s28;
	v0 =	vld [tilespmem:$0x2C0]  }
0x279: {  	v1 =	vld [tilespmem:s28+$0xF600]  }
0x27a: {  	v2 =	vld [tilespmem:$0x2D0]  }
0x27b: {  	v3 =	vld [tilespmem:s28+$0xFB80]  }
0x27c: {  	v4 =	vld [tilespmem:$0x2E0]  }
0x27d: {  	v5 =	vld [tilespmem:s28+$0x10100]  }
0x27e: {  	v6 =	vld [tilespmem:$0x280]  }
0x27f: {  	v7 =	vld [tilespmem:s28+$0xE000]  }
0x280: {  	v8 =	vld [tilespmem:$0x290]  }
0x281: {  	v9 =	vld [tilespmem:s28+$0xE580]  }
0x282: {  	v10 =	vld [tilespmem:$0x2A0]  }
0x283: {  	v11 =	vld [tilespmem:s28+$0xEB00]  }
0x284: {  	v12 =	vld [tilespmem:s28+$0xB400]  }
0x285: {  	v13 =	vld [tilespmem:$0x200]  }
0x286: {  	v14 =	vld [tilespmem:$0x240]  }
0x287: {  	v15 =	vld [tilespmem:s28+$0xCA00]  }
0x288: {  	v16 =	vld [tilespmem:$0x210]  }
0x289: {  	v17 =	vld [tilespmem:s28+$0xB980]  }
0x28a: {  	v18 =	vld [tilespmem:$0x250]  }
0x28b: {  	v19 =	vld [tilespmem:s28+$0xCF80]  }
0x28c: {  	v20 =	vld [tilespmem:$0x220]  }
0x28d: {  	v21 =	vld [tilespmem:s28+$0xBF00]  }
0x28e: {  	v22 =	vld [tilespmem:$0x260]  }
0x28f: {  	v23 =	vld [tilespmem:s28+$0xD500]  }
0x290: {  	v24 =	vld [tilespmem:$0x230]  }
0x291: {  	v25 =	vld [tilespmem:s28+$0xC480]  }
0x292: {  	v26 =	vld [tilespmem:$0x270]  }
0x293: {  	v27 =	vld [tilespmem:s28+$0xDA80];
	v0 =	vmul.f32 v1, v0;
	v1 =	vmul.f32 v3, v2  }
0x294: {  	v2 =	vmul.f32 v7, v6;
	v3 =	vmul.f32 v9, v8;
	v6 =	vld [tilespmem:$0x2B0]  }
0x295: {  	v7 =	vmul.f32 v12, v13;
	v8 =	vmul.f32 v15, v14;
	v9 =	vld [tilespmem:s28+$0xF080]  }
0x296: {  	v12 =	vmul.f32 v17, v16;
	v13 =	vmul.f32 v19, v18;
	v14 =	vld [tilespmem:$0x2F0]  }
0x297: {  	v15 =	vmul.f32 v21, v20;
	v16 =	vmul.f32 v23, v22;
	v17 =	vld [tilespmem:s28+$0x10680]  }
0x298: {  	v18 =	vmul.f32 v25, v24;
	v19 =	vmul.f32 v27, v26  }
0x299: {  	v10 =	vmul.f32 v11, v10;
	v7 =	vadd.f32 v8, v7;
	v8 =	vadd.f32 v13, v12  }
0x29a: {  	v11 =	vadd.f32 v16, v15;
	v12 =	vadd.f32 v19, v18;
	v6 =	vmul.f32 v9, v6  }
0x29b: {  	v4 =	vmul.f32 v5, v4;
	v2 =	vadd.f32 v2, v7;
	v3 =	vadd.f32 v3, v8  }
0x29c: {  	v5 =	vadd.f32 v10, v11;
	v7 =	vmul.f32 v17, v14;
	v6 =	vadd.f32 v6, v12  }
0x29d: {  	v0 =	vadd.f32 v0, v2;
	v1 =	vadd.f32 v1, v3  }
0x29e: {  	v2 =	vadd.f32 v4, v5;
	v3 =	vadd.f32 v7, v6;
	_ =	sdelay $0x1  }
0x29f: {  	v0 =	vadd.f32 v1, v0;
	v1 =	vadd.f32 v3, v2;
	_ =	sdelay $0x1  }
0x2a0: {  	v0 =	vadd.f32 v1, v0  }
0x2a1: {  	s28 =	simm.s32 $0x16400  }
0x2a2: {  	s29 =	simm.s32 $0x10;
	[tilespmem:s28+$0x0] =	vst.add.f32.msk $0xffff, v0  }
0x2a3: {  	s29 =	sand.u32 $0x7F0, s29;
	v4 =	vld [tilespmem:$0x2C0]  }
0x2a4: {  	v5 =	vld [tilespmem:s29+$0xF600]  }
0x2a5: {  	v6 =	vld [tilespmem:$0x2D0]  }
0x2a6: {  	v7 =	vld [tilespmem:s29+$0xFB80]  }
0x2a7: {  	v0 =	vld [tilespmem:$0x2E0]  }
0x2a8: {  	v1 =	vld [tilespmem:s29+$0x10100]  }
0x2a9: {  	v8 =	vld [tilespmem:$0x280]  }
0x2aa: {  	v9 =	vld [tilespmem:s29+$0xE000]  }
0x2ab: {  	v10 =	vld [tilespmem:$0x290]  }
0x2ac: {  	v11 =	vld [tilespmem:s29+$0xE580]  }
0x2ad: {  	v2 =	vld [tilespmem:$0x2A0]  }
0x2ae: {  	v3 =	vld [tilespmem:s29+$0xEB00]  }
0x2af: {  	v12 =	vld [tilespmem:s29+$0xB400]  }
0x2b0: {  	v13 =	vld [tilespmem:$0x200]  }
0x2b1: {  	v14 =	vld [tilespmem:$0x240]  }
0x2b2: {  	v16 =	vld [tilespmem:s29+$0xCA00]  }
0x2b3: {  	v15 =	vld [tilespmem:$0x210]  }
0x2b4: {  	v17 =	vld [tilespmem:s29+$0xB980]  }
0x2b5: {  	v18 =	vld [tilespmem:$0x250]  }
0x2b6: {  	v20 =	vld [tilespmem:s29+$0xCF80]  }
0x2b7: {  	v19 =	vld [tilespmem:$0x220]  }
0x2b8: {  	v21 =	vld [tilespmem:s29+$0xBF00]  }
0x2b9: {  	v22 =	vld [tilespmem:$0x260]  }
0x2ba: {  	v24 =	vld [tilespmem:s29+$0xD500]  }
0x2bb: {  	v23 =	vld [tilespmem:$0x230]  }
0x2bc: {  	v25 =	vld [tilespmem:s29+$0xC480]  }
0x2bd: {  	s30 =	simm.s32 $0x20;
	v26 =	vld [tilespmem:$0x270]  }
.LBB2_6:
0x2be: {  	p0 =	sne.s32 s30, $0x570;
	v27 =	vld [tilespmem:s29+$0xDA80];
	v4 =	vmul.f32 v5, v4;
	v5 =	vmul.f32 v7, v6  }
0x2bf: {  	v6 =	vmul.f32 v9, v8;
	v7 =	vmul.f32 v11, v10;
	v8 =	vld [tilespmem:$0x2B0]  }
0x2c0: {  	v9 =	vmul.f32 v12, v13;
	v10 =	vmul.f32 v16, v14;
	v11 =	vld [tilespmem:s29+$0xF080]  }
0x2c1: {  	v12 =	vmul.f32 v17, v15;
	v13 =	vmul.f32 v20, v18;
	v14 =	vld [tilespmem:$0x2F0]  }
0x2c2: {  	v15 =	vmul.f32 v21, v19;
	v16 =	vmul.f32 v24, v22;
	v17 =	vld [tilespmem:s29+$0x10680]  }
0x2c3: {  	v18 =	vmul.f32 v25, v23;
	v19 =	vmul.f32 v27, v26  }
0x2c4: {  	v2 =	vmul.f32 v3, v2;
	v9 =	vadd.f32 v10, v9;
	v10 =	vadd.f32 v13, v12  }
0x2c5: {  	v3 =	vadd.f32 v16, v15;
	v12 =	vadd.f32 v19, v18;
	v8 =	vmul.f32 v11, v8  }
0x2c6: {  	v0 =	vmul.f32 v1, v0;
	v6 =	vadd.f32 v6, v9;
	v7 =	vadd.f32 v7, v10  }
0x2c7: {  	v1 =	vadd.f32 v2, v3;
	v2 =	vadd.f32 v8, v12;
	v3 =	vmul.f32 v17, v14  }
0x2c8: {  	v4 =	vadd.f32 v4, v6;
	v5 =	vadd.f32 v5, v7  }
0x2c9: {  	v0 =	vadd.f32 v0, v1;
	v1 =	vadd.f32 v3, v2;
	_ =	sdelay $0x1  }
0x2ca: {  	v2 =	vadd.f32 v5, v4;
	v0 =	vadd.f32 v1, v0;
	_ =	sdelay $0x1  }
0x2cb: {  	v0 =	vadd.f32 v0, v2  }
0x2cc: {  	s28 =	sadd.s32 $0x10, s28  }
0x2cd: {  	[tilespmem:s28+$0x0] =	vst.add.f32.msk $0xffff, v0  }
0x2ce: {  	s29 =	sand.u32 $0x7F0, s30;
	v4 =	vld [tilespmem:$0x2C0]  }
0x2cf: {  	v5 =	vld [tilespmem:s29+$0xF600]  }
0x2d0: {  	v6 =	vld [tilespmem:$0x2D0]  }
0x2d1: {  	v7 =	vld [tilespmem:s29+$0xFB80]  }
0x2d2: {  	v0 =	vld [tilespmem:$0x2E0]  }
0x2d3: {  	v1 =	vld [tilespmem:s29+$0x10100]  }
0x2d4: {  	v8 =	vld [tilespmem:$0x280]  }
0x2d5: {  	v9 =	vld [tilespmem:s29+$0xE000]  }
0x2d6: {  	v10 =	vld [tilespmem:$0x290]  }
0x2d7: {  	v11 =	vld [tilespmem:s29+$0xE580]  }
0x2d8: {  	v2 =	vld [tilespmem:$0x2A0]  }
0x2d9: {  	v3 =	vld [tilespmem:s29+$0xEB00]  }
0x2da: {  	v12 =	vld [tilespmem:s29+$0xB400]  }
0x2db: {  	v13 =	vld [tilespmem:$0x200]  }
0x2dc: {  	v14 =	vld [tilespmem:$0x240]  }
0x2dd: {  	v16 =	vld [tilespmem:s29+$0xCA00]  }
0x2de: {  	v15 =	vld [tilespmem:$0x210]  }
0x2df: {  	v17 =	vld [tilespmem:s29+$0xB980]  }
0x2e0: {  	v18 =	vld [tilespmem:$0x250]  }
0x2e1: {  	v20 =	vld [tilespmem:s29+$0xCF80]  }
0x2e2: {  	v19 =	vld [tilespmem:$0x220]  }
0x2e3: {  	v21 =	vld [tilespmem:s29+$0xBF00]  }
.Ltmp2:
0x2e4: {  	v22 =	vld [tilespmem:$0x260];
	(pc) =	sbr.rel @p0 .LBB2_6-.Ltmp2, $4  }
0x2e5: {  	v24 =	vld [tilespmem:s29+$0xD500]  }
0x2e6: {  	v23 =	vld [tilespmem:$0x230]  }
0x2e7: {  	v25 =	vld [tilespmem:s29+$0xC480]  }
0x2e8: {  	s30 =	sadd.s32 $0x10, s30;
	v26 =	vld [tilespmem:$0x270]  }
0x2e9: {  	v27 =	vld [tilespmem:s29+$0xDA80];
	v4 =	vmul.f32 v5, v4;
	v5 =	vmul.f32 v7, v6  }
0x2ea: {  	v6 =	vmul.f32 v9, v8;
	v7 =	vmul.f32 v11, v10;
	v8 =	vld [tilespmem:$0x2B0]  }
0x2eb: {  	v9 =	vmul.f32 v12, v13;
	v10 =	vmul.f32 v16, v14;
	v11 =	vld [tilespmem:s29+$0xF080]  }
0x2ec: {  	v12 =	vmul.f32 v17, v15;
	v13 =	vmul.f32 v20, v18;
	v14 =	vld [tilespmem:$0x2F0]  }
0x2ed: {  	v15 =	vmul.f32 v21, v19;
	v17 =	vld [tilespmem:s29+$0x10680];
	v16 =	vmul.f32 v24, v22  }
0x2ee: {  	v18 =	vmul.f32 v25, v23;
	v19 =	vmul.f32 v27, v26  }
0x2ef: {  	v2 =	vmul.f32 v3, v2;
	v9 =	vadd.f32 v10, v9;
	v10 =	vadd.f32 v13, v12  }
0x2f0: {  	v3 =	vadd.f32 v16, v15;
	v8 =	vmul.f32 v11, v8;
	v12 =	vadd.f32 v19, v18  }
0x2f1: {  	v0 =	vmul.f32 v1, v0;
	v6 =	vadd.f32 v6, v9;
	v7 =	vadd.f32 v7, v10  }
0x2f2: {  	v1 =	vadd.f32 v2, v3;
	v3 =	vmul.f32 v17, v14;
	v2 =	vadd.f32 v8, v12  }
0x2f3: {  	v4 =	vadd.f32 v4, v6;
	v5 =	vadd.f32 v5, v7  }
0x2f4: {  	v0 =	vadd.f32 v0, v1;
	v1 =	vadd.f32 v3, v2;
	_ =	sdelay $0x1  }
0x2f5: {  	v2 =	vadd.f32 v5, v4;
	v0 =	vadd.f32 v1, v0;
	_ =	sdelay $0x1  }
0x2f6: {  	v0 =	vadd.f32 v0, v2  }
0x2f7: {  	s28 =	sadd.s32 $0x10, s28  }
0x2f8: {  	[tilespmem:s28+$0x0] =	vst.add.f32.msk $0xffff, v0  }
0x2f9: {  	_ =	swait.ge [sflag:s24], $0x580  }
0x2fa: {  	[sflag:s24] =	ssyncset.done $0x0  }
0x2fb: {  	[sflag:s24] =	ssyncadd.s32 $0xFFFFFA80  }
0x2fc: {  	_ =	swait.ge [sflag:s24], $0x580  }
0x2fd: {  	[sflag:s24] =	ssyncset.done $0x0  }
0x2fe: {  	[sflag:s24] =	ssyncadd.s32 $0xFFFFFA80  }
0x2ff: {  	_ =	swait.ge [sflag:s24], $0x580  }
0x300: {  	[sflag:s24] =	ssyncset.done $0x0  }
0x301: {  	[sflag:s24] =	ssyncadd.s32 $0xFFFFFA80  }
0x302: {  	_ =	swait.ge [sflag:s24], $0x580  }
0x303: {  	[sflag:s24] =	ssyncset.done $0x0  }
0x304: {  	[sflag:s24] =	ssyncadd.s32 $0xFFFFFA80  }
0x305: {  	_ =	swait.ge [sflag:s24], $0x580  }
0x306: {  	[sflag:s24] =	ssyncset.done $0x0  }
0x307: {  	[sflag:s24] =	ssyncadd.s32 $0xFFFFFA80  }
0x308: {  	_ =	swait.ge [sflag:s24], $0x580  }
0x309: {  	[sflag:s24] =	ssyncset.done $0x0  }
0x30a: {  	[sflag:s24] =	ssyncadd.s32 $0xFFFFFA80  }
0x30b: {  	_ =	swait.ge [sflag:s24], $0x580  }
0x30c: {  	[sflag:s24] =	ssyncset.done $0x0  }
0x30d: {  	[sflag:s24] =	ssyncadd.s32 $0xFFFFFA80  }
0x30e: {  	_ =	swait.ge [sflag:s24], $0x580  }
0x30f: {  	[sflag:s24] =	ssyncset.done $0x0  }
0x310: {  	[sflag:s24] =	ssyncadd.s32 $0xFFFFFA80  }
0x311: {  	_ =	swait.ge [sflag:s24], $0x580  }
0x312: {  	[sflag:s24] =	ssyncset.done $0x0  }
0x313: {  	[sflag:s24] =	ssyncadd.s32 $0xFFFFFA80  }
0x314: {  	_ =	swait.ge [sflag:s24], $0x580  }
0x315: {  	[sflag:s24] =	ssyncset.done $0x0  }
0x316: {  	[sflag:s24] =	ssyncadd.s32 $0xFFFFFA80  }
0x317: {  	_ =	swait.ge [sflag:s24], $0x580  }
0x318: {  	[sflag:s24] =	ssyncset.done $0x0  }
0x319: {  	[sflag:s24] =	ssyncadd.s32 $0xFFFFFA80  }
0x31a: {  	_ =	swait.ge [sflag:s24], $0x580  }
0x31b: {  	[sflag:s24] =	ssyncset.done $0x0  }
0x31c: {  	[sflag:s24] =	ssyncadd.s32 $0xFFFFFA80  }
0x31d: {  	_ =	swait.ge [sflag:s24], $0x580  }
0x31e: {  	[sflag:s24] =	ssyncset.done $0x0  }
0x31f: {  	[sflag:s24] =	ssyncadd.s32 $0xFFFFFA80  }
0x320: {  	_ =	swait.ge [sflag:s24], $0x580  }
0x321: {  	[sflag:s24] =	ssyncset.done $0x0  }
0x322: {  	[sflag:s24] =	ssyncadd.s32 $0xFFFFFA80  }
0x323: {  	_ =	swait.ge [sflag:s24], $0x580  }
0x324: {  	[sflag:s24] =	ssyncset.done $0x0  }
0x325: {  	[sflag:s24] =	ssyncadd.s32 $0xFFFFFA80  }
0x326: {  	_ =	swait.ge [sflag:s24], $0x580  }
0x327: {  	[sflag:s24] =	ssyncset.done $0x0  }
0x328: {  	s28 =	simm.s32 $0x0;
	[sflag:s24] =	ssyncadd.s32 $0xFFFFFA80  }
0x329: {  	s28 =	sand.u32 $0x7F0, s28;
	v0 =	vld [tilespmem:$0x3C0]  }
0x32a: {  	v1 =	vld [tilespmem:s28+$0x14E00]  }
0x32b: {  	v2 =	vld [tilespmem:$0x3D0]  }
0x32c: {  	v3 =	vld [tilespmem:s28+$0x15380]  }
0x32d: {  	v4 =	vld [tilespmem:$0x3E0]  }
0x32e: {  	v5 =	vld [tilespmem:s28+$0x15900]  }
0x32f: {  	v6 =	vld [tilespmem:$0x380]  }
0x330: {  	v7 =	vld [tilespmem:s28+$0x13800]  }
0x331: {  	v8 =	vld [tilespmem:$0x390]  }
0x332: {  	v9 =	vld [tilespmem:s28+$0x13D80]  }
0x333: {  	v10 =	vld [tilespmem:$0x3A0]  }
0x334: {  	v11 =	vld [tilespmem:s28+$0x14300]  }
0x335: {  	v12 =	vld [tilespmem:s28+$0x10C00]  }
0x336: {  	v13 =	vld [tilespmem:$0x300]  }
0x337: {  	v14 =	vld [tilespmem:$0x340]  }
0x338: {  	v15 =	vld [tilespmem:s28+$0x12200]  }
0x339: {  	v16 =	vld [tilespmem:$0x310]  }
0x33a: {  	v17 =	vld [tilespmem:s28+$0x11180]  }
0x33b: {  	v18 =	vld [tilespmem:$0x350]  }
0x33c: {  	v19 =	vld [tilespmem:s28+$0x12780]  }
0x33d: {  	v20 =	vld [tilespmem:$0x320]  }
0x33e: {  	v21 =	vld [tilespmem:s28+$0x11700]  }
0x33f: {  	v22 =	vld [tilespmem:$0x360]  }
0x340: {  	v23 =	vld [tilespmem:s28+$0x12D00]  }
0x341: {  	v24 =	vld [tilespmem:$0x330]  }
0x342: {  	v25 =	vld [tilespmem:s28+$0x11C80]  }
0x343: {  	v26 =	vld [tilespmem:$0x370]  }
0x344: {  	v27 =	vld [tilespmem:s28+$0x13280];
	v0 =	vmul.f32 v1, v0;
	v1 =	vmul.f32 v3, v2  }
0x345: {  	v2 =	vmul.f32 v7, v6;
	v3 =	vmul.f32 v9, v8;
	v6 =	vld [tilespmem:$0x3B0]  }
0x346: {  	v7 =	vmul.f32 v12, v13;
	v8 =	vmul.f32 v15, v14;
	v9 =	vld [tilespmem:s28+$0x14880]  }
0x347: {  	v12 =	vmul.f32 v17, v16;
	v13 =	vmul.f32 v19, v18;
	v14 =	vld [tilespmem:$0x3F0]  }
0x348: {  	v15 =	vmul.f32 v21, v20;
	v16 =	vmul.f32 v23, v22;
	v17 =	vld [tilespmem:s28+$0x15E80]  }
0x349: {  	v18 =	vmul.f32 v25, v24;
	v19 =	vmul.f32 v27, v26  }
0x34a: {  	v10 =	vmul.f32 v11, v10;
	v7 =	vadd.f32 v8, v7;
	v8 =	vadd.f32 v13, v12  }
0x34b: {  	v11 =	vadd.f32 v16, v15;
	v12 =	vadd.f32 v19, v18;
	v6 =	vmul.f32 v9, v6  }
0x34c: {  	v4 =	vmul.f32 v5, v4;
	v2 =	vadd.f32 v2, v7;
	v3 =	vadd.f32 v3, v8  }
0x34d: {  	v5 =	vadd.f32 v10, v11;
	v7 =	vmul.f32 v17, v14;
	v6 =	vadd.f32 v6, v12  }
0x34e: {  	v0 =	vadd.f32 v0, v2;
	v1 =	vadd.f32 v1, v3  }
0x34f: {  	v2 =	vadd.f32 v4, v5;
	v3 =	vadd.f32 v7, v6;
	_ =	sdelay $0x1  }
0x350: {  	v0 =	vadd.f32 v1, v0;
	v1 =	vadd.f32 v3, v2;
	_ =	sdelay $0x1  }
0x351: {  	v0 =	vadd.f32 v1, v0  }
0x352: {  	s28 =	simm.s32 $0x16400  }
0x353: {  	s29 =	simm.s32 $0x10;
	[tilespmem:s28+$0x0] =	vst.add.f32.msk $0xffff, v0  }
0x354: {  	s29 =	sand.u32 $0x7F0, s29;
	v4 =	vld [tilespmem:$0x3C0]  }
0x355: {  	v5 =	vld [tilespmem:s29+$0x14E00]  }
0x356: {  	v6 =	vld [tilespmem:$0x3D0]  }
0x357: {  	v7 =	vld [tilespmem:s29+$0x15380]  }
0x358: {  	v0 =	vld [tilespmem:$0x3E0]  }
0x359: {  	v1 =	vld [tilespmem:s29+$0x15900]  }
0x35a: {  	v8 =	vld [tilespmem:$0x380]  }
0x35b: {  	v9 =	vld [tilespmem:s29+$0x13800]  }
0x35c: {  	v10 =	vld [tilespmem:$0x390]  }
0x35d: {  	v11 =	vld [tilespmem:s29+$0x13D80]  }
0x35e: {  	v2 =	vld [tilespmem:$0x3A0]  }
0x35f: {  	v3 =	vld [tilespmem:s29+$0x14300]  }
0x360: {  	v12 =	vld [tilespmem:s29+$0x10C00]  }
0x361: {  	v13 =	vld [tilespmem:$0x300]  }
0x362: {  	v14 =	vld [tilespmem:$0x340]  }
0x363: {  	v16 =	vld [tilespmem:s29+$0x12200]  }
0x364: {  	v15 =	vld [tilespmem:$0x310]  }
0x365: {  	v17 =	vld [tilespmem:s29+$0x11180]  }
0x366: {  	v18 =	vld [tilespmem:$0x350]  }
0x367: {  	v20 =	vld [tilespmem:s29+$0x12780]  }
0x368: {  	v19 =	vld [tilespmem:$0x320]  }
0x369: {  	v21 =	vld [tilespmem:s29+$0x11700]  }
0x36a: {  	v22 =	vld [tilespmem:$0x360]  }
0x36b: {  	v24 =	vld [tilespmem:s29+$0x12D00]  }
0x36c: {  	v23 =	vld [tilespmem:$0x330]  }
0x36d: {  	v25 =	vld [tilespmem:s29+$0x11C80]  }
0x36e: {  	s30 =	simm.s32 $0x20;
	v26 =	vld [tilespmem:$0x370]  }
.LBB2_8:
0x36f: {  	p0 =	sne.s32 s30, $0x570;
	v27 =	vld [tilespmem:s29+$0x13280];
	v4 =	vmul.f32 v5, v4;
	v5 =	vmul.f32 v7, v6  }
0x370: {  	v6 =	vmul.f32 v9, v8;
	v7 =	vmul.f32 v11, v10;
	v8 =	vld [tilespmem:$0x3B0]  }
0x371: {  	v9 =	vmul.f32 v12, v13;
	v10 =	vmul.f32 v16, v14;
	v11 =	vld [tilespmem:s29+$0x14880]  }
0x372: {  	v12 =	vmul.f32 v17, v15;
	v13 =	vmul.f32 v20, v18;
	v14 =	vld [tilespmem:$0x3F0]  }
0x373: {  	v15 =	vmul.f32 v21, v19;
	v16 =	vmul.f32 v24, v22;
	v17 =	vld [tilespmem:s29+$0x15E80]  }
0x374: {  	v18 =	vmul.f32 v25, v23;
	v19 =	vmul.f32 v27, v26  }
0x375: {  	v2 =	vmul.f32 v3, v2;
	v9 =	vadd.f32 v10, v9;
	v10 =	vadd.f32 v13, v12  }
0x376: {  	v3 =	vadd.f32 v16, v15;
	v12 =	vadd.f32 v19, v18;
	v8 =	vmul.f32 v11, v8  }
0x377: {  	v0 =	vmul.f32 v1, v0;
	v6 =	vadd.f32 v6, v9;
	v7 =	vadd.f32 v7, v10  }
0x378: {  	v1 =	vadd.f32 v2, v3;
	v2 =	vadd.f32 v8, v12;
	v3 =	vmul.f32 v17, v14  }
0x379: {  	v4 =	vadd.f32 v4, v6;
	v5 =	vadd.f32 v5, v7  }
0x37a: {  	v0 =	vadd.f32 v0, v1;
	v1 =	vadd.f32 v3, v2;
	_ =	sdelay $0x1  }
0x37b: {  	v2 =	vadd.f32 v5, v4;
	v0 =	vadd.f32 v1, v0;
	_ =	sdelay $0x1  }
0x37c: {  	v0 =	vadd.f32 v0, v2  }
0x37d: {  	s28 =	sadd.s32 $0x10, s28  }
0x37e: {  	[tilespmem:s28+$0x0] =	vst.add.f32.msk $0xffff, v0  }
0x37f: {  	s29 =	sand.u32 $0x7F0, s30;
	v4 =	vld [tilespmem:$0x3C0]  }
0x380: {  	v5 =	vld [tilespmem:s29+$0x14E00]  }
0x381: {  	v6 =	vld [tilespmem:$0x3D0]  }
0x382: {  	v7 =	vld [tilespmem:s29+$0x15380]  }
0x383: {  	v0 =	vld [tilespmem:$0x3E0]  }
0x384: {  	v1 =	vld [tilespmem:s29+$0x15900]  }
0x385: {  	v8 =	vld [tilespmem:$0x380]  }
0x386: {  	v9 =	vld [tilespmem:s29+$0x13800]  }
0x387: {  	v10 =	vld [tilespmem:$0x390]  }
0x388: {  	v11 =	vld [tilespmem:s29+$0x13D80]  }
0x389: {  	v2 =	vld [tilespmem:$0x3A0]  }
0x38a: {  	v3 =	vld [tilespmem:s29+$0x14300]  }
0x38b: {  	v12 =	vld [tilespmem:s29+$0x10C00]  }
0x38c: {  	v13 =	vld [tilespmem:$0x300]  }
0x38d: {  	v14 =	vld [tilespmem:$0x340]  }
0x38e: {  	v16 =	vld [tilespmem:s29+$0x12200]  }
0x38f: {  	v15 =	vld [tilespmem:$0x310]  }
0x390: {  	v17 =	vld [tilespmem:s29+$0x11180]  }
0x391: {  	v18 =	vld [tilespmem:$0x350]  }
0x392: {  	v20 =	vld [tilespmem:s29+$0x12780]  }
0x393: {  	v19 =	vld [tilespmem:$0x320]  }
0x394: {  	v21 =	vld [tilespmem:s29+$0x11700]  }
.Ltmp3:
0x395: {  	v22 =	vld [tilespmem:$0x360];
	(pc) =	sbr.rel @p0 .LBB2_8-.Ltmp3, $4  }
0x396: {  	v24 =	vld [tilespmem:s29+$0x12D00]  }
0x397: {  	v23 =	vld [tilespmem:$0x330]  }
0x398: {  	v25 =	vld [tilespmem:s29+$0x11C80]  }
0x399: {  	s30 =	sadd.s32 $0x10, s30;
	v26 =	vld [tilespmem:$0x370]  }
0x39a: {  	v27 =	vld [tilespmem:s29+$0x13280];
	v4 =	vmul.f32 v5, v4;
	v42 =	vmul.f32 v7, v6  }
0x39b: {  	v43 =	vmul.f32 v9, v8;
	v44 =	vmul.f32 v11, v10;
	v45 =	vld [tilespmem:$0x3B0]  }
0x39c: {  	v46 =	vmul.f32 v12, v13;
	v47 =	vmul.f32 v16, v14;
	v48 =	vld [tilespmem:s29+$0x14880]  }
0x39d: {  	v49 =	vmul.f32 v17, v15;
	v50 =	vmul.f32 v20, v18;
	v51 =	vld [tilespmem:$0x3F0]  }
0x39e: {  	v52 =	vmul.f32 v21, v19;
	v54 =	vld [tilespmem:s29+$0x15E80];
	v53 =	vmul.f32 v24, v22  }
0x39f: {  	v55 =	vmul.f32 v25, v23;
	v56 =	vmul.f32 v27, v26  }
0x3a0: {  	v2 =	vmul.f32 v3, v2;
	v9 =	vadd.f32 v47, v46;
	v57 =	vadd.f32 v50, v49  }
0x3a1: {  	v58 =	vadd.f32 v53, v52;
	v8 =	vmul.f32 v48, v45;
	v59 =	vadd.f32 v56, v55  }
0x3a2: {  	v0 =	vmul.f32 v1, v0;
	v6 =	vadd.f32 v43, v9;
	v7 =	vadd.f32 v44, v57  }
0x3a3: {  	v60 =	vadd.f32 v2, v58;
	v62 =	vmul.f32 v54, v51;
	v61 =	vadd.f32 v8, v59  }
0x3a4: {  	v4 =	vadd.f32 v4, v6;
	v5 =	vadd.f32 v42, v7  }
0x3a5: {  	v0 =	vadd.f32 v0, v60;
	v63 =	vadd.f32 v62, v61;
	_ =	sdelay $0x1  }
0x3a6: {  	v4 =	vadd.f32 v5, v4;
	v0 =	vadd.f32 v63, v0;
	_ =	sdelay $0x1  }
0x3a7: {  	v0 =	vadd.f32 v0, v4  }
0x3a8: {  	s28 =	sadd.s32 $0x10, s28  }
0x3a9: {  	[tilespmem:s28+$0x0] =	vst.add.f32.msk $0xffff, v0  }
0x3aa: {  	v6 =	vld [tilespmem:$0x16400]  }
0x3ab: {  	v7 =	vld [tilespmem:$0x16410]  }
0x3ac: {  	v8 =	vld [tilespmem:$0x16420]  }
0x3ad: {  	v9 =	vld [tilespmem:$0x16430]  }
0x3ae: {  	v10 =	vld [tilespmem:$0x16440]  }
0x3af: {  	v11 =	vld [tilespmem:$0x16450]  }
0x3b0: {  	v12 =	vld [tilespmem:$0x16460];
	v5 =	vmax.f32 v6, v7  }
0x3b1: {  	v13 =	vld [tilespmem:$0x16470];
	v0 =	vmax.f32 v5, v8  }
0x3b2: {  	v14 =	vld [tilespmem:$0x16480];
	v0 =	vmax.f32 v0, v9  }
0x3b3: {  	v15 =	vld [tilespmem:$0x16490];
	v0 =	vmax.f32 v0, v10  }
0x3b4: {  	v16 =	vld [tilespmem:$0x164A0];
	v0 =	vmax.f32 v0, v11  }
0x3b5: {  	v17 =	vld [tilespmem:$0x164B0];
	v0 =	vmax.f32 v0, v12  }
0x3b6: {  	v18 =	vld [tilespmem:$0x164C0];
	v0 =	vmax.f32 v0, v13  }
0x3b7: {  	v19 =	vld [tilespmem:$0x164D0];
	v0 =	vmax.f32 v0, v14  }
0x3b8: {  	v20 =	vld [tilespmem:$0x164E0];
	v0 =	vmax.f32 v0, v15  }
0x3b9: {  	v21 =	vld [tilespmem:$0x164F0];
	v0 =	vmax.f32 v0, v16  }
0x3ba: {  	v22 =	vld [tilespmem:$0x16500];
	v0 =	vmax.f32 v0, v17  }
0x3bb: {  	v23 =	vld [tilespmem:$0x16510];
	v0 =	vmax.f32 v0, v18  }
0x3bc: {  	v24 =	vld [tilespmem:$0x16520];
	v0 =	vmax.f32 v0, v19  }
0x3bd: {  	v25 =	vld [tilespmem:$0x16530];
	v0 =	vmax.f32 v0, v20  }
0x3be: {  	v26 =	vld [tilespmem:$0x16540];
	v0 =	vmax.f32 v0, v21  }
0x3bf: {  	v27 =	vld [tilespmem:$0x16550];
	v0 =	vmax.f32 v0, v22  }
0x3c0: {  	v28 =	vld [tilespmem:$0x16560];
	v0 =	vmax.f32 v0, v23  }
0x3c1: {  	v29 =	vld [tilespmem:$0x16570];
	v0 =	vmax.f32 v0, v24  }
0x3c2: {  	v30 =	vld [tilespmem:$0x16580];
	v0 =	vmax.f32 v0, v25  }
0x3c3: {  	v63 =	vld [tilespmem:$0x16590];
	v0 =	vmax.f32 v0, v26  }
0x3c4: {  	v62 =	vld [tilespmem:$0x165A0];
	v0 =	vmax.f32 v0, v27  }
0x3c5: {  	v61 =	vld [tilespmem:$0x165B0];
	v0 =	vmax.f32 v0, v28  }
0x3c6: {  	v60 =	vld [tilespmem:$0x165C0];
	v0 =	vmax.f32 v0, v29  }
0x3c7: {  	v59 =	vld [tilespmem:$0x165D0];
	v0 =	vmax.f32 v0, v30  }
0x3c8: {  	v58 =	vld [tilespmem:$0x165E0];
	v0 =	vmax.f32 v0, v63  }
0x3c9: {  	v57 =	vld [tilespmem:$0x165F0];
	v0 =	vmax.f32 v0, v62  }
0x3ca: {  	v56 =	vld [tilespmem:$0x16600];
	v0 =	vmax.f32 v0, v61  }
0x3cb: {  	v55 =	vld [tilespmem:$0x16610];
	v0 =	vmax.f32 v0, v60  }
0x3cc: {  	v54 =	vld [tilespmem:$0x16620];
	v0 =	vmax.f32 v0, v59  }
0x3cd: {  	v53 =	vld [tilespmem:$0x16630];
	v0 =	vmax.f32 v0, v58  }
0x3ce: {  	v52 =	vld [tilespmem:$0x16640];
	v0 =	vmax.f32 v0, v57  }
0x3cf: {  	v51 =	vld [tilespmem:$0x16650];
	v0 =	vmax.f32 v0, v56  }
0x3d0: {  	v50 =	vld [tilespmem:$0x16660];
	v0 =	vmax.f32 v0, v55  }
0x3d1: {  	v49 =	vld [tilespmem:$0x16670];
	v0 =	vmax.f32 v0, v54  }
0x3d2: {  	v48 =	vld [tilespmem:$0x16680];
	v0 =	vmax.f32 v0, v53  }
0x3d3: {  	v47 =	vld [tilespmem:$0x16690];
	v0 =	vmax.f32 v0, v52  }
0x3d4: {  	v46 =	vld [tilespmem:$0x166A0];
	v0 =	vmax.f32 v0, v51  }
0x3d5: {  	v45 =	vld [tilespmem:$0x166B0];
	v0 =	vmax.f32 v0, v50  }
0x3d6: {  	v44 =	vld [tilespmem:$0x166C0];
	v0 =	vmax.f32 v0, v49  }
0x3d7: {  	v43 =	vld [tilespmem:$0x166D0];
	v0 =	vmax.f32 v0, v48  }
0x3d8: {  	v42 =	vld [tilespmem:$0x166E0];
	v0 =	vmax.f32 v0, v47  }
0x3d9: {  	v41 =	vld [tilespmem:$0x166F0];
	v0 =	vmax.f32 v0, v46  }
0x3da: {  	v40 =	vld [tilespmem:$0x16700];
	v0 =	vmax.f32 v0, v45  }
0x3db: {  	v39 =	vld [tilespmem:$0x16710];
	v0 =	vmax.f32 v0, v44  }
0x3dc: {  	v38 =	vld [tilespmem:$0x16720];
	v0 =	vmax.f32 v0, v43  }
0x3dd: {  	v37 =	vld [tilespmem:$0x16730];
	v0 =	vmax.f32 v0, v42  }
0x3de: {  	v36 =	vld [tilespmem:$0x16740];
	v0 =	vmax.f32 v0, v41  }
0x3df: {  	v35 =	vld [tilespmem:$0x16750];
	v0 =	vmax.f32 v0, v40  }
0x3e0: {  	v34 =	vld [tilespmem:$0x16760];
	v0 =	vmax.f32 v0, v39  }
0x3e1: {  	v33 =	vld [tilespmem:$0x16770];
	v0 =	vmax.f32 v0, v38  }
0x3e2: {  	v32 =	vld [tilespmem:$0x16780];
	v0 =	vmax.f32 v0, v37  }
0x3e3: {  	v31 =	vld [tilespmem:$0x16790];
	v0 =	vmax.f32 v0, v36  }
0x3e4: {  	v5 =	vld [tilespmem:$0x167A0];
	v0 =	vmax.f32 v0, v35  }
0x3e5: {  	v4 =	vld [tilespmem:$0x167B0];
	v0 =	vmax.f32 v0, v34  }
0x3e6: {  	v3 =	vld [tilespmem:$0x167C0];
	v0 =	vmax.f32 v0, v33  }
0x3e7: {  	v2 =	vld [tilespmem:$0x167D0];
	v0 =	vmax.f32 v0, v32  }
0x3e8: {  	v1 =	vld [tilespmem:$0x167E0];
	v0 =	vmax.f32 v0, v31  }
0x3e9: {  	[tilespmem:$0x1FE30] =	vst v5;
	v0 =	vmax.f32 v0, v5;
	v5 =	vld [tilespmem:$0x167F0]  }
0x3ea: {  	[tilespmem:$0x1FE40] =	vst v4;
	v0 =	vmax.f32 v0, v4;
	v4 =	vld [tilespmem:$0x16800]  }
0x3eb: {  	[tilespmem:$0x1FE50] =	vst v3;
	v0 =	vmax.f32 v0, v3;
	v3 =	vld [tilespmem:$0x16810]  }
0x3ec: {  	[tilespmem:$0x1FE60] =	vst v2;
	v0 =	vmax.f32 v0, v2;
	v2 =	vld [tilespmem:$0x16820]  }
0x3ed: {  	[tilespmem:$0x1FE70] =	vst v1;
	v0 =	vmax.f32 v0, v1;
	v1 =	vld [tilespmem:$0x16830]  }
0x3ee: {  	[tilespmem:$0x1FE80] =	vst v5;
	v0 =	vmax.f32 v0, v5;
	v5 =	vld [tilespmem:$0x16840]  }
0x3ef: {  	[tilespmem:$0x1FE90] =	vst v4;
	v0 =	vmax.f32 v0, v4;
	v4 =	vld [tilespmem:$0x16850]  }
0x3f0: {  	[tilespmem:$0x1FEA0] =	vst v3;
	v0 =	vmax.f32 v0, v3;
	v3 =	vld [tilespmem:$0x16860]  }
0x3f1: {  	[tilespmem:$0x1FEB0] =	vst v2;
	v0 =	vmax.f32 v0, v2;
	v2 =	vld [tilespmem:$0x16870]  }
0x3f2: {  	[tilespmem:$0x1FEC0] =	vst v1;
	v0 =	vmax.f32 v0, v1;
	v1 =	vld [tilespmem:$0x16880]  }
0x3f3: {  	[tilespmem:$0x1FED0] =	vst v5;
	v0 =	vmax.f32 v0, v5;
	v5 =	vld [tilespmem:$0x16890]  }
0x3f4: {  	[tilespmem:$0x1FEE0] =	vst v4;
	v0 =	vmax.f32 v0, v4;
	v4 =	vld [tilespmem:$0x168A0]  }
0x3f5: {  	[tilespmem:$0x1FEF0] =	vst v3;
	v0 =	vmax.f32 v0, v3;
	v3 =	vld [tilespmem:$0x168B0]  }
0x3f6: {  	[tilespmem:$0x1FF00] =	vst v2;
	v0 =	vmax.f32 v0, v2;
	v2 =	vld [tilespmem:$0x168C0]  }
0x3f7: {  	[tilespmem:$0x1FF10] =	vst v1;
	v0 =	vmax.f32 v0, v1;
	v1 =	vld [tilespmem:$0x168D0]  }
0x3f8: {  	[tilespmem:$0x1FF20] =	vst v5;
	v0 =	vmax.f32 v0, v5;
	v5 =	vld [tilespmem:$0x168E0]  }
0x3f9: {  	[tilespmem:$0x1FF30] =	vst v4;
	v0 =	vmax.f32 v0, v4;
	v4 =	vld [tilespmem:$0x168F0]  }
0x3fa: {  	[tilespmem:$0x1FF40] =	vst v3;
	v0 =	vmax.f32 v0, v3;
	v3 =	vld [tilespmem:$0x16900]  }
0x3fb: {  	[tilespmem:$0x1FF50] =	vst v2;
	v0 =	vmax.f32 v0, v2;
	v2 =	vld [tilespmem:$0x16910]  }
0x3fc: {  	[tilespmem:$0x1FF60] =	vst v1;
	v0 =	vmax.f32 v0, v1;
	v1 =	vld [tilespmem:$0x16920]  }
0x3fd: {  	[tilespmem:$0x1FF70] =	vst v5;
	v0 =	vmax.f32 v0, v5;
	v5 =	vld [tilespmem:$0x16930]  }
0x3fe: {  	[tilespmem:$0x1FF80] =	vst v4;
	v0 =	vmax.f32 v0, v4;
	v4 =	vld [tilespmem:$0x16940]  }
0x3ff: {  	[tilespmem:$0x1FF90] =	vst v3;
	v0 =	vmax.f32 v0, v3;
	v3 =	vld [tilespmem:$0x16950]  }
0x400: {  	[tilespmem:$0x1FFA0] =	vst v2;
	v0 =	vmax.f32 v0, v2;
	v2 =	vld [tilespmem:$0x16960]  }
0x401: {  	[tilespmem:$0x1FFB0] =	vst v1;
	v0 =	vmax.f32 v0, v1;
	v1 =	vld [tilespmem:$0x16970]  }
0x402: {  	v0 =	vmax.f32 v0, v5  }
0x403: {  	v0 =	vmax.f32 v0, v4  }
0x404: {  	v0 =	vmax.f32 v0, v3  }
0x405: {  	v0 =	vmax.f32 v0, v2  }
0x406: {  	v0 =	vmax.f32 v0, v1  }
0x407: {  	[tilespmem:$0x1FFF0] =	vst v1;
	v1 =	vsub.f32 v6, v0;
	_ =	sdelay $0x1  }
0x408: {  	v6 =	vsub.f32 v7, v0;
	v1 =	vmul.f32 $1.442695020e+00, v1;
	_ =	sdelay $0x1  }
0x409: {  	v8 =	vsub.f32 v8, v0;
	v7 =	vmul.f32 $1.442695020e+00, v6;
	(erf) = vpow2.f32 v1;
	_ =	sdelay $0x1  }
0x40a: {  	[tilespmem:$0x1FFD0] =	vst v4;
	v4 =	vmul.f32 $1.442695020e+00, v8;
	v6 =	vsub.f32 v9, v0;
	(erf) = vpow2.f32 v7;
	_ =	sdelay $0x1  }
0x40b: {  	v8 =	vsub.f32 v10, v0;
	v7 =	vmul.f32 $1.442695020e+00, v6;
	(erf) = vpow2.f32 v4;
	_ =	sdelay $0x1  }
0x40c: {  	v10 =	vsub.f32 v11, v0;
	v9 =	vmul.f32 $1.442695020e+00, v8;
	(erf) = vpow2.f32 v7  }
0x40d: {  	v6 =	vsub.f32 v12, v0  }
0x40e: {  	v11 =	vmul.f32 $1.442695020e+00, v10;
	(erf) = vpow2.f32 v9  }
0x40f: {  	v8 =	vmul.f32 $1.442695020e+00, v6;
	v7 =	vpop (erf)  }
0x410: {  	[tilespmem:$0x1FFC0] =	vst v5;
	v5 =	vmovc v3;
	v9 =	vsub.f32 v13, v0;
	(erf) = vpow2.f32 v11;
	v3 =	vadd.f32 $0.0e+00, v7  }
0x411: {  	v12 =	vsub.f32 v14, v0;
	v10 =	vpop (erf)  }
0x412: {  	v11 =	vmul.f32 $1.442695020e+00, v9;
	(erf) = vpow2.f32 v8;
	v3 =	vadd.f32 v3, v10  }
0x413: {  	v14 =	vmul.f32 $1.442695020e+00, v12;
	v13 =	vpop (erf)  }
0x414: {  	v8 =	vsub.f32 v15, v0;
	(erf) = vpow2.f32 v11;
	v3 =	vadd.f32 v3, v13  }
0x415: {  	v11 =	vsub.f32 v16, v0;
	v9 =	vpop (erf)  }
0x416: {  	(erf) = vpow2.f32 v14;
	v10 =	vmul.f32 $1.442695020e+00, v8;
	v3 =	vadd.f32 v3, v9  }
0x417: {  	v14 =	vsub.f32 v17, v0;
	v12 =	vpop (erf)  }
0x418: {  	(erf) = vpow2.f32 v10;
	v13 =	vmul.f32 $1.442695020e+00, v11;
	v3 =	vadd.f32 v3, v12  }
0x419: {  	v17 =	vsub.f32 v18, v0;
	v15 =	vpop (erf)  }
0x41a: {  	v16 =	vmul.f32 $1.442695020e+00, v14;
	(erf) = vpow2.f32 v13;
	v3 =	vadd.f32 v3, v15  }
0x41b: {  	v9 =	vsub.f32 v19, v0;
	v18 =	vpop (erf)  }
0x41c: {  	v8 =	vmul.f32 $1.442695020e+00, v17;
	(erf) = vpow2.f32 v16;
	v3 =	vadd.f32 v3, v18  }
0x41d: {  	v11 =	vmul.f32 $1.442695020e+00, v9;
	v10 =	vpop (erf)  }
0x41e: {  	v12 =	vsub.f32 v20, v0;
	(erf) = vpow2.f32 v8;
	v3 =	vadd.f32 v3, v10  }
0x41f: {  	v15 =	vsub.f32 v21, v0;
	v13 =	vpop (erf)  }
0x420: {  	v14 =	vmul.f32 $1.442695020e+00, v12;
	(erf) = vpow2.f32 v11;
	v3 =	vadd.f32 v3, v13  }
0x421: {  	v17 =	vmul.f32 $1.442695020e+00, v15;
	v16 =	vpop (erf)  }
0x422: {  	v18 =	vsub.f32 v22, v0;
	(erf) = vpow2.f32 v14;
	v3 =	vadd.f32 v3, v16  }
0x423: {  	v21 =	vsub.f32 v23, v0;
	v19 =	vpop (erf)  }
0x424: {  	v20 =	vmul.f32 $1.442695020e+00, v18;
	(erf) = vpow2.f32 v17;
	v3 =	vadd.f32 v3, v19  }
0x425: {  	v24 =	vsub.f32 v24, v0;
	v22 =	vpop (erf)  }
0x426: {  	v23 =	vmul.f32 $1.442695020e+00, v21;
	(erf) = vpow2.f32 v20;
	v3 =	vadd.f32 v3, v22  }
0x427: {  	v9 =	vmul.f32 $1.442695020e+00, v24;
	v8 =	vpop (erf)  }
0x428: {  	v10 =	vsub.f32 v25, v0;
	(erf) = vpow2.f32 v23;
	v3 =	vadd.f32 v3, v8  }
0x429: {  	v13 =	vsub.f32 v26, v0;
	v11 =	vpop (erf)  }
0x42a: {  	v12 =	vmul.f32 $1.442695020e+00, v10;
	(erf) = vpow2.f32 v9;
	v3 =	vadd.f32 v3, v11  }
0x42b: {  	v15 =	vmul.f32 $1.442695020e+00, v13;
	v14 =	vpop (erf)  }
0x42c: {  	v16 =	vsub.f32 v27, v0;
	(erf) = vpow2.f32 v12;
	v3 =	vadd.f32 v3, v14  }
0x42d: {  	v19 =	vsub.f32 v28, v0;
	v17 =	vpop (erf)  }
0x42e: {  	v18 =	vmul.f32 $1.442695020e+00, v16;
	(erf) = vpow2.f32 v15;
	v3 =	vadd.f32 v3, v17  }
0x42f: {  	v21 =	vmul.f32 $1.442695020e+00, v19;
	v20 =	vpop (erf)  }
0x430: {  	v22 =	vsub.f32 v29, v0;
	(erf) = vpow2.f32 v18;
	v3 =	vadd.f32 v3, v20  }
0x431: {  	v25 =	vsub.f32 v30, v0;
	v23 =	vpop (erf)  }
0x432: {  	v24 =	vmul.f32 $1.442695020e+00, v22;
	(erf) = vpow2.f32 v21;
	v3 =	vadd.f32 v3, v23  }
0x433: {  	v27 =	vmul.f32 $1.442695020e+00, v25;
	v26 =	vpop (erf)  }
0x434: {  	v28 =	vsub.f32 v63, v0;
	(erf) = vpow2.f32 v24;
	v3 =	vadd.f32 v3, v26  }
0x435: {  	v62 =	vsub.f32 v62, v0;
	v29 =	vpop (erf)  }
0x436: {  	v30 =	vmul.f32 $1.442695020e+00, v28;
	(erf) = vpow2.f32 v27;
	v3 =	vadd.f32 v3, v29  }
0x437: {  	v9 =	vsub.f32 v61, v0;
	v63 =	vpop (erf)  }
0x438: {  	v8 =	vmul.f32 $1.442695020e+00, v62;
	(erf) = vpow2.f32 v30;
	v3 =	vadd.f32 v3, v63  }
0x439: {  	[tilespmem:$0x1FFE0] =	vst v2;
	v2 =	vmul.f32 $1.442695020e+00, v9;
	v10 =	vpop (erf)  }
0x43a: {  	v12 =	vsub.f32 v60, v0;
	(erf) = vpow2.f32 v8;
	v3 =	vadd.f32 v3, v10  }
0x43b: {  	v15 =	vsub.f32 v59, v0;
	v11 =	vpop (erf)  }
0x43c: {  	v14 =	vmul.f32 $1.442695020e+00, v12;
	(erf) = vpow2.f32 v2;
	v1 =	vadd.f32 v3, v11  }
0x43d: {  	v18 =	vsub.f32 v58, v0;
	v13 =	vpop (erf)  }
0x43e: {  	v17 =	vmul.f32 $1.442695020e+00, v15;
	(erf) = vpow2.f32 v14;
	v1 =	vadd.f32 v1, v13  }
0x43f: {  	v19 =	vmul.f32 $1.442695020e+00, v18;
	v16 =	vpop (erf)  }
0x440: {  	v20 =	vsub.f32 v57, v0;
	(erf) = vpow2.f32 v17;
	v1 =	vadd.f32 v1, v16  }
0x441: {  	v24 =	vsub.f32 v56, v0;
	v21 =	vpop (erf)  }
0x442: {  	v22 =	vmul.f32 $1.442695020e+00, v20;
	(erf) = vpow2.f32 v19;
	v1 =	vadd.f32 v1, v21  }
0x443: {  	v27 =	vsub.f32 v55, v0;
	v23 =	vpop (erf)  }
0x444: {  	v26 =	vmul.f32 $1.442695020e+00, v24;
	(erf) = vpow2.f32 v22;
	v1 =	vadd.f32 v1, v23  }
0x445: {  	v30 =	vsub.f32 v54, v0;
	v25 =	vpop (erf)  }
0x446: {  	v29 =	vmul.f32 $1.442695020e+00, v27;
	(erf) = vpow2.f32 v26;
	v1 =	vadd.f32 v1, v25  }
0x447: {  	v56 =	vsub.f32 v53, v0;
	v28 =	vpop (erf)  }
0x448: {  	v55 =	vmul.f32 $1.442695020e+00, v30;
	(erf) = vpow2.f32 v29;
	v1 =	vadd.f32 v1, v28  }
0x449: {  	v59 =	vsub.f32 v52, v0;
	v54 =	vpop (erf)  }
0x44a: {  	v58 =	vmul.f32 $1.442695020e+00, v56;
	(erf) = vpow2.f32 v55;
	v1 =	vadd.f32 v1, v54  }
0x44b: {  	v62 =	vsub.f32 v51, v0;
	v57 =	vpop (erf)  }
0x44c: {  	v61 =	vmul.f32 $1.442695020e+00, v59;
	(erf) = vpow2.f32 v58;
	v1 =	vadd.f32 v1, v57  }
0x44d: {  	v8 =	vsub.f32 v50, v0;
	v60 =	vpop (erf)  }
0x44e: {  	v63 =	vmul.f32 $1.442695020e+00, v62;
	(erf) = vpow2.f32 v61;
	v1 =	vadd.f32 v1, v60  }
0x44f: {  	v12 =	vsub.f32 v49, v0;
	v9 =	vpop (erf)  }
0x450: {  	v10 =	vmul.f32 $1.442695020e+00, v8;
	(erf) = vpow2.f32 v63;
	v1 =	vadd.f32 v1, v9  }
0x451: {  	v15 =	vsub.f32 v48, v0;
	v11 =	vpop (erf)  }
0x452: {  	v14 =	vmul.f32 $1.442695020e+00, v12;
	(erf) = vpow2.f32 v10;
	v1 =	vadd.f32 v1, v11  }
0x453: {  	v18 =	vsub.f32 v47, v0;
	v13 =	vpop (erf)  }
0x454: {  	v17 =	vmul.f32 $1.442695020e+00, v15;
	(erf) = vpow2.f32 v14;
	v1 =	vadd.f32 v1, v13  }
0x455: {  	v20 =	vmul.f32 $1.442695020e+00, v18;
	v16 =	vpop (erf)  }
0x456: {  	v21 =	vsub.f32 v46, v0;
	(erf) = vpow2.f32 v17;
	v1 =	vadd.f32 v1, v16  }
0x457: {  	v24 =	vsub.f32 v45, v0;
	v19 =	vpop (erf)  }
0x458: {  	v23 =	vmul.f32 $1.442695020e+00, v21;
	(erf) = vpow2.f32 v20;
	v1 =	vadd.f32 v1, v19  }
0x459: {  	v27 =	vsub.f32 v44, v0;
	v22 =	vpop (erf)  }
0x45a: {  	v26 =	vmul.f32 $1.442695020e+00, v24;
	(erf) = vpow2.f32 v23;
	v1 =	vadd.f32 v1, v22  }
0x45b: {  	v29 =	vsub.f32 v43, v0;
	v25 =	vpop (erf)  }
0x45c: {  	v28 =	vmul.f32 $1.442695020e+00, v27;
	(erf) = vpow2.f32 v26;
	v1 =	vadd.f32 v1, v25  }
0x45d: {  	v45 =	vsub.f32 v42, v0;
	v30 =	vpop (erf)  }
0x45e: {  	v43 =	vmul.f32 $1.442695020e+00, v29;
	(erf) = vpow2.f32 v28;
	v1 =	vadd.f32 v1, v30  }
0x45f: {  	v48 =	vsub.f32 v41, v0;
	v44 =	vpop (erf)  }
0x460: {  	v47 =	vmul.f32 $1.442695020e+00, v45;
	(erf) = vpow2.f32 v43;
	v1 =	vadd.f32 v1, v44  }
0x461: {  	v51 =	vsub.f32 v40, v0;
	v46 =	vpop (erf)  }
0x462: {  	v50 =	vmul.f32 $1.442695020e+00, v48;
	(erf) = vpow2.f32 v47;
	v1 =	vadd.f32 v1, v46  }
0x463: {  	v53 =	vmul.f32 $1.442695020e+00, v51;
	v49 =	vpop (erf)  }
0x464: {  	v54 =	vsub.f32 v39, v0;
	(erf) = vpow2.f32 v50;
	v1 =	vadd.f32 v1, v49  }
0x465: {  	v57 =	vsub.f32 v38, v0;
	v52 =	vpop (erf)  }
0x466: {  	v56 =	vmul.f32 $1.442695020e+00, v54;
	(erf) = vpow2.f32 v53;
	v1 =	vadd.f32 v1, v52  }
0x467: {  	v59 =	vmul.f32 $1.442695020e+00, v57;
	v55 =	vpop (erf)  }
0x468: {  	v60 =	vsub.f32 v37, v0;
	(erf) = vpow2.f32 v56;
	v1 =	vadd.f32 v1, v55  }
0x469: {  	v62 =	vsub.f32 v36, v0;
	v58 =	vpop (erf)  }
0x46a: {  	v61 =	vmul.f32 $1.442695020e+00, v60;
	(erf) = vpow2.f32 v59;
	v1 =	vadd.f32 v1, v58  }
0x46b: {  	v10 =	vsub.f32 v35, v0;
	v63 =	vpop (erf)  }
0x46c: {  	v8 =	vmul.f32 $1.442695020e+00, v62;
	(erf) = vpow2.f32 v61;
	v1 =	vadd.f32 v1, v63  }
0x46d: {  	v12 =	vmul.f32 $1.442695020e+00, v10;
	v9 =	vpop (erf)  }
0x46e: {  	v13 =	vsub.f32 v34, v0;
	(erf) = vpow2.f32 v8;
	v1 =	vadd.f32 v1, v9  }
0x46f: {  	v16 =	vsub.f32 v33, v0;
	v11 =	vpop (erf)  }
0x470: {  	v15 =	vmul.f32 $1.442695020e+00, v13;
	(erf) = vpow2.f32 v12;
	v1 =	vadd.f32 v1, v11  }
0x471: {  	v18 =	vmul.f32 $1.442695020e+00, v16;
	v25 =	vld [tilespmem:$0x1FE30];
	v14 =	vpop (erf)  }
0x472: {  	v27 =	vld [tilespmem:$0x1FE40];
	v19 =	vsub.f32 v32, v0;
	(erf) = vpow2.f32 v15;
	v1 =	vadd.f32 v1, v14  }
0x473: {  	v22 =	vsub.f32 v31, v0;
	v17 =	vpop (erf)  }
0x474: {  	v21 =	vmul.f32 $1.442695020e+00, v19;
	v31 =	vld [tilespmem:$0x1FE50];
	(erf) = vpow2.f32 v18;
	v1 =	vadd.f32 v1, v17  }
0x475: {  	v24 =	vmul.f32 $1.442695020e+00, v22;
	v20 =	vpop (erf)  }
0x476: {  	v34 =	vld [tilespmem:$0x1FE60];
	v4 =	vsub.f32 v25, v0;
	(erf) = vpow2.f32 v21;
	v1 =	vadd.f32 v1, v20  }
0x477: {  	v3 =	vsub.f32 v27, v0;
	v23 =	vpop (erf)  }
0x478: {  	v37 =	vld [tilespmem:$0x1FE70];
	v26 =	vmul.f32 $1.442695020e+00, v4;
	(erf) = vpow2.f32 v24;
	v1 =	vadd.f32 v1, v23  }
0x479: {  	v4 =	vsub.f32 v31, v0;
	v28 =	vpop (erf)  }
0x47a: {  	v40 =	vld [tilespmem:$0x1FE80];
	v29 =	vmul.f32 $1.442695020e+00, v3;
	(erf) = vpow2.f32 v26;
	v1 =	vadd.f32 v1, v28  }
0x47b: {  	v33 =	vmul.f32 $1.442695020e+00, v4;
	v4 =	vsub.f32 v34, v0;
	v30 =	vpop (erf)  }
0x47c: {  	v43 =	vld [tilespmem:$0x1FE90];
	(erf) = vpow2.f32 v29;
	v1 =	vadd.f32 v1, v30  }
0x47d: {  	v36 =	vmul.f32 $1.442695020e+00, v4;
	v4 =	vsub.f32 v37, v0;
	v32 =	vpop (erf)  }
0x47e: {  	(erf) = vpow2.f32 v33;
	v1 =	vadd.f32 v1, v32  }
0x47f: {  	v46 =	vld [tilespmem:$0x1FEA0];
	v39 =	vmul.f32 $1.442695020e+00, v4;
	v4 =	vsub.f32 v40, v0;
	v35 =	vpop (erf)  }
0x480: {  	v48 =	vld [tilespmem:$0x1FEB0];
	(erf) = vpow2.f32 v36;
	v1 =	vadd.f32 v1, v35  }
0x481: {  	v42 =	vmul.f32 $1.442695020e+00, v4;
	v4 =	vsub.f32 v43, v0;
	v38 =	vpop (erf)  }
0x482: {  	v52 =	vld [tilespmem:$0x1FEC0];
	(erf) = vpow2.f32 v39;
	v1 =	vadd.f32 v1, v38  }
0x483: {  	v45 =	vmul.f32 $1.442695020e+00, v4;
	v41 =	vpop (erf)  }
0x484: {  	v55 =	vld [tilespmem:$0x1FED0];
	v4 =	vsub.f32 v46, v0;
	(erf) = vpow2.f32 v42;
	v1 =	vadd.f32 v1, v41  }
0x485: {  	v3 =	vsub.f32 v48, v0;
	v44 =	vpop (erf)  }
0x486: {  	v58 =	vld [tilespmem:$0x1FEE0];
	v47 =	vmul.f32 $1.442695020e+00, v4;
	(erf) = vpow2.f32 v45;
	v1 =	vadd.f32 v1, v44  }
0x487: {  	v4 =	vsub.f32 v52, v0;
	v49 =	vpop (erf)  }
0x488: {  	v50 =	vmul.f32 $1.442695020e+00, v3;
	v61 =	vld [tilespmem:$0x1FEF0];
	(erf) = vpow2.f32 v47;
	v1 =	vadd.f32 v1, v49  }
0x489: {  	v54 =	vmul.f32 $1.442695020e+00, v4;
	v4 =	vsub.f32 v55, v0;
	v51 =	vpop (erf)  }
0x48a: {  	v8 =	vld [tilespmem:$0x1FF00];
	(erf) = vpow2.f32 v50;
	v1 =	vadd.f32 v1, v51  }
0x48b: {  	v57 =	vmul.f32 $1.442695020e+00, v4;
	v4 =	vsub.f32 v58, v0;
	v53 =	vpop (erf)  }
0x48c: {  	(erf) = vpow2.f32 v54;
	v1 =	vadd.f32 v1, v53  }
0x48d: {  	v11 =	vld [tilespmem:$0x1FF10];
	v60 =	vmul.f32 $1.442695020e+00, v4;
	v4 =	vsub.f32 v61, v0;
	v56 =	vpop (erf)  }
0x48e: {  	v13 =	vld [tilespmem:$0x1FF20];
	(erf) = vpow2.f32 v57;
	v1 =	vadd.f32 v1, v56  }
0x48f: {  	v63 =	vmul.f32 $1.442695020e+00, v4;
	v4 =	vsub.f32 v8, v0;
	v59 =	vpop (erf)  }
0x490: {  	v17 =	vld [tilespmem:$0x1FF30];
	(erf) = vpow2.f32 v60;
	v1 =	vadd.f32 v1, v59  }
0x491: {  	v10 =	vmul.f32 $1.442695020e+00, v4;
	v62 =	vpop (erf)  }
0x492: {  	v20 =	vld [tilespmem:$0x1FF40];
	v4 =	vsub.f32 v11, v0;
	(erf) = vpow2.f32 v63;
	v1 =	vadd.f32 v1, v62  }
0x493: {  	v3 =	vsub.f32 v13, v0;
	v9 =	vpop (erf)  }
0x494: {  	v23 =	vld [tilespmem:$0x1FF50];
	v12 =	vmul.f32 $1.442695020e+00, v4;
	(erf) = vpow2.f32 v10;
	v1 =	vadd.f32 v1, v9  }
0x495: {  	v4 =	vsub.f32 v17, v0;
	v14 =	vpop (erf)  }
0x496: {  	v15 =	vmul.f32 $1.442695020e+00, v3;
	v26 =	vld [tilespmem:$0x1FF60];
	(erf) = vpow2.f32 v12;
	v1 =	vadd.f32 v1, v14  }
0x497: {  	v19 =	vmul.f32 $1.442695020e+00, v4;
	v4 =	vsub.f32 v20, v0;
	v16 =	vpop (erf)  }
0x498: {  	v29 =	vld [tilespmem:$0x1FF70];
	(erf) = vpow2.f32 v15;
	v1 =	vadd.f32 v1, v16  }
0x499: {  	v22 =	vmul.f32 $1.442695020e+00, v4;
	v4 =	vsub.f32 v23, v0;
	v18 =	vpop (erf)  }
0x49a: {  	(erf) = vpow2.f32 v19;
	v1 =	vadd.f32 v1, v18  }
0x49b: {  	v32 =	vld [tilespmem:$0x1FF80];
	v25 =	vmul.f32 $1.442695020e+00, v4;
	v4 =	vsub.f32 v26, v0;
	v21 =	vpop (erf)  }
0x49c: {  	v34 =	vld [tilespmem:$0x1FF90];
	(erf) = vpow2.f32 v22;
	v1 =	vadd.f32 v1, v21  }
0x49d: {  	v28 =	vmul.f32 $1.442695020e+00, v4;
	v4 =	vsub.f32 v29, v0;
	v24 =	vpop (erf)  }
0x49e: {  	v38 =	vld [tilespmem:$0x1FFA0];
	(erf) = vpow2.f32 v25;
	v1 =	vadd.f32 v1, v24  }
0x49f: {  	v31 =	vmul.f32 $1.442695020e+00, v4;
	v27 =	vpop (erf)  }
0x4a0: {  	v41 =	vld [tilespmem:$0x1FFB0];
	v4 =	vsub.f32 v32, v0;
	(erf) = vpow2.f32 v28;
	v1 =	vadd.f32 v1, v27  }
0x4a1: {  	v3 =	vsub.f32 v34, v0;
	v30 =	vpop (erf)  }
0x4a2: {  	v44 =	vld [tilespmem:$0x1FFC0];
	v33 =	vmul.f32 $1.442695020e+00, v4;
	(erf) = vpow2.f32 v31;
	v1 =	vadd.f32 v1, v30  }
0x4a3: {  	v4 =	vsub.f32 v38, v0;
	v35 =	vpop (erf)  }
0x4a4: {  	v36 =	vmul.f32 $1.442695020e+00, v3;
	(erf) = vpow2.f32 v33;
	v1 =	vadd.f32 v1, v35  }
0x4a5: {  	v47 =	vld [tilespmem:$0x1FFD0];
	v40 =	vmul.f32 $1.442695020e+00, v4;
	v4 =	vsub.f32 v41, v0;
	v37 =	vpop (erf)  }
0x4a6: {  	(erf) = vpow2.f32 v36;
	v1 =	vadd.f32 v1, v37  }
0x4a7: {  	v43 =	vmul.f32 $1.442695020e+00, v4;
	v4 =	vsub.f32 v44, v0;
	v39 =	vpop (erf)  }
0x4a8: {  	(erf) = vpow2.f32 v40;
	v1 =	vadd.f32 v1, v39  }
0x4a9: {  	v53 =	vld [tilespmem:$0x1FFE0];
	v46 =	vmul.f32 $1.442695020e+00, v4;
	v42 =	vpop (erf)  }
0x4aa: {  	v55 =	vld [tilespmem:$0x1FFF0];
	v4 =	vsub.f32 v47, v0;
	(erf) = vpow2.f32 v43;
	v1 =	vadd.f32 v1, v42  }
0x4ab: {  	v50 =	vsub.f32 v5, v0;
	v45 =	vpop (erf)  }
0x4ac: {  	v49 =	vmul.f32 $1.442695020e+00, v4;
	(erf) = vpow2.f32 v46;
	v1 =	vadd.f32 v1, v45  }
0x4ad: {  	v52 =	vmul.f32 $1.442695020e+00, v50;
	v48 =	vpop (erf)  }
0x4ae: {  	v4 =	vsub.f32 v53, v0;
	(erf) = vpow2.f32 v49;
	v1 =	vadd.f32 v1, v48  }
0x4af: {  	v3 =	vsub.f32 v55, v0;
	v51 =	vpop (erf)  }
0x4b0: {  	v54 =	vmul.f32 $1.442695020e+00, v4;
	(erf) = vpow2.f32 v52;
	v1 =	vadd.f32 v1, v51  }
0x4b1: {  	v56 =	vpop (erf)  }
0x4b2: {  	v57 =	vmul.f32 $1.442695020e+00, v3;
	(erf) = vpow2.f32 v54;
	v1 =	vadd.f32 v1, v56  }
0x4b3: {  	v58 =	vpop (erf)  }
0x4b4: {  	(erf) = vpow2.f32 v57;
	v1 =	vadd.f32 v1, v58  }
0x4b5: {  	v59 =	vpop (erf)  }
0x4b6: {  	v1 =	vadd.f32 v1, v59  }
0x4b7: {  	v60 =	vpop (erf)  }
0x4b8: {  	v1 =	vadd.f32 v1, v60  }
0x4b9: {  	v61 =	vpop (erf)  }
0x4ba: {  	v1 =	vadd.f32 v1, v61  }
0x4bb: {  	v62 =	vpop (erf)  }
0x4bc: {  	v1 =	vadd.f32 v1, v62  }
0x4bd: {  	v63 =	vpop (erf)  }
0x4be: {  	v1 =	vadd.f32 v1, v63  }
0x4bf: {  	[tilespmem:$0x16980] =	vst v0  }
0x4c0: {  	s30 =	rddreg [dreg:$0x16];
	[tilespmem:$0x16A00] =	vst v1  }
0x4c1: {  	[hbm4b:s30+s18] =	stream.strided.scatter [tilespmem:s25], [sflag:$0x6], $0x580, s21, s18, $0x38;
	[tilespmem:$0x16A80] =	vst v63  }
0x4c2: {  	_ =	swait.ge [sflag:s17], $0x580  }
0x4c3: {  	[sflag:s17] =	ssyncset.done $0x0  }
0x4c4: {  	s30 =	simm.s32 $0x16980;
	s31 =	rddreg [dreg:$0x17];
	[sflag:s17] =	ssyncadd.s32 $0xFFFFFA80  }
0x4c5: {  	[hbm4b:s31+s2] =	stream.linear.scatter [tilespmem:s30], [sflag:$0x6], $0x80, $0x38;
	[tilespmem:$0x16A80] =	vst v63  }
0x4c6: {  	_ =	swait.ge [sflag:s17], $0x80  }
0x4c7: {  	[sflag:s17] =	ssyncset.done $0x0  }
0x4c8: {  	s30 =	simm.s32 $0x16A00;
	s31 =	rddreg [dreg:$0x18];
	[sflag:s17] =	ssyncadd.s32 $0xFFFFFF80  }
0x4c9: {  	[hbm4b:s31+s2] =	stream.linear.scatter [tilespmem:s30], [sflag:$0x6], $0x80, $0x38;
	[tilespmem:$0x16A80] =	vst v63  }
0x4ca: {  	_ =	swait.ge [sflag:s17], $0x80  }
0x4cb: {  	s26 =	sadd.s32 $0x1, s26;
	s31 =	rddreg [dreg:$0x19]  }
0x4cc: {  	p0 =	sne.s32 s26, s31  }
.Ltmp4:
0x4cd: {  	_ = 	snop;
	(pc) =	sbr.rel @p0 .LBB2_1-.Ltmp4, $3  }
0x4ce: {  	_ =	sdelay $0x1  }
0x4cf: {  	[sflag:s17] =	ssyncset.done $0x0  }
0x4d0: {  	[sflag:s17] =	ssyncadd.s32 $0xFFFFFF80  }
0x4d1: {  	_ =	sfence.sel $0x180000  }
0x4d2: {  	[bflag:$0x0] =	sbarrier.arrive $0xFFFF  }
0x4d3: {  	_ =	strace $0x90000047  }
0x4d4: {  	s0 =	stileid.u32;
	[bflag:$0x2] =	sbarrier.arrive $0xFFFF  }
0x4d5: {  	p0 =	sne.s32 s0, $0x0;
	s0 =	rddreg [dreg:$0x4]  }
0x4d6: {  	s0 =	sadd.s32 @!p0 $0x100000, s0  }
0x4d7: {  	[sflag:s0] =	ssyncadd.tile.s32 @!p0 $0x1;
	_ =	shalt  }
.Lfunc_end2:
_tile_overlayer_lowered:
.L_overlay_start_2:
0x4d8: {  	(tag) =	ssettag $0x2  }
0x4d9: {  	s0 =	rddreg [dreg:$0x0];
	s2 =	stileid.u32  }
0x4da: {  	s1 =	rddreg [dreg:$0x1];
	p0 =	sne.s32 s2, $0x0  }
0x4db: {  	s3 =	rddreg [dreg:$0x2];
	[bflag:$0x3] =	sbarrier.arrive $0xFFFF;
	s2 =	simm.s32 @!p0 $0x1C06  }
0x4dc: {  	[timem:s3], [sflag:s2] =	dma.local @!p0 [hbm:s0], s1  }
0x4dd: {  	s0 =	simm.s32 @!p0 $0x6  }
0x4de: {  	_ =	swait.ge @!p0 [sflag:s0], s1  }
0x4df: {  	s1 =	ssub.s32 @!p0 $0x0, s1;
	[sflag:s0] =	ssyncset.done @!p0 $0x0  }
0x4e0: {  	[sflag:s0] =	ssyncadd.s32 @!p0 s1  }
0x4e1: {  	[bflag:$0x3] =	sbarrier.arrive $0xFFFF  }
0x4e2: {  	_ =	shalt  }

</sc_bundles>
